<compile_context>
chip_gen: v7x
topology: tpu7x:2x2x1
jax: 0.10.2.dev20260603
libtpu: 0.0.44.dev20260713+nightly
codegen_flags: <defaults>
</compile_context>

<pallas_src>
import functools
import math

import jax
import jax.numpy as jnp
import numpy as np
from jax import lax
from jax.experimental import pallas as pl
from jax.experimental.pallas import tpu as pltpu
from jax.experimental.pallas import tpu_sc as plsc

N = 10000
E = 160000
D = 384
H = 12
DH = 32
DFF = 4 * D
NP = 10240
BLK = 512
GRID = NP // BLK

NW = 32
EPW = E // NW
NPW = NP // NW
_SENT = np.uint32(0xFFFFFFFF)

_INTERPRET = False


def _lane_shift_by(x, r):
    idx = jnp.minimum(lax.iota(jnp.int32, 16) + r, 15)
    return lax.gather(
        x, idx[:, None],
        lax.GatherDimensionNumbers(offset_dims=(), collapsed_slice_dims=(0,),
                                   start_index_map=(0,)),
        (1,), mode=lax.GatherScatterMode.PROMISE_IN_BOUNDS)


def _sc_winner_partials(dst_hbm, part_hbm, dstv, wloc, sem):
    wid = lax.axis_index("s") * 2 + lax.axis_index("c")
    base = wid * EPW
    pltpu.sync_copy(dst_hbm.at[pl.ds(base * 1, EPW)], dstv)

    def init_body(i, _):
        st = pl.multiple_of(i * 16, 16)
        wloc[pl.ds(st, 16)] = jnp.full((16,), -1, jnp.int32)
        return 0
    lax.fori_loop(0, NP // 16, init_body, 0)

    iota = lax.iota(jnp.int32, 16)
    nvec = (EPW + 15) // 16

    def body(i, _):
        st = pl.multiple_of(i * 16, 16)
        d16 = dstv[pl.ds(st, 16)]
        lane_e = i * 16 + iota
        valid = lane_e < EPW
        es = base + lane_e
        conflict = iota < 0
        for r in range(1, 16):
            shifted = _lane_shift_by(d16, r)
            conflict = conflict | ((shifted == d16) & (iota < 16 - r))
        ok = valid & jnp.logical_not(conflict)
        plsc.store_scatter(wloc, [d16], es, mask=ok)
        return 0
    lax.fori_loop(0, nvec, body, 0)
    handles = []
    for s in range(NW):
        handles.append(pltpu.async_copy(
            wloc.at[pl.ds(s * NPW, NPW)],
            part_hbm.at[pl.ds((s * NW + wid) * NPW, NPW)], sem))
    for hd in handles:
        hd.wait()


def _sc_merge_gather(part_hbm, src_hbm, h_hbm, m_hbm, hg_hbm,
                     pblk, winc, srcv, mbuf, bufa, bufb, sema, semb):
    wid = lax.axis_index("s") * 2 + lax.axis_index("c")
    nbase = wid * NPW
    pltpu.sync_copy(part_hbm.at[pl.ds(wid * (NW * NPW), NW * NPW)], pblk)

    def merge_body(j, _):
        st = pl.multiple_of(j * 16, 16)
        mx = pblk[pl.ds(st, 16)]
        for r in range(1, NW):
            mx = jnp.maximum(mx, pblk[pl.ds(r * NPW + st, 16)])
        winc[pl.ds(st, 16)] = jnp.maximum(mx, 0)
        mbuf[pl.ds(st, 16)] = jnp.where(mx >= 0, 1.0, 0.0).astype(jnp.float32)
        return 0
    lax.fori_loop(0, NPW // 16, merge_body, 0)
    pltpu.sync_copy(mbuf, m_hbm.at[pl.ds(nbase * 1, NPW)])
    pltpu.async_copy(src_hbm.at[winc], srcv, sema).wait()

    ck = NPW // 4
    cps = {}
    cps[0] = pltpu.async_copy(h_hbm.at[srcv.at[pl.ds(0 * ck, ck)]], bufa, sema)
    cps[1] = pltpu.async_copy(h_hbm.at[srcv.at[pl.ds(1 * ck, ck)]], bufb, semb)
    for c in range(4):
        buf = bufa if c % 2 == 0 else bufb
        sem = sema if c % 2 == 0 else semb
        cps[c].wait()
        pltpu.sync_copy(buf, hg_hbm.at[pl.ds(nbase + c * ck, ck)])
        if c + 2 < 4:
            cps[c + 2] = pltpu.async_copy(
                h_hbm.at[srcv.at[pl.ds((c + 2) * ck, ck)]], buf, sem)


def _tca_body(feat_ref, fcw_ref, b2_ref, h_ref):
    f = feat_ref[...]
    h = jnp.dot(_bf(f), fcw_ref[...], preferred_element_type=jnp.float32)
    h_ref[...] = h + b2_ref[0:1, :]


def _bf(x):
    return x.astype(jnp.bfloat16)


def _tcb_body(h_ref, hg_ref, m_ref, qwt_ref, kwt_ref, vwt_ref, bt_ref,
              b8_ref, fb1_ref, cstt_ref, w1_ref, w2_ref, out_ref,
              hpt_ref, xs_ref):
    eff = cstt_ref[13:14, 0:1]
    res = cstt_ref[13:14, 1:2]

    xp = xs_ref[...]
    t = jnp.dot(_bf(xp), w1_ref[...], preferred_element_type=jnp.float32)
    t = jnp.maximum(t + fb1_ref[0:1, :], 0.0)
    y = jnp.dot(_bf(t), w2_ref[...], preferred_element_type=jnp.float32)
    y = y + b8_ref[6:7, :]
    x2 = xp + y * res
    mu2 = jnp.mean(x2, axis=1, keepdims=True)
    var2 = jnp.mean((x2 - mu2) ** 2, axis=1, keepdims=True)
    out_ref[...] = ((x2 - mu2) / jnp.sqrt(var2 + 1e-5) * b8_ref[4:5, :]
                    + b8_ref[5:6, :])

    hb = h_ref[...]
    hg = hg_ref[...]
    htb = _bf(hb)
    hgtb = _bf(hg)
    dnt = (((1,), (1,)), ((), ()))
    qt = lax.dot_general(qwt_ref[...], htb, dnt,
                         preferred_element_type=jnp.float32)
    qt = qt + bt_ref[:, 0:1]
    kt = lax.dot_general(kwt_ref[...], hgtb, dnt,
                         preferred_element_type=jnp.float32)
    kt = kt + bt_ref[:, 1:2]
    vt = lax.dot_general(vwt_ref[...], hgtb, dnt,
                         preferred_element_type=jnp.float32)
    vt = vt + bt_ref[:, 2:3]

    for hh in range(H):
        qh = qt[hh * DH:(hh + 1) * DH, :]
        ss = []
        for g in range(H):
            kg = kt[g * DH:(g + 1) * DH, :]
            ss.append(jnp.sum(qh * kg, axis=0, keepdims=True))
        s = jnp.concatenate(ss, axis=0)
        s = s * eff + cstt_ref[0:H, hh:hh + 1]
        smax = jnp.max(s, axis=0, keepdims=True)
        e = jnp.exp(s - smax)
        rs = 1.0 / jnp.sum(e, axis=0, keepdims=True)
        oh = e[0:1, :] * vt[0:DH, :]
        for g in range(1, H):
            oh = oh + e[g:g + 1, :] * vt[g * DH:(g + 1) * DH, :]
        hpt_ref[hh * DH:(hh + 1) * DH, :] = oh * rs
    h_part = hpt_ref[...].T

    m = m_ref[...]
    h_upd = h_part * m + hb * (1.0 - m)
    x1 = hb + h_upd * res
    mu = jnp.mean(x1, axis=1, keepdims=True)
    var = jnp.mean((x1 - mu) ** 2, axis=1, keepdims=True)
    xs_ref[...] = ((x1 - mu) / jnp.sqrt(var + 1e-5) * b8_ref[2:3, :]
                   + b8_ref[3:4, :])


def _row_spec():
    return pl.BlockSpec((BLK, D), lambda i: (i, 0))


def _pipe_in_spec():
    return pl.BlockSpec((BLK, D), lambda i: (jnp.minimum(i, GRID - 1), 0))


def _full_spec(shape):
    nd = len(shape)
    return pl.BlockSpec(shape, lambda i: (0,) * nd)


def kernel(feat, edge_index, fc_w, fc_b, q_w, q_b, k_w, k_b, v_w, v_b,
           attn_scale, attn_bias, res_scale, ln1_g, ln1_b, ln2_g, ln2_b,
           ffn_w1, ffn_b1, ffn_w2, ffn_b2):
    b2 = jnp.zeros((8, D), jnp.float32).at[0].set(fc_b)

    h_p = pl.pallas_call(
        _tca_body,
        grid=(GRID,),
        in_specs=[_row_spec(), _full_spec((D, D)), _full_spec((8, D))],
        out_specs=_row_spec(),
        out_shape=jax.ShapeDtypeStruct((NP, D), jnp.float32),
        interpret=_INTERPRET,
    )(feat, fc_w.astype(jnp.bfloat16), b2)

    src = edge_index[0]
    dst = edge_index[1]
    mesh = plsc.VectorSubcoreMesh(core_axis_name="c", subcore_axis_name="s")

    scp = pltpu.CompilerParams(needs_layout_passes=False)
    sc1 = functools.partial(
        pl.kernel, mesh=mesh, compiler_params=scp,
        out_type=jax.ShapeDtypeStruct((NW * NP,), jnp.int32),
        scratch_types=[pltpu.VMEM((EPW,), jnp.int32),
                       pltpu.VMEM((NP,), jnp.int32),
                       pltpu.SemaphoreType.DMA],
    )(_sc_winner_partials)
    partials = sc1(dst)

    sc2 = functools.partial(
        pl.kernel, mesh=mesh, compiler_params=scp,
        out_type=[jax.ShapeDtypeStruct((NP,), jnp.float32),
                  jax.ShapeDtypeStruct((NP, D), jnp.float32)],
        scratch_types=[pltpu.VMEM((NW * NPW,), jnp.int32),
                       pltpu.VMEM((NPW,), jnp.int32),
                       pltpu.VMEM((NPW,), jnp.int32),
                       pltpu.VMEM((NPW,), jnp.float32),
                       pltpu.VMEM((NPW // 4, D), jnp.float32),
                       pltpu.VMEM((NPW // 4, D), jnp.float32),
                       pltpu.SemaphoreType.DMA,
                       pltpu.SemaphoreType.DMA],
    )(_sc_merge_gather)
    m1d, hg = sc2(partials, src, h_p)
    m = m1d.reshape(NP, 1)

    bt = jnp.zeros((D, 8), jnp.float32)
    bt = bt.at[:, 0].set(q_b).at[:, 1].set(k_b).at[:, 2].set(v_b)
    b8 = (jnp.zeros((8, D), jnp.float32)
          .at[2].set(ln1_g).at[3].set(ln1_b)
          .at[4].set(ln2_g).at[5].set(ln2_b)
          .at[6].set(ffn_b2))
    fb1 = jnp.zeros((8, DFF), jnp.float32).at[0].set(ffn_b1)
    cstt = jnp.zeros((16, 128), jnp.float32)
    cstt = cstt.at[0:H, 0:H].set(attn_bias[:, :, 0].T)
    cstt = cstt.at[13, 0].set(attn_scale / math.sqrt(DH))
    cstt = cstt.at[13, 1].set(res_scale)

    out_p = pl.pallas_call(
        _tcb_body,
        grid=(GRID + 1,),
        in_specs=[_pipe_in_spec(), _pipe_in_spec(),
                  pl.BlockSpec((BLK, 1), lambda i: (jnp.minimum(i, GRID - 1), 0)),
                  _full_spec((D, D)), _full_spec((D, D)), _full_spec((D, D)),
                  _full_spec((D, 8)),
                  _full_spec((8, D)), _full_spec((8, DFF)),
                  _full_spec((16, 128)),
                  _full_spec((D, DFF)), _full_spec((DFF, D))],
        out_specs=pl.BlockSpec((BLK, D), lambda i: (jnp.maximum(i - 1, 0), 0)),
        out_shape=jax.ShapeDtypeStruct((N, D), jnp.float32),
        scratch_shapes=[pltpu.VMEM((D, BLK), jnp.float32),
                        pltpu.VMEM((BLK, D), jnp.float32)],
        interpret=_INTERPRET,
    )(h_p, hg, m, q_w.T.astype(jnp.bfloat16), k_w.T.astype(jnp.bfloat16),
      v_w.T.astype(jnp.bfloat16), bt, b8, fb1, cstt,
      ffn_w1.astype(jnp.bfloat16), ffn_w2.astype(jnp.bfloat16))

    return out_p

# --- scband reference (transcript-rebuilt; emitter-appended) ---
"""Pipeline reference for scband-enhanced-gatv2-conv-2929167695952 (READ-ONLY COPY).

The authoritative reference and input builder live on the scoring server;
editing this copy changes nothing except your own understanding.
"""

import jax, jax.numpy as jnp
import numpy as np
import math

N = 10000
E = 160000
D = 384
H = 12
DH = D // H
DFF = 4 * D


def _layer_norm(x, g, b, eps=1e-5):
    m = jnp.mean(x, axis=-1, keepdims=True)
    v = jnp.var(x, axis=-1, keepdims=True)
    return (x - m) / jnp.sqrt(v + eps) * g + b


def setup_inputs(seed: int = 0) -> dict:
    key = jax.random.key(seed)
    ks = jax.random.split(key, 24)
    s = 0.05
    return {
        "feat": jax.random.normal(ks[0], (N, D), dtype=jnp.float32),
        "edge_index": jax.random.randint(ks[1], (2, E), 0, N, dtype=jnp.int32),
        "fc_w": jax.random.normal(ks[2], (D, D), dtype=jnp.float32) * s,
        "fc_b": jnp.zeros((D,), dtype=jnp.float32),
        "q_w": jax.random.normal(ks[3], (D, D), dtype=jnp.float32) * s,
        "q_b": jnp.zeros((D,), dtype=jnp.float32),
        "k_w": jax.random.normal(ks[4], (D, D), dtype=jnp.float32) * s,
        "k_b": jnp.zeros((D,), dtype=jnp.float32),
        "v_w": jax.random.normal(ks[5], (D, D), dtype=jnp.float32) * s,
        "v_b": jnp.zeros((D,), dtype=jnp.float32),
        "attn_scale": jnp.ones((), dtype=jnp.float32),
        "attn_bias": jax.random.normal(ks[6], (H, H, 1), dtype=jnp.float32) * 0.02,
        "res_scale": jnp.asarray(0.5, dtype=jnp.float32),
        "ln1_g": jnp.ones((D,), dtype=jnp.float32),
        "ln1_b": jnp.zeros((D,), dtype=jnp.float32),
        "ln2_g": jnp.ones((D,), dtype=jnp.float32),
        "ln2_b": jnp.zeros((D,), dtype=jnp.float32),
        "ffn_w1": jax.random.normal(ks[7], (D, DFF), dtype=jnp.float32) * s,
        "ffn_b1": jnp.zeros((DFF,), dtype=jnp.float32),
        "ffn_w2": jax.random.normal(ks[8], (DFF, D), dtype=jnp.float32) * s,
        "ffn_b2": jnp.zeros((D,), dtype=jnp.float32),
    }


def reference(feat, edge_index, fc_w, fc_b, q_w, q_b, k_w, k_b, v_w, v_b,
              attn_scale, attn_bias, res_scale, ln1_g, ln1_b, ln2_g, ln2_b,
              ffn_w1, ffn_b1, ffn_w2, ffn_b2):
    # _process_features: fc + feat dropout (eval: identity)
    h = feat @ fc_w + fc_b
    # QKV projections, reshape to [N, H, DH]
    q = (h @ q_w + q_b).reshape(-1, H, DH)
    k = (h @ k_w + k_b).reshape(-1, H, DH)
    v = (h @ v_w + v_b).reshape(-1, H, DH)
    src = edge_index[0]
    dst = edge_index[1]
    # gather per-edge q/k/v
    qd = q[dst]            # [E, H, DH]
    ksrc = k[src]          # [E, H, DH]
    vsrc = v[src]          # [E, H, DH]
    # compute_attention: q @ k^T / sqrt(dh), scale + bias, softmax
    attn = jnp.einsum('ehd,egd->ehg', qd, ksrc) / math.sqrt(DH)  # [E, H, H]
    attn = attn * attn_scale + attn_bias.squeeze(-1)
    attn = jax.nn.softmax(attn, axis=-1)
    # attn dropout (eval: identity)
    h_part = jnp.einsum('ehg,egd->ehd', attn, vsrc).reshape(-1, D)  # [E, D]
    # h_updated[dst] = h_part  (scatter-overwrite)
    h_updated = h.at[dst].set(h_part)
    # residual + norms + ffn
    x = _layer_norm(h + h_updated * res_scale, ln1_g, ln1_b)
    ffn_out = jax.nn.relu(x @ ffn_w1 + ffn_b1) @ ffn_w2 + ffn_b2
    out = _layer_norm(x + ffn_out * res_scale, ln2_g, ln2_b)
    return out

if __name__ == "__main__":
    import jax
    _d = setup_inputs()
    print(jax.jit(kernel)(*tuple(_d.values())))

</pallas_src>

<mosaic_0001>
#map = affine_map<(d0, d1) -> (0)>
#map1 = affine_map<(d0, d1) -> (0, 0)>
module attributes {stable_mosaic.version = 14 : i64} {
  func.func @_sc_merge_gather(%arg0: i32, %arg1: i32, %arg2: memref<327680xi32, #tpu.memory_space<hbm>>, %arg3: memref<160000xi32, #tpu.memory_space<hbm>>, %arg4: memref<10240x384xf32, #tpu.memory_space<hbm>>, %arg5: memref<10240xf32, #tpu.memory_space<hbm>>, %arg6: memref<10240x384xf32, #tpu.memory_space<hbm>>, %arg7: memref<10240xi32, #tpu.memory_space<vmem>>, %arg8: memref<320xi32, #tpu.memory_space<vmem>>, %arg9: memref<320xi32, #tpu.memory_space<vmem>>, %arg10: memref<320xf32, #tpu.memory_space<vmem>>, %arg11: memref<80x384xf32, #tpu.memory_space<vmem>>, %arg12: memref<80x384xf32, #tpu.memory_space<vmem>>, %arg13: memref<!tpu.dma_semaphore, #tpu.memory_space<semaphore_mem>>, %arg14: memref<!tpu.dma_semaphore, #tpu.memory_space<semaphore_mem>>) attributes {dimension_semantics = [#tpu.dimension_semantics<core_parallel>, #tpu.dimension_semantics<subcore_parallel>], iteration_bounds = array<i64: 2, 16>, scalar_prefetch = 0 : i64, scratch_operands = 8 : i64, tpu.core_type = #tpu.core_type<sc_vector_subcore>, window_params = [{transform_indices = #map}, {transform_indices = #map}, {transform_indices = #map1}, {transform_indices = #map}, {transform_indices = #map1}]} {
    %mul3A = arith.constant 2 : i32
    %mul3A_0 = arith.muli %arg1, %mul3A : i32
    %add3A = arith.addi %mul3A_0, %arg0 : i32
    %mul3A_1 = arith.constant 320 : i32
    %mul3A_2 = arith.muli %add3A, %mul3A_1 : i32
    %mul3A_3 = arith.constant 10240 : i32
    %mul3A_4 = arith.muli %add3A, %mul3A_3 : i32
    "tpu.region"() ({
      %run_scoped3A = tpu.sem_alloc : memref<!tpu.dma_semaphore, #tpu.memory_space<semaphore_mem>>
      %dma_start3A_63 = tpu.memref_slice %arg2[%mul3A_4] : memref<327680xi32, #tpu.memory_space<hbm>> -> memref<10240xi32, #tpu.memory_space<hbm>>
      %dma_start3A_64 = tpu.memref_slice %arg2[%mul3A_4] : memref<327680xi32, #tpu.memory_space<hbm>> -> memref<10240xi32, #tpu.memory_space<hbm>>
      tpu.enqueue_dma source(%dma_start3A_64 : memref<10240xi32, #tpu.memory_space<hbm>>) target(%arg7 : memref<10240xi32, #tpu.memory_space<vmem>>) target_semaphore(%run_scoped3A : memref<!tpu.dma_semaphore, #tpu.memory_space<semaphore_mem>>)
      %dma_wait3A_65 = tpu.memref_slice %arg2[%mul3A_4] : memref<327680xi32, #tpu.memory_space<hbm>> -> memref<10240xi32, #tpu.memory_space<hbm>>
      %dma_wait3A_66 = tpu.memref_slice %arg2[%mul3A_4] : memref<327680xi32, #tpu.memory_space<hbm>> -> memref<10240xi32, #tpu.memory_space<hbm>>
      tpu.wait_dma2 semaphore(%run_scoped3A : memref<!tpu.dma_semaphore, #tpu.memory_space<semaphore_mem>>) src(%dma_wait3A_66 : memref<10240xi32, #tpu.memory_space<hbm>>) dst(%arg7 : memref<10240xi32, #tpu.memory_space<vmem>>)
      tpu.yield
    }) : () -> ()
    %scan3A = arith.constant 0 : i32
    %scan3A_5 = arith.constant 0 : i32
    %scan3A_6 = arith.constant 20 : i32
    %scan3A_7 = arith.addi %scan3A_5, %scan3A_6 : i32
    %scan3A_8 = arith.constant 1 : i32
    %scan3A_9 = scf.for %scan3A_63 = %scan3A_5 to %scan3A_7 step %scan3A_8 iter_args(%scan3A_64 = %scan3A) -> (i32)  : i32 {
      %mul3A_65 = arith.constant 16 : i32
      %mul3A_66 = arith.muli %scan3A_63, %mul3A_65 : i32
      %multiple_of3A = tpu.assume_multiple %mul3A_66, 16 : i32
      %get3A = arith.index_cast %multiple_of3A : i32 to index
      %get3A_67 = tpu.vector_load %arg7[%get3A] {strides = array<i32>} : memref<10240xi32, #tpu.memory_space<vmem>>, vector<16xi32>,
      %add3A_68 = arith.constant 320 : i32
      %add3A_69 = arith.addi %add3A_68, %multiple_of3A : i32
      %get3A_70 = arith.index_cast %add3A_69 : i32 to index
      %get3A_71 = tpu.vector_load %arg7[%get3A_70] {strides = array<i32>} : memref<10240xi32, #tpu.memory_space<vmem>>, vector<16xi32>,
      %max3A = arith.maxsi %get3A_67, %get3A_71 : vector<16xi32>
      %add3A_72 = arith.constant 640 : i32
      %add3A_73 = arith.addi %add3A_72, %multiple_of3A : i32
      %get3A_74 = arith.index_cast %add3A_73 : i32 to index
      %get3A_75 = tpu.vector_load %arg7[%get3A_74] {strides = array<i32>} : memref<10240xi32, #tpu.memory_space<vmem>>, vector<16xi32>,
      %max3A_76 = arith.maxsi %max3A, %get3A_75 : vector<16xi32>
      %add3A_77 = arith.constant 960 : i32
      %add3A_78 = arith.addi %add3A_77, %multiple_of3A : i32
      %get3A_79 = arith.index_cast %add3A_78 : i32 to index
      %get3A_80 = tpu.vector_load %arg7[%get3A_79] {strides = array<i32>} : memref<10240xi32, #tpu.memory_space<vmem>>, vector<16xi32>,
      %max3A_81 = arith.maxsi %max3A_76, %get3A_80 : vector<16xi32>
      %add3A_82 = arith.constant 1280 : i32
      %add3A_83 = arith.addi %add3A_82, %multiple_of3A : i32
      %get3A_84 = arith.index_cast %add3A_83 : i32 to index
      %get3A_85 = tpu.vector_load %arg7[%get3A_84] {strides = array<i32>} : memref<10240xi32, #tpu.memory_space<vmem>>, vector<16xi32>,
      %max3A_86 = arith.maxsi %max3A_81, %get3A_85 : vector<16xi32>
      %add3A_87 = arith.constant 1600 : i32
      %add3A_88 = arith.addi %add3A_87, %multiple_of3A : i32
      %get3A_89 = arith.index_cast %add3A_88 : i32 to index
      %get3A_90 = tpu.vector_load %arg7[%get3A_89] {strides = array<i32>} : memref<10240xi32, #tpu.memory_space<vmem>>, vector<16xi32>,
      %max3A_91 = arith.maxsi %max3A_86, %get3A_90 : vector<16xi32>
      %add3A_92 = arith.constant 1920 : i32
      %add3A_93 = arith.addi %add3A_92, %multiple_of3A : i32
      %get3A_94 = arith.index_cast %add3A_93 : i32 to index
      %get3A_95 = tpu.vector_load %arg7[%get3A_94] {strides = array<i32>} : memref<10240xi32, #tpu.memory_space<vmem>>, vector<16xi32>,
      %max3A_96 = arith.maxsi %max3A_91, %get3A_95 : vector<16xi32>
      %add3A_97 = arith.constant 2240 : i32
      %add3A_98 = arith.addi %add3A_97, %multiple_of3A : i32
      %get3A_99 = arith.index_cast %add3A_98 : i32 to index
      %get3A_100 = tpu.vector_load %arg7[%get3A_99] {strides = array<i32>} : memref<10240xi32, #tpu.memory_space<vmem>>, vector<16xi32>,
      %max3A_101 = arith.maxsi %max3A_96, %get3A_100 : vector<16xi32>
      %add3A_102 = arith.constant 2560 : i32
      %add3A_103 = arith.addi %add3A_102, %multiple_of3A : i32
      %get3A_104 = arith.index_cast %add3A_103 : i32 to index
      %get3A_105 = tpu.vector_load %arg7[%get3A_104] {strides = array<i32>} : memref<10240xi32, #tpu.memory_space<vmem>>, vector<16xi32>,
      %max3A_106 = arith.maxsi %max3A_101, %get3A_105 : vector<16xi32>
      %add3A_107 = arith.constant 2880 : i32
      %add3A_108 = arith.addi %add3A_107, %multiple_of3A : i32
      %get3A_109 = arith.index_cast %add3A_108 : i32 to index
      %get3A_110 = tpu.vector_load %arg7[%get3A_109] {strides = array<i32>} : memref<10240xi32, #tpu.memory_space<vmem>>, vector<16xi32>,
      %max3A_111 = arith.maxsi %max3A_106, %get3A_110 : vector<16xi32>
      %add3A_112 = arith.constant 3200 : i32
      %add3A_113 = arith.addi %add3A_112, %multiple_of3A : i32
      %get3A_114 = arith.index_cast %add3A_113 : i32 to index
      %get3A_115 = tpu.vector_load %arg7[%get3A_114] {strides = array<i32>} : memref<10240xi32, #tpu.memory_space<vmem>>, vector<16xi32>,
      %max3A_116 = arith.maxsi %max3A_111, %get3A_115 : vector<16xi32>
      %add3A_117 = arith.constant 3520 : i32
      %add3A_118 = arith.addi %add3A_117, %multiple_of3A : i32
      %get3A_119 = arith.index_cast %add3A_118 : i32 to index
      %get3A_120 = tpu.vector_load %arg7[%get3A_119] {strides = array<i32>} : memref<10240xi32, #tpu.memory_space<vmem>>, vector<16xi32>,
      %max3A_121 = arith.maxsi %max3A_116, %get3A_120 : vector<16xi32>
      %add3A_122 = arith.constant 3840 : i32
      %add3A_123 = arith.addi %add3A_122, %multiple_of3A : i32
      %get3A_124 = arith.index_cast %add3A_123 : i32 to index
      %get3A_125 = tpu.vector_load %arg7[%get3A_124] {strides = array<i32>} : memref<10240xi32, #tpu.memory_space<vmem>>, vector<16xi32>,
      %max3A_126 = arith.maxsi %max3A_121, %get3A_125 : vector<16xi32>
      %add3A_127 = arith.constant 4160 : i32
      %add3A_128 = arith.addi %add3A_127, %multiple_of3A : i32
      %get3A_129 = arith.index_cast %add3A_128 : i32 to index
      %get3A_130 = tpu.vector_load %arg7[%get3A_129] {strides = array<i32>} : memref<10240xi32, #tpu.memory_space<vmem>>, vector<16xi32>,
      %max3A_131 = arith.maxsi %max3A_126, %get3A_130 : vector<16xi32>
      %add3A_132 = arith.constant 4480 : i32
      %add3A_133 = arith.addi %add3A_132, %multiple_of3A : i32
      %get3A_134 = arith.index_cast %add3A_133 : i32 to index
      %get3A_135 = tpu.vector_load %arg7[%get3A_134] {strides = array<i32>} : memref<10240xi32, #tpu.memory_space<vmem>>, vector<16xi32>,
      %max3A_136 = arith.maxsi %max3A_131, %get3A_135 : vector<16xi32>
      %add3A_137 = arith.constant 4800 : i32
      %add3A_138 = arith.addi %add3A_137, %multiple_of3A : i32
      %get3A_139 = arith.index_cast %add3A_138 : i32 to index
      %get3A_140 = tpu.vector_load %arg7[%get3A_139] {strides = array<i32>} : memref<10240xi32, #tpu.memory_space<vmem>>, vector<16xi32>,
      %max3A_141 = arith.maxsi %max3A_136, %get3A_140 : vector<16xi32>
      %add3A_142 = arith.constant 5120 : i32
      %add3A_143 = arith.addi %add3A_142, %multiple_of3A : i32
      %get3A_144 = arith.index_cast %add3A_143 : i32 to index
      %get3A_145 = tpu.vector_load %arg7[%get3A_144] {strides = array<i32>} : memref<10240xi32, #tpu.memory_space<vmem>>, vector<16xi32>,
      %max3A_146 = arith.maxsi %max3A_141, %get3A_145 : vector<16xi32>
      %add3A_147 = arith.constant 5440 : i32
      %add3A_148 = arith.addi %add3A_147, %multiple_of3A : i32
      %get3A_149 = arith.index_cast %add3A_148 : i32 to index
      %get3A_150 = tpu.vector_load %arg7[%get3A_149] {strides = array<i32>} : memref<10240xi32, #tpu.memory_space<vmem>>, vector<16xi32>,
      %max3A_151 = arith.maxsi %max3A_146, %get3A_150 : vector<16xi32>
      %add3A_152 = arith.constant 5760 : i32
      %add3A_153 = arith.addi %add3A_152, %multiple_of3A : i32
      %get3A_154 = arith.index_cast %add3A_153 : i32 to index
      %get3A_155 = tpu.vector_load %arg7[%get3A_154] {strides = array<i32>} : memref<10240xi32, #tpu.memory_space<vmem>>, vector<16xi32>,
      %max3A_156 = arith.maxsi %max3A_151, %get3A_155 : vector<16xi32>
      %add3A_157 = arith.constant 6080 : i32
      %add3A_158 = arith.addi %add3A_157, %multiple_of3A : i32
      %get3A_159 = arith.index_cast %add3A_158 : i32 to index
      %get3A_160 = tpu.vector_load %arg7[%get3A_159] {strides = array<i32>} : memref<10240xi32, #tpu.memory_space<vmem>>, vector<16xi32>,
      %max3A_161 = arith.maxsi %max3A_156, %get3A_160 : vector<16xi32>
      %add3A_162 = arith.constant 6400 : i32
      %add3A_163 = arith.addi %add3A_162, %multiple_of3A : i32
      %get3A_164 = arith.index_cast %add3A_163 : i32 to index
      %get3A_165 = tpu.vector_load %arg7[%get3A_164] {strides = array<i32>} : memref<10240xi32, #tpu.memory_space<vmem>>, vector<16xi32>,
      %max3A_166 = arith.maxsi %max3A_161, %get3A_165 : vector<16xi32>
      %add3A_167 = arith.constant 6720 : i32
      %add3A_168 = arith.addi %add3A_167, %multiple_of3A : i32
      %get3A_169 = arith.index_cast %add3A_168 : i32 to index
      %get3A_170 = tpu.vector_load %arg7[%get3A_169] {strides = array<i32>} : memref<10240xi32, #tpu.memory_space<vmem>>, vector<16xi32>,
      %max3A_171 = arith.maxsi %max3A_166, %get3A_170 : vector<16xi32>
      %add3A_172 = arith.constant 7040 : i32
      %add3A_173 = arith.addi %add3A_172, %multiple_of3A : i32
      %get3A_174 = arith.index_cast %add3A_173 : i32 to index
      %get3A_175 = tpu.vector_load %arg7[%get3A_174] {strides = array<i32>} : memref<10240xi32, #tpu.memory_space<vmem>>, vector<16xi32>,
      %max3A_176 = arith.maxsi %max3A_171, %get3A_175 : vector<16xi32>
      %add3A_177 = arith.constant 7360 : i32
      %add3A_178 = arith.addi %add3A_177, %multiple_of3A : i32
      %get3A_179 = arith.index_cast %add3A_178 : i32 to index
      %get3A_180 = tpu.vector_load %arg7[%get3A_179] {strides = array<i32>} : memref<10240xi32, #tpu.memory_space<vmem>>, vector<16xi32>,
      %max3A_181 = arith.maxsi %max3A_176, %get3A_180 : vector<16xi32>
      %add3A_182 = arith.constant 7680 : i32
      %add3A_183 = arith.addi %add3A_182, %multiple_of3A : i32
      %get3A_184 = arith.index_cast %add3A_183 : i32 to index
      %get3A_185 = tpu.vector_load %arg7[%get3A_184] {strides = array<i32>} : memref<10240xi32, #tpu.memory_space<vmem>>, vector<16xi32>,
      %max3A_186 = arith.maxsi %max3A_181, %get3A_185 : vector<16xi32>
      %add3A_187 = arith.constant 8000 : i32
      %add3A_188 = arith.addi %add3A_187, %multiple_of3A : i32
      %get3A_189 = arith.index_cast %add3A_188 : i32 to index
      %get3A_190 = tpu.vector_load %arg7[%get3A_189] {strides = array<i32>} : memref<10240xi32, #tpu.memory_space<vmem>>, vector<16xi32>,
      %max3A_191 = arith.maxsi %max3A_186, %get3A_190 : vector<16xi32>
      %add3A_192 = arith.constant 8320 : i32
      %add3A_193 = arith.addi %add3A_192, %multiple_of3A : i32
      %get3A_194 = arith.index_cast %add3A_193 : i32 to index
      %get3A_195 = tpu.vector_load %arg7[%get3A_194] {strides = array<i32>} : memref<10240xi32, #tpu.memory_space<vmem>>, vector<16xi32>,
      %max3A_196 = arith.maxsi %max3A_191, %get3A_195 : vector<16xi32>
      %add3A_197 = arith.constant 8640 : i32
      %add3A_198 = arith.addi %add3A_197, %multiple_of3A : i32
      %get3A_199 = arith.index_cast %add3A_198 : i32 to index
      %get3A_200 = tpu.vector_load %arg7[%get3A_199] {strides = array<i32>} : memref<10240xi32, #tpu.memory_space<vmem>>, vector<16xi32>,
      %max3A_201 = arith.maxsi %max3A_196, %get3A_200 : vector<16xi32>
      %add3A_202 = arith.constant 8960 : i32
      %add3A_203 = arith.addi %add3A_202, %multiple_of3A : i32
      %get3A_204 = arith.index_cast %add3A_203 : i32 to index
      %get3A_205 = tpu.vector_load %arg7[%get3A_204] {strides = array<i32>} : memref<10240xi32, #tpu.memory_space<vmem>>, vector<16xi32>,
      %max3A_206 = arith.maxsi %max3A_201, %get3A_205 : vector<16xi32>
      %add3A_207 = arith.constant 9280 : i32
      %add3A_208 = arith.addi %add3A_207, %multiple_of3A : i32
      %get3A_209 = arith.index_cast %add3A_208 : i32 to index
      %get3A_210 = tpu.vector_load %arg7[%get3A_209] {strides = array<i32>} : memref<10240xi32, #tpu.memory_space<vmem>>, vector<16xi32>,
      %max3A_211 = arith.maxsi %max3A_206, %get3A_210 : vector<16xi32>
      %add3A_212 = arith.constant 9600 : i32
      %add3A_213 = arith.addi %add3A_212, %multiple_of3A : i32
      %get3A_214 = arith.index_cast %add3A_213 : i32 to index
      %get3A_215 = tpu.vector_load %arg7[%get3A_214] {strides = array<i32>} : memref<10240xi32, #tpu.memory_space<vmem>>, vector<16xi32>,
      %max3A_216 = arith.maxsi %max3A_211, %get3A_215 : vector<16xi32>
      %add3A_217 = arith.constant 9920 : i32
      %add3A_218 = arith.addi %add3A_217, %multiple_of3A : i32
      %get3A_219 = arith.index_cast %add3A_218 : i32 to index
      %get3A_220 = tpu.vector_load %arg7[%get3A_219] {strides = array<i32>} : memref<10240xi32, #tpu.memory_space<vmem>>, vector<16xi32>,
      %max3A_221 = arith.maxsi %max3A_216, %get3A_220 : vector<16xi32>
      %max3A_222 = arith.constant 0 : i32
      %max3A_223 = vector.broadcast %max3A_222 : i32 to vector<16xi32>
      %max3A_224 = arith.maxsi %max3A_221, %max3A_223 : vector<16xi32>
      %swap3A = arith.index_cast %multiple_of3A : i32 to index
      %swap3A_225 = tpu.vector_load %arg8[%swap3A] {strides = array<i32>} : memref<320xi32, #tpu.memory_space<vmem>>, vector<16xi32>,
      tpu.vector_store %arg8[%swap3A], %max3A_224 {strides = array<i32>} : memref<320xi32, #tpu.memory_space<vmem>>, vector<16xi32>,
      %ge3A = arith.constant 0 : i32
      %ge3A_226 = vector.broadcast %ge3A : i32 to vector<16xi32>
      %ge3A_227 = arith.cmpi sge, %max3A_221, %ge3A_226 : vector<16xi32>
      %jit3A = arith.constant 1.000000e+00 : f32
      %jit3A_228 = arith.constant 0.000000e+00 : f32
      %broadcast_in_dim3A = vector.broadcast %jit3A : f32 to vector<16xf32>
      %broadcast_in_dim3A_229 = vector.broadcast %jit3A_228 : f32 to vector<16xf32>
      %select_n3A = arith.select %ge3A_227, %broadcast_in_dim3A, %broadcast_in_dim3A_229 : vector<16xi1>, vector<16xf32>
      %swap3A_230 = arith.index_cast %multiple_of3A : i32 to index
      %swap3A_231 = tpu.vector_load %arg10[%swap3A_230] {strides = array<i32>} : memref<320xf32, #tpu.memory_space<vmem>>, vector<16xf32>,
      tpu.vector_store %arg10[%swap3A_230], %select_n3A {strides = array<i32>} : memref<320xf32, #tpu.memory_space<vmem>>, vector<16xf32>,
      %scan3A_232 = arith.constant 0 : i32
      scf.yield %scan3A_232 : i32
    }
    %scan3A_10 = arith.constant 20 : i32
    %mul3A_11 = arith.constant 1 : i32
    %mul3A_12 = arith.muli %mul3A_2, %mul3A_11 : i32
    "tpu.region"() ({
      %run_scoped3A = tpu.sem_alloc : memref<!tpu.dma_semaphore, #tpu.memory_space<semaphore_mem>>
      %dma_start3A_63 = tpu.memref_slice %arg5[%mul3A_12] : memref<10240xf32, #tpu.memory_space<hbm>> -> memref<320xf32, #tpu.memory_space<hbm>>
      %dma_start3A_64 = tpu.memref_slice %arg5[%mul3A_12] : memref<10240xf32, #tpu.memory_space<hbm>> -> memref<320xf32, #tpu.memory_space<hbm>>
      tpu.enqueue_dma source(%arg10 : memref<320xf32, #tpu.memory_space<vmem>>) target(%dma_start3A_64 : memref<320xf32, #tpu.memory_space<hbm>>) target_semaphore(%run_scoped3A : memref<!tpu.dma_semaphore, #tpu.memory_space<semaphore_mem>>)
      %dma_wait3A_65 = tpu.memref_slice %arg5[%mul3A_12] : memref<10240xf32, #tpu.memory_space<hbm>> -> memref<320xf32, #tpu.memory_space<hbm>>
      %dma_wait3A_66 = tpu.memref_slice %arg5[%mul3A_12] : memref<10240xf32, #tpu.memory_space<hbm>> -> memref<320xf32, #tpu.memory_space<hbm>>
      tpu.wait_dma2 semaphore(%run_scoped3A : memref<!tpu.dma_semaphore, #tpu.memory_space<semaphore_mem>>) src(%arg10 : memref<320xf32, #tpu.memory_space<vmem>>) dst(%dma_wait3A_66 : memref<320xf32, #tpu.memory_space<hbm>>)
      tpu.yield
    }) : () -> ()
    %dma_start3A = arith.constant 0 : i32
    %dma_start3A_13 = tpu.memref_slice %arg3[%dma_start3A] : memref<160000xi32, #tpu.memory_space<hbm>> -> memref<160000xi32, #tpu.memory_space<hbm>>
    tpu.enqueue_indirect_dma source(%dma_start3A_13 : memref<160000xi32, #tpu.memory_space<hbm>>) target(%arg9 : memref<320xi32, #tpu.memory_space<vmem>>) offsets(%arg8 : memref<320xi32, #tpu.memory_space<vmem>>) semaphore(%arg13 : memref<!tpu.dma_semaphore, #tpu.memory_space<semaphore_mem>>)
    %dma_wait3A = arith.constant 0 : i32
    %dma_wait3A_14 = tpu.memref_slice %arg3[%dma_wait3A] : memref<160000xi32, #tpu.memory_space<hbm>> -> memref<160000xi32, #tpu.memory_space<hbm>>
    tpu.wait_indirect_dma semaphore(%arg13 : memref<!tpu.dma_semaphore, #tpu.memory_space<semaphore_mem>>) src(%dma_wait3A_14 : memref<160000xi32, #tpu.memory_space<hbm>>) dst(%arg9 : memref<320xi32, #tpu.memory_space<vmem>>)
    %dma_start3A_15 = arith.constant 0 : i32
    %dma_start3A_16 = tpu.memref_slice %arg9[%dma_start3A_15] : memref<320xi32, #tpu.memory_space<vmem>> -> memref<80xi32, #tpu.memory_space<vmem>>
    %dma_start3A_17 = arith.constant 0 : i32
    %dma_start3A_18 = arith.constant 0 : i32
    %dma_start3A_19 = tpu.memref_slice %arg4[%dma_start3A_17, %dma_start3A_18] : memref<10240x384xf32, #tpu.memory_space<hbm>> -> memref<10240x384xf32, #tpu.memory_space<hbm>>
    tpu.enqueue_indirect_dma source(%dma_start3A_19 : memref<10240x384xf32, #tpu.memory_space<hbm>>) target(%arg11 : memref<80x384xf32, #tpu.memory_space<vmem>>) offsets(%dma_start3A_16 : memref<80xi32, #tpu.memory_space<vmem>>) semaphore(%arg13 : memref<!tpu.dma_semaphore, #tpu.memory_space<semaphore_mem>>)
    %dma_start3A_20 = arith.constant 80 : i32
    %dma_start3A_21 = tpu.memref_slice %arg9[%dma_start3A_20] : memref<320xi32, #tpu.memory_space<vmem>> -> memref<80xi32, #tpu.memory_space<vmem>>
    %dma_start3A_22 = arith.constant 0 : i32
    %dma_start3A_23 = arith.constant 0 : i32
    %dma_start3A_24 = tpu.memref_slice %arg4[%dma_start3A_22, %dma_start3A_23] : memref<10240x384xf32, #tpu.memory_space<hbm>> -> memref<10240x384xf32, #tpu.memory_space<hbm>>
    tpu.enqueue_indirect_dma source(%dma_start3A_24 : memref<10240x384xf32, #tpu.memory_space<hbm>>) target(%arg12 : memref<80x384xf32, #tpu.memory_space<vmem>>) offsets(%dma_start3A_21 : memref<80xi32, #tpu.memory_space<vmem>>) semaphore(%arg14 : memref<!tpu.dma_semaphore, #tpu.memory_space<semaphore_mem>>)
    %dma_wait3A_25 = arith.constant 0 : i32
    %dma_wait3A_26 = tpu.memref_slice %arg9[%dma_wait3A_25] : memref<320xi32, #tpu.memory_space<vmem>> -> memref<80xi32, #tpu.memory_space<vmem>>
    %dma_wait3A_27 = arith.constant 0 : i32
    %dma_wait3A_28 = arith.constant 0 : i32
    %dma_wait3A_29 = tpu.memref_slice %arg4[%dma_wait3A_27, %dma_wait3A_28] : memref<10240x384xf32, #tpu.memory_space<hbm>> -> memref<10240x384xf32, #tpu.memory_space<hbm>>
    tpu.wait_indirect_dma semaphore(%arg13 : memref<!tpu.dma_semaphore, #tpu.memory_space<semaphore_mem>>) src(%dma_wait3A_29 : memref<10240x384xf32, #tpu.memory_space<hbm>>) dst(%arg11 : memref<80x384xf32, #tpu.memory_space<vmem>>)
    %add3A_30 = arith.constant 0 : i32
    %add3A_31 = arith.addi %mul3A_2, %add3A_30 : i32
    "tpu.region"() ({
      %run_scoped3A = tpu.sem_alloc : memref<!tpu.dma_semaphore, #tpu.memory_space<semaphore_mem>>
      %dma_start3A_63 = arith.constant 0 : i32
      %dma_start3A_64 = tpu.memref_slice %arg6[%add3A_31, %dma_start3A_63] : memref<10240x384xf32, #tpu.memory_space<hbm>> -> memref<80x384xf32, #tpu.memory_space<hbm>>
      %dma_start3A_65 = arith.constant 0 : i32
      %dma_start3A_66 = tpu.memref_slice %arg6[%add3A_31, %dma_start3A_65] : memref<10240x384xf32, #tpu.memory_space<hbm>> -> memref<80x384xf32, #tpu.memory_space<hbm>>
      tpu.enqueue_dma source(%arg11 : memref<80x384xf32, #tpu.memory_space<vmem>>) target(%dma_start3A_66 : memref<80x384xf32, #tpu.memory_space<hbm>>) target_semaphore(%run_scoped3A : memref<!tpu.dma_semaphore, #tpu.memory_space<semaphore_mem>>)
      %dma_wait3A_67 = arith.constant 0 : i32
      %dma_wait3A_68 = tpu.memref_slice %arg6[%add3A_31, %dma_wait3A_67] : memref<10240x384xf32, #tpu.memory_space<hbm>> -> memref<80x384xf32, #tpu.memory_space<hbm>>
      %dma_wait3A_69 = arith.constant 0 : i32
      %dma_wait3A_70 = tpu.memref_slice %arg6[%add3A_31, %dma_wait3A_69] : memref<10240x384xf32, #tpu.memory_space<hbm>> -> memref<80x384xf32, #tpu.memory_space<hbm>>
      tpu.wait_dma2 semaphore(%run_scoped3A : memref<!tpu.dma_semaphore, #tpu.memory_space<semaphore_mem>>) src(%arg11 : memref<80x384xf32, #tpu.memory_space<vmem>>) dst(%dma_wait3A_70 : memref<80x384xf32, #tpu.memory_space<hbm>>)
      tpu.yield
    }) : () -> ()
    %dma_start3A_32 = arith.constant 160 : i32
    %dma_start3A_33 = tpu.memref_slice %arg9[%dma_start3A_32] : memref<320xi32, #tpu.memory_space<vmem>> -> memref<80xi32, #tpu.memory_space<vmem>>
    %dma_start3A_34 = arith.constant 0 : i32
    %dma_start3A_35 = arith.constant 0 : i32
    %dma_start3A_36 = tpu.memref_slice %arg4[%dma_start3A_34, %dma_start3A_35] : memref<10240x384xf32, #tpu.memory_space<hbm>> -> memref<10240x384xf32, #tpu.memory_space<hbm>>
    tpu.enqueue_indirect_dma source(%dma_start3A_36 : memref<10240x384xf32, #tpu.memory_space<hbm>>) target(%arg11 : memref<80x384xf32, #tpu.memory_space<vmem>>) offsets(%dma_start3A_33 : memref<80xi32, #tpu.memory_space<vmem>>) semaphore(%arg13 : memref<!tpu.dma_semaphore, #tpu.memory_space<semaphore_mem>>)
    %dma_wait3A_37 = arith.constant 80 : i32
    %dma_wait3A_38 = tpu.memref_slice %arg9[%dma_wait3A_37] : memref<320xi32, #tpu.memory_space<vmem>> -> memref<80xi32, #tpu.memory_space<vmem>>
    %dma_wait3A_39 = arith.constant 0 : i32
    %dma_wait3A_40 = arith.constant 0 : i32
    %dma_wait3A_41 = tpu.memref_slice %arg4[%dma_wait3A_39, %dma_wait3A_40] : memref<10240x384xf32, #tpu.memory_space<hbm>> -> memref<10240x384xf32, #tpu.memory_space<hbm>>
    tpu.wait_indirect_dma semaphore(%arg14 : memref<!tpu.dma_semaphore, #tpu.memory_space<semaphore_mem>>) src(%dma_wait3A_41 : memref<10240x384xf32, #tpu.memory_space<hbm>>) dst(%arg12 : memref<80x384xf32, #tpu.memory_space<vmem>>)
    %add3A_42 = arith.constant 80 : i32
    %add3A_43 = arith.addi %mul3A_2, %add3A_42 : i32
    "tpu.region"() ({
      %run_scoped3A = tpu.sem_alloc : memref<!tpu.dma_semaphore, #tpu.memory_space<semaphore_mem>>
      %dma_start3A_63 = arith.constant 0 : i32
      %dma_start3A_64 = tpu.memref_slice %arg6[%add3A_43, %dma_start3A_63] : memref<10240x384xf32, #tpu.memory_space<hbm>> -> memref<80x384xf32, #tpu.memory_space<hbm>>
      %dma_start3A_65 = arith.constant 0 : i32
      %dma_start3A_66 = tpu.memref_slice %arg6[%add3A_43, %dma_start3A_65] : memref<10240x384xf32, #tpu.memory_space<hbm>> -> memref<80x384xf32, #tpu.memory_space<hbm>>
      tpu.enqueue_dma source(%arg12 : memref<80x384xf32, #tpu.memory_space<vmem>>) target(%dma_start3A_66 : memref<80x384xf32, #tpu.memory_space<hbm>>) target_semaphore(%run_scoped3A : memref<!tpu.dma_semaphore, #tpu.memory_space<semaphore_mem>>)
      %dma_wait3A_67 = arith.constant 0 : i32
      %dma_wait3A_68 = tpu.memref_slice %arg6[%add3A_43, %dma_wait3A_67] : memref<10240x384xf32, #tpu.memory_space<hbm>> -> memref<80x384xf32, #tpu.memory_space<hbm>>
      %dma_wait3A_69 = arith.constant 0 : i32
      %dma_wait3A_70 = tpu.memref_slice %arg6[%add3A_43, %dma_wait3A_69] : memref<10240x384xf32, #tpu.memory_space<hbm>> -> memref<80x384xf32, #tpu.memory_space<hbm>>
      tpu.wait_dma2 semaphore(%run_scoped3A : memref<!tpu.dma_semaphore, #tpu.memory_space<semaphore_mem>>) src(%arg12 : memref<80x384xf32, #tpu.memory_space<vmem>>) dst(%dma_wait3A_70 : memref<80x384xf32, #tpu.memory_space<hbm>>)
      tpu.yield
    }) : () -> ()
    %dma_start3A_44 = arith.constant 240 : i32
    %dma_start3A_45 = tpu.memref_slice %arg9[%dma_start3A_44] : memref<320xi32, #tpu.memory_space<vmem>> -> memref<80xi32, #tpu.memory_space<vmem>>
    %dma_start3A_46 = arith.constant 0 : i32
    %dma_start3A_47 = arith.constant 0 : i32
    %dma_start3A_48 = tpu.memref_slice %arg4[%dma_start3A_46, %dma_start3A_47] : memref<10240x384xf32, #tpu.memory_space<hbm>> -> memref<10240x384xf32, #tpu.memory_space<hbm>>
    tpu.enqueue_indirect_dma source(%dma_start3A_48 : memref<10240x384xf32, #tpu.memory_space<hbm>>) target(%arg12 : memref<80x384xf32, #tpu.memory_space<vmem>>) offsets(%dma_start3A_45 : memref<80xi32, #tpu.memory_space<vmem>>) semaphore(%arg14 : memref<!tpu.dma_semaphore, #tpu.memory_space<semaphore_mem>>)
    %dma_wait3A_49 = arith.constant 160 : i32
    %dma_wait3A_50 = tpu.memref_slice %arg9[%dma_wait3A_49] : memref<320xi32, #tpu.memory_space<vmem>> -> memref<80xi32, #tpu.memory_space<vmem>>
    %dma_wait3A_51 = arith.constant 0 : i32
    %dma_wait3A_52 = arith.constant 0 : i32
    %dma_wait3A_53 = tpu.memref_slice %arg4[%dma_wait3A_51, %dma_wait3A_52] : memref<10240x384xf32, #tpu.memory_space<hbm>> -> memref<10240x384xf32, #tpu.memory_space<hbm>>
    tpu.wait_indirect_dma semaphore(%arg13 : memref<!tpu.dma_semaphore, #tpu.memory_space<semaphore_mem>>) src(%dma_wait3A_53 : memref<10240x384xf32, #tpu.memory_space<hbm>>) dst(%arg11 : memref<80x384xf32, #tpu.memory_space<vmem>>)
    %add3A_54 = arith.constant 160 : i32
    %add3A_55 = arith.addi %mul3A_2, %add3A_54 : i32
    "tpu.region"() ({
      %run_scoped3A = tpu.sem_alloc : memref<!tpu.dma_semaphore, #tpu.memory_space<semaphore_mem>>
      %dma_start3A_63 = arith.constant 0 : i32
      %dma_start3A_64 = tpu.memref_slice %arg6[%add3A_55, %dma_start3A_63] : memref<10240x384xf32, #tpu.memory_space<hbm>> -> memref<80x384xf32, #tpu.memory_space<hbm>>
      %dma_start3A_65 = arith.constant 0 : i32
      %dma_start3A_66 = tpu.memref_slice %arg6[%add3A_55, %dma_start3A_65] : memref<10240x384xf32, #tpu.memory_space<hbm>> -> memref<80x384xf32, #tpu.memory_space<hbm>>
      tpu.enqueue_dma source(%arg11 : memref<80x384xf32, #tpu.memory_space<vmem>>) target(%dma_start3A_66 : memref<80x384xf32, #tpu.memory_space<hbm>>) target_semaphore(%run_scoped3A : memref<!tpu.dma_semaphore, #tpu.memory_space<semaphore_mem>>)
      %dma_wait3A_67 = arith.constant 0 : i32
      %dma_wait3A_68 = tpu.memref_slice %arg6[%add3A_55, %dma_wait3A_67] : memref<10240x384xf32, #tpu.memory_space<hbm>> -> memref<80x384xf32, #tpu.memory_space<hbm>>
      %dma_wait3A_69 = arith.constant 0 : i32
      %dma_wait3A_70 = tpu.memref_slice %arg6[%add3A_55, %dma_wait3A_69] : memref<10240x384xf32, #tpu.memory_space<hbm>> -> memref<80x384xf32, #tpu.memory_space<hbm>>
      tpu.wait_dma2 semaphore(%run_scoped3A : memref<!tpu.dma_semaphore, #tpu.memory_space<semaphore_mem>>) src(%arg11 : memref<80x384xf32, #tpu.memory_space<vmem>>) dst(%dma_wait3A_70 : memref<80x384xf32, #tpu.memory_space<hbm>>)
      tpu.yield
    }) : () -> ()
    %dma_wait3A_56 = arith.constant 240 : i32
    %dma_wait3A_57 = tpu.memref_slice %arg9[%dma_wait3A_56] : memref<320xi32, #tpu.memory_space<vmem>> -> memref<80xi32, #tpu.memory_space<vmem>>
    %dma_wait3A_58 = arith.constant 0 : i32
    %dma_wait3A_59 = arith.constant 0 : i32
    %dma_wait3A_60 = tpu.memref_slice %arg4[%dma_wait3A_58, %dma_wait3A_59] : memref<10240x384xf32, #tpu.memory_space<hbm>> -> memref<10240x384xf32, #tpu.memory_space<hbm>>
    tpu.wait_indirect_dma semaphore(%arg14 : memref<!tpu.dma_semaphore, #tpu.memory_space<semaphore_mem>>) src(%dma_wait3A_60 : memref<10240x384xf32, #tpu.memory_space<hbm>>) dst(%arg12 : memref<80x384xf32, #tpu.memory_space<vmem>>)
    %add3A_61 = arith.constant 240 : i32
    %add3A_62 = arith.addi %mul3A_2, %add3A_61 : i32
    "tpu.region"() ({
      %run_scoped3A = tpu.sem_alloc : memref<!tpu.dma_semaphore, #tpu.memory_space<semaphore_mem>>
      %dma_start3A_63 = arith.constant 0 : i32
      %dma_start3A_64 = tpu.memref_slice %arg6[%add3A_62, %dma_start3A_63] : memref<10240x384xf32, #tpu.memory_space<hbm>> -> memref<80x384xf32, #tpu.memory_space<hbm>>
      %dma_start3A_65 = arith.constant 0 : i32
      %dma_start3A_66 = tpu.memref_slice %arg6[%add3A_62, %dma_start3A_65] : memref<10240x384xf32, #tpu.memory_space<hbm>> -> memref<80x384xf32, #tpu.memory_space<hbm>>
      tpu.enqueue_dma source(%arg12 : memref<80x384xf32, #tpu.memory_space<vmem>>) target(%dma_start3A_66 : memref<80x384xf32, #tpu.memory_space<hbm>>) target_semaphore(%run_scoped3A : memref<!tpu.dma_semaphore, #tpu.memory_space<semaphore_mem>>)
      %dma_wait3A_67 = arith.constant 0 : i32
      %dma_wait3A_68 = tpu.memref_slice %arg6[%add3A_62, %dma_wait3A_67] : memref<10240x384xf32, #tpu.memory_space<hbm>> -> memref<80x384xf32, #tpu.memory_space<hbm>>
      %dma_wait3A_69 = arith.constant 0 : i32
      %dma_wait3A_70 = tpu.memref_slice %arg6[%add3A_62, %dma_wait3A_69] : memref<10240x384xf32, #tpu.memory_space<hbm>> -> memref<80x384xf32, #tpu.memory_space<hbm>>
      tpu.wait_dma2 semaphore(%run_scoped3A : memref<!tpu.dma_semaphore, #tpu.memory_space<semaphore_mem>>) src(%arg12 : memref<80x384xf32, #tpu.memory_space<vmem>>) dst(%dma_wait3A_70 : memref<80x384xf32, #tpu.memory_space<hbm>>)
      tpu.yield
    }) : () -> ()
    return
  }
}

#map = affine_map<(d0, d1) -> (0)>
module attributes {stable_mosaic.version = 14 : i64} {
  func.func @_sc_winner_partials(%arg0: i32, %arg1: i32, %arg2: memref<160000xi32, #tpu.memory_space<hbm>>, %arg3: memref<327680xi32, #tpu.memory_space<hbm>>, %arg4: memref<5000xi32, #tpu.memory_space<vmem>>, %arg5: memref<10240xi32, #tpu.memory_space<vmem>>, %arg6: memref<!tpu.dma_semaphore, #tpu.memory_space<semaphore_mem>>) attributes {dimension_semantics = [#tpu.dimension_semantics<core_parallel>, #tpu.dimension_semantics<subcore_parallel>], iteration_bounds = array<i64: 2, 16>, scalar_prefetch = 0 : i64, scratch_operands = 3 : i64, tpu.core_type = #tpu.core_type<sc_vector_subcore>, window_params = [{transform_indices = #map}, {transform_indices = #map}]} {
    %mul3A = arith.constant 2 : i32
    %mul3A_0 = arith.muli %arg1, %mul3A : i32
    %add3A = arith.addi %mul3A_0, %arg0 : i32
    %mul3A_1 = arith.constant 5000 : i32
    %mul3A_2 = arith.muli %add3A, %mul3A_1 : i32
    %mul3A_3 = arith.constant 1 : i32
    %mul3A_4 = arith.muli %mul3A_2, %mul3A_3 : i32
    "tpu.region"() ({
      %run_scoped3A = tpu.sem_alloc : memref<!tpu.dma_semaphore, #tpu.memory_space<semaphore_mem>>
      %dma_start3A_528 = tpu.memref_slice %arg2[%mul3A_4] : memref<160000xi32, #tpu.memory_space<hbm>> -> memref<5000xi32, #tpu.memory_space<hbm>>
      %dma_start3A_529 = tpu.memref_slice %arg2[%mul3A_4] : memref<160000xi32, #tpu.memory_space<hbm>> -> memref<5000xi32, #tpu.memory_space<hbm>>
      tpu.enqueue_dma source(%dma_start3A_529 : memref<5000xi32, #tpu.memory_space<hbm>>) target(%arg4 : memref<5000xi32, #tpu.memory_space<vmem>>) target_semaphore(%run_scoped3A : memref<!tpu.dma_semaphore, #tpu.memory_space<semaphore_mem>>)
      %dma_wait3A_530 = tpu.memref_slice %arg2[%mul3A_4] : memref<160000xi32, #tpu.memory_space<hbm>> -> memref<5000xi32, #tpu.memory_space<hbm>>
      %dma_wait3A_531 = tpu.memref_slice %arg2[%mul3A_4] : memref<160000xi32, #tpu.memory_space<hbm>> -> memref<5000xi32, #tpu.memory_space<hbm>>
      tpu.wait_dma2 semaphore(%run_scoped3A : memref<!tpu.dma_semaphore, #tpu.memory_space<semaphore_mem>>) src(%dma_wait3A_531 : memref<5000xi32, #tpu.memory_space<hbm>>) dst(%arg4 : memref<5000xi32, #tpu.memory_space<vmem>>)
      tpu.yield
    }) : () -> ()
    %scan3A = arith.constant 0 : i32
    %scan3A_5 = arith.constant 0 : i32
    %scan3A_6 = arith.constant 640 : i32
    %scan3A_7 = arith.addi %scan3A_5, %scan3A_6 : i32
    %scan3A_8 = arith.constant 1 : i32
    %scan3A_9 = scf.for %scan3A_528 = %scan3A_5 to %scan3A_7 step %scan3A_8 iter_args(%scan3A_529 = %scan3A) -> (i32)  : i32 {
      %mul3A_530 = arith.constant 16 : i32
      %mul3A_531 = arith.muli %scan3A_528, %mul3A_530 : i32
      %multiple_of3A = tpu.assume_multiple %mul3A_531, 16 : i32
      %broadcast_in_dim3A = arith.constant -1 : i32
      %broadcast_in_dim3A_532 = vector.broadcast %broadcast_in_dim3A : i32 to vector<16xi32>
      %swap3A = arith.index_cast %multiple_of3A : i32 to index
      %swap3A_533 = tpu.vector_load %arg5[%swap3A] {strides = array<i32>} : memref<10240xi32, #tpu.memory_space<vmem>>, vector<16xi32>,
      tpu.vector_store %arg5[%swap3A], %broadcast_in_dim3A_532 {strides = array<i32>} : memref<10240xi32, #tpu.memory_space<vmem>>, vector<16xi32>,
      %scan3A_534 = arith.constant 0 : i32
      scf.yield %scan3A_534 : i32
    }
    %scan3A_10 = arith.constant 640 : i32
    %iota3A = tpu.iota {dimensions = array<i32: 0>} : vector<16xi32>
    %scan3A_11 = arith.constant 0 : i32
    %scan3A_12 = arith.constant 0 : i32
    %scan3A_13 = arith.constant 313 : i32
    %scan3A_14 = arith.addi %scan3A_12, %scan3A_13 : i32
    %scan3A_15 = arith.constant 1 : i32
    %scan3A_16 = scf.for %scan3A_528 = %scan3A_12 to %scan3A_14 step %scan3A_15 iter_args(%scan3A_529 = %scan3A_11) -> (i32)  : i32 {
      %mul3A_530 = arith.constant 16 : i32
      %mul3A_531 = arith.muli %scan3A_528, %mul3A_530 : i32
      %multiple_of3A = tpu.assume_multiple %mul3A_531, 16 : i32
      %get3A = arith.index_cast %multiple_of3A : i32 to index
      %get3A_532 = tpu.vector_load %arg4[%get3A] {strides = array<i32>} : memref<5000xi32, #tpu.memory_space<vmem>>, vector<16xi32>,
      %mul3A_533 = arith.constant 16 : i32
      %mul3A_534 = arith.muli %scan3A_528, %mul3A_533 : i32
      %add3A_535 = vector.broadcast %mul3A_534 : i32 to vector<16xi32>
      %add3A_536 = arith.addi %add3A_535, %iota3A : vector<16xi32>
      %lt3A = arith.constant 5000 : i32
      %lt3A_537 = vector.broadcast %lt3A : i32 to vector<16xi32>
      %lt3A_538 = arith.cmpi slt, %add3A_536, %lt3A_537 : vector<16xi32>
      %add3A_539 = vector.broadcast %mul3A_2 : i32 to vector<16xi32>
      %add3A_540 = arith.addi %add3A_539, %add3A_536 : vector<16xi32>
      %lt3A_541 = arith.constant 0 : i32
      %lt3A_542 = vector.broadcast %lt3A_541 : i32 to vector<16xi32>
      %lt3A_543 = arith.cmpi slt, %iota3A, %lt3A_542 : vector<16xi32>
      %iota3A_544 = tpu.iota {dimensions = array<i32: 0>} : vector<16xi32>
      %add3A_545 = arith.constant 1 : i32
      %add3A_546 = vector.broadcast %add3A_545 : i32 to vector<16xi32>
      %add3A_547 = arith.addi %iota3A_544, %add3A_546 : vector<16xi32>
      %min3A = arith.constant 15 : i32
      %min3A_548 = vector.broadcast %min3A : i32 to vector<16xi32>
      %min3A_549 = arith.minsi %add3A_547, %min3A_548 : vector<16xi32>
      %broadcast_in_dim3A = vector.shape_cast %min3A_549 : vector<16xi32> to vector<16x1xi32>
      %gather3A = vector.shape_cast %broadcast_in_dim3A : vector<16x1xi32> to vector<16xi32>
      %gather3A_550 = tpu.dynamic_gather %get3A_532[%gather3A] in [0] : vector<16xi32>, vector<16xi32> -> vector<16xi32>
      %eq3A = arith.cmpi eq, %gather3A_550, %get3A_532 : vector<16xi32>
      %lt3A_551 = arith.constant 15 : i32
      %lt3A_552 = vector.broadcast %lt3A_551 : i32 to vector<16xi32>
      %lt3A_553 = arith.cmpi slt, %iota3A, %lt3A_552 : vector<16xi32>
      %and3A = arith.andi %eq3A, %lt3A_553 : vector<16xi1>
      %or3A = arith.ori %lt3A_543, %and3A : vector<16xi1>
      %iota3A_554 = tpu.iota {dimensions = array<i32: 0>} : vector<16xi32>
      %add3A_555 = arith.constant 2 : i32
      %add3A_556 = vector.broadcast %add3A_555 : i32 to vector<16xi32>
      %add3A_557 = arith.addi %iota3A_554, %add3A_556 : vector<16xi32>
      %min3A_558 = arith.constant 15 : i32
      %min3A_559 = vector.broadcast %min3A_558 : i32 to vector<16xi32>
      %min3A_560 = arith.minsi %add3A_557, %min3A_559 : vector<16xi32>
      %broadcast_in_dim3A_561 = vector.shape_cast %min3A_560 : vector<16xi32> to vector<16x1xi32>
      %gather3A_562 = vector.shape_cast %broadcast_in_dim3A_561 : vector<16x1xi32> to vector<16xi32>
      %gather3A_563 = tpu.dynamic_gather %get3A_532[%gather3A_562] in [0] : vector<16xi32>, vector<16xi32> -> vector<16xi32>
      %eq3A_564 = arith.cmpi eq, %gather3A_563, %get3A_532 : vector<16xi32>
      %lt3A_565 = arith.constant 14 : i32
      %lt3A_566 = vector.broadcast %lt3A_565 : i32 to vector<16xi32>
      %lt3A_567 = arith.cmpi slt, %iota3A, %lt3A_566 : vector<16xi32>
      %and3A_568 = arith.andi %eq3A_564, %lt3A_567 : vector<16xi1>
      %or3A_569 = arith.ori %or3A, %and3A_568 : vector<16xi1>
      %iota3A_570 = tpu.iota {dimensions = array<i32: 0>} : vector<16xi32>
      %add3A_571 = arith.constant 3 : i32
      %add3A_572 = vector.broadcast %add3A_571 : i32 to vector<16xi32>
      %add3A_573 = arith.addi %iota3A_570, %add3A_572 : vector<16xi32>
      %min3A_574 = arith.constant 15 : i32
      %min3A_575 = vector.broadcast %min3A_574 : i32 to vector<16xi32>
      %min3A_576 = arith.minsi %add3A_573, %min3A_575 : vector<16xi32>
      %broadcast_in_dim3A_577 = vector.shape_cast %min3A_576 : vector<16xi32> to vector<16x1xi32>
      %gather3A_578 = vector.shape_cast %broadcast_in_dim3A_577 : vector<16x1xi32> to vector<16xi32>
      %gather3A_579 = tpu.dynamic_gather %get3A_532[%gather3A_578] in [0] : vector<16xi32>, vector<16xi32> -> vector<16xi32>
      %eq3A_580 = arith.cmpi eq, %gather3A_579, %get3A_532 : vector<16xi32>
      %lt3A_581 = arith.constant 13 : i32
      %lt3A_582 = vector.broadcast %lt3A_581 : i32 to vector<16xi32>
      %lt3A_583 = arith.cmpi slt, %iota3A, %lt3A_582 : vector<16xi32>
      %and3A_584 = arith.andi %eq3A_580, %lt3A_583 : vector<16xi1>
      %or3A_585 = arith.ori %or3A_569, %and3A_584 : vector<16xi1>
      %iota3A_586 = tpu.iota {dimensions = array<i32: 0>} : vector<16xi32>
      %add3A_587 = arith.constant 4 : i32
      %add3A_588 = vector.broadcast %add3A_587 : i32 to vector<16xi32>
      %add3A_589 = arith.addi %iota3A_586, %add3A_588 : vector<16xi32>
      %min3A_590 = arith.constant 15 : i32
      %min3A_591 = vector.broadcast %min3A_590 : i32 to vector<16xi32>
      %min3A_592 = arith.minsi %add3A_589, %min3A_591 : vector<16xi32>
      %broadcast_in_dim3A_593 = vector.shape_cast %min3A_592 : vector<16xi32> to vector<16x1xi32>
      %gather3A_594 = vector.shape_cast %broadcast_in_dim3A_593 : vector<16x1xi32> to vector<16xi32>
      %gather3A_595 = tpu.dynamic_gather %get3A_532[%gather3A_594] in [0] : vector<16xi32>, vector<16xi32> -> vector<16xi32>
      %eq3A_596 = arith.cmpi eq, %gather3A_595, %get3A_532 : vector<16xi32>
      %lt3A_597 = arith.constant 12 : i32
      %lt3A_598 = vector.broadcast %lt3A_597 : i32 to vector<16xi32>
      %lt3A_599 = arith.cmpi slt, %iota3A, %lt3A_598 : vector<16xi32>
      %and3A_600 = arith.andi %eq3A_596, %lt3A_599 : vector<16xi1>
      %or3A_601 = arith.ori %or3A_585, %and3A_600 : vector<16xi1>
      %iota3A_602 = tpu.iota {dimensions = array<i32: 0>} : vector<16xi32>
      %add3A_603 = arith.constant 5 : i32
      %add3A_604 = vector.broadcast %add3A_603 : i32 to vector<16xi32>
      %add3A_605 = arith.addi %iota3A_602, %add3A_604 : vector<16xi32>
      %min3A_606 = arith.constant 15 : i32
      %min3A_607 = vector.broadcast %min3A_606 : i32 to vector<16xi32>
      %min3A_608 = arith.minsi %add3A_605, %min3A_607 : vector<16xi32>
      %broadcast_in_dim3A_609 = vector.shape_cast %min3A_608 : vector<16xi32> to vector<16x1xi32>
      %gather3A_610 = vector.shape_cast %broadcast_in_dim3A_609 : vector<16x1xi32> to vector<16xi32>
      %gather3A_611 = tpu.dynamic_gather %get3A_532[%gather3A_610] in [0] : vector<16xi32>, vector<16xi32> -> vector<16xi32>
      %eq3A_612 = arith.cmpi eq, %gather3A_611, %get3A_532 : vector<16xi32>
      %lt3A_613 = arith.constant 11 : i32
      %lt3A_614 = vector.broadcast %lt3A_613 : i32 to vector<16xi32>
      %lt3A_615 = arith.cmpi slt, %iota3A, %lt3A_614 : vector<16xi32>
      %and3A_616 = arith.andi %eq3A_612, %lt3A_615 : vector<16xi1>
      %or3A_617 = arith.ori %or3A_601, %and3A_616 : vector<16xi1>
      %iota3A_618 = tpu.iota {dimensions = array<i32: 0>} : vector<16xi32>
      %add3A_619 = arith.constant 6 : i32
      %add3A_620 = vector.broadcast %add3A_619 : i32 to vector<16xi32>
      %add3A_621 = arith.addi %iota3A_618, %add3A_620 : vector<16xi32>
      %min3A_622 = arith.constant 15 : i32
      %min3A_623 = vector.broadcast %min3A_622 : i32 to vector<16xi32>
      %min3A_624 = arith.minsi %add3A_621, %min3A_623 : vector<16xi32>
      %broadcast_in_dim3A_625 = vector.shape_cast %min3A_624 : vector<16xi32> to vector<16x1xi32>
      %gather3A_626 = vector.shape_cast %broadcast_in_dim3A_625 : vector<16x1xi32> to vector<16xi32>
      %gather3A_627 = tpu.dynamic_gather %get3A_532[%gather3A_626] in [0] : vector<16xi32>, vector<16xi32> -> vector<16xi32>
      %eq3A_628 = arith.cmpi eq, %gather3A_627, %get3A_532 : vector<16xi32>
      %lt3A_629 = arith.constant 10 : i32
      %lt3A_630 = vector.broadcast %lt3A_629 : i32 to vector<16xi32>
      %lt3A_631 = arith.cmpi slt, %iota3A, %lt3A_630 : vector<16xi32>
      %and3A_632 = arith.andi %eq3A_628, %lt3A_631 : vector<16xi1>
      %or3A_633 = arith.ori %or3A_617, %and3A_632 : vector<16xi1>
      %iota3A_634 = tpu.iota {dimensions = array<i32: 0>} : vector<16xi32>
      %add3A_635 = arith.constant 7 : i32
      %add3A_636 = vector.broadcast %add3A_635 : i32 to vector<16xi32>
      %add3A_637 = arith.addi %iota3A_634, %add3A_636 : vector<16xi32>
      %min3A_638 = arith.constant 15 : i32
      %min3A_639 = vector.broadcast %min3A_638 : i32 to vector<16xi32>
      %min3A_640 = arith.minsi %add3A_637, %min3A_639 : vector<16xi32>
      %broadcast_in_dim3A_641 = vector.shape_cast %min3A_640 : vector<16xi32> to vector<16x1xi32>
      %gather3A_642 = vector.shape_cast %broadcast_in_dim3A_641 : vector<16x1xi32> to vector<16xi32>
      %gather3A_643 = tpu.dynamic_gather %get3A_532[%gather3A_642] in [0] : vector<16xi32>, vector<16xi32> -> vector<16xi32>
      %eq3A_644 = arith.cmpi eq, %gather3A_643, %get3A_532 : vector<16xi32>
      %lt3A_645 = arith.constant 9 : i32
      %lt3A_646 = vector.broadcast %lt3A_645 : i32 to vector<16xi32>
      %lt3A_647 = arith.cmpi slt, %iota3A, %lt3A_646 : vector<16xi32>
      %and3A_648 = arith.andi %eq3A_644, %lt3A_647 : vector<16xi1>
      %or3A_649 = arith.ori %or3A_633, %and3A_648 : vector<16xi1>
      %iota3A_650 = tpu.iota {dimensions = array<i32: 0>} : vector<16xi32>
      %add3A_651 = arith.constant 8 : i32
      %add3A_652 = vector.broadcast %add3A_651 : i32 to vector<16xi32>
      %add3A_653 = arith.addi %iota3A_650, %add3A_652 : vector<16xi32>
      %min3A_654 = arith.constant 15 : i32
      %min3A_655 = vector.broadcast %min3A_654 : i32 to vector<16xi32>
      %min3A_656 = arith.minsi %add3A_653, %min3A_655 : vector<16xi32>
      %broadcast_in_dim3A_657 = vector.shape_cast %min3A_656 : vector<16xi32> to vector<16x1xi32>
      %gather3A_658 = vector.shape_cast %broadcast_in_dim3A_657 : vector<16x1xi32> to vector<16xi32>
      %gather3A_659 = tpu.dynamic_gather %get3A_532[%gather3A_658] in [0] : vector<16xi32>, vector<16xi32> -> vector<16xi32>
      %eq3A_660 = arith.cmpi eq, %gather3A_659, %get3A_532 : vector<16xi32>
      %lt3A_661 = arith.constant 8 : i32
      %lt3A_662 = vector.broadcast %lt3A_661 : i32 to vector<16xi32>
      %lt3A_663 = arith.cmpi slt, %iota3A, %lt3A_662 : vector<16xi32>
      %and3A_664 = arith.andi %eq3A_660, %lt3A_663 : vector<16xi1>
      %or3A_665 = arith.ori %or3A_649, %and3A_664 : vector<16xi1>
      %iota3A_666 = tpu.iota {dimensions = array<i32: 0>} : vector<16xi32>
      %add3A_667 = arith.constant 9 : i32
      %add3A_668 = vector.broadcast %add3A_667 : i32 to vector<16xi32>
      %add3A_669 = arith.addi %iota3A_666, %add3A_668 : vector<16xi32>
      %min3A_670 = arith.constant 15 : i32
      %min3A_671 = vector.broadcast %min3A_670 : i32 to vector<16xi32>
      %min3A_672 = arith.minsi %add3A_669, %min3A_671 : vector<16xi32>
      %broadcast_in_dim3A_673 = vector.shape_cast %min3A_672 : vector<16xi32> to vector<16x1xi32>
      %gather3A_674 = vector.shape_cast %broadcast_in_dim3A_673 : vector<16x1xi32> to vector<16xi32>
      %gather3A_675 = tpu.dynamic_gather %get3A_532[%gather3A_674] in [0] : vector<16xi32>, vector<16xi32> -> vector<16xi32>
      %eq3A_676 = arith.cmpi eq, %gather3A_675, %get3A_532 : vector<16xi32>
      %lt3A_677 = arith.constant 7 : i32
      %lt3A_678 = vector.broadcast %lt3A_677 : i32 to vector<16xi32>
      %lt3A_679 = arith.cmpi slt, %iota3A, %lt3A_678 : vector<16xi32>
      %and3A_680 = arith.andi %eq3A_676, %lt3A_679 : vector<16xi1>
      %or3A_681 = arith.ori %or3A_665, %and3A_680 : vector<16xi1>
      %iota3A_682 = tpu.iota {dimensions = array<i32: 0>} : vector<16xi32>
      %add3A_683 = arith.constant 10 : i32
      %add3A_684 = vector.broadcast %add3A_683 : i32 to vector<16xi32>
      %add3A_685 = arith.addi %iota3A_682, %add3A_684 : vector<16xi32>
      %min3A_686 = arith.constant 15 : i32
      %min3A_687 = vector.broadcast %min3A_686 : i32 to vector<16xi32>
      %min3A_688 = arith.minsi %add3A_685, %min3A_687 : vector<16xi32>
      %broadcast_in_dim3A_689 = vector.shape_cast %min3A_688 : vector<16xi32> to vector<16x1xi32>
      %gather3A_690 = vector.shape_cast %broadcast_in_dim3A_689 : vector<16x1xi32> to vector<16xi32>
      %gather3A_691 = tpu.dynamic_gather %get3A_532[%gather3A_690] in [0] : vector<16xi32>, vector<16xi32> -> vector<16xi32>
      %eq3A_692 = arith.cmpi eq, %gather3A_691, %get3A_532 : vector<16xi32>
      %lt3A_693 = arith.constant 6 : i32
      %lt3A_694 = vector.broadcast %lt3A_693 : i32 to vector<16xi32>
      %lt3A_695 = arith.cmpi slt, %iota3A, %lt3A_694 : vector<16xi32>
      %and3A_696 = arith.andi %eq3A_692, %lt3A_695 : vector<16xi1>
      %or3A_697 = arith.ori %or3A_681, %and3A_696 : vector<16xi1>
      %iota3A_698 = tpu.iota {dimensions = array<i32: 0>} : vector<16xi32>
      %add3A_699 = arith.constant 11 : i32
      %add3A_700 = vector.broadcast %add3A_699 : i32 to vector<16xi32>
      %add3A_701 = arith.addi %iota3A_698, %add3A_700 : vector<16xi32>
      %min3A_702 = arith.constant 15 : i32
      %min3A_703 = vector.broadcast %min3A_702 : i32 to vector<16xi32>
      %min3A_704 = arith.minsi %add3A_701, %min3A_703 : vector<16xi32>
      %broadcast_in_dim3A_705 = vector.shape_cast %min3A_704 : vector<16xi32> to vector<16x1xi32>
      %gather3A_706 = vector.shape_cast %broadcast_in_dim3A_705 : vector<16x1xi32> to vector<16xi32>
      %gather3A_707 = tpu.dynamic_gather %get3A_532[%gather3A_706] in [0] : vector<16xi32>, vector<16xi32> -> vector<16xi32>
      %eq3A_708 = arith.cmpi eq, %gather3A_707, %get3A_532 : vector<16xi32>
      %lt3A_709 = arith.constant 5 : i32
      %lt3A_710 = vector.broadcast %lt3A_709 : i32 to vector<16xi32>
      %lt3A_711 = arith.cmpi slt, %iota3A, %lt3A_710 : vector<16xi32>
      %and3A_712 = arith.andi %eq3A_708, %lt3A_711 : vector<16xi1>
      %or3A_713 = arith.ori %or3A_697, %and3A_712 : vector<16xi1>
      %iota3A_714 = tpu.iota {dimensions = array<i32: 0>} : vector<16xi32>
      %add3A_715 = arith.constant 12 : i32
      %add3A_716 = vector.broadcast %add3A_715 : i32 to vector<16xi32>
      %add3A_717 = arith.addi %iota3A_714, %add3A_716 : vector<16xi32>
      %min3A_718 = arith.constant 15 : i32
      %min3A_719 = vector.broadcast %min3A_718 : i32 to vector<16xi32>
      %min3A_720 = arith.minsi %add3A_717, %min3A_719 : vector<16xi32>
      %broadcast_in_dim3A_721 = vector.shape_cast %min3A_720 : vector<16xi32> to vector<16x1xi32>
      %gather3A_722 = vector.shape_cast %broadcast_in_dim3A_721 : vector<16x1xi32> to vector<16xi32>
      %gather3A_723 = tpu.dynamic_gather %get3A_532[%gather3A_722] in [0] : vector<16xi32>, vector<16xi32> -> vector<16xi32>
      %eq3A_724 = arith.cmpi eq, %gather3A_723, %get3A_532 : vector<16xi32>
      %lt3A_725 = arith.constant 4 : i32
      %lt3A_726 = vector.broadcast %lt3A_725 : i32 to vector<16xi32>
      %lt3A_727 = arith.cmpi slt, %iota3A, %lt3A_726 : vector<16xi32>
      %and3A_728 = arith.andi %eq3A_724, %lt3A_727 : vector<16xi1>
      %or3A_729 = arith.ori %or3A_713, %and3A_728 : vector<16xi1>
      %iota3A_730 = tpu.iota {dimensions = array<i32: 0>} : vector<16xi32>
      %add3A_731 = arith.constant 13 : i32
      %add3A_732 = vector.broadcast %add3A_731 : i32 to vector<16xi32>
      %add3A_733 = arith.addi %iota3A_730, %add3A_732 : vector<16xi32>
      %min3A_734 = arith.constant 15 : i32
      %min3A_735 = vector.broadcast %min3A_734 : i32 to vector<16xi32>
      %min3A_736 = arith.minsi %add3A_733, %min3A_735 : vector<16xi32>
      %broadcast_in_dim3A_737 = vector.shape_cast %min3A_736 : vector<16xi32> to vector<16x1xi32>
      %gather3A_738 = vector.shape_cast %broadcast_in_dim3A_737 : vector<16x1xi32> to vector<16xi32>
      %gather3A_739 = tpu.dynamic_gather %get3A_532[%gather3A_738] in [0] : vector<16xi32>, vector<16xi32> -> vector<16xi32>
      %eq3A_740 = arith.cmpi eq, %gather3A_739, %get3A_532 : vector<16xi32>
      %lt3A_741 = arith.constant 3 : i32
      %lt3A_742 = vector.broadcast %lt3A_741 : i32 to vector<16xi32>
      %lt3A_743 = arith.cmpi slt, %iota3A, %lt3A_742 : vector<16xi32>
      %and3A_744 = arith.andi %eq3A_740, %lt3A_743 : vector<16xi1>
      %or3A_745 = arith.ori %or3A_729, %and3A_744 : vector<16xi1>
      %iota3A_746 = tpu.iota {dimensions = array<i32: 0>} : vector<16xi32>
      %add3A_747 = arith.constant 14 : i32
      %add3A_748 = vector.broadcast %add3A_747 : i32 to vector<16xi32>
      %add3A_749 = arith.addi %iota3A_746, %add3A_748 : vector<16xi32>
      %min3A_750 = arith.constant 15 : i32
      %min3A_751 = vector.broadcast %min3A_750 : i32 to vector<16xi32>
      %min3A_752 = arith.minsi %add3A_749, %min3A_751 : vector<16xi32>
      %broadcast_in_dim3A_753 = vector.shape_cast %min3A_752 : vector<16xi32> to vector<16x1xi32>
      %gather3A_754 = vector.shape_cast %broadcast_in_dim3A_753 : vector<16x1xi32> to vector<16xi32>
      %gather3A_755 = tpu.dynamic_gather %get3A_532[%gather3A_754] in [0] : vector<16xi32>, vector<16xi32> -> vector<16xi32>
      %eq3A_756 = arith.cmpi eq, %gather3A_755, %get3A_532 : vector<16xi32>
      %lt3A_757 = arith.constant 2 : i32
      %lt3A_758 = vector.broadcast %lt3A_757 : i32 to vector<16xi32>
      %lt3A_759 = arith.cmpi slt, %iota3A, %lt3A_758 : vector<16xi32>
      %and3A_760 = arith.andi %eq3A_756, %lt3A_759 : vector<16xi1>
      %or3A_761 = arith.ori %or3A_745, %and3A_760 : vector<16xi1>
      %iota3A_762 = tpu.iota {dimensions = array<i32: 0>} : vector<16xi32>
      %add3A_763 = arith.constant 15 : i32
      %add3A_764 = vector.broadcast %add3A_763 : i32 to vector<16xi32>
      %add3A_765 = arith.addi %iota3A_762, %add3A_764 : vector<16xi32>
      %min3A_766 = arith.constant 15 : i32
      %min3A_767 = vector.broadcast %min3A_766 : i32 to vector<16xi32>
      %min3A_768 = arith.minsi %add3A_765, %min3A_767 : vector<16xi32>
      %broadcast_in_dim3A_769 = vector.shape_cast %min3A_768 : vector<16xi32> to vector<16x1xi32>
      %gather3A_770 = vector.shape_cast %broadcast_in_dim3A_769 : vector<16x1xi32> to vector<16xi32>
      %gather3A_771 = tpu.dynamic_gather %get3A_532[%gather3A_770] in [0] : vector<16xi32>, vector<16xi32> -> vector<16xi32>
      %eq3A_772 = arith.cmpi eq, %gather3A_771, %get3A_532 : vector<16xi32>
      %lt3A_773 = arith.constant 1 : i32
      %lt3A_774 = vector.broadcast %lt3A_773 : i32 to vector<16xi32>
      %lt3A_775 = arith.cmpi slt, %iota3A, %lt3A_774 : vector<16xi32>
      %and3A_776 = arith.andi %eq3A_772, %lt3A_775 : vector<16xi1>
      %or3A_777 = arith.ori %or3A_761, %and3A_776 : vector<16xi1>
      %not3A = arith.constant dense<true> : vector<16xi1>
      %not3A_778 = arith.xori %or3A_777, %not3A : vector<16xi1>
      %and3A_779 = arith.andi %lt3A_538, %not3A_778 : vector<16xi1>
      tpu.vector_store_idx %arg5[%get3A_532], %add3A_540 masked %and3A_779 : memref<10240xi32, #tpu.memory_space<vmem>>[vector<16xi32>], vector<16xi32>, vector<16xi1>
      %scan3A_780 = arith.constant 0 : i32
      scf.yield %scan3A_780 : i32
    }
    %scan3A_17 = arith.constant 313 : i32
    %add3A_18 = arith.constant 0 : i32
    %add3A_19 = arith.addi %add3A_18, %add3A : i32
    %mul3A_20 = arith.constant 320 : i32
    %mul3A_21 = arith.muli %add3A_19, %mul3A_20 : i32
    %dma_start3A = arith.constant 0 : i32
    %dma_start3A_22 = tpu.memref_slice %arg5[%dma_start3A] : memref<10240xi32, #tpu.memory_space<vmem>> -> memref<320xi32, #tpu.memory_space<vmem>>
    %dma_start3A_23 = tpu.memref_slice %arg3[%mul3A_21] : memref<327680xi32, #tpu.memory_space<hbm>> -> memref<320xi32, #tpu.memory_space<hbm>>
    %dma_start3A_24 = tpu.memref_slice %arg3[%mul3A_21] : memref<327680xi32, #tpu.memory_space<hbm>> -> memref<320xi32, #tpu.memory_space<hbm>>
    %dma_start3A_25 = arith.constant 0 : i32
    %dma_start3A_26 = tpu.memref_slice %arg5[%dma_start3A_25] : memref<10240xi32, #tpu.memory_space<vmem>> -> memref<320xi32, #tpu.memory_space<vmem>>
    tpu.enqueue_dma source(%dma_start3A_26 : memref<320xi32, #tpu.memory_space<vmem>>) target(%dma_start3A_24 : memref<320xi32, #tpu.memory_space<hbm>>) target_semaphore(%arg6 : memref<!tpu.dma_semaphore, #tpu.memory_space<semaphore_mem>>)
    %add3A_27 = arith.constant 32 : i32
    %add3A_28 = arith.addi %add3A_27, %add3A : i32
    %mul3A_29 = arith.constant 320 : i32
    %mul3A_30 = arith.muli %add3A_28, %mul3A_29 : i32
    %dma_start3A_31 = arith.constant 320 : i32
    %dma_start3A_32 = tpu.memref_slice %arg5[%dma_start3A_31] : memref<10240xi32, #tpu.memory_space<vmem>> -> memref<320xi32, #tpu.memory_space<vmem>>
    %dma_start3A_33 = tpu.memref_slice %arg3[%mul3A_30] : memref<327680xi32, #tpu.memory_space<hbm>> -> memref<320xi32, #tpu.memory_space<hbm>>
    %dma_start3A_34 = tpu.memref_slice %arg3[%mul3A_30] : memref<327680xi32, #tpu.memory_space<hbm>> -> memref<320xi32, #tpu.memory_space<hbm>>
    %dma_start3A_35 = arith.constant 320 : i32
    %dma_start3A_36 = tpu.memref_slice %arg5[%dma_start3A_35] : memref<10240xi32, #tpu.memory_space<vmem>> -> memref<320xi32, #tpu.memory_space<vmem>>
    tpu.enqueue_dma source(%dma_start3A_36 : memref<320xi32, #tpu.memory_space<vmem>>) target(%dma_start3A_34 : memref<320xi32, #tpu.memory_space<hbm>>) target_semaphore(%arg6 : memref<!tpu.dma_semaphore, #tpu.memory_space<semaphore_mem>>)
    %add3A_37 = arith.constant 64 : i32
    %add3A_38 = arith.addi %add3A_37, %add3A : i32
    %mul3A_39 = arith.constant 320 : i32
    %mul3A_40 = arith.muli %add3A_38, %mul3A_39 : i32
    %dma_start3A_41 = arith.constant 640 : i32
    %dma_start3A_42 = tpu.memref_slice %arg5[%dma_start3A_41] : memref<10240xi32, #tpu.memory_space<vmem>> -> memref<320xi32, #tpu.memory_space<vmem>>
    %dma_start3A_43 = tpu.memref_slice %arg3[%mul3A_40] : memref<327680xi32, #tpu.memory_space<hbm>> -> memref<320xi32, #tpu.memory_space<hbm>>
    %dma_start3A_44 = tpu.memref_slice %arg3[%mul3A_40] : memref<327680xi32, #tpu.memory_space<hbm>> -> memref<320xi32, #tpu.memory_space<hbm>>
    %dma_start3A_45 = arith.constant 640 : i32
    %dma_start3A_46 = tpu.memref_slice %arg5[%dma_start3A_45] : memref<10240xi32, #tpu.memory_space<vmem>> -> memref<320xi32, #tpu.memory_space<vmem>>
    tpu.enqueue_dma source(%dma_start3A_46 : memref<320xi32, #tpu.memory_space<vmem>>) target(%dma_start3A_44 : memref<320xi32, #tpu.memory_space<hbm>>) target_semaphore(%arg6 : memref<!tpu.dma_semaphore, #tpu.memory_space<semaphore_mem>>)
    %add3A_47 = arith.constant 96 : i32
    %add3A_48 = arith.addi %add3A_47, %add3A : i32
    %mul3A_49 = arith.constant 320 : i32
    %mul3A_50 = arith.muli %add3A_48, %mul3A_49 : i32
    %dma_start3A_51 = arith.constant 960 : i32
    %dma_start3A_52 = tpu.memref_slice %arg5[%dma_start3A_51] : memref<10240xi32, #tpu.memory_space<vmem>> -> memref<320xi32, #tpu.memory_space<vmem>>
    %dma_start3A_53 = tpu.memref_slice %arg3[%mul3A_50] : memref<327680xi32, #tpu.memory_space<hbm>> -> memref<320xi32, #tpu.memory_space<hbm>>
    %dma_start3A_54 = tpu.memref_slice %arg3[%mul3A_50] : memref<327680xi32, #tpu.memory_space<hbm>> -> memref<320xi32, #tpu.memory_space<hbm>>
    %dma_start3A_55 = arith.constant 960 : i32
    %dma_start3A_56 = tpu.memref_slice %arg5[%dma_start3A_55] : memref<10240xi32, #tpu.memory_space<vmem>> -> memref<320xi32, #tpu.memory_space<vmem>>
    tpu.enqueue_dma source(%dma_start3A_56 : memref<320xi32, #tpu.memory_space<vmem>>) target(%dma_start3A_54 : memref<320xi32, #tpu.memory_space<hbm>>) target_semaphore(%arg6 : memref<!tpu.dma_semaphore, #tpu.memory_space<semaphore_mem>>)
    %add3A_57 = arith.constant 128 : i32
    %add3A_58 = arith.addi %add3A_57, %add3A : i32
    %mul3A_59 = arith.constant 320 : i32
    %mul3A_60 = arith.muli %add3A_58, %mul3A_59 : i32
    %dma_start3A_61 = arith.constant 1280 : i32
    %dma_start3A_62 = tpu.memref_slice %arg5[%dma_start3A_61] : memref<10240xi32, #tpu.memory_space<vmem>> -> memref<320xi32, #tpu.memory_space<vmem>>
    %dma_start3A_63 = tpu.memref_slice %arg3[%mul3A_60] : memref<327680xi32, #tpu.memory_space<hbm>> -> memref<320xi32, #tpu.memory_space<hbm>>
    %dma_start3A_64 = tpu.memref_slice %arg3[%mul3A_60] : memref<327680xi32, #tpu.memory_space<hbm>> -> memref<320xi32, #tpu.memory_space<hbm>>
    %dma_start3A_65 = arith.constant 1280 : i32
    %dma_start3A_66 = tpu.memref_slice %arg5[%dma_start3A_65] : memref<10240xi32, #tpu.memory_space<vmem>> -> memref<320xi32, #tpu.memory_space<vmem>>
    tpu.enqueue_dma source(%dma_start3A_66 : memref<320xi32, #tpu.memory_space<vmem>>) target(%dma_start3A_64 : memref<320xi32, #tpu.memory_space<hbm>>) target_semaphore(%arg6 : memref<!tpu.dma_semaphore, #tpu.memory_space<semaphore_mem>>)
    %add3A_67 = arith.constant 160 : i32
    %add3A_68 = arith.addi %add3A_67, %add3A : i32
    %mul3A_69 = arith.constant 320 : i32
    %mul3A_70 = arith.muli %add3A_68, %mul3A_69 : i32
    %dma_start3A_71 = arith.constant 1600 : i32
    %dma_start3A_72 = tpu.memref_slice %arg5[%dma_start3A_71] : memref<10240xi32, #tpu.memory_space<vmem>> -> memref<320xi32, #tpu.memory_space<vmem>>
    %dma_start3A_73 = tpu.memref_slice %arg3[%mul3A_70] : memref<327680xi32, #tpu.memory_space<hbm>> -> memref<320xi32, #tpu.memory_space<hbm>>
    %dma_start3A_74 = tpu.memref_slice %arg3[%mul3A_70] : memref<327680xi32, #tpu.memory_space<hbm>> -> memref<320xi32, #tpu.memory_space<hbm>>
    %dma_start3A_75 = arith.constant 1600 : i32
    %dma_start3A_76 = tpu.memref_slice %arg5[%dma_start3A_75] : memref<10240xi32, #tpu.memory_space<vmem>> -> memref<320xi32, #tpu.memory_space<vmem>>
    tpu.enqueue_dma source(%dma_start3A_76 : memref<320xi32, #tpu.memory_space<vmem>>) target(%dma_start3A_74 : memref<320xi32, #tpu.memory_space<hbm>>) target_semaphore(%arg6 : memref<!tpu.dma_semaphore, #tpu.memory_space<semaphore_mem>>)
    %add3A_77 = arith.constant 192 : i32
    %add3A_78 = arith.addi %add3A_77, %add3A : i32
    %mul3A_79 = arith.constant 320 : i32
    %mul3A_80 = arith.muli %add3A_78, %mul3A_79 : i32
    %dma_start3A_81 = arith.constant 1920 : i32
    %dma_start3A_82 = tpu.memref_slice %arg5[%dma_start3A_81] : memref<10240xi32, #tpu.memory_space<vmem>> -> memref<320xi32, #tpu.memory_space<vmem>>
    %dma_start3A_83 = tpu.memref_slice %arg3[%mul3A_80] : memref<327680xi32, #tpu.memory_space<hbm>> -> memref<320xi32, #tpu.memory_space<hbm>>
    %dma_start3A_84 = tpu.memref_slice %arg3[%mul3A_80] : memref<327680xi32, #tpu.memory_space<hbm>> -> memref<320xi32, #tpu.memory_space<hbm>>
    %dma_start3A_85 = arith.constant 1920 : i32
    %dma_start3A_86 = tpu.memref_slice %arg5[%dma_start3A_85] : memref<10240xi32, #tpu.memory_space<vmem>> -> memref<320xi32, #tpu.memory_space<vmem>>
    tpu.enqueue_dma source(%dma_start3A_86 : memref<320xi32, #tpu.memory_space<vmem>>) target(%dma_start3A_84 : memref<320xi32, #tpu.memory_space<hbm>>) target_semaphore(%arg6 : memref<!tpu.dma_semaphore, #tpu.memory_space<semaphore_mem>>)
    %add3A_87 = arith.constant 224 : i32
    %add3A_88 = arith.addi %add3A_87, %add3A : i32
    %mul3A_89 = arith.constant 320 : i32
    %mul3A_90 = arith.muli %add3A_88, %mul3A_89 : i32
    %dma_start3A_91 = arith.constant 2240 : i32
    %dma_start3A_92 = tpu.memref_slice %arg5[%dma_start3A_91] : memref<10240xi32, #tpu.memory_space<vmem>> -> memref<320xi32, #tpu.memory_space<vmem>>
    %dma_start3A_93 = tpu.memref_slice %arg3[%mul3A_90] : memref<327680xi32, #tpu.memory_space<hbm>> -> memref<320xi32, #tpu.memory_space<hbm>>
    %dma_start3A_94 = tpu.memref_slice %arg3[%mul3A_90] : memref<327680xi32, #tpu.memory_space<hbm>> -> memref<320xi32, #tpu.memory_space<hbm>>
    %dma_start3A_95 = arith.constant 2240 : i32
    %dma_start3A_96 = tpu.memref_slice %arg5[%dma_start3A_95] : memref<10240xi32, #tpu.memory_space<vmem>> -> memref<320xi32, #tpu.memory_space<vmem>>
    tpu.enqueue_dma source(%dma_start3A_96 : memref<320xi32, #tpu.memory_space<vmem>>) target(%dma_start3A_94 : memref<320xi32, #tpu.memory_space<hbm>>) target_semaphore(%arg6 : memref<!tpu.dma_semaphore, #tpu.memory_space<semaphore_mem>>)
    %add3A_97 = arith.constant 256 : i32
    %add3A_98 = arith.addi %add3A_97, %add3A : i32
    %mul3A_99 = arith.constant 320 : i32
    %mul3A_100 = arith.muli %add3A_98, %mul3A_99 : i32
    %dma_start3A_101 = arith.constant 2560 : i32
    %dma_start3A_102 = tpu.memref_slice %arg5[%dma_start3A_101] : memref<10240xi32, #tpu.memory_space<vmem>> -> memref<320xi32, #tpu.memory_space<vmem>>
    %dma_start3A_103 = tpu.memref_slice %arg3[%mul3A_100] : memref<327680xi32, #tpu.memory_space<hbm>> -> memref<320xi32, #tpu.memory_space<hbm>>
    %dma_start3A_104 = tpu.memref_slice %arg3[%mul3A_100] : memref<327680xi32, #tpu.memory_space<hbm>> -> memref<320xi32, #tpu.memory_space<hbm>>
    %dma_start3A_105 = arith.constant 2560 : i32
    %dma_start3A_106 = tpu.memref_slice %arg5[%dma_start3A_105] : memref<10240xi32, #tpu.memory_space<vmem>> -> memref<320xi32, #tpu.memory_space<vmem>>
    tpu.enqueue_dma source(%dma_start3A_106 : memref<320xi32, #tpu.memory_space<vmem>>) target(%dma_start3A_104 : memref<320xi32, #tpu.memory_space<hbm>>) target_semaphore(%arg6 : memref<!tpu.dma_semaphore, #tpu.memory_space<semaphore_mem>>)
    %add3A_107 = arith.constant 288 : i32
    %add3A_108 = arith.addi %add3A_107, %add3A : i32
    %mul3A_109 = arith.constant 320 : i32
    %mul3A_110 = arith.muli %add3A_108, %mul3A_109 : i32
    %dma_start3A_111 = arith.constant 2880 : i32
    %dma_start3A_112 = tpu.memref_slice %arg5[%dma_start3A_111] : memref<10240xi32, #tpu.memory_space<vmem>> -> memref<320xi32, #tpu.memory_space<vmem>>
    %dma_start3A_113 = tpu.memref_slice %arg3[%mul3A_110] : memref<327680xi32, #tpu.memory_space<hbm>> -> memref<320xi32, #tpu.memory_space<hbm>>
    %dma_start3A_114 = tpu.memref_slice %arg3[%mul3A_110] : memref<327680xi32, #tpu.memory_space<hbm>> -> memref<320xi32, #tpu.memory_space<hbm>>
    %dma_start3A_115 = arith.constant 2880 : i32
    %dma_start3A_116 = tpu.memref_slice %arg5[%dma_start3A_115] : memref<10240xi32, #tpu.memory_space<vmem>> -> memref<320xi32, #tpu.memory_space<vmem>>
    tpu.enqueue_dma source(%dma_start3A_116 : memref<320xi32, #tpu.memory_space<vmem>>) target(%dma_start3A_114 : memref<320xi32, #tpu.memory_space<hbm>>) target_semaphore(%arg6 : memref<!tpu.dma_semaphore, #tpu.memory_space<semaphore_mem>>)
    %add3A_117 = arith.constant 320 : i32
    %add3A_118 = arith.addi %add3A_117, %add3A : i32
    %mul3A_119 = arith.constant 320 : i32
    %mul3A_120 = arith.muli %add3A_118, %mul3A_119 : i32
    %dma_start3A_121 = arith.constant 3200 : i32
    %dma_start3A_122 = tpu.memref_slice %arg5[%dma_start3A_121] : memref<10240xi32, #tpu.memory_space<vmem>> -> memref<320xi32, #tpu.memory_space<vmem>>
    %dma_start3A_123 = tpu.memref_slice %arg3[%mul3A_120] : memref<327680xi32, #tpu.memory_space<hbm>> -> memref<320xi32, #tpu.memory_space<hbm>>
    %dma_start3A_124 = tpu.memref_slice %arg3[%mul3A_120] : memref<327680xi32, #tpu.memory_space<hbm>> -> memref<320xi32, #tpu.memory_space<hbm>>
    %dma_start3A_125 = arith.constant 3200 : i32
    %dma_start3A_126 = tpu.memref_slice %arg5[%dma_start3A_125] : memref<10240xi32, #tpu.memory_space<vmem>> -> memref<320xi32, #tpu.memory_space<vmem>>
    tpu.enqueue_dma source(%dma_start3A_126 : memref<320xi32, #tpu.memory_space<vmem>>) target(%dma_start3A_124 : memref<320xi32, #tpu.memory_space<hbm>>) target_semaphore(%arg6 : memref<!tpu.dma_semaphore, #tpu.memory_space<semaphore_mem>>)
    %add3A_127 = arith.constant 352 : i32
    %add3A_128 = arith.addi %add3A_127, %add3A : i32
    %mul3A_129 = arith.constant 320 : i32
    %mul3A_130 = arith.muli %add3A_128, %mul3A_129 : i32
    %dma_start3A_131 = arith.constant 3520 : i32
    %dma_start3A_132 = tpu.memref_slice %arg5[%dma_start3A_131] : memref<10240xi32, #tpu.memory_space<vmem>> -> memref<320xi32, #tpu.memory_space<vmem>>
    %dma_start3A_133 = tpu.memref_slice %arg3[%mul3A_130] : memref<327680xi32, #tpu.memory_space<hbm>> -> memref<320xi32, #tpu.memory_space<hbm>>
    %dma_start3A_134 = tpu.memref_slice %arg3[%mul3A_130] : memref<327680xi32, #tpu.memory_space<hbm>> -> memref<320xi32, #tpu.memory_space<hbm>>
    %dma_start3A_135 = arith.constant 3520 : i32
    %dma_start3A_136 = tpu.memref_slice %arg5[%dma_start3A_135] : memref<10240xi32, #tpu.memory_space<vmem>> -> memref<320xi32, #tpu.memory_space<vmem>>
    tpu.enqueue_dma source(%dma_start3A_136 : memref<320xi32, #tpu.memory_space<vmem>>) target(%dma_start3A_134 : memref<320xi32, #tpu.memory_space<hbm>>) target_semaphore(%arg6 : memref<!tpu.dma_semaphore, #tpu.memory_space<semaphore_mem>>)
    %add3A_137 = arith.constant 384 : i32
    %add3A_138 = arith.addi %add3A_137, %add3A : i32
    %mul3A_139 = arith.constant 320 : i32
    %mul3A_140 = arith.muli %add3A_138, %mul3A_139 : i32
    %dma_start3A_141 = arith.constant 3840 : i32
    %dma_start3A_142 = tpu.memref_slice %arg5[%dma_start3A_141] : memref<10240xi32, #tpu.memory_space<vmem>> -> memref<320xi32, #tpu.memory_space<vmem>>
    %dma_start3A_143 = tpu.memref_slice %arg3[%mul3A_140] : memref<327680xi32, #tpu.memory_space<hbm>> -> memref<320xi32, #tpu.memory_space<hbm>>
    %dma_start3A_144 = tpu.memref_slice %arg3[%mul3A_140] : memref<327680xi32, #tpu.memory_space<hbm>> -> memref<320xi32, #tpu.memory_space<hbm>>
    %dma_start3A_145 = arith.constant 3840 : i32
    %dma_start3A_146 = tpu.memref_slice %arg5[%dma_start3A_145] : memref<10240xi32, #tpu.memory_space<vmem>> -> memref<320xi32, #tpu.memory_space<vmem>>
    tpu.enqueue_dma source(%dma_start3A_146 : memref<320xi32, #tpu.memory_space<vmem>>) target(%dma_start3A_144 : memref<320xi32, #tpu.memory_space<hbm>>) target_semaphore(%arg6 : memref<!tpu.dma_semaphore, #tpu.memory_space<semaphore_mem>>)
    %add3A_147 = arith.constant 416 : i32
    %add3A_148 = arith.addi %add3A_147, %add3A : i32
    %mul3A_149 = arith.constant 320 : i32
    %mul3A_150 = arith.muli %add3A_148, %mul3A_149 : i32
    %dma_start3A_151 = arith.constant 4160 : i32
    %dma_start3A_152 = tpu.memref_slice %arg5[%dma_start3A_151] : memref<10240xi32, #tpu.memory_space<vmem>> -> memref<320xi32, #tpu.memory_space<vmem>>
    %dma_start3A_153 = tpu.memref_slice %arg3[%mul3A_150] : memref<327680xi32, #tpu.memory_space<hbm>> -> memref<320xi32, #tpu.memory_space<hbm>>
    %dma_start3A_154 = tpu.memref_slice %arg3[%mul3A_150] : memref<327680xi32, #tpu.memory_space<hbm>> -> memref<320xi32, #tpu.memory_space<hbm>>
    %dma_start3A_155 = arith.constant 4160 : i32
    %dma_start3A_156 = tpu.memref_slice %arg5[%dma_start3A_155] : memref<10240xi32, #tpu.memory_space<vmem>> -> memref<320xi32, #tpu.memory_space<vmem>>
    tpu.enqueue_dma source(%dma_start3A_156 : memref<320xi32, #tpu.memory_space<vmem>>) target(%dma_start3A_154 : memref<320xi32, #tpu.memory_space<hbm>>) target_semaphore(%arg6 : memref<!tpu.dma_semaphore, #tpu.memory_space<semaphore_mem>>)
    %add3A_157 = arith.constant 448 : i32
    %add3A_158 = arith.addi %add3A_157, %add3A : i32
    %mul3A_159 = arith.constant 320 : i32
    %mul3A_160 = arith.muli %add3A_158, %mul3A_159 : i32
    %dma_start3A_161 = arith.constant 4480 : i32
    %dma_start3A_162 = tpu.memref_slice %arg5[%dma_start3A_161] : memref<10240xi32, #tpu.memory_space<vmem>> -> memref<320xi32, #tpu.memory_space<vmem>>
    %dma_start3A_163 = tpu.memref_slice %arg3[%mul3A_160] : memref<327680xi32, #tpu.memory_space<hbm>> -> memref<320xi32, #tpu.memory_space<hbm>>
    %dma_start3A_164 = tpu.memref_slice %arg3[%mul3A_160] : memref<327680xi32, #tpu.memory_space<hbm>> -> memref<320xi32, #tpu.memory_space<hbm>>
    %dma_start3A_165 = arith.constant 4480 : i32
    %dma_start3A_166 = tpu.memref_slice %arg5[%dma_start3A_165] : memref<10240xi32, #tpu.memory_space<vmem>> -> memref<320xi32, #tpu.memory_space<vmem>>
    tpu.enqueue_dma source(%dma_start3A_166 : memref<320xi32, #tpu.memory_space<vmem>>) target(%dma_start3A_164 : memref<320xi32, #tpu.memory_space<hbm>>) target_semaphore(%arg6 : memref<!tpu.dma_semaphore, #tpu.memory_space<semaphore_mem>>)
    %add3A_167 = arith.constant 480 : i32
    %add3A_168 = arith.addi %add3A_167, %add3A : i32
    %mul3A_169 = arith.constant 320 : i32
    %mul3A_170 = arith.muli %add3A_168, %mul3A_169 : i32
    %dma_start3A_171 = arith.constant 4800 : i32
    %dma_start3A_172 = tpu.memref_slice %arg5[%dma_start3A_171] : memref<10240xi32, #tpu.memory_space<vmem>> -> memref<320xi32, #tpu.memory_space<vmem>>
    %dma_start3A_173 = tpu.memref_slice %arg3[%mul3A_170] : memref<327680xi32, #tpu.memory_space<hbm>> -> memref<320xi32, #tpu.memory_space<hbm>>
    %dma_start3A_174 = tpu.memref_slice %arg3[%mul3A_170] : memref<327680xi32, #tpu.memory_space<hbm>> -> memref<320xi32, #tpu.memory_space<hbm>>
    %dma_start3A_175 = arith.constant 4800 : i32
    %dma_start3A_176 = tpu.memref_slice %arg5[%dma_start3A_175] : memref<10240xi32, #tpu.memory_space<vmem>> -> memref<320xi32, #tpu.memory_space<vmem>>
    tpu.enqueue_dma source(%dma_start3A_176 : memref<320xi32, #tpu.memory_space<vmem>>) target(%dma_start3A_174 : memref<320xi32, #tpu.memory_space<hbm>>) target_semaphore(%arg6 : memref<!tpu.dma_semaphore, #tpu.memory_space<semaphore_mem>>)
    %add3A_177 = arith.constant 512 : i32
    %add3A_178 = arith.addi %add3A_177, %add3A : i32
    %mul3A_179 = arith.constant 320 : i32
    %mul3A_180 = arith.muli %add3A_178, %mul3A_179 : i32
    %dma_start3A_181 = arith.constant 5120 : i32
    %dma_start3A_182 = tpu.memref_slice %arg5[%dma_start3A_181] : memref<10240xi32, #tpu.memory_space<vmem>> -> memref<320xi32, #tpu.memory_space<vmem>>
    %dma_start3A_183 = tpu.memref_slice %arg3[%mul3A_180] : memref<327680xi32, #tpu.memory_space<hbm>> -> memref<320xi32, #tpu.memory_space<hbm>>
    %dma_start3A_184 = tpu.memref_slice %arg3[%mul3A_180] : memref<327680xi32, #tpu.memory_space<hbm>> -> memref<320xi32, #tpu.memory_space<hbm>>
    %dma_start3A_185 = arith.constant 5120 : i32
    %dma_start3A_186 = tpu.memref_slice %arg5[%dma_start3A_185] : memref<10240xi32, #tpu.memory_space<vmem>> -> memref<320xi32, #tpu.memory_space<vmem>>
    tpu.enqueue_dma source(%dma_start3A_186 : memref<320xi32, #tpu.memory_space<vmem>>) target(%dma_start3A_184 : memref<320xi32, #tpu.memory_space<hbm>>) target_semaphore(%arg6 : memref<!tpu.dma_semaphore, #tpu.memory_space<semaphore_mem>>)
    %add3A_187 = arith.constant 544 : i32
    %add3A_188 = arith.addi %add3A_187, %add3A : i32
    %mul3A_189 = arith.constant 320 : i32
    %mul3A_190 = arith.muli %add3A_188, %mul3A_189 : i32
    %dma_start3A_191 = arith.constant 5440 : i32
    %dma_start3A_192 = tpu.memref_slice %arg5[%dma_start3A_191] : memref<10240xi32, #tpu.memory_space<vmem>> -> memref<320xi32, #tpu.memory_space<vmem>>
    %dma_start3A_193 = tpu.memref_slice %arg3[%mul3A_190] : memref<327680xi32, #tpu.memory_space<hbm>> -> memref<320xi32, #tpu.memory_space<hbm>>
    %dma_start3A_194 = tpu.memref_slice %arg3[%mul3A_190] : memref<327680xi32, #tpu.memory_space<hbm>> -> memref<320xi32, #tpu.memory_space<hbm>>
    %dma_start3A_195 = arith.constant 5440 : i32
    %dma_start3A_196 = tpu.memref_slice %arg5[%dma_start3A_195] : memref<10240xi32, #tpu.memory_space<vmem>> -> memref<320xi32, #tpu.memory_space<vmem>>
    tpu.enqueue_dma source(%dma_start3A_196 : memref<320xi32, #tpu.memory_space<vmem>>) target(%dma_start3A_194 : memref<320xi32, #tpu.memory_space<hbm>>) target_semaphore(%arg6 : memref<!tpu.dma_semaphore, #tpu.memory_space<semaphore_mem>>)
    %add3A_197 = arith.constant 576 : i32
    %add3A_198 = arith.addi %add3A_197, %add3A : i32
    %mul3A_199 = arith.constant 320 : i32
    %mul3A_200 = arith.muli %add3A_198, %mul3A_199 : i32
    %dma_start3A_201 = arith.constant 5760 : i32
    %dma_start3A_202 = tpu.memref_slice %arg5[%dma_start3A_201] : memref<10240xi32, #tpu.memory_space<vmem>> -> memref<320xi32, #tpu.memory_space<vmem>>
    %dma_start3A_203 = tpu.memref_slice %arg3[%mul3A_200] : memref<327680xi32, #tpu.memory_space<hbm>> -> memref<320xi32, #tpu.memory_space<hbm>>
    %dma_start3A_204 = tpu.memref_slice %arg3[%mul3A_200] : memref<327680xi32, #tpu.memory_space<hbm>> -> memref<320xi32, #tpu.memory_space<hbm>>
    %dma_start3A_205 = arith.constant 5760 : i32
    %dma_start3A_206 = tpu.memref_slice %arg5[%dma_start3A_205] : memref<10240xi32, #tpu.memory_space<vmem>> -> memref<320xi32, #tpu.memory_space<vmem>>
    tpu.enqueue_dma source(%dma_start3A_206 : memref<320xi32, #tpu.memory_space<vmem>>) target(%dma_start3A_204 : memref<320xi32, #tpu.memory_space<hbm>>) target_semaphore(%arg6 : memref<!tpu.dma_semaphore, #tpu.memory_space<semaphore_mem>>)
    %add3A_207 = arith.constant 608 : i32
    %add3A_208 = arith.addi %add3A_207, %add3A : i32
    %mul3A_209 = arith.constant 320 : i32
    %mul3A_210 = arith.muli %add3A_208, %mul3A_209 : i32
    %dma_start3A_211 = arith.constant 6080 : i32
    %dma_start3A_212 = tpu.memref_slice %arg5[%dma_start3A_211] : memref<10240xi32, #tpu.memory_space<vmem>> -> memref<320xi32, #tpu.memory_space<vmem>>
    %dma_start3A_213 = tpu.memref_slice %arg3[%mul3A_210] : memref<327680xi32, #tpu.memory_space<hbm>> -> memref<320xi32, #tpu.memory_space<hbm>>
    %dma_start3A_214 = tpu.memref_slice %arg3[%mul3A_210] : memref<327680xi32, #tpu.memory_space<hbm>> -> memref<320xi32, #tpu.memory_space<hbm>>
    %dma_start3A_215 = arith.constant 6080 : i32
    %dma_start3A_216 = tpu.memref_slice %arg5[%dma_start3A_215] : memref<10240xi32, #tpu.memory_space<vmem>> -> memref<320xi32, #tpu.memory_space<vmem>>
    tpu.enqueue_dma source(%dma_start3A_216 : memref<320xi32, #tpu.memory_space<vmem>>) target(%dma_start3A_214 : memref<320xi32, #tpu.memory_space<hbm>>) target_semaphore(%arg6 : memref<!tpu.dma_semaphore, #tpu.memory_space<semaphore_mem>>)
    %add3A_217 = arith.constant 640 : i32
    %add3A_218 = arith.addi %add3A_217, %add3A : i32
    %mul3A_219 = arith.constant 320 : i32
    %mul3A_220 = arith.muli %add3A_218, %mul3A_219 : i32
    %dma_start3A_221 = arith.constant 6400 : i32
    %dma_start3A_222 = tpu.memref_slice %arg5[%dma_start3A_221] : memref<10240xi32, #tpu.memory_space<vmem>> -> memref<320xi32, #tpu.memory_space<vmem>>
    %dma_start3A_223 = tpu.memref_slice %arg3[%mul3A_220] : memref<327680xi32, #tpu.memory_space<hbm>> -> memref<320xi32, #tpu.memory_space<hbm>>
    %dma_start3A_224 = tpu.memref_slice %arg3[%mul3A_220] : memref<327680xi32, #tpu.memory_space<hbm>> -> memref<320xi32, #tpu.memory_space<hbm>>
    %dma_start3A_225 = arith.constant 6400 : i32
    %dma_start3A_226 = tpu.memref_slice %arg5[%dma_start3A_225] : memref<10240xi32, #tpu.memory_space<vmem>> -> memref<320xi32, #tpu.memory_space<vmem>>
    tpu.enqueue_dma source(%dma_start3A_226 : memref<320xi32, #tpu.memory_space<vmem>>) target(%dma_start3A_224 : memref<320xi32, #tpu.memory_space<hbm>>) target_semaphore(%arg6 : memref<!tpu.dma_semaphore, #tpu.memory_space<semaphore_mem>>)
    %add3A_227 = arith.constant 672 : i32
    %add3A_228 = arith.addi %add3A_227, %add3A : i32
    %mul3A_229 = arith.constant 320 : i32
    %mul3A_230 = arith.muli %add3A_228, %mul3A_229 : i32
    %dma_start3A_231 = arith.constant 6720 : i32
    %dma_start3A_232 = tpu.memref_slice %arg5[%dma_start3A_231] : memref<10240xi32, #tpu.memory_space<vmem>> -> memref<320xi32, #tpu.memory_space<vmem>>
    %dma_start3A_233 = tpu.memref_slice %arg3[%mul3A_230] : memref<327680xi32, #tpu.memory_space<hbm>> -> memref<320xi32, #tpu.memory_space<hbm>>
    %dma_start3A_234 = tpu.memref_slice %arg3[%mul3A_230] : memref<327680xi32, #tpu.memory_space<hbm>> -> memref<320xi32, #tpu.memory_space<hbm>>
    %dma_start3A_235 = arith.constant 6720 : i32
    %dma_start3A_236 = tpu.memref_slice %arg5[%dma_start3A_235] : memref<10240xi32, #tpu.memory_space<vmem>> -> memref<320xi32, #tpu.memory_space<vmem>>
    tpu.enqueue_dma source(%dma_start3A_236 : memref<320xi32, #tpu.memory_space<vmem>>) target(%dma_start3A_234 : memref<320xi32, #tpu.memory_space<hbm>>) target_semaphore(%arg6 : memref<!tpu.dma_semaphore, #tpu.memory_space<semaphore_mem>>)
    %add3A_237 = arith.constant 704 : i32
    %add3A_238 = arith.addi %add3A_237, %add3A : i32
    %mul3A_239 = arith.constant 320 : i32
    %mul3A_240 = arith.muli %add3A_238, %mul3A_239 : i32
    %dma_start3A_241 = arith.constant 7040 : i32
    %dma_start3A_242 = tpu.memref_slice %arg5[%dma_start3A_241] : memref<10240xi32, #tpu.memory_space<vmem>> -> memref<320xi32, #tpu.memory_space<vmem>>
    %dma_start3A_243 = tpu.memref_slice %arg3[%mul3A_240] : memref<327680xi32, #tpu.memory_space<hbm>> -> memref<320xi32, #tpu.memory_space<hbm>>
    %dma_start3A_244 = tpu.memref_slice %arg3[%mul3A_240] : memref<327680xi32, #tpu.memory_space<hbm>> -> memref<320xi32, #tpu.memory_space<hbm>>
    %dma_start3A_245 = arith.constant 7040 : i32
    %dma_start3A_246 = tpu.memref_slice %arg5[%dma_start3A_245] : memref<10240xi32, #tpu.memory_space<vmem>> -> memref<320xi32, #tpu.memory_space<vmem>>
    tpu.enqueue_dma source(%dma_start3A_246 : memref<320xi32, #tpu.memory_space<vmem>>) target(%dma_start3A_244 : memref<320xi32, #tpu.memory_space<hbm>>) target_semaphore(%arg6 : memref<!tpu.dma_semaphore, #tpu.memory_space<semaphore_mem>>)
    %add3A_247 = arith.constant 736 : i32
    %add3A_248 = arith.addi %add3A_247, %add3A : i32
    %mul3A_249 = arith.constant 320 : i32
    %mul3A_250 = arith.muli %add3A_248, %mul3A_249 : i32
    %dma_start3A_251 = arith.constant 7360 : i32
    %dma_start3A_252 = tpu.memref_slice %arg5[%dma_start3A_251] : memref<10240xi32, #tpu.memory_space<vmem>> -> memref<320xi32, #tpu.memory_space<vmem>>
    %dma_start3A_253 = tpu.memref_slice %arg3[%mul3A_250] : memref<327680xi32, #tpu.memory_space<hbm>> -> memref<320xi32, #tpu.memory_space<hbm>>
    %dma_start3A_254 = tpu.memref_slice %arg3[%mul3A_250] : memref<327680xi32, #tpu.memory_space<hbm>> -> memref<320xi32, #tpu.memory_space<hbm>>
    %dma_start3A_255 = arith.constant 7360 : i32
    %dma_start3A_256 = tpu.memref_slice %arg5[%dma_start3A_255] : memref<10240xi32, #tpu.memory_space<vmem>> -> memref<320xi32, #tpu.memory_space<vmem>>
    tpu.enqueue_dma source(%dma_start3A_256 : memref<320xi32, #tpu.memory_space<vmem>>) target(%dma_start3A_254 : memref<320xi32, #tpu.memory_space<hbm>>) target_semaphore(%arg6 : memref<!tpu.dma_semaphore, #tpu.memory_space<semaphore_mem>>)
    %add3A_257 = arith.constant 768 : i32
    %add3A_258 = arith.addi %add3A_257, %add3A : i32
    %mul3A_259 = arith.constant 320 : i32
    %mul3A_260 = arith.muli %add3A_258, %mul3A_259 : i32
    %dma_start3A_261 = arith.constant 7680 : i32
    %dma_start3A_262 = tpu.memref_slice %arg5[%dma_start3A_261] : memref<10240xi32, #tpu.memory_space<vmem>> -> memref<320xi32, #tpu.memory_space<vmem>>
    %dma_start3A_263 = tpu.memref_slice %arg3[%mul3A_260] : memref<327680xi32, #tpu.memory_space<hbm>> -> memref<320xi32, #tpu.memory_space<hbm>>
    %dma_start3A_264 = tpu.memref_slice %arg3[%mul3A_260] : memref<327680xi32, #tpu.memory_space<hbm>> -> memref<320xi32, #tpu.memory_space<hbm>>
    %dma_start3A_265 = arith.constant 7680 : i32
    %dma_start3A_266 = tpu.memref_slice %arg5[%dma_start3A_265] : memref<10240xi32, #tpu.memory_space<vmem>> -> memref<320xi32, #tpu.memory_space<vmem>>
    tpu.enqueue_dma source(%dma_start3A_266 : memref<320xi32, #tpu.memory_space<vmem>>) target(%dma_start3A_264 : memref<320xi32, #tpu.memory_space<hbm>>) target_semaphore(%arg6 : memref<!tpu.dma_semaphore, #tpu.memory_space<semaphore_mem>>)
    %add3A_267 = arith.constant 800 : i32
    %add3A_268 = arith.addi %add3A_267, %add3A : i32
    %mul3A_269 = arith.constant 320 : i32
    %mul3A_270 = arith.muli %add3A_268, %mul3A_269 : i32
    %dma_start3A_271 = arith.constant 8000 : i32
    %dma_start3A_272 = tpu.memref_slice %arg5[%dma_start3A_271] : memref<10240xi32, #tpu.memory_space<vmem>> -> memref<320xi32, #tpu.memory_space<vmem>>
    %dma_start3A_273 = tpu.memref_slice %arg3[%mul3A_270] : memref<327680xi32, #tpu.memory_space<hbm>> -> memref<320xi32, #tpu.memory_space<hbm>>
    %dma_start3A_274 = tpu.memref_slice %arg3[%mul3A_270] : memref<327680xi32, #tpu.memory_space<hbm>> -> memref<320xi32, #tpu.memory_space<hbm>>
    %dma_start3A_275 = arith.constant 8000 : i32
    %dma_start3A_276 = tpu.memref_slice %arg5[%dma_start3A_275] : memref<10240xi32, #tpu.memory_space<vmem>> -> memref<320xi32, #tpu.memory_space<vmem>>
    tpu.enqueue_dma source(%dma_start3A_276 : memref<320xi32, #tpu.memory_space<vmem>>) target(%dma_start3A_274 : memref<320xi32, #tpu.memory_space<hbm>>) target_semaphore(%arg6 : memref<!tpu.dma_semaphore, #tpu.memory_space<semaphore_mem>>)
    %add3A_277 = arith.constant 832 : i32
    %add3A_278 = arith.addi %add3A_277, %add3A : i32
    %mul3A_279 = arith.constant 320 : i32
    %mul3A_280 = arith.muli %add3A_278, %mul3A_279 : i32
    %dma_start3A_281 = arith.constant 8320 : i32
    %dma_start3A_282 = tpu.memref_slice %arg5[%dma_start3A_281] : memref<10240xi32, #tpu.memory_space<vmem>> -> memref<320xi32, #tpu.memory_space<vmem>>
    %dma_start3A_283 = tpu.memref_slice %arg3[%mul3A_280] : memref<327680xi32, #tpu.memory_space<hbm>> -> memref<320xi32, #tpu.memory_space<hbm>>
    %dma_start3A_284 = tpu.memref_slice %arg3[%mul3A_280] : memref<327680xi32, #tpu.memory_space<hbm>> -> memref<320xi32, #tpu.memory_space<hbm>>
    %dma_start3A_285 = arith.constant 8320 : i32
    %dma_start3A_286 = tpu.memref_slice %arg5[%dma_start3A_285] : memref<10240xi32, #tpu.memory_space<vmem>> -> memref<320xi32, #tpu.memory_space<vmem>>
    tpu.enqueue_dma source(%dma_start3A_286 : memref<320xi32, #tpu.memory_space<vmem>>) target(%dma_start3A_284 : memref<320xi32, #tpu.memory_space<hbm>>) target_semaphore(%arg6 : memref<!tpu.dma_semaphore, #tpu.memory_space<semaphore_mem>>)
    %add3A_287 = arith.constant 864 : i32
    %add3A_288 = arith.addi %add3A_287, %add3A : i32
    %mul3A_289 = arith.constant 320 : i32
    %mul3A_290 = arith.muli %add3A_288, %mul3A_289 : i32
    %dma_start3A_291 = arith.constant 8640 : i32
    %dma_start3A_292 = tpu.memref_slice %arg5[%dma_start3A_291] : memref<10240xi32, #tpu.memory_space<vmem>> -> memref<320xi32, #tpu.memory_space<vmem>>
    %dma_start3A_293 = tpu.memref_slice %arg3[%mul3A_290] : memref<327680xi32, #tpu.memory_space<hbm>> -> memref<320xi32, #tpu.memory_space<hbm>>
    %dma_start3A_294 = tpu.memref_slice %arg3[%mul3A_290] : memref<327680xi32, #tpu.memory_space<hbm>> -> memref<320xi32, #tpu.memory_space<hbm>>
    %dma_start3A_295 = arith.constant 8640 : i32
    %dma_start3A_296 = tpu.memref_slice %arg5[%dma_start3A_295] : memref<10240xi32, #tpu.memory_space<vmem>> -> memref<320xi32, #tpu.memory_space<vmem>>
    tpu.enqueue_dma source(%dma_start3A_296 : memref<320xi32, #tpu.memory_space<vmem>>) target(%dma_start3A_294 : memref<320xi32, #tpu.memory_space<hbm>>) target_semaphore(%arg6 : memref<!tpu.dma_semaphore, #tpu.memory_space<semaphore_mem>>)
    %add3A_297 = arith.constant 896 : i32
    %add3A_298 = arith.addi %add3A_297, %add3A : i32
    %mul3A_299 = arith.constant 320 : i32
    %mul3A_300 = arith.muli %add3A_298, %mul3A_299 : i32
    %dma_start3A_301 = arith.constant 8960 : i32
    %dma_start3A_302 = tpu.memref_slice %arg5[%dma_start3A_301] : memref<10240xi32, #tpu.memory_space<vmem>> -> memref<320xi32, #tpu.memory_space<vmem>>
    %dma_start3A_303 = tpu.memref_slice %arg3[%mul3A_300] : memref<327680xi32, #tpu.memory_space<hbm>> -> memref<320xi32, #tpu.memory_space<hbm>>
    %dma_start3A_304 = tpu.memref_slice %arg3[%mul3A_300] : memref<327680xi32, #tpu.memory_space<hbm>> -> memref<320xi32, #tpu.memory_space<hbm>>
    %dma_start3A_305 = arith.constant 8960 : i32
    %dma_start3A_306 = tpu.memref_slice %arg5[%dma_start3A_305] : memref<10240xi32, #tpu.memory_space<vmem>> -> memref<320xi32, #tpu.memory_space<vmem>>
    tpu.enqueue_dma source(%dma_start3A_306 : memref<320xi32, #tpu.memory_space<vmem>>) target(%dma_start3A_304 : memref<320xi32, #tpu.memory_space<hbm>>) target_semaphore(%arg6 : memref<!tpu.dma_semaphore, #tpu.memory_space<semaphore_mem>>)
    %add3A_307 = arith.constant 928 : i32
    %add3A_308 = arith.addi %add3A_307, %add3A : i32
    %mul3A_309 = arith.constant 320 : i32
    %mul3A_310 = arith.muli %add3A_308, %mul3A_309 : i32
    %dma_start3A_311 = arith.constant 9280 : i32
    %dma_start3A_312 = tpu.memref_slice %arg5[%dma_start3A_311] : memref<10240xi32, #tpu.memory_space<vmem>> -> memref<320xi32, #tpu.memory_space<vmem>>
    %dma_start3A_313 = tpu.memref_slice %arg3[%mul3A_310] : memref<327680xi32, #tpu.memory_space<hbm>> -> memref<320xi32, #tpu.memory_space<hbm>>
    %dma_start3A_314 = tpu.memref_slice %arg3[%mul3A_310] : memref<327680xi32, #tpu.memory_space<hbm>> -> memref<320xi32, #tpu.memory_space<hbm>>
    %dma_start3A_315 = arith.constant 9280 : i32
    %dma_start3A_316 = tpu.memref_slice %arg5[%dma_start3A_315] : memref<10240xi32, #tpu.memory_space<vmem>> -> memref<320xi32, #tpu.memory_space<vmem>>
    tpu.enqueue_dma source(%dma_start3A_316 : memref<320xi32, #tpu.memory_space<vmem>>) target(%dma_start3A_314 : memref<320xi32, #tpu.memory_space<hbm>>) target_semaphore(%arg6 : memref<!tpu.dma_semaphore, #tpu.memory_space<semaphore_mem>>)
    %add3A_317 = arith.constant 960 : i32
    %add3A_318 = arith.addi %add3A_317, %add3A : i32
    %mul3A_319 = arith.constant 320 : i32
    %mul3A_320 = arith.muli %add3A_318, %mul3A_319 : i32
    %dma_start3A_321 = arith.constant 9600 : i32
    %dma_start3A_322 = tpu.memref_slice %arg5[%dma_start3A_321] : memref<10240xi32, #tpu.memory_space<vmem>> -> memref<320xi32, #tpu.memory_space<vmem>>
    %dma_start3A_323 = tpu.memref_slice %arg3[%mul3A_320] : memref<327680xi32, #tpu.memory_space<hbm>> -> memref<320xi32, #tpu.memory_space<hbm>>
    %dma_start3A_324 = tpu.memref_slice %arg3[%mul3A_320] : memref<327680xi32, #tpu.memory_space<hbm>> -> memref<320xi32, #tpu.memory_space<hbm>>
    %dma_start3A_325 = arith.constant 9600 : i32
    %dma_start3A_326 = tpu.memref_slice %arg5[%dma_start3A_325] : memref<10240xi32, #tpu.memory_space<vmem>> -> memref<320xi32, #tpu.memory_space<vmem>>
    tpu.enqueue_dma source(%dma_start3A_326 : memref<320xi32, #tpu.memory_space<vmem>>) target(%dma_start3A_324 : memref<320xi32, #tpu.memory_space<hbm>>) target_semaphore(%arg6 : memref<!tpu.dma_semaphore, #tpu.memory_space<semaphore_mem>>)
    %add3A_327 = arith.constant 992 : i32
    %add3A_328 = arith.addi %add3A_327, %add3A : i32
    %mul3A_329 = arith.constant 320 : i32
    %mul3A_330 = arith.muli %add3A_328, %mul3A_329 : i32
    %dma_start3A_331 = arith.constant 9920 : i32
    %dma_start3A_332 = tpu.memref_slice %arg5[%dma_start3A_331] : memref<10240xi32, #tpu.memory_space<vmem>> -> memref<320xi32, #tpu.memory_space<vmem>>
    %dma_start3A_333 = tpu.memref_slice %arg3[%mul3A_330] : memref<327680xi32, #tpu.memory_space<hbm>> -> memref<320xi32, #tpu.memory_space<hbm>>
    %dma_start3A_334 = tpu.memref_slice %arg3[%mul3A_330] : memref<327680xi32, #tpu.memory_space<hbm>> -> memref<320xi32, #tpu.memory_space<hbm>>
    %dma_start3A_335 = arith.constant 9920 : i32
    %dma_start3A_336 = tpu.memref_slice %arg5[%dma_start3A_335] : memref<10240xi32, #tpu.memory_space<vmem>> -> memref<320xi32, #tpu.memory_space<vmem>>
    tpu.enqueue_dma source(%dma_start3A_336 : memref<320xi32, #tpu.memory_space<vmem>>) target(%dma_start3A_334 : memref<320xi32, #tpu.memory_space<hbm>>) target_semaphore(%arg6 : memref<!tpu.dma_semaphore, #tpu.memory_space<semaphore_mem>>)
    %dma_wait3A = arith.constant 0 : i32
    %dma_wait3A_337 = tpu.memref_slice %arg5[%dma_wait3A] : memref<10240xi32, #tpu.memory_space<vmem>> -> memref<320xi32, #tpu.memory_space<vmem>>
    %dma_wait3A_338 = tpu.memref_slice %arg3[%mul3A_21] : memref<327680xi32, #tpu.memory_space<hbm>> -> memref<320xi32, #tpu.memory_space<hbm>>
    %dma_wait3A_339 = tpu.memref_slice %arg3[%mul3A_21] : memref<327680xi32, #tpu.memory_space<hbm>> -> memref<320xi32, #tpu.memory_space<hbm>>
    %dma_wait3A_340 = arith.constant 0 : i32
    %dma_wait3A_341 = tpu.memref_slice %arg5[%dma_wait3A_340] : memref<10240xi32, #tpu.memory_space<vmem>> -> memref<320xi32, #tpu.memory_space<vmem>>
    tpu.wait_dma2 semaphore(%arg6 : memref<!tpu.dma_semaphore, #tpu.memory_space<semaphore_mem>>) src(%dma_wait3A_341 : memref<320xi32, #tpu.memory_space<vmem>>) dst(%dma_wait3A_339 : memref<320xi32, #tpu.memory_space<hbm>>)
    %dma_wait3A_342 = arith.constant 320 : i32
    %dma_wait3A_343 = tpu.memref_slice %arg5[%dma_wait3A_342] : memref<10240xi32, #tpu.memory_space<vmem>> -> memref<320xi32, #tpu.memory_space<vmem>>
    %dma_wait3A_344 = tpu.memref_slice %arg3[%mul3A_30] : memref<327680xi32, #tpu.memory_space<hbm>> -> memref<320xi32, #tpu.memory_space<hbm>>
    %dma_wait3A_345 = tpu.memref_slice %arg3[%mul3A_30] : memref<327680xi32, #tpu.memory_space<hbm>> -> memref<320xi32, #tpu.memory_space<hbm>>
    %dma_wait3A_346 = arith.constant 320 : i32
    %dma_wait3A_347 = tpu.memref_slice %arg5[%dma_wait3A_346] : memref<10240xi32, #tpu.memory_space<vmem>> -> memref<320xi32, #tpu.memory_space<vmem>>
    tpu.wait_dma2 semaphore(%arg6 : memref<!tpu.dma_semaphore, #tpu.memory_space<semaphore_mem>>) src(%dma_wait3A_347 : memref<320xi32, #tpu.memory_space<vmem>>) dst(%dma_wait3A_345 : memref<320xi32, #tpu.memory_space<hbm>>)
    %dma_wait3A_348 = arith.constant 640 : i32
    %dma_wait3A_349 = tpu.memref_slice %arg5[%dma_wait3A_348] : memref<10240xi32, #tpu.memory_space<vmem>> -> memref<320xi32, #tpu.memory_space<vmem>>
    %dma_wait3A_350 = tpu.memref_slice %arg3[%mul3A_40] : memref<327680xi32, #tpu.memory_space<hbm>> -> memref<320xi32, #tpu.memory_space<hbm>>
    %dma_wait3A_351 = tpu.memref_slice %arg3[%mul3A_40] : memref<327680xi32, #tpu.memory_space<hbm>> -> memref<320xi32, #tpu.memory_space<hbm>>
    %dma_wait3A_352 = arith.constant 640 : i32
    %dma_wait3A_353 = tpu.memref_slice %arg5[%dma_wait3A_352] : memref<10240xi32, #tpu.memory_space<vmem>> -> memref<320xi32, #tpu.memory_space<vmem>>
    tpu.wait_dma2 semaphore(%arg6 : memref<!tpu.dma_semaphore, #tpu.memory_space<semaphore_mem>>) src(%dma_wait3A_353 : memref<320xi32, #tpu.memory_space<vmem>>) dst(%dma_wait3A_351 : memref<320xi32, #tpu.memory_space<hbm>>)
    %dma_wait3A_354 = arith.constant 960 : i32
    %dma_wait3A_355 = tpu.memref_slice %arg5[%dma_wait3A_354] : memref<10240xi32, #tpu.memory_space<vmem>> -> memref<320xi32, #tpu.memory_space<vmem>>
    %dma_wait3A_356 = tpu.memref_slice %arg3[%mul3A_50] : memref<327680xi32, #tpu.memory_space<hbm>> -> memref<320xi32, #tpu.memory_space<hbm>>
    %dma_wait3A_357 = tpu.memref_slice %arg3[%mul3A_50] : memref<327680xi32, #tpu.memory_space<hbm>> -> memref<320xi32, #tpu.memory_space<hbm>>
    %dma_wait3A_358 = arith.constant 960 : i32
    %dma_wait3A_359 = tpu.memref_slice %arg5[%dma_wait3A_358] : memref<10240xi32, #tpu.memory_space<vmem>> -> memref<320xi32, #tpu.memory_space<vmem>>
    tpu.wait_dma2 semaphore(%arg6 : memref<!tpu.dma_semaphore, #tpu.memory_space<semaphore_mem>>) src(%dma_wait3A_359 : memref<320xi32, #tpu.memory_space<vmem>>) dst(%dma_wait3A_357 : memref<320xi32, #tpu.memory_space<hbm>>)
    %dma_wait3A_360 = arith.constant 1280 : i32
    %dma_wait3A_361 = tpu.memref_slice %arg5[%dma_wait3A_360] : memref<10240xi32, #tpu.memory_space<vmem>> -> memref<320xi32, #tpu.memory_space<vmem>>
    %dma_wait3A_362 = tpu.memref_slice %arg3[%mul3A_60] : memref<327680xi32, #tpu.memory_space<hbm>> -> memref<320xi32, #tpu.memory_space<hbm>>
    %dma_wait3A_363 = tpu.memref_slice %arg3[%mul3A_60] : memref<327680xi32, #tpu.memory_space<hbm>> -> memref<320xi32, #tpu.memory_space<hbm>>
    %dma_wait3A_364 = arith.constant 1280 : i32
    %dma_wait3A_365 = tpu.memref_slice %arg5[%dma_wait3A_364] : memref<10240xi32, #tpu.memory_space<vmem>> -> memref<320xi32, #tpu.memory_space<vmem>>
    tpu.wait_dma2 semaphore(%arg6 : memref<!tpu.dma_semaphore, #tpu.memory_space<semaphore_mem>>) src(%dma_wait3A_365 : memref<320xi32, #tpu.memory_space<vmem>>) dst(%dma_wait3A_363 : memref<320xi32, #tpu.memory_space<hbm>>)
    %dma_wait3A_366 = arith.constant 1600 : i32
    %dma_wait3A_367 = tpu.memref_slice %arg5[%dma_wait3A_366] : memref<10240xi32, #tpu.memory_space<vmem>> -> memref<320xi32, #tpu.memory_space<vmem>>
    %dma_wait3A_368 = tpu.memref_slice %arg3[%mul3A_70] : memref<327680xi32, #tpu.memory_space<hbm>> -> memref<320xi32, #tpu.memory_space<hbm>>
    %dma_wait3A_369 = tpu.memref_slice %arg3[%mul3A_70] : memref<327680xi32, #tpu.memory_space<hbm>> -> memref<320xi32, #tpu.memory_space<hbm>>
    %dma_wait3A_370 = arith.constant 1600 : i32
    %dma_wait3A_371 = tpu.memref_slice %arg5[%dma_wait3A_370] : memref<10240xi32, #tpu.memory_space<vmem>> -> memref<320xi32, #tpu.memory_space<vmem>>
    tpu.wait_dma2 semaphore(%arg6 : memref<!tpu.dma_semaphore, #tpu.memory_space<semaphore_mem>>) src(%dma_wait3A_371 : memref<320xi32, #tpu.memory_space<vmem>>) dst(%dma_wait3A_369 : memref<320xi32, #tpu.memory_space<hbm>>)
    %dma_wait3A_372 = arith.constant 1920 : i32
    %dma_wait3A_373 = tpu.memref_slice %arg5[%dma_wait3A_372] : memref<10240xi32, #tpu.memory_space<vmem>> -> memref<320xi32, #tpu.memory_space<vmem>>
    %dma_wait3A_374 = tpu.memref_slice %arg3[%mul3A_80] : memref<327680xi32, #tpu.memory_space<hbm>> -> memref<320xi32, #tpu.memory_space<hbm>>
    %dma_wait3A_375 = tpu.memref_slice %arg3[%mul3A_80] : memref<327680xi32, #tpu.memory_space<hbm>> -> memref<320xi32, #tpu.memory_space<hbm>>
    %dma_wait3A_376 = arith.constant 1920 : i32
    %dma_wait3A_377 = tpu.memref_slice %arg5[%dma_wait3A_376] : memref<10240xi32, #tpu.memory_space<vmem>> -> memref<320xi32, #tpu.memory_space<vmem>>
    tpu.wait_dma2 semaphore(%arg6 : memref<!tpu.dma_semaphore, #tpu.memory_space<semaphore_mem>>) src(%dma_wait3A_377 : memref<320xi32, #tpu.memory_space<vmem>>) dst(%dma_wait3A_375 : memref<320xi32, #tpu.memory_space<hbm>>)
    %dma_wait3A_378 = arith.constant 2240 : i32
    %dma_wait3A_379 = tpu.memref_slice %arg5[%dma_wait3A_378] : memref<10240xi32, #tpu.memory_space<vmem>> -> memref<320xi32, #tpu.memory_space<vmem>>
    %dma_wait3A_380 = tpu.memref_slice %arg3[%mul3A_90] : memref<327680xi32, #tpu.memory_space<hbm>> -> memref<320xi32, #tpu.memory_space<hbm>>
    %dma_wait3A_381 = tpu.memref_slice %arg3[%mul3A_90] : memref<327680xi32, #tpu.memory_space<hbm>> -> memref<320xi32, #tpu.memory_space<hbm>>
    %dma_wait3A_382 = arith.constant 2240 : i32
    %dma_wait3A_383 = tpu.memref_slice %arg5[%dma_wait3A_382] : memref<10240xi32, #tpu.memory_space<vmem>> -> memref<320xi32, #tpu.memory_space<vmem>>
    tpu.wait_dma2 semaphore(%arg6 : memref<!tpu.dma_semaphore, #tpu.memory_space<semaphore_mem>>) src(%dma_wait3A_383 : memref<320xi32, #tpu.memory_space<vmem>>) dst(%dma_wait3A_381 : memref<320xi32, #tpu.memory_space<hbm>>)
    %dma_wait3A_384 = arith.constant 2560 : i32
    %dma_wait3A_385 = tpu.memref_slice %arg5[%dma_wait3A_384] : memref<10240xi32, #tpu.memory_space<vmem>> -> memref<320xi32, #tpu.memory_space<vmem>>
    %dma_wait3A_386 = tpu.memref_slice %arg3[%mul3A_100] : memref<327680xi32, #tpu.memory_space<hbm>> -> memref<320xi32, #tpu.memory_space<hbm>>
    %dma_wait3A_387 = tpu.memref_slice %arg3[%mul3A_100] : memref<327680xi32, #tpu.memory_space<hbm>> -> memref<320xi32, #tpu.memory_space<hbm>>
    %dma_wait3A_388 = arith.constant 2560 : i32
    %dma_wait3A_389 = tpu.memref_slice %arg5[%dma_wait3A_388] : memref<10240xi32, #tpu.memory_space<vmem>> -> memref<320xi32, #tpu.memory_space<vmem>>
    tpu.wait_dma2 semaphore(%arg6 : memref<!tpu.dma_semaphore, #tpu.memory_space<semaphore_mem>>) src(%dma_wait3A_389 : memref<320xi32, #tpu.memory_space<vmem>>) dst(%dma_wait3A_387 : memref<320xi32, #tpu.memory_space<hbm>>)
    %dma_wait3A_390 = arith.constant 2880 : i32
    %dma_wait3A_391 = tpu.memref_slice %arg5[%dma_wait3A_390] : memref<10240xi32, #tpu.memory_space<vmem>> -> memref<320xi32, #tpu.memory_space<vmem>>
    %dma_wait3A_392 = tpu.memref_slice %arg3[%mul3A_110] : memref<327680xi32, #tpu.memory_space<hbm>> -> memref<320xi32, #tpu.memory_space<hbm>>
    %dma_wait3A_393 = tpu.memref_slice %arg3[%mul3A_110] : memref<327680xi32, #tpu.memory_space<hbm>> -> memref<320xi32, #tpu.memory_space<hbm>>
    %dma_wait3A_394 = arith.constant 2880 : i32
    %dma_wait3A_395 = tpu.memref_slice %arg5[%dma_wait3A_394] : memref<10240xi32, #tpu.memory_space<vmem>> -> memref<320xi32, #tpu.memory_space<vmem>>
    tpu.wait_dma2 semaphore(%arg6 : memref<!tpu.dma_semaphore, #tpu.memory_space<semaphore_mem>>) src(%dma_wait3A_395 : memref<320xi32, #tpu.memory_space<vmem>>) dst(%dma_wait3A_393 : memref<320xi32, #tpu.memory_space<hbm>>)
    %dma_wait3A_396 = arith.constant 3200 : i32
    %dma_wait3A_397 = tpu.memref_slice %arg5[%dma_wait3A_396] : memref<10240xi32, #tpu.memory_space<vmem>> -> memref<320xi32, #tpu.memory_space<vmem>>
    %dma_wait3A_398 = tpu.memref_slice %arg3[%mul3A_120] : memref<327680xi32, #tpu.memory_space<hbm>> -> memref<320xi32, #tpu.memory_space<hbm>>
    %dma_wait3A_399 = tpu.memref_slice %arg3[%mul3A_120] : memref<327680xi32, #tpu.memory_space<hbm>> -> memref<320xi32, #tpu.memory_space<hbm>>
    %dma_wait3A_400 = arith.constant 3200 : i32
    %dma_wait3A_401 = tpu.memref_slice %arg5[%dma_wait3A_400] : memref<10240xi32, #tpu.memory_space<vmem>> -> memref<320xi32, #tpu.memory_space<vmem>>
    tpu.wait_dma2 semaphore(%arg6 : memref<!tpu.dma_semaphore, #tpu.memory_space<semaphore_mem>>) src(%dma_wait3A_401 : memref<320xi32, #tpu.memory_space<vmem>>) dst(%dma_wait3A_399 : memref<320xi32, #tpu.memory_space<hbm>>)
    %dma_wait3A_402 = arith.constant 3520 : i32
    %dma_wait3A_403 = tpu.memref_slice %arg5[%dma_wait3A_402] : memref<10240xi32, #tpu.memory_space<vmem>> -> memref<320xi32, #tpu.memory_space<vmem>>
    %dma_wait3A_404 = tpu.memref_slice %arg3[%mul3A_130] : memref<327680xi32, #tpu.memory_space<hbm>> -> memref<320xi32, #tpu.memory_space<hbm>>
    %dma_wait3A_405 = tpu.memref_slice %arg3[%mul3A_130] : memref<327680xi32, #tpu.memory_space<hbm>> -> memref<320xi32, #tpu.memory_space<hbm>>
    %dma_wait3A_406 = arith.constant 3520 : i32
    %dma_wait3A_407 = tpu.memref_slice %arg5[%dma_wait3A_406] : memref<10240xi32, #tpu.memory_space<vmem>> -> memref<320xi32, #tpu.memory_space<vmem>>
    tpu.wait_dma2 semaphore(%arg6 : memref<!tpu.dma_semaphore, #tpu.memory_space<semaphore_mem>>) src(%dma_wait3A_407 : memref<320xi32, #tpu.memory_space<vmem>>) dst(%dma_wait3A_405 : memref<320xi32, #tpu.memory_space<hbm>>)
    %dma_wait3A_408 = arith.constant 3840 : i32
    %dma_wait3A_409 = tpu.memref_slice %arg5[%dma_wait3A_408] : memref<10240xi32, #tpu.memory_space<vmem>> -> memref<320xi32, #tpu.memory_space<vmem>>
    %dma_wait3A_410 = tpu.memref_slice %arg3[%mul3A_140] : memref<327680xi32, #tpu.memory_space<hbm>> -> memref<320xi32, #tpu.memory_space<hbm>>
    %dma_wait3A_411 = tpu.memref_slice %arg3[%mul3A_140] : memref<327680xi32, #tpu.memory_space<hbm>> -> memref<320xi32, #tpu.memory_space<hbm>>
    %dma_wait3A_412 = arith.constant 3840 : i32
    %dma_wait3A_413 = tpu.memref_slice %arg5[%dma_wait3A_412] : memref<10240xi32, #tpu.memory_space<vmem>> -> memref<320xi32, #tpu.memory_space<vmem>>
    tpu.wait_dma2 semaphore(%arg6 : memref<!tpu.dma_semaphore, #tpu.memory_space<semaphore_mem>>) src(%dma_wait3A_413 : memref<320xi32, #tpu.memory_space<vmem>>) dst(%dma_wait3A_411 : memref<320xi32, #tpu.memory_space<hbm>>)
    %dma_wait3A_414 = arith.constant 4160 : i32
    %dma_wait3A_415 = tpu.memref_slice %arg5[%dma_wait3A_414] : memref<10240xi32, #tpu.memory_space<vmem>> -> memref<320xi32, #tpu.memory_space<vmem>>
    %dma_wait3A_416 = tpu.memref_slice %arg3[%mul3A_150] : memref<327680xi32, #tpu.memory_space<hbm>> -> memref<320xi32, #tpu.memory_space<hbm>>
    %dma_wait3A_417 = tpu.memref_slice %arg3[%mul3A_150] : memref<327680xi32, #tpu.memory_space<hbm>> -> memref<320xi32, #tpu.memory_space<hbm>>
    %dma_wait3A_418 = arith.constant 4160 : i32
    %dma_wait3A_419 = tpu.memref_slice %arg5[%dma_wait3A_418] : memref<10240xi32, #tpu.memory_space<vmem>> -> memref<320xi32, #tpu.memory_space<vmem>>
    tpu.wait_dma2 semaphore(%arg6 : memref<!tpu.dma_semaphore, #tpu.memory_space<semaphore_mem>>) src(%dma_wait3A_419 : memref<320xi32, #tpu.memory_space<vmem>>) dst(%dma_wait3A_417 : memref<320xi32, #tpu.memory_space<hbm>>)
    %dma_wait3A_420 = arith.constant 4480 : i32
    %dma_wait3A_421 = tpu.memref_slice %arg5[%dma_wait3A_420] : memref<10240xi32, #tpu.memory_space<vmem>> -> memref<320xi32, #tpu.memory_space<vmem>>
    %dma_wait3A_422 = tpu.memref_slice %arg3[%mul3A_160] : memref<327680xi32, #tpu.memory_space<hbm>> -> memref<320xi32, #tpu.memory_space<hbm>>
    %dma_wait3A_423 = tpu.memref_slice %arg3[%mul3A_160] : memref<327680xi32, #tpu.memory_space<hbm>> -> memref<320xi32, #tpu.memory_space<hbm>>
    %dma_wait3A_424 = arith.constant 4480 : i32
    %dma_wait3A_425 = tpu.memref_slice %arg5[%dma_wait3A_424] : memref<10240xi32, #tpu.memory_space<vmem>> -> memref<320xi32, #tpu.memory_space<vmem>>
    tpu.wait_dma2 semaphore(%arg6 : memref<!tpu.dma_semaphore, #tpu.memory_space<semaphore_mem>>) src(%dma_wait3A_425 : memref<320xi32, #tpu.memory_space<vmem>>) dst(%dma_wait3A_423 : memref<320xi32, #tpu.memory_space<hbm>>)
    %dma_wait3A_426 = arith.constant 4800 : i32
    %dma_wait3A_427 = tpu.memref_slice %arg5[%dma_wait3A_426] : memref<10240xi32, #tpu.memory_space<vmem>> -> memref<320xi32, #tpu.memory_space<vmem>>
    %dma_wait3A_428 = tpu.memref_slice %arg3[%mul3A_170] : memref<327680xi32, #tpu.memory_space<hbm>> -> memref<320xi32, #tpu.memory_space<hbm>>
    %dma_wait3A_429 = tpu.memref_slice %arg3[%mul3A_170] : memref<327680xi32, #tpu.memory_space<hbm>> -> memref<320xi32, #tpu.memory_space<hbm>>
    %dma_wait3A_430 = arith.constant 4800 : i32
    %dma_wait3A_431 = tpu.memref_slice %arg5[%dma_wait3A_430] : memref<10240xi32, #tpu.memory_space<vmem>> -> memref<320xi32, #tpu.memory_space<vmem>>
    tpu.wait_dma2 semaphore(%arg6 : memref<!tpu.dma_semaphore, #tpu.memory_space<semaphore_mem>>) src(%dma_wait3A_431 : memref<320xi32, #tpu.memory_space<vmem>>) dst(%dma_wait3A_429 : memref<320xi32, #tpu.memory_space<hbm>>)
    %dma_wait3A_432 = arith.constant 5120 : i32
    %dma_wait3A_433 = tpu.memref_slice %arg5[%dma_wait3A_432] : memref<10240xi32, #tpu.memory_space<vmem>> -> memref<320xi32, #tpu.memory_space<vmem>>
    %dma_wait3A_434 = tpu.memref_slice %arg3[%mul3A_180] : memref<327680xi32, #tpu.memory_space<hbm>> -> memref<320xi32, #tpu.memory_space<hbm>>
    %dma_wait3A_435 = tpu.memref_slice %arg3[%mul3A_180] : memref<327680xi32, #tpu.memory_space<hbm>> -> memref<320xi32, #tpu.memory_space<hbm>>
    %dma_wait3A_436 = arith.constant 5120 : i32
    %dma_wait3A_437 = tpu.memref_slice %arg5[%dma_wait3A_436] : memref<10240xi32, #tpu.memory_space<vmem>> -> memref<320xi32, #tpu.memory_space<vmem>>
    tpu.wait_dma2 semaphore(%arg6 : memref<!tpu.dma_semaphore, #tpu.memory_space<semaphore_mem>>) src(%dma_wait3A_437 : memref<320xi32, #tpu.memory_space<vmem>>) dst(%dma_wait3A_435 : memref<320xi32, #tpu.memory_space<hbm>>)
    %dma_wait3A_438 = arith.constant 5440 : i32
    %dma_wait3A_439 = tpu.memref_slice %arg5[%dma_wait3A_438] : memref<10240xi32, #tpu.memory_space<vmem>> -> memref<320xi32, #tpu.memory_space<vmem>>
    %dma_wait3A_440 = tpu.memref_slice %arg3[%mul3A_190] : memref<327680xi32, #tpu.memory_space<hbm>> -> memref<320xi32, #tpu.memory_space<hbm>>
    %dma_wait3A_441 = tpu.memref_slice %arg3[%mul3A_190] : memref<327680xi32, #tpu.memory_space<hbm>> -> memref<320xi32, #tpu.memory_space<hbm>>
    %dma_wait3A_442 = arith.constant 5440 : i32
    %dma_wait3A_443 = tpu.memref_slice %arg5[%dma_wait3A_442] : memref<10240xi32, #tpu.memory_space<vmem>> -> memref<320xi32, #tpu.memory_space<vmem>>
    tpu.wait_dma2 semaphore(%arg6 : memref<!tpu.dma_semaphore, #tpu.memory_space<semaphore_mem>>) src(%dma_wait3A_443 : memref<320xi32, #tpu.memory_space<vmem>>) dst(%dma_wait3A_441 : memref<320xi32, #tpu.memory_space<hbm>>)
    %dma_wait3A_444 = arith.constant 5760 : i32
    %dma_wait3A_445 = tpu.memref_slice %arg5[%dma_wait3A_444] : memref<10240xi32, #tpu.memory_space<vmem>> -> memref<320xi32, #tpu.memory_space<vmem>>
    %dma_wait3A_446 = tpu.memref_slice %arg3[%mul3A_200] : memref<327680xi32, #tpu.memory_space<hbm>> -> memref<320xi32, #tpu.memory_space<hbm>>
    %dma_wait3A_447 = tpu.memref_slice %arg3[%mul3A_200] : memref<327680xi32, #tpu.memory_space<hbm>> -> memref<320xi32, #tpu.memory_space<hbm>>
    %dma_wait3A_448 = arith.constant 5760 : i32
    %dma_wait3A_449 = tpu.memref_slice %arg5[%dma_wait3A_448] : memref<10240xi32, #tpu.memory_space<vmem>> -> memref<320xi32, #tpu.memory_space<vmem>>
    tpu.wait_dma2 semaphore(%arg6 : memref<!tpu.dma_semaphore, #tpu.memory_space<semaphore_mem>>) src(%dma_wait3A_449 : memref<320xi32, #tpu.memory_space<vmem>>) dst(%dma_wait3A_447 : memref<320xi32, #tpu.memory_space<hbm>>)
    %dma_wait3A_450 = arith.constant 6080 : i32
    %dma_wait3A_451 = tpu.memref_slice %arg5[%dma_wait3A_450] : memref<10240xi32, #tpu.memory_space<vmem>> -> memref<320xi32, #tpu.memory_space<vmem>>
    %dma_wait3A_452 = tpu.memref_slice %arg3[%mul3A_210] : memref<327680xi32, #tpu.memory_space<hbm>> -> memref<320xi32, #tpu.memory_space<hbm>>
    %dma_wait3A_453 = tpu.memref_slice %arg3[%mul3A_210] : memref<327680xi32, #tpu.memory_space<hbm>> -> memref<320xi32, #tpu.memory_space<hbm>>
    %dma_wait3A_454 = arith.constant 6080 : i32
    %dma_wait3A_455 = tpu.memref_slice %arg5[%dma_wait3A_454] : memref<10240xi32, #tpu.memory_space<vmem>> -> memref<320xi32, #tpu.memory_space<vmem>>
    tpu.wait_dma2 semaphore(%arg6 : memref<!tpu.dma_semaphore, #tpu.memory_space<semaphore_mem>>) src(%dma_wait3A_455 : memref<320xi32, #tpu.memory_space<vmem>>) dst(%dma_wait3A_453 : memref<320xi32, #tpu.memory_space<hbm>>)
    %dma_wait3A_456 = arith.constant 6400 : i32
    %dma_wait3A_457 = tpu.memref_slice %arg5[%dma_wait3A_456] : memref<10240xi32, #tpu.memory_space<vmem>> -> memref<320xi32, #tpu.memory_space<vmem>>
    %dma_wait3A_458 = tpu.memref_slice %arg3[%mul3A_220] : memref<327680xi32, #tpu.memory_space<hbm>> -> memref<320xi32, #tpu.memory_space<hbm>>
    %dma_wait3A_459 = tpu.memref_slice %arg3[%mul3A_220] : memref<327680xi32, #tpu.memory_space<hbm>> -> memref<320xi32, #tpu.memory_space<hbm>>
    %dma_wait3A_460 = arith.constant 6400 : i32
    %dma_wait3A_461 = tpu.memref_slice %arg5[%dma_wait3A_460] : memref<10240xi32, #tpu.memory_space<vmem>> -> memref<320xi32, #tpu.memory_space<vmem>>
    tpu.wait_dma2 semaphore(%arg6 : memref<!tpu.dma_semaphore, #tpu.memory_space<semaphore_mem>>) src(%dma_wait3A_461 : memref<320xi32, #tpu.memory_space<vmem>>) dst(%dma_wait3A_459 : memref<320xi32, #tpu.memory_space<hbm>>)
    %dma_wait3A_462 = arith.constant 6720 : i32
    %dma_wait3A_463 = tpu.memref_slice %arg5[%dma_wait3A_462] : memref<10240xi32, #tpu.memory_space<vmem>> -> memref<320xi32, #tpu.memory_space<vmem>>
    %dma_wait3A_464 = tpu.memref_slice %arg3[%mul3A_230] : memref<327680xi32, #tpu.memory_space<hbm>> -> memref<320xi32, #tpu.memory_space<hbm>>
    %dma_wait3A_465 = tpu.memref_slice %arg3[%mul3A_230] : memref<327680xi32, #tpu.memory_space<hbm>> -> memref<320xi32, #tpu.memory_space<hbm>>
    %dma_wait3A_466 = arith.constant 6720 : i32
    %dma_wait3A_467 = tpu.memref_slice %arg5[%dma_wait3A_466] : memref<10240xi32, #tpu.memory_space<vmem>> -> memref<320xi32, #tpu.memory_space<vmem>>
    tpu.wait_dma2 semaphore(%arg6 : memref<!tpu.dma_semaphore, #tpu.memory_space<semaphore_mem>>) src(%dma_wait3A_467 : memref<320xi32, #tpu.memory_space<vmem>>) dst(%dma_wait3A_465 : memref<320xi32, #tpu.memory_space<hbm>>)
    %dma_wait3A_468 = arith.constant 7040 : i32
    %dma_wait3A_469 = tpu.memref_slice %arg5[%dma_wait3A_468] : memref<10240xi32, #tpu.memory_space<vmem>> -> memref<320xi32, #tpu.memory_space<vmem>>
    %dma_wait3A_470 = tpu.memref_slice %arg3[%mul3A_240] : memref<327680xi32, #tpu.memory_space<hbm>> -> memref<320xi32, #tpu.memory_space<hbm>>
    %dma_wait3A_471 = tpu.memref_slice %arg3[%mul3A_240] : memref<327680xi32, #tpu.memory_space<hbm>> -> memref<320xi32, #tpu.memory_space<hbm>>
    %dma_wait3A_472 = arith.constant 7040 : i32
    %dma_wait3A_473 = tpu.memref_slice %arg5[%dma_wait3A_472] : memref<10240xi32, #tpu.memory_space<vmem>> -> memref<320xi32, #tpu.memory_space<vmem>>
    tpu.wait_dma2 semaphore(%arg6 : memref<!tpu.dma_semaphore, #tpu.memory_space<semaphore_mem>>) src(%dma_wait3A_473 : memref<320xi32, #tpu.memory_space<vmem>>) dst(%dma_wait3A_471 : memref<320xi32, #tpu.memory_space<hbm>>)
    %dma_wait3A_474 = arith.constant 7360 : i32
    %dma_wait3A_475 = tpu.memref_slice %arg5[%dma_wait3A_474] : memref<10240xi32, #tpu.memory_space<vmem>> -> memref<320xi32, #tpu.memory_space<vmem>>
    %dma_wait3A_476 = tpu.memref_slice %arg3[%mul3A_250] : memref<327680xi32, #tpu.memory_space<hbm>> -> memref<320xi32, #tpu.memory_space<hbm>>
    %dma_wait3A_477 = tpu.memref_slice %arg3[%mul3A_250] : memref<327680xi32, #tpu.memory_space<hbm>> -> memref<320xi32, #tpu.memory_space<hbm>>
    %dma_wait3A_478 = arith.constant 7360 : i32
    %dma_wait3A_479 = tpu.memref_slice %arg5[%dma_wait3A_478] : memref<10240xi32, #tpu.memory_space<vmem>> -> memref<320xi32, #tpu.memory_space<vmem>>
    tpu.wait_dma2 semaphore(%arg6 : memref<!tpu.dma_semaphore, #tpu.memory_space<semaphore_mem>>) src(%dma_wait3A_479 : memref<320xi32, #tpu.memory_space<vmem>>) dst(%dma_wait3A_477 : memref<320xi32, #tpu.memory_space<hbm>>)
    %dma_wait3A_480 = arith.constant 7680 : i32
    %dma_wait3A_481 = tpu.memref_slice %arg5[%dma_wait3A_480] : memref<10240xi32, #tpu.memory_space<vmem>> -> memref<320xi32, #tpu.memory_space<vmem>>
    %dma_wait3A_482 = tpu.memref_slice %arg3[%mul3A_260] : memref<327680xi32, #tpu.memory_space<hbm>> -> memref<320xi32, #tpu.memory_space<hbm>>
    %dma_wait3A_483 = tpu.memref_slice %arg3[%mul3A_260] : memref<327680xi32, #tpu.memory_space<hbm>> -> memref<320xi32, #tpu.memory_space<hbm>>
    %dma_wait3A_484 = arith.constant 7680 : i32
    %dma_wait3A_485 = tpu.memref_slice %arg5[%dma_wait3A_484] : memref<10240xi32, #tpu.memory_space<vmem>> -> memref<320xi32, #tpu.memory_space<vmem>>
    tpu.wait_dma2 semaphore(%arg6 : memref<!tpu.dma_semaphore, #tpu.memory_space<semaphore_mem>>) src(%dma_wait3A_485 : memref<320xi32, #tpu.memory_space<vmem>>) dst(%dma_wait3A_483 : memref<320xi32, #tpu.memory_space<hbm>>)
    %dma_wait3A_486 = arith.constant 8000 : i32
    %dma_wait3A_487 = tpu.memref_slice %arg5[%dma_wait3A_486] : memref<10240xi32, #tpu.memory_space<vmem>> -> memref<320xi32, #tpu.memory_space<vmem>>
    %dma_wait3A_488 = tpu.memref_slice %arg3[%mul3A_270] : memref<327680xi32, #tpu.memory_space<hbm>> -> memref<320xi32, #tpu.memory_space<hbm>>
    %dma_wait3A_489 = tpu.memref_slice %arg3[%mul3A_270] : memref<327680xi32, #tpu.memory_space<hbm>> -> memref<320xi32, #tpu.memory_space<hbm>>
    %dma_wait3A_490 = arith.constant 8000 : i32
    %dma_wait3A_491 = tpu.memref_slice %arg5[%dma_wait3A_490] : memref<10240xi32, #tpu.memory_space<vmem>> -> memref<320xi32, #tpu.memory_space<vmem>>
    tpu.wait_dma2 semaphore(%arg6 : memref<!tpu.dma_semaphore, #tpu.memory_space<semaphore_mem>>) src(%dma_wait3A_491 : memref<320xi32, #tpu.memory_space<vmem>>) dst(%dma_wait3A_489 : memref<320xi32, #tpu.memory_space<hbm>>)
    %dma_wait3A_492 = arith.constant 8320 : i32
    %dma_wait3A_493 = tpu.memref_slice %arg5[%dma_wait3A_492] : memref<10240xi32, #tpu.memory_space<vmem>> -> memref<320xi32, #tpu.memory_space<vmem>>
    %dma_wait3A_494 = tpu.memref_slice %arg3[%mul3A_280] : memref<327680xi32, #tpu.memory_space<hbm>> -> memref<320xi32, #tpu.memory_space<hbm>>
    %dma_wait3A_495 = tpu.memref_slice %arg3[%mul3A_280] : memref<327680xi32, #tpu.memory_space<hbm>> -> memref<320xi32, #tpu.memory_space<hbm>>
    %dma_wait3A_496 = arith.constant 8320 : i32
    %dma_wait3A_497 = tpu.memref_slice %arg5[%dma_wait3A_496] : memref<10240xi32, #tpu.memory_space<vmem>> -> memref<320xi32, #tpu.memory_space<vmem>>
    tpu.wait_dma2 semaphore(%arg6 : memref<!tpu.dma_semaphore, #tpu.memory_space<semaphore_mem>>) src(%dma_wait3A_497 : memref<320xi32, #tpu.memory_space<vmem>>) dst(%dma_wait3A_495 : memref<320xi32, #tpu.memory_space<hbm>>)
    %dma_wait3A_498 = arith.constant 8640 : i32
    %dma_wait3A_499 = tpu.memref_slice %arg5[%dma_wait3A_498] : memref<10240xi32, #tpu.memory_space<vmem>> -> memref<320xi32, #tpu.memory_space<vmem>>
    %dma_wait3A_500 = tpu.memref_slice %arg3[%mul3A_290] : memref<327680xi32, #tpu.memory_space<hbm>> -> memref<320xi32, #tpu.memory_space<hbm>>
    %dma_wait3A_501 = tpu.memref_slice %arg3[%mul3A_290] : memref<327680xi32, #tpu.memory_space<hbm>> -> memref<320xi32, #tpu.memory_space<hbm>>
    %dma_wait3A_502 = arith.constant 8640 : i32
    %dma_wait3A_503 = tpu.memref_slice %arg5[%dma_wait3A_502] : memref<10240xi32, #tpu.memory_space<vmem>> -> memref<320xi32, #tpu.memory_space<vmem>>
    tpu.wait_dma2 semaphore(%arg6 : memref<!tpu.dma_semaphore, #tpu.memory_space<semaphore_mem>>) src(%dma_wait3A_503 : memref<320xi32, #tpu.memory_space<vmem>>) dst(%dma_wait3A_501 : memref<320xi32, #tpu.memory_space<hbm>>)
    %dma_wait3A_504 = arith.constant 8960 : i32
    %dma_wait3A_505 = tpu.memref_slice %arg5[%dma_wait3A_504] : memref<10240xi32, #tpu.memory_space<vmem>> -> memref<320xi32, #tpu.memory_space<vmem>>
    %dma_wait3A_506 = tpu.memref_slice %arg3[%mul3A_300] : memref<327680xi32, #tpu.memory_space<hbm>> -> memref<320xi32, #tpu.memory_space<hbm>>
    %dma_wait3A_507 = tpu.memref_slice %arg3[%mul3A_300] : memref<327680xi32, #tpu.memory_space<hbm>> -> memref<320xi32, #tpu.memory_space<hbm>>
    %dma_wait3A_508 = arith.constant 8960 : i32
    %dma_wait3A_509 = tpu.memref_slice %arg5[%dma_wait3A_508] : memref<10240xi32, #tpu.memory_space<vmem>> -> memref<320xi32, #tpu.memory_space<vmem>>
    tpu.wait_dma2 semaphore(%arg6 : memref<!tpu.dma_semaphore, #tpu.memory_space<semaphore_mem>>) src(%dma_wait3A_509 : memref<320xi32, #tpu.memory_space<vmem>>) dst(%dma_wait3A_507 : memref<320xi32, #tpu.memory_space<hbm>>)
    %dma_wait3A_510 = arith.constant 9280 : i32
    %dma_wait3A_511 = tpu.memref_slice %arg5[%dma_wait3A_510] : memref<10240xi32, #tpu.memory_space<vmem>> -> memref<320xi32, #tpu.memory_space<vmem>>
    %dma_wait3A_512 = tpu.memref_slice %arg3[%mul3A_310] : memref<327680xi32, #tpu.memory_space<hbm>> -> memref<320xi32, #tpu.memory_space<hbm>>
    %dma_wait3A_513 = tpu.memref_slice %arg3[%mul3A_310] : memref<327680xi32, #tpu.memory_space<hbm>> -> memref<320xi32, #tpu.memory_space<hbm>>
    %dma_wait3A_514 = arith.constant 9280 : i32
    %dma_wait3A_515 = tpu.memref_slice %arg5[%dma_wait3A_514] : memref<10240xi32, #tpu.memory_space<vmem>> -> memref<320xi32, #tpu.memory_space<vmem>>
    tpu.wait_dma2 semaphore(%arg6 : memref<!tpu.dma_semaphore, #tpu.memory_space<semaphore_mem>>) src(%dma_wait3A_515 : memref<320xi32, #tpu.memory_space<vmem>>) dst(%dma_wait3A_513 : memref<320xi32, #tpu.memory_space<hbm>>)
    %dma_wait3A_516 = arith.constant 9600 : i32
    %dma_wait3A_517 = tpu.memref_slice %arg5[%dma_wait3A_516] : memref<10240xi32, #tpu.memory_space<vmem>> -> memref<320xi32, #tpu.memory_space<vmem>>
    %dma_wait3A_518 = tpu.memref_slice %arg3[%mul3A_320] : memref<327680xi32, #tpu.memory_space<hbm>> -> memref<320xi32, #tpu.memory_space<hbm>>
    %dma_wait3A_519 = tpu.memref_slice %arg3[%mul3A_320] : memref<327680xi32, #tpu.memory_space<hbm>> -> memref<320xi32, #tpu.memory_space<hbm>>
    %dma_wait3A_520 = arith.constant 9600 : i32
    %dma_wait3A_521 = tpu.memref_slice %arg5[%dma_wait3A_520] : memref<10240xi32, #tpu.memory_space<vmem>> -> memref<320xi32, #tpu.memory_space<vmem>>
    tpu.wait_dma2 semaphore(%arg6 : memref<!tpu.dma_semaphore, #tpu.memory_space<semaphore_mem>>) src(%dma_wait3A_521 : memref<320xi32, #tpu.memory_space<vmem>>) dst(%dma_wait3A_519 : memref<320xi32, #tpu.memory_space<hbm>>)
    %dma_wait3A_522 = arith.constant 9920 : i32
    %dma_wait3A_523 = tpu.memref_slice %arg5[%dma_wait3A_522] : memref<10240xi32, #tpu.memory_space<vmem>> -> memref<320xi32, #tpu.memory_space<vmem>>
    %dma_wait3A_524 = tpu.memref_slice %arg3[%mul3A_330] : memref<327680xi32, #tpu.memory_space<hbm>> -> memref<320xi32, #tpu.memory_space<hbm>>
    %dma_wait3A_525 = tpu.memref_slice %arg3[%mul3A_330] : memref<327680xi32, #tpu.memory_space<hbm>> -> memref<320xi32, #tpu.memory_space<hbm>>
    %dma_wait3A_526 = arith.constant 9920 : i32
    %dma_wait3A_527 = tpu.memref_slice %arg5[%dma_wait3A_526] : memref<10240xi32, #tpu.memory_space<vmem>> -> memref<320xi32, #tpu.memory_space<vmem>>
    tpu.wait_dma2 semaphore(%arg6 : memref<!tpu.dma_semaphore, #tpu.memory_space<semaphore_mem>>) src(%dma_wait3A_527 : memref<320xi32, #tpu.memory_space<vmem>>) dst(%dma_wait3A_525 : memref<320xi32, #tpu.memory_space<hbm>>)
    return
  }
}

module attributes {stable_mosaic.version = 14 : i64} {
  func.func @_tca_body(%arg0: i32, %arg1: memref<512x384xf32, #tpu.memory_space<vmem>>, %arg2: memref<384x384xbf16, #tpu.memory_space<vmem>>, %arg3: memref<8x384xf32, #tpu.memory_space<vmem>>, %arg4: memref<512x384xf32, #tpu.memory_space<vmem>>) attributes {dimension_semantics = [#tpu.dimension_semantics<arbitrary>], iteration_bounds = array<i64: 20>, scalar_prefetch = 0 : i64, scratch_operands = 0 : i64, tpu.core_type = #tpu.core_type<tc>, window_params = [{transform_indices = @transform_0, window_bounds = array<i64: 512, 384>}, {pipeline_mode = #tpu.pipeline_mode<synchronous>, transform_indices = @transform_1, window_bounds = array<i64: 384, 384>}, {pipeline_mode = #tpu.pipeline_mode<synchronous>, transform_indices = @transform_2, window_bounds = array<i64: 8, 384>}, {transform_indices = @transform_3, window_bounds = array<i64: 512, 384>}]} {
    %get3A = arith.constant 0 : index
    %get3A_0 = arith.constant 0 : index
    %get3A_1 = vector.load %arg1[%get3A, %get3A_0] : memref<512x384xf32, #tpu.memory_space<vmem>>, vector<512x384xf32>
    %convert_element_type3A = arith.truncf %get3A_1 : vector<512x384xf32> to vector<512x384xbf16>
    %get3A_2 = arith.constant 0 : index
    %get3A_3 = arith.constant 0 : index
    %get3A_4 = vector.load %arg2[%get3A_2, %get3A_3] : memref<384x384xbf16, #tpu.memory_space<vmem>>, vector<384x384xbf16>
    %dot_general3A = arith.constant dense<0.000000e+00> : vector<512x384xf32>
    %dot_general3A_5 = tpu.matmul %convert_element_type3A, %get3A_4, %dot_general3A {dimension_numbers = #tpu.dot_dimension_numbers<[1], [0], [0], [1], [0, 0, 1, 1], [], []>, transpose_lhs_hint = false} : vector<512x384xbf16>, vector<384x384xbf16>, vector<512x384xf32> -> vector<512x384xf32>
    %get3A_6 = arith.constant 0 : index
    %get3A_7 = arith.constant 0 : index
    %get3A_8 = vector.load %arg3[%get3A_6, %get3A_7] : memref<8x384xf32, #tpu.memory_space<vmem>>, vector<1x384xf32>
    %add3A = vector.broadcast %get3A_8 : vector<1x384xf32> to vector<512x384xf32>
    %add3A_9 = arith.addf %dot_general3A_5, %add3A : vector<512x384xf32>
    %swap3A = arith.constant 0 : index
    %swap3A_10 = arith.constant 0 : index
    %swap3A_11 = vector.load %arg4[%swap3A, %swap3A_10] : memref<512x384xf32, #tpu.memory_space<vmem>>, vector<512x384xf32>
    tpu.vector_store %arg4[%swap3A, %swap3A_10], %add3A_9 {strides = array<i32>} : memref<512x384xf32, #tpu.memory_space<vmem>>, vector<512x384xf32>,
    return
  }
  func.func @transform_0(%arg0: i32) -> (i32, i32) {
    %c0_i32 = arith.constant 0 : i32
    %c0_i32_0 = arith.constant 0 : i32
    return %arg0, %c0_i32 : i32, i32
  }
  func.func @transform_1(%arg0: i32) -> (i32, i32) {
    %c0_i32 = arith.constant 0 : i32
    %c0_i32_0 = arith.constant 0 : i32
    %c0_i32_1 = arith.constant 0 : i32
    return %c0_i32, %c0_i32_0 : i32, i32
  }
  func.func @transform_2(%arg0: i32) -> (i32, i32) {
    %c0_i32 = arith.constant 0 : i32
    %c0_i32_0 = arith.constant 0 : i32
    %c0_i32_1 = arith.constant 0 : i32
    return %c0_i32, %c0_i32_0 : i32, i32
  }
  func.func @transform_3(%arg0: i32) -> (i32, i32) {
    %c0_i32 = arith.constant 0 : i32
    %c0_i32_0 = arith.constant 0 : i32
    return %arg0, %c0_i32 : i32, i32
  }
}

module attributes {stable_mosaic.version = 14 : i64} {
  func.func @_tcb_body(%arg0: i32, %arg1: memref<512x384xf32, #tpu.memory_space<vmem>>, %arg2: memref<512x384xf32, #tpu.memory_space<vmem>>, %arg3: memref<512x1xf32, #tpu.memory_space<vmem>>, %arg4: memref<384x384xbf16, #tpu.memory_space<vmem>>, %arg5: memref<384x384xbf16, #tpu.memory_space<vmem>>, %arg6: memref<384x384xbf16, #tpu.memory_space<vmem>>, %arg7: memref<384x8xf32, #tpu.memory_space<vmem>>, %arg8: memref<8x384xf32, #tpu.memory_space<vmem>>, %arg9: memref<8x1536xf32, #tpu.memory_space<vmem>>, %arg10: memref<16x128xf32, #tpu.memory_space<vmem>>, %arg11: memref<384x1536xbf16, #tpu.memory_space<vmem>>, %arg12: memref<1536x384xbf16, #tpu.memory_space<vmem>>, %arg13: memref<512x384xf32, #tpu.memory_space<vmem>>, %arg14: memref<384x512xf32, #tpu.memory_space<vmem>>, %arg15: memref<512x384xf32, #tpu.memory_space<vmem>>) attributes {dimension_semantics = [#tpu.dimension_semantics<arbitrary>], iteration_bounds = array<i64: 21>, scalar_prefetch = 0 : i64, scratch_operands = 2 : i64, tpu.core_type = #tpu.core_type<tc>, window_params = [{transform_indices = @transform_0, window_bounds = array<i64: 512, 384>}, {transform_indices = @transform_1, window_bounds = array<i64: 512, 384>}, {transform_indices = @transform_2, window_bounds = array<i64: 512, 1>}, {pipeline_mode = #tpu.pipeline_mode<synchronous>, transform_indices = @transform_3, window_bounds = array<i64: 384, 384>}, {pipeline_mode = #tpu.pipeline_mode<synchronous>, transform_indices = @transform_4, window_bounds = array<i64: 384, 384>}, {pipeline_mode = #tpu.pipeline_mode<synchronous>, transform_indices = @transform_5, window_bounds = array<i64: 384, 384>}, {pipeline_mode = #tpu.pipeline_mode<synchronous>, transform_indices = @transform_6, window_bounds = array<i64: 384, 8>}, {pipeline_mode = #tpu.pipeline_mode<synchronous>, transform_indices = @transform_7, window_bounds = array<i64: 8, 384>}, {pipeline_mode = #tpu.pipeline_mode<synchronous>, transform_indices = @transform_8, window_bounds = array<i64: 8, 1536>}, {pipeline_mode = #tpu.pipeline_mode<synchronous>, transform_indices = @transform_9, window_bounds = array<i64: 16, 128>}, {pipeline_mode = #tpu.pipeline_mode<synchronous>, transform_indices = @transform_10, window_bounds = array<i64: 384, 1536>}, {pipeline_mode = #tpu.pipeline_mode<synchronous>, transform_indices = @transform_11, window_bounds = array<i64: 1536, 384>}, {transform_indices = @transform_12, window_bounds = array<i64: 512, 384>}]} {
    %get3A = arith.constant 13 : index
    %get3A_0 = arith.constant 0 : index
    %get3A_1 = vector.load %arg10[%get3A, %get3A_0] : memref<16x128xf32, #tpu.memory_space<vmem>>, vector<1x1xf32>
    %get3A_2 = arith.constant 13 : index
    %get3A_3 = arith.constant 1 : index
    %get3A_4 = vector.load %arg10[%get3A_2, %get3A_3] : memref<16x128xf32, #tpu.memory_space<vmem>>, vector<1x1xf32>
    %get3A_5 = arith.constant 0 : index
    %get3A_6 = arith.constant 0 : index
    %get3A_7 = vector.load %arg15[%get3A_5, %get3A_6] : memref<512x384xf32, #tpu.memory_space<vmem>>, vector<512x384xf32>
    %convert_element_type3A = arith.truncf %get3A_7 : vector<512x384xf32> to vector<512x384xbf16>
    %get3A_8 = arith.constant 0 : index
    %get3A_9 = arith.constant 0 : index
    %get3A_10 = vector.load %arg11[%get3A_8, %get3A_9] : memref<384x1536xbf16, #tpu.memory_space<vmem>>, vector<384x1536xbf16>
    %dot_general3A = arith.constant dense<0.000000e+00> : vector<512x1536xf32>
    %dot_general3A_11 = tpu.matmul %convert_element_type3A, %get3A_10, %dot_general3A {dimension_numbers = #tpu.dot_dimension_numbers<[1], [0], [0], [1], [0, 0, 1, 1], [], []>, transpose_lhs_hint = false} : vector<512x384xbf16>, vector<384x1536xbf16>, vector<512x1536xf32> -> vector<512x1536xf32>
    %get3A_12 = arith.constant 0 : index
    %get3A_13 = arith.constant 0 : index
    %get3A_14 = vector.load %arg9[%get3A_12, %get3A_13] : memref<8x1536xf32, #tpu.memory_space<vmem>>, vector<1x1536xf32>
    %add3A = vector.broadcast %get3A_14 : vector<1x1536xf32> to vector<512x1536xf32>
    %add3A_15 = arith.addf %dot_general3A_11, %add3A : vector<512x1536xf32>
    %max3A = arith.constant 0.000000e+00 : f32
    %max3A_16 = vector.broadcast %max3A : f32 to vector<512x1536xf32>
    %max3A_17 = arith.maximumf %add3A_15, %max3A_16 : vector<512x1536xf32>
    %convert_element_type3A_18 = arith.truncf %max3A_17 : vector<512x1536xf32> to vector<512x1536xbf16>
    %get3A_19 = arith.constant 0 : index
    %get3A_20 = arith.constant 0 : index
    %get3A_21 = vector.load %arg12[%get3A_19, %get3A_20] : memref<1536x384xbf16, #tpu.memory_space<vmem>>, vector<1536x384xbf16>
    %dot_general3A_22 = arith.constant dense<0.000000e+00> : vector<512x384xf32>
    %dot_general3A_23 = tpu.matmul %convert_element_type3A_18, %get3A_21, %dot_general3A_22 {dimension_numbers = #tpu.dot_dimension_numbers<[1], [0], [0], [1], [0, 0, 1, 1], [], []>, transpose_lhs_hint = false} : vector<512x1536xbf16>, vector<1536x384xbf16>, vector<512x384xf32> -> vector<512x384xf32>
    %get3A_24 = arith.constant 6 : index
    %get3A_25 = arith.constant 0 : index
    %get3A_26 = vector.load %arg8[%get3A_24, %get3A_25] : memref<8x384xf32, #tpu.memory_space<vmem>>, vector<1x384xf32>
    %add3A_27 = vector.broadcast %get3A_26 : vector<1x384xf32> to vector<512x384xf32>
    %add3A_28 = arith.addf %dot_general3A_23, %add3A_27 : vector<512x384xf32>
    %mul3A = vector.broadcast %get3A_4 : vector<1x1xf32> to vector<512x384xf32>
    %mul3A_29 = arith.mulf %add3A_28, %mul3A : vector<512x384xf32>
    %add3A_30 = arith.addf %get3A_7, %mul3A_29 : vector<512x384xf32>
    %reduce_sum3A = arith.constant dense<0.000000e+00> : vector<512xf32>
    %reduce_sum3A_31 = vector.multi_reduction <add>, %add3A_30, %reduce_sum3A [1] : vector<512x384xf32> to vector<512xf32>
    %broadcast_in_dim3A = vector.shape_cast %reduce_sum3A_31 : vector<512xf32> to vector<512x1xf32>
    %div3A = arith.constant 3.840000e+02 : f32
    %div3A_32 = vector.broadcast %div3A : f32 to vector<512x1xf32>
    %div3A_33 = arith.divf %broadcast_in_dim3A, %div3A_32 : vector<512x1xf32>
    %sub3A = vector.broadcast %div3A_33 : vector<512x1xf32> to vector<512x384xf32>
    %sub3A_34 = arith.subf %add3A_30, %sub3A : vector<512x384xf32>
    %integer_pow3A = arith.mulf %sub3A_34, %sub3A_34 : vector<512x384xf32>
    %reduce_sum3A_35 = arith.constant dense<0.000000e+00> : vector<512xf32>
    %reduce_sum3A_36 = vector.multi_reduction <add>, %integer_pow3A, %reduce_sum3A_35 [1] : vector<512x384xf32> to vector<512xf32>
    %broadcast_in_dim3A_37 = vector.shape_cast %reduce_sum3A_36 : vector<512xf32> to vector<512x1xf32>
    %div3A_38 = arith.constant 3.840000e+02 : f32
    %div3A_39 = vector.broadcast %div3A_38 : f32 to vector<512x1xf32>
    %div3A_40 = arith.divf %broadcast_in_dim3A_37, %div3A_39 : vector<512x1xf32>
    %sub3A_41 = vector.broadcast %div3A_33 : vector<512x1xf32> to vector<512x384xf32>
    %sub3A_42 = arith.subf %add3A_30, %sub3A_41 : vector<512x384xf32>
    %add3A_43 = arith.constant 9.99999974E-6 : f32
    %add3A_44 = vector.broadcast %add3A_43 : f32 to vector<512x1xf32>
    %add3A_45 = arith.addf %div3A_40, %add3A_44 : vector<512x1xf32>
    %sqrt3A = math.sqrt %add3A_45 : vector<512x1xf32>
    %div3A_46 = vector.broadcast %sqrt3A : vector<512x1xf32> to vector<512x384xf32>
    %div3A_47 = arith.divf %sub3A_42, %div3A_46 : vector<512x384xf32>
    %get3A_48 = arith.constant 4 : index
    %get3A_49 = arith.constant 0 : index
    %get3A_50 = vector.load %arg8[%get3A_48, %get3A_49] : memref<8x384xf32, #tpu.memory_space<vmem>>, vector<1x384xf32>
    %mul3A_51 = vector.broadcast %get3A_50 : vector<1x384xf32> to vector<512x384xf32>
    %mul3A_52 = arith.mulf %div3A_47, %mul3A_51 : vector<512x384xf32>
    %get3A_53 = arith.constant 5 : index
    %get3A_54 = arith.constant 0 : index
    %get3A_55 = vector.load %arg8[%get3A_53, %get3A_54] : memref<8x384xf32, #tpu.memory_space<vmem>>, vector<1x384xf32>
    %add3A_56 = vector.broadcast %get3A_55 : vector<1x384xf32> to vector<512x384xf32>
    %add3A_57 = arith.addf %mul3A_52, %add3A_56 : vector<512x384xf32>
    %swap3A = arith.constant 0 : index
    %swap3A_58 = arith.constant 0 : index
    %swap3A_59 = vector.load %arg13[%swap3A, %swap3A_58] : memref<512x384xf32, #tpu.memory_space<vmem>>, vector<512x384xf32>
    tpu.vector_store %arg13[%swap3A, %swap3A_58], %add3A_57 {strides = array<i32>} : memref<512x384xf32, #tpu.memory_space<vmem>>, vector<512x384xf32>,
    %get3A_60 = arith.constant 0 : index
    %get3A_61 = arith.constant 0 : index
    %get3A_62 = vector.load %arg1[%get3A_60, %get3A_61] : memref<512x384xf32, #tpu.memory_space<vmem>>, vector<512x384xf32>
    %get3A_63 = arith.constant 0 : index
    %get3A_64 = arith.constant 0 : index
    %get3A_65 = vector.load %arg2[%get3A_63, %get3A_64] : memref<512x384xf32, #tpu.memory_space<vmem>>, vector<512x384xf32>
    %convert_element_type3A_66 = arith.truncf %get3A_62 : vector<512x384xf32> to vector<512x384xbf16>
    %convert_element_type3A_67 = arith.truncf %get3A_65 : vector<512x384xf32> to vector<512x384xbf16>
    %get3A_68 = arith.constant 0 : index
    %get3A_69 = arith.constant 0 : index
    %get3A_70 = vector.load %arg4[%get3A_68, %get3A_69] : memref<384x384xbf16, #tpu.memory_space<vmem>>, vector<384x384xbf16>
    %dot_general3A_71 = arith.constant dense<0.000000e+00> : vector<384x512xf32>
    %dot_general3A_72 = tpu.matmul %get3A_70, %convert_element_type3A_66, %dot_general3A_71 {dimension_numbers = #tpu.dot_dimension_numbers<[1], [1], [0], [0], [0, 0, 1, 0], [], []>, transpose_lhs_hint = false} : vector<384x384xbf16>, vector<512x384xbf16>, vector<384x512xf32> -> vector<384x512xf32>
    %get3A_73 = arith.constant 0 : index
    %get3A_74 = arith.constant 0 : index
    %get3A_75 = vector.load %arg7[%get3A_73, %get3A_74] : memref<384x8xf32, #tpu.memory_space<vmem>>, vector<384x1xf32>
    %add3A_76 = vector.broadcast %get3A_75 : vector<384x1xf32> to vector<384x512xf32>
    %add3A_77 = arith.addf %dot_general3A_72, %add3A_76 : vector<384x512xf32>
    %get3A_78 = arith.constant 0 : index
    %get3A_79 = arith.constant 0 : index
    %get3A_80 = vector.load %arg5[%get3A_78, %get3A_79] : memref<384x384xbf16, #tpu.memory_space<vmem>>, vector<384x384xbf16>
    %dot_general3A_81 = arith.constant dense<0.000000e+00> : vector<384x512xf32>
    %dot_general3A_82 = tpu.matmul %get3A_80, %convert_element_type3A_67, %dot_general3A_81 {dimension_numbers = #tpu.dot_dimension_numbers<[1], [1], [0], [0], [0, 0, 1, 0], [], []>, transpose_lhs_hint = false} : vector<384x384xbf16>, vector<512x384xbf16>, vector<384x512xf32> -> vector<384x512xf32>
    %get3A_83 = arith.constant 0 : index
    %get3A_84 = arith.constant 1 : index
    %get3A_85 = vector.load %arg7[%get3A_83, %get3A_84] : memref<384x8xf32, #tpu.memory_space<vmem>>, vector<384x1xf32>
    %add3A_86 = vector.broadcast %get3A_85 : vector<384x1xf32> to vector<384x512xf32>
    %add3A_87 = arith.addf %dot_general3A_82, %add3A_86 : vector<384x512xf32>
    %get3A_88 = arith.constant 0 : index
    %get3A_89 = arith.constant 0 : index
    %get3A_90 = vector.load %arg6[%get3A_88, %get3A_89] : memref<384x384xbf16, #tpu.memory_space<vmem>>, vector<384x384xbf16>
    %dot_general3A_91 = arith.constant dense<0.000000e+00> : vector<384x512xf32>
    %dot_general3A_92 = tpu.matmul %get3A_90, %convert_element_type3A_67, %dot_general3A_91 {dimension_numbers = #tpu.dot_dimension_numbers<[1], [1], [0], [0], [0, 0, 1, 0], [], []>, transpose_lhs_hint = false} : vector<384x384xbf16>, vector<512x384xbf16>, vector<384x512xf32> -> vector<384x512xf32>
    %get3A_93 = arith.constant 0 : index
    %get3A_94 = arith.constant 2 : index
    %get3A_95 = vector.load %arg7[%get3A_93, %get3A_94] : memref<384x8xf32, #tpu.memory_space<vmem>>, vector<384x1xf32>
    %add3A_96 = vector.broadcast %get3A_95 : vector<384x1xf32> to vector<384x512xf32>
    %add3A_97 = arith.addf %dot_general3A_92, %add3A_96 : vector<384x512xf32>
    %slice3A = vector.extract_strided_slice %add3A_77 {offsets = [0, 0], sizes = [32, 512], strides = [1, 1]} : vector<384x512xf32> to vector<32x512xf32>
    %slice3A_98 = vector.extract_strided_slice %add3A_87 {offsets = [0, 0], sizes = [32, 512], strides = [1, 1]} : vector<384x512xf32> to vector<32x512xf32>
    %mul3A_99 = arith.mulf %slice3A, %slice3A_98 : vector<32x512xf32>
    %reduce_sum3A_100 = arith.constant dense<0.000000e+00> : vector<512xf32>
    %reduce_sum3A_101 = vector.multi_reduction <add>, %mul3A_99, %reduce_sum3A_100 [0] : vector<32x512xf32> to vector<512xf32>
    %broadcast_in_dim3A_102 = vector.shape_cast %reduce_sum3A_101 : vector<512xf32> to vector<1x512xf32>
    %slice3A_103 = vector.extract_strided_slice %add3A_87 {offsets = [32, 0], sizes = [32, 512], strides = [1, 1]} : vector<384x512xf32> to vector<32x512xf32>
    %mul3A_104 = arith.mulf %slice3A, %slice3A_103 : vector<32x512xf32>
    %reduce_sum3A_105 = arith.constant dense<0.000000e+00> : vector<512xf32>
    %reduce_sum3A_106 = vector.multi_reduction <add>, %mul3A_104, %reduce_sum3A_105 [0] : vector<32x512xf32> to vector<512xf32>
    %broadcast_in_dim3A_107 = vector.shape_cast %reduce_sum3A_106 : vector<512xf32> to vector<1x512xf32>
    %slice3A_108 = vector.extract_strided_slice %add3A_87 {offsets = [64, 0], sizes = [32, 512], strides = [1, 1]} : vector<384x512xf32> to vector<32x512xf32>
    %mul3A_109 = arith.mulf %slice3A, %slice3A_108 : vector<32x512xf32>
    %reduce_sum3A_110 = arith.constant dense<0.000000e+00> : vector<512xf32>
    %reduce_sum3A_111 = vector.multi_reduction <add>, %mul3A_109, %reduce_sum3A_110 [0] : vector<32x512xf32> to vector<512xf32>
    %broadcast_in_dim3A_112 = vector.shape_cast %reduce_sum3A_111 : vector<512xf32> to vector<1x512xf32>
    %slice3A_113 = vector.extract_strided_slice %add3A_87 {offsets = [96, 0], sizes = [32, 512], strides = [1, 1]} : vector<384x512xf32> to vector<32x512xf32>
    %mul3A_114 = arith.mulf %slice3A, %slice3A_113 : vector<32x512xf32>
    %reduce_sum3A_115 = arith.constant dense<0.000000e+00> : vector<512xf32>
    %reduce_sum3A_116 = vector.multi_reduction <add>, %mul3A_114, %reduce_sum3A_115 [0] : vector<32x512xf32> to vector<512xf32>
    %broadcast_in_dim3A_117 = vector.shape_cast %reduce_sum3A_116 : vector<512xf32> to vector<1x512xf32>
    %slice3A_118 = vector.extract_strided_slice %add3A_87 {offsets = [128, 0], sizes = [32, 512], strides = [1, 1]} : vector<384x512xf32> to vector<32x512xf32>
    %mul3A_119 = arith.mulf %slice3A, %slice3A_118 : vector<32x512xf32>
    %reduce_sum3A_120 = arith.constant dense<0.000000e+00> : vector<512xf32>
    %reduce_sum3A_121 = vector.multi_reduction <add>, %mul3A_119, %reduce_sum3A_120 [0] : vector<32x512xf32> to vector<512xf32>
    %broadcast_in_dim3A_122 = vector.shape_cast %reduce_sum3A_121 : vector<512xf32> to vector<1x512xf32>
    %slice3A_123 = vector.extract_strided_slice %add3A_87 {offsets = [160, 0], sizes = [32, 512], strides = [1, 1]} : vector<384x512xf32> to vector<32x512xf32>
    %mul3A_124 = arith.mulf %slice3A, %slice3A_123 : vector<32x512xf32>
    %reduce_sum3A_125 = arith.constant dense<0.000000e+00> : vector<512xf32>
    %reduce_sum3A_126 = vector.multi_reduction <add>, %mul3A_124, %reduce_sum3A_125 [0] : vector<32x512xf32> to vector<512xf32>
    %broadcast_in_dim3A_127 = vector.shape_cast %reduce_sum3A_126 : vector<512xf32> to vector<1x512xf32>
    %slice3A_128 = vector.extract_strided_slice %add3A_87 {offsets = [192, 0], sizes = [32, 512], strides = [1, 1]} : vector<384x512xf32> to vector<32x512xf32>
    %mul3A_129 = arith.mulf %slice3A, %slice3A_128 : vector<32x512xf32>
    %reduce_sum3A_130 = arith.constant dense<0.000000e+00> : vector<512xf32>
    %reduce_sum3A_131 = vector.multi_reduction <add>, %mul3A_129, %reduce_sum3A_130 [0] : vector<32x512xf32> to vector<512xf32>
    %broadcast_in_dim3A_132 = vector.shape_cast %reduce_sum3A_131 : vector<512xf32> to vector<1x512xf32>
    %slice3A_133 = vector.extract_strided_slice %add3A_87 {offsets = [224, 0], sizes = [32, 512], strides = [1, 1]} : vector<384x512xf32> to vector<32x512xf32>
    %mul3A_134 = arith.mulf %slice3A, %slice3A_133 : vector<32x512xf32>
    %reduce_sum3A_135 = arith.constant dense<0.000000e+00> : vector<512xf32>
    %reduce_sum3A_136 = vector.multi_reduction <add>, %mul3A_134, %reduce_sum3A_135 [0] : vector<32x512xf32> to vector<512xf32>
    %broadcast_in_dim3A_137 = vector.shape_cast %reduce_sum3A_136 : vector<512xf32> to vector<1x512xf32>
    %slice3A_138 = vector.extract_strided_slice %add3A_87 {offsets = [256, 0], sizes = [32, 512], strides = [1, 1]} : vector<384x512xf32> to vector<32x512xf32>
    %mul3A_139 = arith.mulf %slice3A, %slice3A_138 : vector<32x512xf32>
    %reduce_sum3A_140 = arith.constant dense<0.000000e+00> : vector<512xf32>
    %reduce_sum3A_141 = vector.multi_reduction <add>, %mul3A_139, %reduce_sum3A_140 [0] : vector<32x512xf32> to vector<512xf32>
    %broadcast_in_dim3A_142 = vector.shape_cast %reduce_sum3A_141 : vector<512xf32> to vector<1x512xf32>
    %slice3A_143 = vector.extract_strided_slice %add3A_87 {offsets = [288, 0], sizes = [32, 512], strides = [1, 1]} : vector<384x512xf32> to vector<32x512xf32>
    %mul3A_144 = arith.mulf %slice3A, %slice3A_143 : vector<32x512xf32>
    %reduce_sum3A_145 = arith.constant dense<0.000000e+00> : vector<512xf32>
    %reduce_sum3A_146 = vector.multi_reduction <add>, %mul3A_144, %reduce_sum3A_145 [0] : vector<32x512xf32> to vector<512xf32>
    %broadcast_in_dim3A_147 = vector.shape_cast %reduce_sum3A_146 : vector<512xf32> to vector<1x512xf32>
    %slice3A_148 = vector.extract_strided_slice %add3A_87 {offsets = [320, 0], sizes = [32, 512], strides = [1, 1]} : vector<384x512xf32> to vector<32x512xf32>
    %mul3A_149 = arith.mulf %slice3A, %slice3A_148 : vector<32x512xf32>
    %reduce_sum3A_150 = arith.constant dense<0.000000e+00> : vector<512xf32>
    %reduce_sum3A_151 = vector.multi_reduction <add>, %mul3A_149, %reduce_sum3A_150 [0] : vector<32x512xf32> to vector<512xf32>
    %broadcast_in_dim3A_152 = vector.shape_cast %reduce_sum3A_151 : vector<512xf32> to vector<1x512xf32>
    %slice3A_153 = vector.extract_strided_slice %add3A_87 {offsets = [352, 0], sizes = [32, 512], strides = [1, 1]} : vector<384x512xf32> to vector<32x512xf32>
    %mul3A_154 = arith.mulf %slice3A, %slice3A_153 : vector<32x512xf32>
    %reduce_sum3A_155 = arith.constant dense<0.000000e+00> : vector<512xf32>
    %reduce_sum3A_156 = vector.multi_reduction <add>, %mul3A_154, %reduce_sum3A_155 [0] : vector<32x512xf32> to vector<512xf32>
    %broadcast_in_dim3A_157 = vector.shape_cast %reduce_sum3A_156 : vector<512xf32> to vector<1x512xf32>
    %concatenate3A = tpu.concatenate %broadcast_in_dim3A_102, %broadcast_in_dim3A_107, %broadcast_in_dim3A_112, %broadcast_in_dim3A_117, %broadcast_in_dim3A_122, %broadcast_in_dim3A_127, %broadcast_in_dim3A_132, %broadcast_in_dim3A_137, %broadcast_in_dim3A_142, %broadcast_in_dim3A_147, %broadcast_in_dim3A_152, %broadcast_in_dim3A_157 in 0 : vector<1x512xf32>, vector<1x512xf32>, vector<1x512xf32>, vector<1x512xf32>, vector<1x512xf32>, vector<1x512xf32>, vector<1x512xf32>, vector<1x512xf32>, vector<1x512xf32>, vector<1x512xf32>, vector<1x512xf32>, vector<1x512xf32> -> vector<12x512xf32>
    %mul3A_158 = vector.broadcast %get3A_1 : vector<1x1xf32> to vector<12x512xf32>
    %mul3A_159 = arith.mulf %concatenate3A, %mul3A_158 : vector<12x512xf32>
    %get3A_160 = arith.constant 0 : index
    %get3A_161 = arith.constant 0 : index
    %get3A_162 = vector.load %arg10[%get3A_160, %get3A_161] : memref<16x128xf32, #tpu.memory_space<vmem>>, vector<12x1xf32>
    %add3A_163 = vector.broadcast %get3A_162 : vector<12x1xf32> to vector<12x512xf32>
    %add3A_164 = arith.addf %mul3A_159, %add3A_163 : vector<12x512xf32>
    %reduce_max3A = arith.constant dense<0xFF800000> : vector<512xf32>
    %reduce_max3A_165 = vector.multi_reduction <maximumf>, %add3A_164, %reduce_max3A [0] : vector<12x512xf32> to vector<512xf32>
    %broadcast_in_dim3A_166 = vector.shape_cast %reduce_max3A_165 : vector<512xf32> to vector<1x512xf32>
    %sub3A_167 = vector.broadcast %broadcast_in_dim3A_166 : vector<1x512xf32> to vector<12x512xf32>
    %sub3A_168 = arith.subf %add3A_164, %sub3A_167 : vector<12x512xf32>
    %exp3A = math.exp %sub3A_168 : vector<12x512xf32>
    %reduce_sum3A_169 = arith.constant dense<0.000000e+00> : vector<512xf32>
    %reduce_sum3A_170 = vector.multi_reduction <add>, %exp3A, %reduce_sum3A_169 [0] : vector<12x512xf32> to vector<512xf32>
    %broadcast_in_dim3A_171 = vector.shape_cast %reduce_sum3A_170 : vector<512xf32> to vector<1x512xf32>
    %div3A_172 = arith.constant 1.000000e+00 : f32
    %div3A_173 = vector.broadcast %div3A_172 : f32 to vector<1x512xf32>
    %div3A_174 = arith.divf %div3A_173, %broadcast_in_dim3A_171 : vector<1x512xf32>
    %slice3A_175 = vector.extract_strided_slice %exp3A {offsets = [0, 0], sizes = [1, 512], strides = [1, 1]} : vector<12x512xf32> to vector<1x512xf32>
    %slice3A_176 = vector.extract_strided_slice %add3A_97 {offsets = [0, 0], sizes = [32, 512], strides = [1, 1]} : vector<384x512xf32> to vector<32x512xf32>
    %mul3A_177 = vector.broadcast %slice3A_175 : vector<1x512xf32> to vector<32x512xf32>
    %mul3A_178 = arith.mulf %mul3A_177, %slice3A_176 : vector<32x512xf32>
    %slice3A_179 = vector.extract_strided_slice %exp3A {offsets = [1, 0], sizes = [1, 512], strides = [1, 1]} : vector<12x512xf32> to vector<1x512xf32>
    %slice3A_180 = vector.extract_strided_slice %add3A_97 {offsets = [32, 0], sizes = [32, 512], strides = [1, 1]} : vector<384x512xf32> to vector<32x512xf32>
    %mul3A_181 = vector.broadcast %slice3A_179 : vector<1x512xf32> to vector<32x512xf32>
    %mul3A_182 = arith.mulf %mul3A_181, %slice3A_180 : vector<32x512xf32>
    %add3A_183 = arith.addf %mul3A_178, %mul3A_182 : vector<32x512xf32>
    %slice3A_184 = vector.extract_strided_slice %exp3A {offsets = [2, 0], sizes = [1, 512], strides = [1, 1]} : vector<12x512xf32> to vector<1x512xf32>
    %slice3A_185 = vector.extract_strided_slice %add3A_97 {offsets = [64, 0], sizes = [32, 512], strides = [1, 1]} : vector<384x512xf32> to vector<32x512xf32>
    %mul3A_186 = vector.broadcast %slice3A_184 : vector<1x512xf32> to vector<32x512xf32>
    %mul3A_187 = arith.mulf %mul3A_186, %slice3A_185 : vector<32x512xf32>
    %add3A_188 = arith.addf %add3A_183, %mul3A_187 : vector<32x512xf32>
    %slice3A_189 = vector.extract_strided_slice %exp3A {offsets = [3, 0], sizes = [1, 512], strides = [1, 1]} : vector<12x512xf32> to vector<1x512xf32>
    %slice3A_190 = vector.extract_strided_slice %add3A_97 {offsets = [96, 0], sizes = [32, 512], strides = [1, 1]} : vector<384x512xf32> to vector<32x512xf32>
    %mul3A_191 = vector.broadcast %slice3A_189 : vector<1x512xf32> to vector<32x512xf32>
    %mul3A_192 = arith.mulf %mul3A_191, %slice3A_190 : vector<32x512xf32>
    %add3A_193 = arith.addf %add3A_188, %mul3A_192 : vector<32x512xf32>
    %slice3A_194 = vector.extract_strided_slice %exp3A {offsets = [4, 0], sizes = [1, 512], strides = [1, 1]} : vector<12x512xf32> to vector<1x512xf32>
    %slice3A_195 = vector.extract_strided_slice %add3A_97 {offsets = [128, 0], sizes = [32, 512], strides = [1, 1]} : vector<384x512xf32> to vector<32x512xf32>
    %mul3A_196 = vector.broadcast %slice3A_194 : vector<1x512xf32> to vector<32x512xf32>
    %mul3A_197 = arith.mulf %mul3A_196, %slice3A_195 : vector<32x512xf32>
    %add3A_198 = arith.addf %add3A_193, %mul3A_197 : vector<32x512xf32>
    %slice3A_199 = vector.extract_strided_slice %exp3A {offsets = [5, 0], sizes = [1, 512], strides = [1, 1]} : vector<12x512xf32> to vector<1x512xf32>
    %slice3A_200 = vector.extract_strided_slice %add3A_97 {offsets = [160, 0], sizes = [32, 512], strides = [1, 1]} : vector<384x512xf32> to vector<32x512xf32>
    %mul3A_201 = vector.broadcast %slice3A_199 : vector<1x512xf32> to vector<32x512xf32>
    %mul3A_202 = arith.mulf %mul3A_201, %slice3A_200 : vector<32x512xf32>
    %add3A_203 = arith.addf %add3A_198, %mul3A_202 : vector<32x512xf32>
    %slice3A_204 = vector.extract_strided_slice %exp3A {offsets = [6, 0], sizes = [1, 512], strides = [1, 1]} : vector<12x512xf32> to vector<1x512xf32>
    %slice3A_205 = vector.extract_strided_slice %add3A_97 {offsets = [192, 0], sizes = [32, 512], strides = [1, 1]} : vector<384x512xf32> to vector<32x512xf32>
    %mul3A_206 = vector.broadcast %slice3A_204 : vector<1x512xf32> to vector<32x512xf32>
    %mul3A_207 = arith.mulf %mul3A_206, %slice3A_205 : vector<32x512xf32>
    %add3A_208 = arith.addf %add3A_203, %mul3A_207 : vector<32x512xf32>
    %slice3A_209 = vector.extract_strided_slice %exp3A {offsets = [7, 0], sizes = [1, 512], strides = [1, 1]} : vector<12x512xf32> to vector<1x512xf32>
    %slice3A_210 = vector.extract_strided_slice %add3A_97 {offsets = [224, 0], sizes = [32, 512], strides = [1, 1]} : vector<384x512xf32> to vector<32x512xf32>
    %mul3A_211 = vector.broadcast %slice3A_209 : vector<1x512xf32> to vector<32x512xf32>
    %mul3A_212 = arith.mulf %mul3A_211, %slice3A_210 : vector<32x512xf32>
    %add3A_213 = arith.addf %add3A_208, %mul3A_212 : vector<32x512xf32>
    %slice3A_214 = vector.extract_strided_slice %exp3A {offsets = [8, 0], sizes = [1, 512], strides = [1, 1]} : vector<12x512xf32> to vector<1x512xf32>
    %slice3A_215 = vector.extract_strided_slice %add3A_97 {offsets = [256, 0], sizes = [32, 512], strides = [1, 1]} : vector<384x512xf32> to vector<32x512xf32>
    %mul3A_216 = vector.broadcast %slice3A_214 : vector<1x512xf32> to vector<32x512xf32>
    %mul3A_217 = arith.mulf %mul3A_216, %slice3A_215 : vector<32x512xf32>
    %add3A_218 = arith.addf %add3A_213, %mul3A_217 : vector<32x512xf32>
    %slice3A_219 = vector.extract_strided_slice %exp3A {offsets = [9, 0], sizes = [1, 512], strides = [1, 1]} : vector<12x512xf32> to vector<1x512xf32>
    %slice3A_220 = vector.extract_strided_slice %add3A_97 {offsets = [288, 0], sizes = [32, 512], strides = [1, 1]} : vector<384x512xf32> to vector<32x512xf32>
    %mul3A_221 = vector.broadcast %slice3A_219 : vector<1x512xf32> to vector<32x512xf32>
    %mul3A_222 = arith.mulf %mul3A_221, %slice3A_220 : vector<32x512xf32>
    %add3A_223 = arith.addf %add3A_218, %mul3A_222 : vector<32x512xf32>
    %slice3A_224 = vector.extract_strided_slice %exp3A {offsets = [10, 0], sizes = [1, 512], strides = [1, 1]} : vector<12x512xf32> to vector<1x512xf32>
    %slice3A_225 = vector.extract_strided_slice %add3A_97 {offsets = [320, 0], sizes = [32, 512], strides = [1, 1]} : vector<384x512xf32> to vector<32x512xf32>
    %mul3A_226 = vector.broadcast %slice3A_224 : vector<1x512xf32> to vector<32x512xf32>
    %mul3A_227 = arith.mulf %mul3A_226, %slice3A_225 : vector<32x512xf32>
    %add3A_228 = arith.addf %add3A_223, %mul3A_227 : vector<32x512xf32>
    %slice3A_229 = vector.extract_strided_slice %exp3A {offsets = [11, 0], sizes = [1, 512], strides = [1, 1]} : vector<12x512xf32> to vector<1x512xf32>
    %slice3A_230 = vector.extract_strided_slice %add3A_97 {offsets = [352, 0], sizes = [32, 512], strides = [1, 1]} : vector<384x512xf32> to vector<32x512xf32>
    %mul3A_231 = vector.broadcast %slice3A_229 : vector<1x512xf32> to vector<32x512xf32>
    %mul3A_232 = arith.mulf %mul3A_231, %slice3A_230 : vector<32x512xf32>
    %add3A_233 = arith.addf %add3A_228, %mul3A_232 : vector<32x512xf32>
    %mul3A_234 = vector.broadcast %div3A_174 : vector<1x512xf32> to vector<32x512xf32>
    %mul3A_235 = arith.mulf %add3A_233, %mul3A_234 : vector<32x512xf32>
    %swap3A_236 = arith.constant 0 : index
    %swap3A_237 = arith.constant 0 : index
    %swap3A_238 = vector.load %arg14[%swap3A_236, %swap3A_237] : memref<384x512xf32, #tpu.memory_space<vmem>>, vector<32x512xf32>
    tpu.vector_store %arg14[%swap3A_236, %swap3A_237], %mul3A_235 {strides = array<i32>} : memref<384x512xf32, #tpu.memory_space<vmem>>, vector<32x512xf32>,
    %slice3A_239 = vector.extract_strided_slice %add3A_77 {offsets = [32, 0], sizes = [32, 512], strides = [1, 1]} : vector<384x512xf32> to vector<32x512xf32>
    %slice3A_240 = vector.extract_strided_slice %add3A_87 {offsets = [0, 0], sizes = [32, 512], strides = [1, 1]} : vector<384x512xf32> to vector<32x512xf32>
    %mul3A_241 = arith.mulf %slice3A_239, %slice3A_240 : vector<32x512xf32>
    %reduce_sum3A_242 = arith.constant dense<0.000000e+00> : vector<512xf32>
    %reduce_sum3A_243 = vector.multi_reduction <add>, %mul3A_241, %reduce_sum3A_242 [0] : vector<32x512xf32> to vector<512xf32>
    %broadcast_in_dim3A_244 = vector.shape_cast %reduce_sum3A_243 : vector<512xf32> to vector<1x512xf32>
    %slice3A_245 = vector.extract_strided_slice %add3A_87 {offsets = [32, 0], sizes = [32, 512], strides = [1, 1]} : vector<384x512xf32> to vector<32x512xf32>
    %mul3A_246 = arith.mulf %slice3A_239, %slice3A_245 : vector<32x512xf32>
    %reduce_sum3A_247 = arith.constant dense<0.000000e+00> : vector<512xf32>
    %reduce_sum3A_248 = vector.multi_reduction <add>, %mul3A_246, %reduce_sum3A_247 [0] : vector<32x512xf32> to vector<512xf32>
    %broadcast_in_dim3A_249 = vector.shape_cast %reduce_sum3A_248 : vector<512xf32> to vector<1x512xf32>
    %slice3A_250 = vector.extract_strided_slice %add3A_87 {offsets = [64, 0], sizes = [32, 512], strides = [1, 1]} : vector<384x512xf32> to vector<32x512xf32>
    %mul3A_251 = arith.mulf %slice3A_239, %slice3A_250 : vector<32x512xf32>
    %reduce_sum3A_252 = arith.constant dense<0.000000e+00> : vector<512xf32>
    %reduce_sum3A_253 = vector.multi_reduction <add>, %mul3A_251, %reduce_sum3A_252 [0] : vector<32x512xf32> to vector<512xf32>
    %broadcast_in_dim3A_254 = vector.shape_cast %reduce_sum3A_253 : vector<512xf32> to vector<1x512xf32>
    %slice3A_255 = vector.extract_strided_slice %add3A_87 {offsets = [96, 0], sizes = [32, 512], strides = [1, 1]} : vector<384x512xf32> to vector<32x512xf32>
    %mul3A_256 = arith.mulf %slice3A_239, %slice3A_255 : vector<32x512xf32>
    %reduce_sum3A_257 = arith.constant dense<0.000000e+00> : vector<512xf32>
    %reduce_sum3A_258 = vector.multi_reduction <add>, %mul3A_256, %reduce_sum3A_257 [0] : vector<32x512xf32> to vector<512xf32>
    %broadcast_in_dim3A_259 = vector.shape_cast %reduce_sum3A_258 : vector<512xf32> to vector<1x512xf32>
    %slice3A_260 = vector.extract_strided_slice %add3A_87 {offsets = [128, 0], sizes = [32, 512], strides = [1, 1]} : vector<384x512xf32> to vector<32x512xf32>
    %mul3A_261 = arith.mulf %slice3A_239, %slice3A_260 : vector<32x512xf32>
    %reduce_sum3A_262 = arith.constant dense<0.000000e+00> : vector<512xf32>
    %reduce_sum3A_263 = vector.multi_reduction <add>, %mul3A_261, %reduce_sum3A_262 [0] : vector<32x512xf32> to vector<512xf32>
    %broadcast_in_dim3A_264 = vector.shape_cast %reduce_sum3A_263 : vector<512xf32> to vector<1x512xf32>
    %slice3A_265 = vector.extract_strided_slice %add3A_87 {offsets = [160, 0], sizes = [32, 512], strides = [1, 1]} : vector<384x512xf32> to vector<32x512xf32>
    %mul3A_266 = arith.mulf %slice3A_239, %slice3A_265 : vector<32x512xf32>
    %reduce_sum3A_267 = arith.constant dense<0.000000e+00> : vector<512xf32>
    %reduce_sum3A_268 = vector.multi_reduction <add>, %mul3A_266, %reduce_sum3A_267 [0] : vector<32x512xf32> to vector<512xf32>
    %broadcast_in_dim3A_269 = vector.shape_cast %reduce_sum3A_268 : vector<512xf32> to vector<1x512xf32>
    %slice3A_270 = vector.extract_strided_slice %add3A_87 {offsets = [192, 0], sizes = [32, 512], strides = [1, 1]} : vector<384x512xf32> to vector<32x512xf32>
    %mul3A_271 = arith.mulf %slice3A_239, %slice3A_270 : vector<32x512xf32>
    %reduce_sum3A_272 = arith.constant dense<0.000000e+00> : vector<512xf32>
    %reduce_sum3A_273 = vector.multi_reduction <add>, %mul3A_271, %reduce_sum3A_272 [0] : vector<32x512xf32> to vector<512xf32>
    %broadcast_in_dim3A_274 = vector.shape_cast %reduce_sum3A_273 : vector<512xf32> to vector<1x512xf32>
    %slice3A_275 = vector.extract_strided_slice %add3A_87 {offsets = [224, 0], sizes = [32, 512], strides = [1, 1]} : vector<384x512xf32> to vector<32x512xf32>
    %mul3A_276 = arith.mulf %slice3A_239, %slice3A_275 : vector<32x512xf32>
    %reduce_sum3A_277 = arith.constant dense<0.000000e+00> : vector<512xf32>
    %reduce_sum3A_278 = vector.multi_reduction <add>, %mul3A_276, %reduce_sum3A_277 [0] : vector<32x512xf32> to vector<512xf32>
    %broadcast_in_dim3A_279 = vector.shape_cast %reduce_sum3A_278 : vector<512xf32> to vector<1x512xf32>
    %slice3A_280 = vector.extract_strided_slice %add3A_87 {offsets = [256, 0], sizes = [32, 512], strides = [1, 1]} : vector<384x512xf32> to vector<32x512xf32>
    %mul3A_281 = arith.mulf %slice3A_239, %slice3A_280 : vector<32x512xf32>
    %reduce_sum3A_282 = arith.constant dense<0.000000e+00> : vector<512xf32>
    %reduce_sum3A_283 = vector.multi_reduction <add>, %mul3A_281, %reduce_sum3A_282 [0] : vector<32x512xf32> to vector<512xf32>
    %broadcast_in_dim3A_284 = vector.shape_cast %reduce_sum3A_283 : vector<512xf32> to vector<1x512xf32>
    %slice3A_285 = vector.extract_strided_slice %add3A_87 {offsets = [288, 0], sizes = [32, 512], strides = [1, 1]} : vector<384x512xf32> to vector<32x512xf32>
    %mul3A_286 = arith.mulf %slice3A_239, %slice3A_285 : vector<32x512xf32>
    %reduce_sum3A_287 = arith.constant dense<0.000000e+00> : vector<512xf32>
    %reduce_sum3A_288 = vector.multi_reduction <add>, %mul3A_286, %reduce_sum3A_287 [0] : vector<32x512xf32> to vector<512xf32>
    %broadcast_in_dim3A_289 = vector.shape_cast %reduce_sum3A_288 : vector<512xf32> to vector<1x512xf32>
    %slice3A_290 = vector.extract_strided_slice %add3A_87 {offsets = [320, 0], sizes = [32, 512], strides = [1, 1]} : vector<384x512xf32> to vector<32x512xf32>
    %mul3A_291 = arith.mulf %slice3A_239, %slice3A_290 : vector<32x512xf32>
    %reduce_sum3A_292 = arith.constant dense<0.000000e+00> : vector<512xf32>
    %reduce_sum3A_293 = vector.multi_reduction <add>, %mul3A_291, %reduce_sum3A_292 [0] : vector<32x512xf32> to vector<512xf32>
    %broadcast_in_dim3A_294 = vector.shape_cast %reduce_sum3A_293 : vector<512xf32> to vector<1x512xf32>
    %slice3A_295 = vector.extract_strided_slice %add3A_87 {offsets = [352, 0], sizes = [32, 512], strides = [1, 1]} : vector<384x512xf32> to vector<32x512xf32>
    %mul3A_296 = arith.mulf %slice3A_239, %slice3A_295 : vector<32x512xf32>
    %reduce_sum3A_297 = arith.constant dense<0.000000e+00> : vector<512xf32>
    %reduce_sum3A_298 = vector.multi_reduction <add>, %mul3A_296, %reduce_sum3A_297 [0] : vector<32x512xf32> to vector<512xf32>
    %broadcast_in_dim3A_299 = vector.shape_cast %reduce_sum3A_298 : vector<512xf32> to vector<1x512xf32>
    %concatenate3A_300 = tpu.concatenate %broadcast_in_dim3A_244, %broadcast_in_dim3A_249, %broadcast_in_dim3A_254, %broadcast_in_dim3A_259, %broadcast_in_dim3A_264, %broadcast_in_dim3A_269, %broadcast_in_dim3A_274, %broadcast_in_dim3A_279, %broadcast_in_dim3A_284, %broadcast_in_dim3A_289, %broadcast_in_dim3A_294, %broadcast_in_dim3A_299 in 0 : vector<1x512xf32>, vector<1x512xf32>, vector<1x512xf32>, vector<1x512xf32>, vector<1x512xf32>, vector<1x512xf32>, vector<1x512xf32>, vector<1x512xf32>, vector<1x512xf32>, vector<1x512xf32>, vector<1x512xf32>, vector<1x512xf32> -> vector<12x512xf32>
    %mul3A_301 = vector.broadcast %get3A_1 : vector<1x1xf32> to vector<12x512xf32>
    %mul3A_302 = arith.mulf %concatenate3A_300, %mul3A_301 : vector<12x512xf32>
    %get3A_303 = arith.constant 0 : index
    %get3A_304 = arith.constant 1 : index
    %get3A_305 = vector.load %arg10[%get3A_303, %get3A_304] : memref<16x128xf32, #tpu.memory_space<vmem>>, vector<12x1xf32>
    %add3A_306 = vector.broadcast %get3A_305 : vector<12x1xf32> to vector<12x512xf32>
    %add3A_307 = arith.addf %mul3A_302, %add3A_306 : vector<12x512xf32>
    %reduce_max3A_308 = arith.constant dense<0xFF800000> : vector<512xf32>
    %reduce_max3A_309 = vector.multi_reduction <maximumf>, %add3A_307, %reduce_max3A_308 [0] : vector<12x512xf32> to vector<512xf32>
    %broadcast_in_dim3A_310 = vector.shape_cast %reduce_max3A_309 : vector<512xf32> to vector<1x512xf32>
    %sub3A_311 = vector.broadcast %broadcast_in_dim3A_310 : vector<1x512xf32> to vector<12x512xf32>
    %sub3A_312 = arith.subf %add3A_307, %sub3A_311 : vector<12x512xf32>
    %exp3A_313 = math.exp %sub3A_312 : vector<12x512xf32>
    %reduce_sum3A_314 = arith.constant dense<0.000000e+00> : vector<512xf32>
    %reduce_sum3A_315 = vector.multi_reduction <add>, %exp3A_313, %reduce_sum3A_314 [0] : vector<12x512xf32> to vector<512xf32>
    %broadcast_in_dim3A_316 = vector.shape_cast %reduce_sum3A_315 : vector<512xf32> to vector<1x512xf32>
    %div3A_317 = arith.constant 1.000000e+00 : f32
    %div3A_318 = vector.broadcast %div3A_317 : f32 to vector<1x512xf32>
    %div3A_319 = arith.divf %div3A_318, %broadcast_in_dim3A_316 : vector<1x512xf32>
    %slice3A_320 = vector.extract_strided_slice %exp3A_313 {offsets = [0, 0], sizes = [1, 512], strides = [1, 1]} : vector<12x512xf32> to vector<1x512xf32>
    %slice3A_321 = vector.extract_strided_slice %add3A_97 {offsets = [0, 0], sizes = [32, 512], strides = [1, 1]} : vector<384x512xf32> to vector<32x512xf32>
    %mul3A_322 = vector.broadcast %slice3A_320 : vector<1x512xf32> to vector<32x512xf32>
    %mul3A_323 = arith.mulf %mul3A_322, %slice3A_321 : vector<32x512xf32>
    %slice3A_324 = vector.extract_strided_slice %exp3A_313 {offsets = [1, 0], sizes = [1, 512], strides = [1, 1]} : vector<12x512xf32> to vector<1x512xf32>
    %slice3A_325 = vector.extract_strided_slice %add3A_97 {offsets = [32, 0], sizes = [32, 512], strides = [1, 1]} : vector<384x512xf32> to vector<32x512xf32>
    %mul3A_326 = vector.broadcast %slice3A_324 : vector<1x512xf32> to vector<32x512xf32>
    %mul3A_327 = arith.mulf %mul3A_326, %slice3A_325 : vector<32x512xf32>
    %add3A_328 = arith.addf %mul3A_323, %mul3A_327 : vector<32x512xf32>
    %slice3A_329 = vector.extract_strided_slice %exp3A_313 {offsets = [2, 0], sizes = [1, 512], strides = [1, 1]} : vector<12x512xf32> to vector<1x512xf32>
    %slice3A_330 = vector.extract_strided_slice %add3A_97 {offsets = [64, 0], sizes = [32, 512], strides = [1, 1]} : vector<384x512xf32> to vector<32x512xf32>
    %mul3A_331 = vector.broadcast %slice3A_329 : vector<1x512xf32> to vector<32x512xf32>
    %mul3A_332 = arith.mulf %mul3A_331, %slice3A_330 : vector<32x512xf32>
    %add3A_333 = arith.addf %add3A_328, %mul3A_332 : vector<32x512xf32>
    %slice3A_334 = vector.extract_strided_slice %exp3A_313 {offsets = [3, 0], sizes = [1, 512], strides = [1, 1]} : vector<12x512xf32> to vector<1x512xf32>
    %slice3A_335 = vector.extract_strided_slice %add3A_97 {offsets = [96, 0], sizes = [32, 512], strides = [1, 1]} : vector<384x512xf32> to vector<32x512xf32>
    %mul3A_336 = vector.broadcast %slice3A_334 : vector<1x512xf32> to vector<32x512xf32>
    %mul3A_337 = arith.mulf %mul3A_336, %slice3A_335 : vector<32x512xf32>
    %add3A_338 = arith.addf %add3A_333, %mul3A_337 : vector<32x512xf32>
    %slice3A_339 = vector.extract_strided_slice %exp3A_313 {offsets = [4, 0], sizes = [1, 512], strides = [1, 1]} : vector<12x512xf32> to vector<1x512xf32>
    %slice3A_340 = vector.extract_strided_slice %add3A_97 {offsets = [128, 0], sizes = [32, 512], strides = [1, 1]} : vector<384x512xf32> to vector<32x512xf32>
    %mul3A_341 = vector.broadcast %slice3A_339 : vector<1x512xf32> to vector<32x512xf32>
    %mul3A_342 = arith.mulf %mul3A_341, %slice3A_340 : vector<32x512xf32>
    %add3A_343 = arith.addf %add3A_338, %mul3A_342 : vector<32x512xf32>
    %slice3A_344 = vector.extract_strided_slice %exp3A_313 {offsets = [5, 0], sizes = [1, 512], strides = [1, 1]} : vector<12x512xf32> to vector<1x512xf32>
    %slice3A_345 = vector.extract_strided_slice %add3A_97 {offsets = [160, 0], sizes = [32, 512], strides = [1, 1]} : vector<384x512xf32> to vector<32x512xf32>
    %mul3A_346 = vector.broadcast %slice3A_344 : vector<1x512xf32> to vector<32x512xf32>
    %mul3A_347 = arith.mulf %mul3A_346, %slice3A_345 : vector<32x512xf32>
    %add3A_348 = arith.addf %add3A_343, %mul3A_347 : vector<32x512xf32>
    %slice3A_349 = vector.extract_strided_slice %exp3A_313 {offsets = [6, 0], sizes = [1, 512], strides = [1, 1]} : vector<12x512xf32> to vector<1x512xf32>
    %slice3A_350 = vector.extract_strided_slice %add3A_97 {offsets = [192, 0], sizes = [32, 512], strides = [1, 1]} : vector<384x512xf32> to vector<32x512xf32>
    %mul3A_351 = vector.broadcast %slice3A_349 : vector<1x512xf32> to vector<32x512xf32>
    %mul3A_352 = arith.mulf %mul3A_351, %slice3A_350 : vector<32x512xf32>
    %add3A_353 = arith.addf %add3A_348, %mul3A_352 : vector<32x512xf32>
    %slice3A_354 = vector.extract_strided_slice %exp3A_313 {offsets = [7, 0], sizes = [1, 512], strides = [1, 1]} : vector<12x512xf32> to vector<1x512xf32>
    %slice3A_355 = vector.extract_strided_slice %add3A_97 {offsets = [224, 0], sizes = [32, 512], strides = [1, 1]} : vector<384x512xf32> to vector<32x512xf32>
    %mul3A_356 = vector.broadcast %slice3A_354 : vector<1x512xf32> to vector<32x512xf32>
    %mul3A_357 = arith.mulf %mul3A_356, %slice3A_355 : vector<32x512xf32>
    %add3A_358 = arith.addf %add3A_353, %mul3A_357 : vector<32x512xf32>
    %slice3A_359 = vector.extract_strided_slice %exp3A_313 {offsets = [8, 0], sizes = [1, 512], strides = [1, 1]} : vector<12x512xf32> to vector<1x512xf32>
    %slice3A_360 = vector.extract_strided_slice %add3A_97 {offsets = [256, 0], sizes = [32, 512], strides = [1, 1]} : vector<384x512xf32> to vector<32x512xf32>
    %mul3A_361 = vector.broadcast %slice3A_359 : vector<1x512xf32> to vector<32x512xf32>
    %mul3A_362 = arith.mulf %mul3A_361, %slice3A_360 : vector<32x512xf32>
    %add3A_363 = arith.addf %add3A_358, %mul3A_362 : vector<32x512xf32>
    %slice3A_364 = vector.extract_strided_slice %exp3A_313 {offsets = [9, 0], sizes = [1, 512], strides = [1, 1]} : vector<12x512xf32> to vector<1x512xf32>
    %slice3A_365 = vector.extract_strided_slice %add3A_97 {offsets = [288, 0], sizes = [32, 512], strides = [1, 1]} : vector<384x512xf32> to vector<32x512xf32>
    %mul3A_366 = vector.broadcast %slice3A_364 : vector<1x512xf32> to vector<32x512xf32>
    %mul3A_367 = arith.mulf %mul3A_366, %slice3A_365 : vector<32x512xf32>
    %add3A_368 = arith.addf %add3A_363, %mul3A_367 : vector<32x512xf32>
    %slice3A_369 = vector.extract_strided_slice %exp3A_313 {offsets = [10, 0], sizes = [1, 512], strides = [1, 1]} : vector<12x512xf32> to vector<1x512xf32>
    %slice3A_370 = vector.extract_strided_slice %add3A_97 {offsets = [320, 0], sizes = [32, 512], strides = [1, 1]} : vector<384x512xf32> to vector<32x512xf32>
    %mul3A_371 = vector.broadcast %slice3A_369 : vector<1x512xf32> to vector<32x512xf32>
    %mul3A_372 = arith.mulf %mul3A_371, %slice3A_370 : vector<32x512xf32>
    %add3A_373 = arith.addf %add3A_368, %mul3A_372 : vector<32x512xf32>
    %slice3A_374 = vector.extract_strided_slice %exp3A_313 {offsets = [11, 0], sizes = [1, 512], strides = [1, 1]} : vector<12x512xf32> to vector<1x512xf32>
    %slice3A_375 = vector.extract_strided_slice %add3A_97 {offsets = [352, 0], sizes = [32, 512], strides = [1, 1]} : vector<384x512xf32> to vector<32x512xf32>
    %mul3A_376 = vector.broadcast %slice3A_374 : vector<1x512xf32> to vector<32x512xf32>
    %mul3A_377 = arith.mulf %mul3A_376, %slice3A_375 : vector<32x512xf32>
    %add3A_378 = arith.addf %add3A_373, %mul3A_377 : vector<32x512xf32>
    %mul3A_379 = vector.broadcast %div3A_319 : vector<1x512xf32> to vector<32x512xf32>
    %mul3A_380 = arith.mulf %add3A_378, %mul3A_379 : vector<32x512xf32>
    %swap3A_381 = arith.constant 32 : index
    %swap3A_382 = arith.constant 0 : index
    %swap3A_383 = vector.load %arg14[%swap3A_381, %swap3A_382] : memref<384x512xf32, #tpu.memory_space<vmem>>, vector<32x512xf32>
    tpu.vector_store %arg14[%swap3A_381, %swap3A_382], %mul3A_380 {strides = array<i32>} : memref<384x512xf32, #tpu.memory_space<vmem>>, vector<32x512xf32>,
    %slice3A_384 = vector.extract_strided_slice %add3A_77 {offsets = [64, 0], sizes = [32, 512], strides = [1, 1]} : vector<384x512xf32> to vector<32x512xf32>
    %slice3A_385 = vector.extract_strided_slice %add3A_87 {offsets = [0, 0], sizes = [32, 512], strides = [1, 1]} : vector<384x512xf32> to vector<32x512xf32>
    %mul3A_386 = arith.mulf %slice3A_384, %slice3A_385 : vector<32x512xf32>
    %reduce_sum3A_387 = arith.constant dense<0.000000e+00> : vector<512xf32>
    %reduce_sum3A_388 = vector.multi_reduction <add>, %mul3A_386, %reduce_sum3A_387 [0] : vector<32x512xf32> to vector<512xf32>
    %broadcast_in_dim3A_389 = vector.shape_cast %reduce_sum3A_388 : vector<512xf32> to vector<1x512xf32>
    %slice3A_390 = vector.extract_strided_slice %add3A_87 {offsets = [32, 0], sizes = [32, 512], strides = [1, 1]} : vector<384x512xf32> to vector<32x512xf32>
    %mul3A_391 = arith.mulf %slice3A_384, %slice3A_390 : vector<32x512xf32>
    %reduce_sum3A_392 = arith.constant dense<0.000000e+00> : vector<512xf32>
    %reduce_sum3A_393 = vector.multi_reduction <add>, %mul3A_391, %reduce_sum3A_392 [0] : vector<32x512xf32> to vector<512xf32>
    %broadcast_in_dim3A_394 = vector.shape_cast %reduce_sum3A_393 : vector<512xf32> to vector<1x512xf32>
    %slice3A_395 = vector.extract_strided_slice %add3A_87 {offsets = [64, 0], sizes = [32, 512], strides = [1, 1]} : vector<384x512xf32> to vector<32x512xf32>
    %mul3A_396 = arith.mulf %slice3A_384, %slice3A_395 : vector<32x512xf32>
    %reduce_sum3A_397 = arith.constant dense<0.000000e+00> : vector<512xf32>
    %reduce_sum3A_398 = vector.multi_reduction <add>, %mul3A_396, %reduce_sum3A_397 [0] : vector<32x512xf32> to vector<512xf32>
    %broadcast_in_dim3A_399 = vector.shape_cast %reduce_sum3A_398 : vector<512xf32> to vector<1x512xf32>
    %slice3A_400 = vector.extract_strided_slice %add3A_87 {offsets = [96, 0], sizes = [32, 512], strides = [1, 1]} : vector<384x512xf32> to vector<32x512xf32>
    %mul3A_401 = arith.mulf %slice3A_384, %slice3A_400 : vector<32x512xf32>
    %reduce_sum3A_402 = arith.constant dense<0.000000e+00> : vector<512xf32>
    %reduce_sum3A_403 = vector.multi_reduction <add>, %mul3A_401, %reduce_sum3A_402 [0] : vector<32x512xf32> to vector<512xf32>
    %broadcast_in_dim3A_404 = vector.shape_cast %reduce_sum3A_403 : vector<512xf32> to vector<1x512xf32>
    %slice3A_405 = vector.extract_strided_slice %add3A_87 {offsets = [128, 0], sizes = [32, 512], strides = [1, 1]} : vector<384x512xf32> to vector<32x512xf32>
    %mul3A_406 = arith.mulf %slice3A_384, %slice3A_405 : vector<32x512xf32>
    %reduce_sum3A_407 = arith.constant dense<0.000000e+00> : vector<512xf32>
    %reduce_sum3A_408 = vector.multi_reduction <add>, %mul3A_406, %reduce_sum3A_407 [0] : vector<32x512xf32> to vector<512xf32>
    %broadcast_in_dim3A_409 = vector.shape_cast %reduce_sum3A_408 : vector<512xf32> to vector<1x512xf32>
    %slice3A_410 = vector.extract_strided_slice %add3A_87 {offsets = [160, 0], sizes = [32, 512], strides = [1, 1]} : vector<384x512xf32> to vector<32x512xf32>
    %mul3A_411 = arith.mulf %slice3A_384, %slice3A_410 : vector<32x512xf32>
    %reduce_sum3A_412 = arith.constant dense<0.000000e+00> : vector<512xf32>
    %reduce_sum3A_413 = vector.multi_reduction <add>, %mul3A_411, %reduce_sum3A_412 [0] : vector<32x512xf32> to vector<512xf32>
    %broadcast_in_dim3A_414 = vector.shape_cast %reduce_sum3A_413 : vector<512xf32> to vector<1x512xf32>
    %slice3A_415 = vector.extract_strided_slice %add3A_87 {offsets = [192, 0], sizes = [32, 512], strides = [1, 1]} : vector<384x512xf32> to vector<32x512xf32>
    %mul3A_416 = arith.mulf %slice3A_384, %slice3A_415 : vector<32x512xf32>
    %reduce_sum3A_417 = arith.constant dense<0.000000e+00> : vector<512xf32>
    %reduce_sum3A_418 = vector.multi_reduction <add>, %mul3A_416, %reduce_sum3A_417 [0] : vector<32x512xf32> to vector<512xf32>
    %broadcast_in_dim3A_419 = vector.shape_cast %reduce_sum3A_418 : vector<512xf32> to vector<1x512xf32>
    %slice3A_420 = vector.extract_strided_slice %add3A_87 {offsets = [224, 0], sizes = [32, 512], strides = [1, 1]} : vector<384x512xf32> to vector<32x512xf32>
    %mul3A_421 = arith.mulf %slice3A_384, %slice3A_420 : vector<32x512xf32>
    %reduce_sum3A_422 = arith.constant dense<0.000000e+00> : vector<512xf32>
    %reduce_sum3A_423 = vector.multi_reduction <add>, %mul3A_421, %reduce_sum3A_422 [0] : vector<32x512xf32> to vector<512xf32>
    %broadcast_in_dim3A_424 = vector.shape_cast %reduce_sum3A_423 : vector<512xf32> to vector<1x512xf32>
    %slice3A_425 = vector.extract_strided_slice %add3A_87 {offsets = [256, 0], sizes = [32, 512], strides = [1, 1]} : vector<384x512xf32> to vector<32x512xf32>
    %mul3A_426 = arith.mulf %slice3A_384, %slice3A_425 : vector<32x512xf32>
    %reduce_sum3A_427 = arith.constant dense<0.000000e+00> : vector<512xf32>
    %reduce_sum3A_428 = vector.multi_reduction <add>, %mul3A_426, %reduce_sum3A_427 [0] : vector<32x512xf32> to vector<512xf32>
    %broadcast_in_dim3A_429 = vector.shape_cast %reduce_sum3A_428 : vector<512xf32> to vector<1x512xf32>
    %slice3A_430 = vector.extract_strided_slice %add3A_87 {offsets = [288, 0], sizes = [32, 512], strides = [1, 1]} : vector<384x512xf32> to vector<32x512xf32>
    %mul3A_431 = arith.mulf %slice3A_384, %slice3A_430 : vector<32x512xf32>
    %reduce_sum3A_432 = arith.constant dense<0.000000e+00> : vector<512xf32>
    %reduce_sum3A_433 = vector.multi_reduction <add>, %mul3A_431, %reduce_sum3A_432 [0] : vector<32x512xf32> to vector<512xf32>
    %broadcast_in_dim3A_434 = vector.shape_cast %reduce_sum3A_433 : vector<512xf32> to vector<1x512xf32>
    %slice3A_435 = vector.extract_strided_slice %add3A_87 {offsets = [320, 0], sizes = [32, 512], strides = [1, 1]} : vector<384x512xf32> to vector<32x512xf32>
    %mul3A_436 = arith.mulf %slice3A_384, %slice3A_435 : vector<32x512xf32>
    %reduce_sum3A_437 = arith.constant dense<0.000000e+00> : vector<512xf32>
    %reduce_sum3A_438 = vector.multi_reduction <add>, %mul3A_436, %reduce_sum3A_437 [0] : vector<32x512xf32> to vector<512xf32>
    %broadcast_in_dim3A_439 = vector.shape_cast %reduce_sum3A_438 : vector<512xf32> to vector<1x512xf32>
    %slice3A_440 = vector.extract_strided_slice %add3A_87 {offsets = [352, 0], sizes = [32, 512], strides = [1, 1]} : vector<384x512xf32> to vector<32x512xf32>
    %mul3A_441 = arith.mulf %slice3A_384, %slice3A_440 : vector<32x512xf32>
    %reduce_sum3A_442 = arith.constant dense<0.000000e+00> : vector<512xf32>
    %reduce_sum3A_443 = vector.multi_reduction <add>, %mul3A_441, %reduce_sum3A_442 [0] : vector<32x512xf32> to vector<512xf32>
    %broadcast_in_dim3A_444 = vector.shape_cast %reduce_sum3A_443 : vector<512xf32> to vector<1x512xf32>
    %concatenate3A_445 = tpu.concatenate %broadcast_in_dim3A_389, %broadcast_in_dim3A_394, %broadcast_in_dim3A_399, %broadcast_in_dim3A_404, %broadcast_in_dim3A_409, %broadcast_in_dim3A_414, %broadcast_in_dim3A_419, %broadcast_in_dim3A_424, %broadcast_in_dim3A_429, %broadcast_in_dim3A_434, %broadcast_in_dim3A_439, %broadcast_in_dim3A_444 in 0 : vector<1x512xf32>, vector<1x512xf32>, vector<1x512xf32>, vector<1x512xf32>, vector<1x512xf32>, vector<1x512xf32>, vector<1x512xf32>, vector<1x512xf32>, vector<1x512xf32>, vector<1x512xf32>, vector<1x512xf32>, vector<1x512xf32> -> vector<12x512xf32>
    %mul3A_446 = vector.broadcast %get3A_1 : vector<1x1xf32> to vector<12x512xf32>
    %mul3A_447 = arith.mulf %concatenate3A_445, %mul3A_446 : vector<12x512xf32>
    %get3A_448 = arith.constant 0 : index
    %get3A_449 = arith.constant 2 : index
    %get3A_450 = vector.load %arg10[%get3A_448, %get3A_449] : memref<16x128xf32, #tpu.memory_space<vmem>>, vector<12x1xf32>
    %add3A_451 = vector.broadcast %get3A_450 : vector<12x1xf32> to vector<12x512xf32>
    %add3A_452 = arith.addf %mul3A_447, %add3A_451 : vector<12x512xf32>
    %reduce_max3A_453 = arith.constant dense<0xFF800000> : vector<512xf32>
    %reduce_max3A_454 = vector.multi_reduction <maximumf>, %add3A_452, %reduce_max3A_453 [0] : vector<12x512xf32> to vector<512xf32>
    %broadcast_in_dim3A_455 = vector.shape_cast %reduce_max3A_454 : vector<512xf32> to vector<1x512xf32>
    %sub3A_456 = vector.broadcast %broadcast_in_dim3A_455 : vector<1x512xf32> to vector<12x512xf32>
    %sub3A_457 = arith.subf %add3A_452, %sub3A_456 : vector<12x512xf32>
    %exp3A_458 = math.exp %sub3A_457 : vector<12x512xf32>
    %reduce_sum3A_459 = arith.constant dense<0.000000e+00> : vector<512xf32>
    %reduce_sum3A_460 = vector.multi_reduction <add>, %exp3A_458, %reduce_sum3A_459 [0] : vector<12x512xf32> to vector<512xf32>
    %broadcast_in_dim3A_461 = vector.shape_cast %reduce_sum3A_460 : vector<512xf32> to vector<1x512xf32>
    %div3A_462 = arith.constant 1.000000e+00 : f32
    %div3A_463 = vector.broadcast %div3A_462 : f32 to vector<1x512xf32>
    %div3A_464 = arith.divf %div3A_463, %broadcast_in_dim3A_461 : vector<1x512xf32>
    %slice3A_465 = vector.extract_strided_slice %exp3A_458 {offsets = [0, 0], sizes = [1, 512], strides = [1, 1]} : vector<12x512xf32> to vector<1x512xf32>
    %slice3A_466 = vector.extract_strided_slice %add3A_97 {offsets = [0, 0], sizes = [32, 512], strides = [1, 1]} : vector<384x512xf32> to vector<32x512xf32>
    %mul3A_467 = vector.broadcast %slice3A_465 : vector<1x512xf32> to vector<32x512xf32>
    %mul3A_468 = arith.mulf %mul3A_467, %slice3A_466 : vector<32x512xf32>
    %slice3A_469 = vector.extract_strided_slice %exp3A_458 {offsets = [1, 0], sizes = [1, 512], strides = [1, 1]} : vector<12x512xf32> to vector<1x512xf32>
    %slice3A_470 = vector.extract_strided_slice %add3A_97 {offsets = [32, 0], sizes = [32, 512], strides = [1, 1]} : vector<384x512xf32> to vector<32x512xf32>
    %mul3A_471 = vector.broadcast %slice3A_469 : vector<1x512xf32> to vector<32x512xf32>
    %mul3A_472 = arith.mulf %mul3A_471, %slice3A_470 : vector<32x512xf32>
    %add3A_473 = arith.addf %mul3A_468, %mul3A_472 : vector<32x512xf32>
    %slice3A_474 = vector.extract_strided_slice %exp3A_458 {offsets = [2, 0], sizes = [1, 512], strides = [1, 1]} : vector<12x512xf32> to vector<1x512xf32>
    %slice3A_475 = vector.extract_strided_slice %add3A_97 {offsets = [64, 0], sizes = [32, 512], strides = [1, 1]} : vector<384x512xf32> to vector<32x512xf32>
    %mul3A_476 = vector.broadcast %slice3A_474 : vector<1x512xf32> to vector<32x512xf32>
    %mul3A_477 = arith.mulf %mul3A_476, %slice3A_475 : vector<32x512xf32>
    %add3A_478 = arith.addf %add3A_473, %mul3A_477 : vector<32x512xf32>
    %slice3A_479 = vector.extract_strided_slice %exp3A_458 {offsets = [3, 0], sizes = [1, 512], strides = [1, 1]} : vector<12x512xf32> to vector<1x512xf32>
    %slice3A_480 = vector.extract_strided_slice %add3A_97 {offsets = [96, 0], sizes = [32, 512], strides = [1, 1]} : vector<384x512xf32> to vector<32x512xf32>
    %mul3A_481 = vector.broadcast %slice3A_479 : vector<1x512xf32> to vector<32x512xf32>
    %mul3A_482 = arith.mulf %mul3A_481, %slice3A_480 : vector<32x512xf32>
    %add3A_483 = arith.addf %add3A_478, %mul3A_482 : vector<32x512xf32>
    %slice3A_484 = vector.extract_strided_slice %exp3A_458 {offsets = [4, 0], sizes = [1, 512], strides = [1, 1]} : vector<12x512xf32> to vector<1x512xf32>
    %slice3A_485 = vector.extract_strided_slice %add3A_97 {offsets = [128, 0], sizes = [32, 512], strides = [1, 1]} : vector<384x512xf32> to vector<32x512xf32>
    %mul3A_486 = vector.broadcast %slice3A_484 : vector<1x512xf32> to vector<32x512xf32>
    %mul3A_487 = arith.mulf %mul3A_486, %slice3A_485 : vector<32x512xf32>
    %add3A_488 = arith.addf %add3A_483, %mul3A_487 : vector<32x512xf32>
    %slice3A_489 = vector.extract_strided_slice %exp3A_458 {offsets = [5, 0], sizes = [1, 512], strides = [1, 1]} : vector<12x512xf32> to vector<1x512xf32>
    %slice3A_490 = vector.extract_strided_slice %add3A_97 {offsets = [160, 0], sizes = [32, 512], strides = [1, 1]} : vector<384x512xf32> to vector<32x512xf32>
    %mul3A_491 = vector.broadcast %slice3A_489 : vector<1x512xf32> to vector<32x512xf32>
    %mul3A_492 = arith.mulf %mul3A_491, %slice3A_490 : vector<32x512xf32>
    %add3A_493 = arith.addf %add3A_488, %mul3A_492 : vector<32x512xf32>
    %slice3A_494 = vector.extract_strided_slice %exp3A_458 {offsets = [6, 0], sizes = [1, 512], strides = [1, 1]} : vector<12x512xf32> to vector<1x512xf32>
    %slice3A_495 = vector.extract_strided_slice %add3A_97 {offsets = [192, 0], sizes = [32, 512], strides = [1, 1]} : vector<384x512xf32> to vector<32x512xf32>
    %mul3A_496 = vector.broadcast %slice3A_494 : vector<1x512xf32> to vector<32x512xf32>
    %mul3A_497 = arith.mulf %mul3A_496, %slice3A_495 : vector<32x512xf32>
    %add3A_498 = arith.addf %add3A_493, %mul3A_497 : vector<32x512xf32>
    %slice3A_499 = vector.extract_strided_slice %exp3A_458 {offsets = [7, 0], sizes = [1, 512], strides = [1, 1]} : vector<12x512xf32> to vector<1x512xf32>
    %slice3A_500 = vector.extract_strided_slice %add3A_97 {offsets = [224, 0], sizes = [32, 512], strides = [1, 1]} : vector<384x512xf32> to vector<32x512xf32>
    %mul3A_501 = vector.broadcast %slice3A_499 : vector<1x512xf32> to vector<32x512xf32>
    %mul3A_502 = arith.mulf %mul3A_501, %slice3A_500 : vector<32x512xf32>
    %add3A_503 = arith.addf %add3A_498, %mul3A_502 : vector<32x512xf32>
    %slice3A_504 = vector.extract_strided_slice %exp3A_458 {offsets = [8, 0], sizes = [1, 512], strides = [1, 1]} : vector<12x512xf32> to vector<1x512xf32>
    %slice3A_505 = vector.extract_strided_slice %add3A_97 {offsets = [256, 0], sizes = [32, 512], strides = [1, 1]} : vector<384x512xf32> to vector<32x512xf32>
    %mul3A_506 = vector.broadcast %slice3A_504 : vector<1x512xf32> to vector<32x512xf32>
    %mul3A_507 = arith.mulf %mul3A_506, %slice3A_505 : vector<32x512xf32>
    %add3A_508 = arith.addf %add3A_503, %mul3A_507 : vector<32x512xf32>
    %slice3A_509 = vector.extract_strided_slice %exp3A_458 {offsets = [9, 0], sizes = [1, 512], strides = [1, 1]} : vector<12x512xf32> to vector<1x512xf32>
    %slice3A_510 = vector.extract_strided_slice %add3A_97 {offsets = [288, 0], sizes = [32, 512], strides = [1, 1]} : vector<384x512xf32> to vector<32x512xf32>
    %mul3A_511 = vector.broadcast %slice3A_509 : vector<1x512xf32> to vector<32x512xf32>
    %mul3A_512 = arith.mulf %mul3A_511, %slice3A_510 : vector<32x512xf32>
    %add3A_513 = arith.addf %add3A_508, %mul3A_512 : vector<32x512xf32>
    %slice3A_514 = vector.extract_strided_slice %exp3A_458 {offsets = [10, 0], sizes = [1, 512], strides = [1, 1]} : vector<12x512xf32> to vector<1x512xf32>
    %slice3A_515 = vector.extract_strided_slice %add3A_97 {offsets = [320, 0], sizes = [32, 512], strides = [1, 1]} : vector<384x512xf32> to vector<32x512xf32>
    %mul3A_516 = vector.broadcast %slice3A_514 : vector<1x512xf32> to vector<32x512xf32>
    %mul3A_517 = arith.mulf %mul3A_516, %slice3A_515 : vector<32x512xf32>
    %add3A_518 = arith.addf %add3A_513, %mul3A_517 : vector<32x512xf32>
    %slice3A_519 = vector.extract_strided_slice %exp3A_458 {offsets = [11, 0], sizes = [1, 512], strides = [1, 1]} : vector<12x512xf32> to vector<1x512xf32>
    %slice3A_520 = vector.extract_strided_slice %add3A_97 {offsets = [352, 0], sizes = [32, 512], strides = [1, 1]} : vector<384x512xf32> to vector<32x512xf32>
    %mul3A_521 = vector.broadcast %slice3A_519 : vector<1x512xf32> to vector<32x512xf32>
    %mul3A_522 = arith.mulf %mul3A_521, %slice3A_520 : vector<32x512xf32>
    %add3A_523 = arith.addf %add3A_518, %mul3A_522 : vector<32x512xf32>
    %mul3A_524 = vector.broadcast %div3A_464 : vector<1x512xf32> to vector<32x512xf32>
    %mul3A_525 = arith.mulf %add3A_523, %mul3A_524 : vector<32x512xf32>
    %swap3A_526 = arith.constant 64 : index
    %swap3A_527 = arith.constant 0 : index
    %swap3A_528 = vector.load %arg14[%swap3A_526, %swap3A_527] : memref<384x512xf32, #tpu.memory_space<vmem>>, vector<32x512xf32>
    tpu.vector_store %arg14[%swap3A_526, %swap3A_527], %mul3A_525 {strides = array<i32>} : memref<384x512xf32, #tpu.memory_space<vmem>>, vector<32x512xf32>,
    %slice3A_529 = vector.extract_strided_slice %add3A_77 {offsets = [96, 0], sizes = [32, 512], strides = [1, 1]} : vector<384x512xf32> to vector<32x512xf32>
    %slice3A_530 = vector.extract_strided_slice %add3A_87 {offsets = [0, 0], sizes = [32, 512], strides = [1, 1]} : vector<384x512xf32> to vector<32x512xf32>
    %mul3A_531 = arith.mulf %slice3A_529, %slice3A_530 : vector<32x512xf32>
    %reduce_sum3A_532 = arith.constant dense<0.000000e+00> : vector<512xf32>
    %reduce_sum3A_533 = vector.multi_reduction <add>, %mul3A_531, %reduce_sum3A_532 [0] : vector<32x512xf32> to vector<512xf32>
    %broadcast_in_dim3A_534 = vector.shape_cast %reduce_sum3A_533 : vector<512xf32> to vector<1x512xf32>
    %slice3A_535 = vector.extract_strided_slice %add3A_87 {offsets = [32, 0], sizes = [32, 512], strides = [1, 1]} : vector<384x512xf32> to vector<32x512xf32>
    %mul3A_536 = arith.mulf %slice3A_529, %slice3A_535 : vector<32x512xf32>
    %reduce_sum3A_537 = arith.constant dense<0.000000e+00> : vector<512xf32>
    %reduce_sum3A_538 = vector.multi_reduction <add>, %mul3A_536, %reduce_sum3A_537 [0] : vector<32x512xf32> to vector<512xf32>
    %broadcast_in_dim3A_539 = vector.shape_cast %reduce_sum3A_538 : vector<512xf32> to vector<1x512xf32>
    %slice3A_540 = vector.extract_strided_slice %add3A_87 {offsets = [64, 0], sizes = [32, 512], strides = [1, 1]} : vector<384x512xf32> to vector<32x512xf32>
    %mul3A_541 = arith.mulf %slice3A_529, %slice3A_540 : vector<32x512xf32>
    %reduce_sum3A_542 = arith.constant dense<0.000000e+00> : vector<512xf32>
    %reduce_sum3A_543 = vector.multi_reduction <add>, %mul3A_541, %reduce_sum3A_542 [0] : vector<32x512xf32> to vector<512xf32>
    %broadcast_in_dim3A_544 = vector.shape_cast %reduce_sum3A_543 : vector<512xf32> to vector<1x512xf32>
    %slice3A_545 = vector.extract_strided_slice %add3A_87 {offsets = [96, 0], sizes = [32, 512], strides = [1, 1]} : vector<384x512xf32> to vector<32x512xf32>
    %mul3A_546 = arith.mulf %slice3A_529, %slice3A_545 : vector<32x512xf32>
    %reduce_sum3A_547 = arith.constant dense<0.000000e+00> : vector<512xf32>
    %reduce_sum3A_548 = vector.multi_reduction <add>, %mul3A_546, %reduce_sum3A_547 [0] : vector<32x512xf32> to vector<512xf32>
    %broadcast_in_dim3A_549 = vector.shape_cast %reduce_sum3A_548 : vector<512xf32> to vector<1x512xf32>
    %slice3A_550 = vector.extract_strided_slice %add3A_87 {offsets = [128, 0], sizes = [32, 512], strides = [1, 1]} : vector<384x512xf32> to vector<32x512xf32>
    %mul3A_551 = arith.mulf %slice3A_529, %slice3A_550 : vector<32x512xf32>
    %reduce_sum3A_552 = arith.constant dense<0.000000e+00> : vector<512xf32>
    %reduce_sum3A_553 = vector.multi_reduction <add>, %mul3A_551, %reduce_sum3A_552 [0] : vector<32x512xf32> to vector<512xf32>
    %broadcast_in_dim3A_554 = vector.shape_cast %reduce_sum3A_553 : vector<512xf32> to vector<1x512xf32>
    %slice3A_555 = vector.extract_strided_slice %add3A_87 {offsets = [160, 0], sizes = [32, 512], strides = [1, 1]} : vector<384x512xf32> to vector<32x512xf32>
    %mul3A_556 = arith.mulf %slice3A_529, %slice3A_555 : vector<32x512xf32>
    %reduce_sum3A_557 = arith.constant dense<0.000000e+00> : vector<512xf32>
    %reduce_sum3A_558 = vector.multi_reduction <add>, %mul3A_556, %reduce_sum3A_557 [0] : vector<32x512xf32> to vector<512xf32>
    %broadcast_in_dim3A_559 = vector.shape_cast %reduce_sum3A_558 : vector<512xf32> to vector<1x512xf32>
    %slice3A_560 = vector.extract_strided_slice %add3A_87 {offsets = [192, 0], sizes = [32, 512], strides = [1, 1]} : vector<384x512xf32> to vector<32x512xf32>
    %mul3A_561 = arith.mulf %slice3A_529, %slice3A_560 : vector<32x512xf32>
    %reduce_sum3A_562 = arith.constant dense<0.000000e+00> : vector<512xf32>
    %reduce_sum3A_563 = vector.multi_reduction <add>, %mul3A_561, %reduce_sum3A_562 [0] : vector<32x512xf32> to vector<512xf32>
    %broadcast_in_dim3A_564 = vector.shape_cast %reduce_sum3A_563 : vector<512xf32> to vector<1x512xf32>
    %slice3A_565 = vector.extract_strided_slice %add3A_87 {offsets = [224, 0], sizes = [32, 512], strides = [1, 1]} : vector<384x512xf32> to vector<32x512xf32>
    %mul3A_566 = arith.mulf %slice3A_529, %slice3A_565 : vector<32x512xf32>
    %reduce_sum3A_567 = arith.constant dense<0.000000e+00> : vector<512xf32>
    %reduce_sum3A_568 = vector.multi_reduction <add>, %mul3A_566, %reduce_sum3A_567 [0] : vector<32x512xf32> to vector<512xf32>
    %broadcast_in_dim3A_569 = vector.shape_cast %reduce_sum3A_568 : vector<512xf32> to vector<1x512xf32>
    %slice3A_570 = vector.extract_strided_slice %add3A_87 {offsets = [256, 0], sizes = [32, 512], strides = [1, 1]} : vector<384x512xf32> to vector<32x512xf32>
    %mul3A_571 = arith.mulf %slice3A_529, %slice3A_570 : vector<32x512xf32>
    %reduce_sum3A_572 = arith.constant dense<0.000000e+00> : vector<512xf32>
    %reduce_sum3A_573 = vector.multi_reduction <add>, %mul3A_571, %reduce_sum3A_572 [0] : vector<32x512xf32> to vector<512xf32>
    %broadcast_in_dim3A_574 = vector.shape_cast %reduce_sum3A_573 : vector<512xf32> to vector<1x512xf32>
    %slice3A_575 = vector.extract_strided_slice %add3A_87 {offsets = [288, 0], sizes = [32, 512], strides = [1, 1]} : vector<384x512xf32> to vector<32x512xf32>
    %mul3A_576 = arith.mulf %slice3A_529, %slice3A_575 : vector<32x512xf32>
    %reduce_sum3A_577 = arith.constant dense<0.000000e+00> : vector<512xf32>
    %reduce_sum3A_578 = vector.multi_reduction <add>, %mul3A_576, %reduce_sum3A_577 [0] : vector<32x512xf32> to vector<512xf32>
    %broadcast_in_dim3A_579 = vector.shape_cast %reduce_sum3A_578 : vector<512xf32> to vector<1x512xf32>
    %slice3A_580 = vector.extract_strided_slice %add3A_87 {offsets = [320, 0], sizes = [32, 512], strides = [1, 1]} : vector<384x512xf32> to vector<32x512xf32>
    %mul3A_581 = arith.mulf %slice3A_529, %slice3A_580 : vector<32x512xf32>
    %reduce_sum3A_582 = arith.constant dense<0.000000e+00> : vector<512xf32>
    %reduce_sum3A_583 = vector.multi_reduction <add>, %mul3A_581, %reduce_sum3A_582 [0] : vector<32x512xf32> to vector<512xf32>
    %broadcast_in_dim3A_584 = vector.shape_cast %reduce_sum3A_583 : vector<512xf32> to vector<1x512xf32>
    %slice3A_585 = vector.extract_strided_slice %add3A_87 {offsets = [352, 0], sizes = [32, 512], strides = [1, 1]} : vector<384x512xf32> to vector<32x512xf32>
    %mul3A_586 = arith.mulf %slice3A_529, %slice3A_585 : vector<32x512xf32>
    %reduce_sum3A_587 = arith.constant dense<0.000000e+00> : vector<512xf32>
    %reduce_sum3A_588 = vector.multi_reduction <add>, %mul3A_586, %reduce_sum3A_587 [0] : vector<32x512xf32> to vector<512xf32>
    %broadcast_in_dim3A_589 = vector.shape_cast %reduce_sum3A_588 : vector<512xf32> to vector<1x512xf32>
    %concatenate3A_590 = tpu.concatenate %broadcast_in_dim3A_534, %broadcast_in_dim3A_539, %broadcast_in_dim3A_544, %broadcast_in_dim3A_549, %broadcast_in_dim3A_554, %broadcast_in_dim3A_559, %broadcast_in_dim3A_564, %broadcast_in_dim3A_569, %broadcast_in_dim3A_574, %broadcast_in_dim3A_579, %broadcast_in_dim3A_584, %broadcast_in_dim3A_589 in 0 : vector<1x512xf32>, vector<1x512xf32>, vector<1x512xf32>, vector<1x512xf32>, vector<1x512xf32>, vector<1x512xf32>, vector<1x512xf32>, vector<1x512xf32>, vector<1x512xf32>, vector<1x512xf32>, vector<1x512xf32>, vector<1x512xf32> -> vector<12x512xf32>
    %mul3A_591 = vector.broadcast %get3A_1 : vector<1x1xf32> to vector<12x512xf32>
    %mul3A_592 = arith.mulf %concatenate3A_590, %mul3A_591 : vector<12x512xf32>
    %get3A_593 = arith.constant 0 : index
    %get3A_594 = arith.constant 3 : index
    %get3A_595 = vector.load %arg10[%get3A_593, %get3A_594] : memref<16x128xf32, #tpu.memory_space<vmem>>, vector<12x1xf32>
    %add3A_596 = vector.broadcast %get3A_595 : vector<12x1xf32> to vector<12x512xf32>
    %add3A_597 = arith.addf %mul3A_592, %add3A_596 : vector<12x512xf32>
    %reduce_max3A_598 = arith.constant dense<0xFF800000> : vector<512xf32>
    %reduce_max3A_599 = vector.multi_reduction <maximumf>, %add3A_597, %reduce_max3A_598 [0] : vector<12x512xf32> to vector<512xf32>
    %broadcast_in_dim3A_600 = vector.shape_cast %reduce_max3A_599 : vector<512xf32> to vector<1x512xf32>
    %sub3A_601 = vector.broadcast %broadcast_in_dim3A_600 : vector<1x512xf32> to vector<12x512xf32>
    %sub3A_602 = arith.subf %add3A_597, %sub3A_601 : vector<12x512xf32>
    %exp3A_603 = math.exp %sub3A_602 : vector<12x512xf32>
    %reduce_sum3A_604 = arith.constant dense<0.000000e+00> : vector<512xf32>
    %reduce_sum3A_605 = vector.multi_reduction <add>, %exp3A_603, %reduce_sum3A_604 [0] : vector<12x512xf32> to vector<512xf32>
    %broadcast_in_dim3A_606 = vector.shape_cast %reduce_sum3A_605 : vector<512xf32> to vector<1x512xf32>
    %div3A_607 = arith.constant 1.000000e+00 : f32
    %div3A_608 = vector.broadcast %div3A_607 : f32 to vector<1x512xf32>
    %div3A_609 = arith.divf %div3A_608, %broadcast_in_dim3A_606 : vector<1x512xf32>
    %slice3A_610 = vector.extract_strided_slice %exp3A_603 {offsets = [0, 0], sizes = [1, 512], strides = [1, 1]} : vector<12x512xf32> to vector<1x512xf32>
    %slice3A_611 = vector.extract_strided_slice %add3A_97 {offsets = [0, 0], sizes = [32, 512], strides = [1, 1]} : vector<384x512xf32> to vector<32x512xf32>
    %mul3A_612 = vector.broadcast %slice3A_610 : vector<1x512xf32> to vector<32x512xf32>
    %mul3A_613 = arith.mulf %mul3A_612, %slice3A_611 : vector<32x512xf32>
    %slice3A_614 = vector.extract_strided_slice %exp3A_603 {offsets = [1, 0], sizes = [1, 512], strides = [1, 1]} : vector<12x512xf32> to vector<1x512xf32>
    %slice3A_615 = vector.extract_strided_slice %add3A_97 {offsets = [32, 0], sizes = [32, 512], strides = [1, 1]} : vector<384x512xf32> to vector<32x512xf32>
    %mul3A_616 = vector.broadcast %slice3A_614 : vector<1x512xf32> to vector<32x512xf32>
    %mul3A_617 = arith.mulf %mul3A_616, %slice3A_615 : vector<32x512xf32>
    %add3A_618 = arith.addf %mul3A_613, %mul3A_617 : vector<32x512xf32>
    %slice3A_619 = vector.extract_strided_slice %exp3A_603 {offsets = [2, 0], sizes = [1, 512], strides = [1, 1]} : vector<12x512xf32> to vector<1x512xf32>
    %slice3A_620 = vector.extract_strided_slice %add3A_97 {offsets = [64, 0], sizes = [32, 512], strides = [1, 1]} : vector<384x512xf32> to vector<32x512xf32>
    %mul3A_621 = vector.broadcast %slice3A_619 : vector<1x512xf32> to vector<32x512xf32>
    %mul3A_622 = arith.mulf %mul3A_621, %slice3A_620 : vector<32x512xf32>
    %add3A_623 = arith.addf %add3A_618, %mul3A_622 : vector<32x512xf32>
    %slice3A_624 = vector.extract_strided_slice %exp3A_603 {offsets = [3, 0], sizes = [1, 512], strides = [1, 1]} : vector<12x512xf32> to vector<1x512xf32>
    %slice3A_625 = vector.extract_strided_slice %add3A_97 {offsets = [96, 0], sizes = [32, 512], strides = [1, 1]} : vector<384x512xf32> to vector<32x512xf32>
    %mul3A_626 = vector.broadcast %slice3A_624 : vector<1x512xf32> to vector<32x512xf32>
    %mul3A_627 = arith.mulf %mul3A_626, %slice3A_625 : vector<32x512xf32>
    %add3A_628 = arith.addf %add3A_623, %mul3A_627 : vector<32x512xf32>
    %slice3A_629 = vector.extract_strided_slice %exp3A_603 {offsets = [4, 0], sizes = [1, 512], strides = [1, 1]} : vector<12x512xf32> to vector<1x512xf32>
    %slice3A_630 = vector.extract_strided_slice %add3A_97 {offsets = [128, 0], sizes = [32, 512], strides = [1, 1]} : vector<384x512xf32> to vector<32x512xf32>
    %mul3A_631 = vector.broadcast %slice3A_629 : vector<1x512xf32> to vector<32x512xf32>
    %mul3A_632 = arith.mulf %mul3A_631, %slice3A_630 : vector<32x512xf32>
    %add3A_633 = arith.addf %add3A_628, %mul3A_632 : vector<32x512xf32>
    %slice3A_634 = vector.extract_strided_slice %exp3A_603 {offsets = [5, 0], sizes = [1, 512], strides = [1, 1]} : vector<12x512xf32> to vector<1x512xf32>
    %slice3A_635 = vector.extract_strided_slice %add3A_97 {offsets = [160, 0], sizes = [32, 512], strides = [1, 1]} : vector<384x512xf32> to vector<32x512xf32>
    %mul3A_636 = vector.broadcast %slice3A_634 : vector<1x512xf32> to vector<32x512xf32>
    %mul3A_637 = arith.mulf %mul3A_636, %slice3A_635 : vector<32x512xf32>
    %add3A_638 = arith.addf %add3A_633, %mul3A_637 : vector<32x512xf32>
    %slice3A_639 = vector.extract_strided_slice %exp3A_603 {offsets = [6, 0], sizes = [1, 512], strides = [1, 1]} : vector<12x512xf32> to vector<1x512xf32>
    %slice3A_640 = vector.extract_strided_slice %add3A_97 {offsets = [192, 0], sizes = [32, 512], strides = [1, 1]} : vector<384x512xf32> to vector<32x512xf32>
    %mul3A_641 = vector.broadcast %slice3A_639 : vector<1x512xf32> to vector<32x512xf32>
    %mul3A_642 = arith.mulf %mul3A_641, %slice3A_640 : vector<32x512xf32>
    %add3A_643 = arith.addf %add3A_638, %mul3A_642 : vector<32x512xf32>
    %slice3A_644 = vector.extract_strided_slice %exp3A_603 {offsets = [7, 0], sizes = [1, 512], strides = [1, 1]} : vector<12x512xf32> to vector<1x512xf32>
    %slice3A_645 = vector.extract_strided_slice %add3A_97 {offsets = [224, 0], sizes = [32, 512], strides = [1, 1]} : vector<384x512xf32> to vector<32x512xf32>
    %mul3A_646 = vector.broadcast %slice3A_644 : vector<1x512xf32> to vector<32x512xf32>
    %mul3A_647 = arith.mulf %mul3A_646, %slice3A_645 : vector<32x512xf32>
    %add3A_648 = arith.addf %add3A_643, %mul3A_647 : vector<32x512xf32>
    %slice3A_649 = vector.extract_strided_slice %exp3A_603 {offsets = [8, 0], sizes = [1, 512], strides = [1, 1]} : vector<12x512xf32> to vector<1x512xf32>
    %slice3A_650 = vector.extract_strided_slice %add3A_97 {offsets = [256, 0], sizes = [32, 512], strides = [1, 1]} : vector<384x512xf32> to vector<32x512xf32>
    %mul3A_651 = vector.broadcast %slice3A_649 : vector<1x512xf32> to vector<32x512xf32>
    %mul3A_652 = arith.mulf %mul3A_651, %slice3A_650 : vector<32x512xf32>
    %add3A_653 = arith.addf %add3A_648, %mul3A_652 : vector<32x512xf32>
    %slice3A_654 = vector.extract_strided_slice %exp3A_603 {offsets = [9, 0], sizes = [1, 512], strides = [1, 1]} : vector<12x512xf32> to vector<1x512xf32>
    %slice3A_655 = vector.extract_strided_slice %add3A_97 {offsets = [288, 0], sizes = [32, 512], strides = [1, 1]} : vector<384x512xf32> to vector<32x512xf32>
    %mul3A_656 = vector.broadcast %slice3A_654 : vector<1x512xf32> to vector<32x512xf32>
    %mul3A_657 = arith.mulf %mul3A_656, %slice3A_655 : vector<32x512xf32>
    %add3A_658 = arith.addf %add3A_653, %mul3A_657 : vector<32x512xf32>
    %slice3A_659 = vector.extract_strided_slice %exp3A_603 {offsets = [10, 0], sizes = [1, 512], strides = [1, 1]} : vector<12x512xf32> to vector<1x512xf32>
    %slice3A_660 = vector.extract_strided_slice %add3A_97 {offsets = [320, 0], sizes = [32, 512], strides = [1, 1]} : vector<384x512xf32> to vector<32x512xf32>
    %mul3A_661 = vector.broadcast %slice3A_659 : vector<1x512xf32> to vector<32x512xf32>
    %mul3A_662 = arith.mulf %mul3A_661, %slice3A_660 : vector<32x512xf32>
    %add3A_663 = arith.addf %add3A_658, %mul3A_662 : vector<32x512xf32>
    %slice3A_664 = vector.extract_strided_slice %exp3A_603 {offsets = [11, 0], sizes = [1, 512], strides = [1, 1]} : vector<12x512xf32> to vector<1x512xf32>
    %slice3A_665 = vector.extract_strided_slice %add3A_97 {offsets = [352, 0], sizes = [32, 512], strides = [1, 1]} : vector<384x512xf32> to vector<32x512xf32>
    %mul3A_666 = vector.broadcast %slice3A_664 : vector<1x512xf32> to vector<32x512xf32>
    %mul3A_667 = arith.mulf %mul3A_666, %slice3A_665 : vector<32x512xf32>
    %add3A_668 = arith.addf %add3A_663, %mul3A_667 : vector<32x512xf32>
    %mul3A_669 = vector.broadcast %div3A_609 : vector<1x512xf32> to vector<32x512xf32>
    %mul3A_670 = arith.mulf %add3A_668, %mul3A_669 : vector<32x512xf32>
    %swap3A_671 = arith.constant 96 : index
    %swap3A_672 = arith.constant 0 : index
    %swap3A_673 = vector.load %arg14[%swap3A_671, %swap3A_672] : memref<384x512xf32, #tpu.memory_space<vmem>>, vector<32x512xf32>
    tpu.vector_store %arg14[%swap3A_671, %swap3A_672], %mul3A_670 {strides = array<i32>} : memref<384x512xf32, #tpu.memory_space<vmem>>, vector<32x512xf32>,
    %slice3A_674 = vector.extract_strided_slice %add3A_77 {offsets = [128, 0], sizes = [32, 512], strides = [1, 1]} : vector<384x512xf32> to vector<32x512xf32>
    %slice3A_675 = vector.extract_strided_slice %add3A_87 {offsets = [0, 0], sizes = [32, 512], strides = [1, 1]} : vector<384x512xf32> to vector<32x512xf32>
    %mul3A_676 = arith.mulf %slice3A_674, %slice3A_675 : vector<32x512xf32>
    %reduce_sum3A_677 = arith.constant dense<0.000000e+00> : vector<512xf32>
    %reduce_sum3A_678 = vector.multi_reduction <add>, %mul3A_676, %reduce_sum3A_677 [0] : vector<32x512xf32> to vector<512xf32>
    %broadcast_in_dim3A_679 = vector.shape_cast %reduce_sum3A_678 : vector<512xf32> to vector<1x512xf32>
    %slice3A_680 = vector.extract_strided_slice %add3A_87 {offsets = [32, 0], sizes = [32, 512], strides = [1, 1]} : vector<384x512xf32> to vector<32x512xf32>
    %mul3A_681 = arith.mulf %slice3A_674, %slice3A_680 : vector<32x512xf32>
    %reduce_sum3A_682 = arith.constant dense<0.000000e+00> : vector<512xf32>
    %reduce_sum3A_683 = vector.multi_reduction <add>, %mul3A_681, %reduce_sum3A_682 [0] : vector<32x512xf32> to vector<512xf32>
    %broadcast_in_dim3A_684 = vector.shape_cast %reduce_sum3A_683 : vector<512xf32> to vector<1x512xf32>
    %slice3A_685 = vector.extract_strided_slice %add3A_87 {offsets = [64, 0], sizes = [32, 512], strides = [1, 1]} : vector<384x512xf32> to vector<32x512xf32>
    %mul3A_686 = arith.mulf %slice3A_674, %slice3A_685 : vector<32x512xf32>
    %reduce_sum3A_687 = arith.constant dense<0.000000e+00> : vector<512xf32>
    %reduce_sum3A_688 = vector.multi_reduction <add>, %mul3A_686, %reduce_sum3A_687 [0] : vector<32x512xf32> to vector<512xf32>
    %broadcast_in_dim3A_689 = vector.shape_cast %reduce_sum3A_688 : vector<512xf32> to vector<1x512xf32>
    %slice3A_690 = vector.extract_strided_slice %add3A_87 {offsets = [96, 0], sizes = [32, 512], strides = [1, 1]} : vector<384x512xf32> to vector<32x512xf32>
    %mul3A_691 = arith.mulf %slice3A_674, %slice3A_690 : vector<32x512xf32>
    %reduce_sum3A_692 = arith.constant dense<0.000000e+00> : vector<512xf32>
    %reduce_sum3A_693 = vector.multi_reduction <add>, %mul3A_691, %reduce_sum3A_692 [0] : vector<32x512xf32> to vector<512xf32>
    %broadcast_in_dim3A_694 = vector.shape_cast %reduce_sum3A_693 : vector<512xf32> to vector<1x512xf32>
    %slice3A_695 = vector.extract_strided_slice %add3A_87 {offsets = [128, 0], sizes = [32, 512], strides = [1, 1]} : vector<384x512xf32> to vector<32x512xf32>
    %mul3A_696 = arith.mulf %slice3A_674, %slice3A_695 : vector<32x512xf32>
    %reduce_sum3A_697 = arith.constant dense<0.000000e+00> : vector<512xf32>
    %reduce_sum3A_698 = vector.multi_reduction <add>, %mul3A_696, %reduce_sum3A_697 [0] : vector<32x512xf32> to vector<512xf32>
    %broadcast_in_dim3A_699 = vector.shape_cast %reduce_sum3A_698 : vector<512xf32> to vector<1x512xf32>
    %slice3A_700 = vector.extract_strided_slice %add3A_87 {offsets = [160, 0], sizes = [32, 512], strides = [1, 1]} : vector<384x512xf32> to vector<32x512xf32>
    %mul3A_701 = arith.mulf %slice3A_674, %slice3A_700 : vector<32x512xf32>
    %reduce_sum3A_702 = arith.constant dense<0.000000e+00> : vector<512xf32>
    %reduce_sum3A_703 = vector.multi_reduction <add>, %mul3A_701, %reduce_sum3A_702 [0] : vector<32x512xf32> to vector<512xf32>
    %broadcast_in_dim3A_704 = vector.shape_cast %reduce_sum3A_703 : vector<512xf32> to vector<1x512xf32>
    %slice3A_705 = vector.extract_strided_slice %add3A_87 {offsets = [192, 0], sizes = [32, 512], strides = [1, 1]} : vector<384x512xf32> to vector<32x512xf32>
    %mul3A_706 = arith.mulf %slice3A_674, %slice3A_705 : vector<32x512xf32>
    %reduce_sum3A_707 = arith.constant dense<0.000000e+00> : vector<512xf32>
    %reduce_sum3A_708 = vector.multi_reduction <add>, %mul3A_706, %reduce_sum3A_707 [0] : vector<32x512xf32> to vector<512xf32>
    %broadcast_in_dim3A_709 = vector.shape_cast %reduce_sum3A_708 : vector<512xf32> to vector<1x512xf32>
    %slice3A_710 = vector.extract_strided_slice %add3A_87 {offsets = [224, 0], sizes = [32, 512], strides = [1, 1]} : vector<384x512xf32> to vector<32x512xf32>
    %mul3A_711 = arith.mulf %slice3A_674, %slice3A_710 : vector<32x512xf32>
    %reduce_sum3A_712 = arith.constant dense<0.000000e+00> : vector<512xf32>
    %reduce_sum3A_713 = vector.multi_reduction <add>, %mul3A_711, %reduce_sum3A_712 [0] : vector<32x512xf32> to vector<512xf32>
    %broadcast_in_dim3A_714 = vector.shape_cast %reduce_sum3A_713 : vector<512xf32> to vector<1x512xf32>
    %slice3A_715 = vector.extract_strided_slice %add3A_87 {offsets = [256, 0], sizes = [32, 512], strides = [1, 1]} : vector<384x512xf32> to vector<32x512xf32>
    %mul3A_716 = arith.mulf %slice3A_674, %slice3A_715 : vector<32x512xf32>
    %reduce_sum3A_717 = arith.constant dense<0.000000e+00> : vector<512xf32>
    %reduce_sum3A_718 = vector.multi_reduction <add>, %mul3A_716, %reduce_sum3A_717 [0] : vector<32x512xf32> to vector<512xf32>
    %broadcast_in_dim3A_719 = vector.shape_cast %reduce_sum3A_718 : vector<512xf32> to vector<1x512xf32>
    %slice3A_720 = vector.extract_strided_slice %add3A_87 {offsets = [288, 0], sizes = [32, 512], strides = [1, 1]} : vector<384x512xf32> to vector<32x512xf32>
    %mul3A_721 = arith.mulf %slice3A_674, %slice3A_720 : vector<32x512xf32>
    %reduce_sum3A_722 = arith.constant dense<0.000000e+00> : vector<512xf32>
    %reduce_sum3A_723 = vector.multi_reduction <add>, %mul3A_721, %reduce_sum3A_722 [0] : vector<32x512xf32> to vector<512xf32>
    %broadcast_in_dim3A_724 = vector.shape_cast %reduce_sum3A_723 : vector<512xf32> to vector<1x512xf32>
    %slice3A_725 = vector.extract_strided_slice %add3A_87 {offsets = [320, 0], sizes = [32, 512], strides = [1, 1]} : vector<384x512xf32> to vector<32x512xf32>
    %mul3A_726 = arith.mulf %slice3A_674, %slice3A_725 : vector<32x512xf32>
    %reduce_sum3A_727 = arith.constant dense<0.000000e+00> : vector<512xf32>
    %reduce_sum3A_728 = vector.multi_reduction <add>, %mul3A_726, %reduce_sum3A_727 [0] : vector<32x512xf32> to vector<512xf32>
    %broadcast_in_dim3A_729 = vector.shape_cast %reduce_sum3A_728 : vector<512xf32> to vector<1x512xf32>
    %slice3A_730 = vector.extract_strided_slice %add3A_87 {offsets = [352, 0], sizes = [32, 512], strides = [1, 1]} : vector<384x512xf32> to vector<32x512xf32>
    %mul3A_731 = arith.mulf %slice3A_674, %slice3A_730 : vector<32x512xf32>
    %reduce_sum3A_732 = arith.constant dense<0.000000e+00> : vector<512xf32>
    %reduce_sum3A_733 = vector.multi_reduction <add>, %mul3A_731, %reduce_sum3A_732 [0] : vector<32x512xf32> to vector<512xf32>
    %broadcast_in_dim3A_734 = vector.shape_cast %reduce_sum3A_733 : vector<512xf32> to vector<1x512xf32>
    %concatenate3A_735 = tpu.concatenate %broadcast_in_dim3A_679, %broadcast_in_dim3A_684, %broadcast_in_dim3A_689, %broadcast_in_dim3A_694, %broadcast_in_dim3A_699, %broadcast_in_dim3A_704, %broadcast_in_dim3A_709, %broadcast_in_dim3A_714, %broadcast_in_dim3A_719, %broadcast_in_dim3A_724, %broadcast_in_dim3A_729, %broadcast_in_dim3A_734 in 0 : vector<1x512xf32>, vector<1x512xf32>, vector<1x512xf32>, vector<1x512xf32>, vector<1x512xf32>, vector<1x512xf32>, vector<1x512xf32>, vector<1x512xf32>, vector<1x512xf32>, vector<1x512xf32>, vector<1x512xf32>, vector<1x512xf32> -> vector<12x512xf32>
    %mul3A_736 = vector.broadcast %get3A_1 : vector<1x1xf32> to vector<12x512xf32>
    %mul3A_737 = arith.mulf %concatenate3A_735, %mul3A_736 : vector<12x512xf32>
    %get3A_738 = arith.constant 0 : index
    %get3A_739 = arith.constant 4 : index
    %get3A_740 = vector.load %arg10[%get3A_738, %get3A_739] : memref<16x128xf32, #tpu.memory_space<vmem>>, vector<12x1xf32>
    %add3A_741 = vector.broadcast %get3A_740 : vector<12x1xf32> to vector<12x512xf32>
    %add3A_742 = arith.addf %mul3A_737, %add3A_741 : vector<12x512xf32>
    %reduce_max3A_743 = arith.constant dense<0xFF800000> : vector<512xf32>
    %reduce_max3A_744 = vector.multi_reduction <maximumf>, %add3A_742, %reduce_max3A_743 [0] : vector<12x512xf32> to vector<512xf32>
    %broadcast_in_dim3A_745 = vector.shape_cast %reduce_max3A_744 : vector<512xf32> to vector<1x512xf32>
    %sub3A_746 = vector.broadcast %broadcast_in_dim3A_745 : vector<1x512xf32> to vector<12x512xf32>
    %sub3A_747 = arith.subf %add3A_742, %sub3A_746 : vector<12x512xf32>
    %exp3A_748 = math.exp %sub3A_747 : vector<12x512xf32>
    %reduce_sum3A_749 = arith.constant dense<0.000000e+00> : vector<512xf32>
    %reduce_sum3A_750 = vector.multi_reduction <add>, %exp3A_748, %reduce_sum3A_749 [0] : vector<12x512xf32> to vector<512xf32>
    %broadcast_in_dim3A_751 = vector.shape_cast %reduce_sum3A_750 : vector<512xf32> to vector<1x512xf32>
    %div3A_752 = arith.constant 1.000000e+00 : f32
    %div3A_753 = vector.broadcast %div3A_752 : f32 to vector<1x512xf32>
    %div3A_754 = arith.divf %div3A_753, %broadcast_in_dim3A_751 : vector<1x512xf32>
    %slice3A_755 = vector.extract_strided_slice %exp3A_748 {offsets = [0, 0], sizes = [1, 512], strides = [1, 1]} : vector<12x512xf32> to vector<1x512xf32>
    %slice3A_756 = vector.extract_strided_slice %add3A_97 {offsets = [0, 0], sizes = [32, 512], strides = [1, 1]} : vector<384x512xf32> to vector<32x512xf32>
    %mul3A_757 = vector.broadcast %slice3A_755 : vector<1x512xf32> to vector<32x512xf32>
    %mul3A_758 = arith.mulf %mul3A_757, %slice3A_756 : vector<32x512xf32>
    %slice3A_759 = vector.extract_strided_slice %exp3A_748 {offsets = [1, 0], sizes = [1, 512], strides = [1, 1]} : vector<12x512xf32> to vector<1x512xf32>
    %slice3A_760 = vector.extract_strided_slice %add3A_97 {offsets = [32, 0], sizes = [32, 512], strides = [1, 1]} : vector<384x512xf32> to vector<32x512xf32>
    %mul3A_761 = vector.broadcast %slice3A_759 : vector<1x512xf32> to vector<32x512xf32>
    %mul3A_762 = arith.mulf %mul3A_761, %slice3A_760 : vector<32x512xf32>
    %add3A_763 = arith.addf %mul3A_758, %mul3A_762 : vector<32x512xf32>
    %slice3A_764 = vector.extract_strided_slice %exp3A_748 {offsets = [2, 0], sizes = [1, 512], strides = [1, 1]} : vector<12x512xf32> to vector<1x512xf32>
    %slice3A_765 = vector.extract_strided_slice %add3A_97 {offsets = [64, 0], sizes = [32, 512], strides = [1, 1]} : vector<384x512xf32> to vector<32x512xf32>
    %mul3A_766 = vector.broadcast %slice3A_764 : vector<1x512xf32> to vector<32x512xf32>
    %mul3A_767 = arith.mulf %mul3A_766, %slice3A_765 : vector<32x512xf32>
    %add3A_768 = arith.addf %add3A_763, %mul3A_767 : vector<32x512xf32>
    %slice3A_769 = vector.extract_strided_slice %exp3A_748 {offsets = [3, 0], sizes = [1, 512], strides = [1, 1]} : vector<12x512xf32> to vector<1x512xf32>
    %slice3A_770 = vector.extract_strided_slice %add3A_97 {offsets = [96, 0], sizes = [32, 512], strides = [1, 1]} : vector<384x512xf32> to vector<32x512xf32>
    %mul3A_771 = vector.broadcast %slice3A_769 : vector<1x512xf32> to vector<32x512xf32>
    %mul3A_772 = arith.mulf %mul3A_771, %slice3A_770 : vector<32x512xf32>
    %add3A_773 = arith.addf %add3A_768, %mul3A_772 : vector<32x512xf32>
    %slice3A_774 = vector.extract_strided_slice %exp3A_748 {offsets = [4, 0], sizes = [1, 512], strides = [1, 1]} : vector<12x512xf32> to vector<1x512xf32>
    %slice3A_775 = vector.extract_strided_slice %add3A_97 {offsets = [128, 0], sizes = [32, 512], strides = [1, 1]} : vector<384x512xf32> to vector<32x512xf32>
    %mul3A_776 = vector.broadcast %slice3A_774 : vector<1x512xf32> to vector<32x512xf32>
    %mul3A_777 = arith.mulf %mul3A_776, %slice3A_775 : vector<32x512xf32>
    %add3A_778 = arith.addf %add3A_773, %mul3A_777 : vector<32x512xf32>
    %slice3A_779 = vector.extract_strided_slice %exp3A_748 {offsets = [5, 0], sizes = [1, 512], strides = [1, 1]} : vector<12x512xf32> to vector<1x512xf32>
    %slice3A_780 = vector.extract_strided_slice %add3A_97 {offsets = [160, 0], sizes = [32, 512], strides = [1, 1]} : vector<384x512xf32> to vector<32x512xf32>
    %mul3A_781 = vector.broadcast %slice3A_779 : vector<1x512xf32> to vector<32x512xf32>
    %mul3A_782 = arith.mulf %mul3A_781, %slice3A_780 : vector<32x512xf32>
    %add3A_783 = arith.addf %add3A_778, %mul3A_782 : vector<32x512xf32>
    %slice3A_784 = vector.extract_strided_slice %exp3A_748 {offsets = [6, 0], sizes = [1, 512], strides = [1, 1]} : vector<12x512xf32> to vector<1x512xf32>
    %slice3A_785 = vector.extract_strided_slice %add3A_97 {offsets = [192, 0], sizes = [32, 512], strides = [1, 1]} : vector<384x512xf32> to vector<32x512xf32>
    %mul3A_786 = vector.broadcast %slice3A_784 : vector<1x512xf32> to vector<32x512xf32>
    %mul3A_787 = arith.mulf %mul3A_786, %slice3A_785 : vector<32x512xf32>
    %add3A_788 = arith.addf %add3A_783, %mul3A_787 : vector<32x512xf32>
    %slice3A_789 = vector.extract_strided_slice %exp3A_748 {offsets = [7, 0], sizes = [1, 512], strides = [1, 1]} : vector<12x512xf32> to vector<1x512xf32>
    %slice3A_790 = vector.extract_strided_slice %add3A_97 {offsets = [224, 0], sizes = [32, 512], strides = [1, 1]} : vector<384x512xf32> to vector<32x512xf32>
    %mul3A_791 = vector.broadcast %slice3A_789 : vector<1x512xf32> to vector<32x512xf32>
    %mul3A_792 = arith.mulf %mul3A_791, %slice3A_790 : vector<32x512xf32>
    %add3A_793 = arith.addf %add3A_788, %mul3A_792 : vector<32x512xf32>
    %slice3A_794 = vector.extract_strided_slice %exp3A_748 {offsets = [8, 0], sizes = [1, 512], strides = [1, 1]} : vector<12x512xf32> to vector<1x512xf32>
    %slice3A_795 = vector.extract_strided_slice %add3A_97 {offsets = [256, 0], sizes = [32, 512], strides = [1, 1]} : vector<384x512xf32> to vector<32x512xf32>
    %mul3A_796 = vector.broadcast %slice3A_794 : vector<1x512xf32> to vector<32x512xf32>
    %mul3A_797 = arith.mulf %mul3A_796, %slice3A_795 : vector<32x512xf32>
    %add3A_798 = arith.addf %add3A_793, %mul3A_797 : vector<32x512xf32>
    %slice3A_799 = vector.extract_strided_slice %exp3A_748 {offsets = [9, 0], sizes = [1, 512], strides = [1, 1]} : vector<12x512xf32> to vector<1x512xf32>
    %slice3A_800 = vector.extract_strided_slice %add3A_97 {offsets = [288, 0], sizes = [32, 512], strides = [1, 1]} : vector<384x512xf32> to vector<32x512xf32>
    %mul3A_801 = vector.broadcast %slice3A_799 : vector<1x512xf32> to vector<32x512xf32>
    %mul3A_802 = arith.mulf %mul3A_801, %slice3A_800 : vector<32x512xf32>
    %add3A_803 = arith.addf %add3A_798, %mul3A_802 : vector<32x512xf32>
    %slice3A_804 = vector.extract_strided_slice %exp3A_748 {offsets = [10, 0], sizes = [1, 512], strides = [1, 1]} : vector<12x512xf32> to vector<1x512xf32>
    %slice3A_805 = vector.extract_strided_slice %add3A_97 {offsets = [320, 0], sizes = [32, 512], strides = [1, 1]} : vector<384x512xf32> to vector<32x512xf32>
    %mul3A_806 = vector.broadcast %slice3A_804 : vector<1x512xf32> to vector<32x512xf32>
    %mul3A_807 = arith.mulf %mul3A_806, %slice3A_805 : vector<32x512xf32>
    %add3A_808 = arith.addf %add3A_803, %mul3A_807 : vector<32x512xf32>
    %slice3A_809 = vector.extract_strided_slice %exp3A_748 {offsets = [11, 0], sizes = [1, 512], strides = [1, 1]} : vector<12x512xf32> to vector<1x512xf32>
    %slice3A_810 = vector.extract_strided_slice %add3A_97 {offsets = [352, 0], sizes = [32, 512], strides = [1, 1]} : vector<384x512xf32> to vector<32x512xf32>
    %mul3A_811 = vector.broadcast %slice3A_809 : vector<1x512xf32> to vector<32x512xf32>
    %mul3A_812 = arith.mulf %mul3A_811, %slice3A_810 : vector<32x512xf32>
    %add3A_813 = arith.addf %add3A_808, %mul3A_812 : vector<32x512xf32>
    %mul3A_814 = vector.broadcast %div3A_754 : vector<1x512xf32> to vector<32x512xf32>
    %mul3A_815 = arith.mulf %add3A_813, %mul3A_814 : vector<32x512xf32>
    %swap3A_816 = arith.constant 128 : index
    %swap3A_817 = arith.constant 0 : index
    %swap3A_818 = vector.load %arg14[%swap3A_816, %swap3A_817] : memref<384x512xf32, #tpu.memory_space<vmem>>, vector<32x512xf32>
    tpu.vector_store %arg14[%swap3A_816, %swap3A_817], %mul3A_815 {strides = array<i32>} : memref<384x512xf32, #tpu.memory_space<vmem>>, vector<32x512xf32>,
    %slice3A_819 = vector.extract_strided_slice %add3A_77 {offsets = [160, 0], sizes = [32, 512], strides = [1, 1]} : vector<384x512xf32> to vector<32x512xf32>
    %slice3A_820 = vector.extract_strided_slice %add3A_87 {offsets = [0, 0], sizes = [32, 512], strides = [1, 1]} : vector<384x512xf32> to vector<32x512xf32>
    %mul3A_821 = arith.mulf %slice3A_819, %slice3A_820 : vector<32x512xf32>
    %reduce_sum3A_822 = arith.constant dense<0.000000e+00> : vector<512xf32>
    %reduce_sum3A_823 = vector.multi_reduction <add>, %mul3A_821, %reduce_sum3A_822 [0] : vector<32x512xf32> to vector<512xf32>
    %broadcast_in_dim3A_824 = vector.shape_cast %reduce_sum3A_823 : vector<512xf32> to vector<1x512xf32>
    %slice3A_825 = vector.extract_strided_slice %add3A_87 {offsets = [32, 0], sizes = [32, 512], strides = [1, 1]} : vector<384x512xf32> to vector<32x512xf32>
    %mul3A_826 = arith.mulf %slice3A_819, %slice3A_825 : vector<32x512xf32>
    %reduce_sum3A_827 = arith.constant dense<0.000000e+00> : vector<512xf32>
    %reduce_sum3A_828 = vector.multi_reduction <add>, %mul3A_826, %reduce_sum3A_827 [0] : vector<32x512xf32> to vector<512xf32>
    %broadcast_in_dim3A_829 = vector.shape_cast %reduce_sum3A_828 : vector<512xf32> to vector<1x512xf32>
    %slice3A_830 = vector.extract_strided_slice %add3A_87 {offsets = [64, 0], sizes = [32, 512], strides = [1, 1]} : vector<384x512xf32> to vector<32x512xf32>
    %mul3A_831 = arith.mulf %slice3A_819, %slice3A_830 : vector<32x512xf32>
    %reduce_sum3A_832 = arith.constant dense<0.000000e+00> : vector<512xf32>
    %reduce_sum3A_833 = vector.multi_reduction <add>, %mul3A_831, %reduce_sum3A_832 [0] : vector<32x512xf32> to vector<512xf32>
    %broadcast_in_dim3A_834 = vector.shape_cast %reduce_sum3A_833 : vector<512xf32> to vector<1x512xf32>
    %slice3A_835 = vector.extract_strided_slice %add3A_87 {offsets = [96, 0], sizes = [32, 512], strides = [1, 1]} : vector<384x512xf32> to vector<32x512xf32>
    %mul3A_836 = arith.mulf %slice3A_819, %slice3A_835 : vector<32x512xf32>
    %reduce_sum3A_837 = arith.constant dense<0.000000e+00> : vector<512xf32>
    %reduce_sum3A_838 = vector.multi_reduction <add>, %mul3A_836, %reduce_sum3A_837 [0] : vector<32x512xf32> to vector<512xf32>
    %broadcast_in_dim3A_839 = vector.shape_cast %reduce_sum3A_838 : vector<512xf32> to vector<1x512xf32>
    %slice3A_840 = vector.extract_strided_slice %add3A_87 {offsets = [128, 0], sizes = [32, 512], strides = [1, 1]} : vector<384x512xf32> to vector<32x512xf32>
    %mul3A_841 = arith.mulf %slice3A_819, %slice3A_840 : vector<32x512xf32>
    %reduce_sum3A_842 = arith.constant dense<0.000000e+00> : vector<512xf32>
    %reduce_sum3A_843 = vector.multi_reduction <add>, %mul3A_841, %reduce_sum3A_842 [0] : vector<32x512xf32> to vector<512xf32>
    %broadcast_in_dim3A_844 = vector.shape_cast %reduce_sum3A_843 : vector<512xf32> to vector<1x512xf32>
    %slice3A_845 = vector.extract_strided_slice %add3A_87 {offsets = [160, 0], sizes = [32, 512], strides = [1, 1]} : vector<384x512xf32> to vector<32x512xf32>
    %mul3A_846 = arith.mulf %slice3A_819, %slice3A_845 : vector<32x512xf32>
    %reduce_sum3A_847 = arith.constant dense<0.000000e+00> : vector<512xf32>
    %reduce_sum3A_848 = vector.multi_reduction <add>, %mul3A_846, %reduce_sum3A_847 [0] : vector<32x512xf32> to vector<512xf32>
    %broadcast_in_dim3A_849 = vector.shape_cast %reduce_sum3A_848 : vector<512xf32> to vector<1x512xf32>
    %slice3A_850 = vector.extract_strided_slice %add3A_87 {offsets = [192, 0], sizes = [32, 512], strides = [1, 1]} : vector<384x512xf32> to vector<32x512xf32>
    %mul3A_851 = arith.mulf %slice3A_819, %slice3A_850 : vector<32x512xf32>
    %reduce_sum3A_852 = arith.constant dense<0.000000e+00> : vector<512xf32>
    %reduce_sum3A_853 = vector.multi_reduction <add>, %mul3A_851, %reduce_sum3A_852 [0] : vector<32x512xf32> to vector<512xf32>
    %broadcast_in_dim3A_854 = vector.shape_cast %reduce_sum3A_853 : vector<512xf32> to vector<1x512xf32>
    %slice3A_855 = vector.extract_strided_slice %add3A_87 {offsets = [224, 0], sizes = [32, 512], strides = [1, 1]} : vector<384x512xf32> to vector<32x512xf32>
    %mul3A_856 = arith.mulf %slice3A_819, %slice3A_855 : vector<32x512xf32>
    %reduce_sum3A_857 = arith.constant dense<0.000000e+00> : vector<512xf32>
    %reduce_sum3A_858 = vector.multi_reduction <add>, %mul3A_856, %reduce_sum3A_857 [0] : vector<32x512xf32> to vector<512xf32>
    %broadcast_in_dim3A_859 = vector.shape_cast %reduce_sum3A_858 : vector<512xf32> to vector<1x512xf32>
    %slice3A_860 = vector.extract_strided_slice %add3A_87 {offsets = [256, 0], sizes = [32, 512], strides = [1, 1]} : vector<384x512xf32> to vector<32x512xf32>
    %mul3A_861 = arith.mulf %slice3A_819, %slice3A_860 : vector<32x512xf32>
    %reduce_sum3A_862 = arith.constant dense<0.000000e+00> : vector<512xf32>
    %reduce_sum3A_863 = vector.multi_reduction <add>, %mul3A_861, %reduce_sum3A_862 [0] : vector<32x512xf32> to vector<512xf32>
    %broadcast_in_dim3A_864 = vector.shape_cast %reduce_sum3A_863 : vector<512xf32> to vector<1x512xf32>
    %slice3A_865 = vector.extract_strided_slice %add3A_87 {offsets = [288, 0], sizes = [32, 512], strides = [1, 1]} : vector<384x512xf32> to vector<32x512xf32>
    %mul3A_866 = arith.mulf %slice3A_819, %slice3A_865 : vector<32x512xf32>
    %reduce_sum3A_867 = arith.constant dense<0.000000e+00> : vector<512xf32>
    %reduce_sum3A_868 = vector.multi_reduction <add>, %mul3A_866, %reduce_sum3A_867 [0] : vector<32x512xf32> to vector<512xf32>
    %broadcast_in_dim3A_869 = vector.shape_cast %reduce_sum3A_868 : vector<512xf32> to vector<1x512xf32>
    %slice3A_870 = vector.extract_strided_slice %add3A_87 {offsets = [320, 0], sizes = [32, 512], strides = [1, 1]} : vector<384x512xf32> to vector<32x512xf32>
    %mul3A_871 = arith.mulf %slice3A_819, %slice3A_870 : vector<32x512xf32>
    %reduce_sum3A_872 = arith.constant dense<0.000000e+00> : vector<512xf32>
    %reduce_sum3A_873 = vector.multi_reduction <add>, %mul3A_871, %reduce_sum3A_872 [0] : vector<32x512xf32> to vector<512xf32>
    %broadcast_in_dim3A_874 = vector.shape_cast %reduce_sum3A_873 : vector<512xf32> to vector<1x512xf32>
    %slice3A_875 = vector.extract_strided_slice %add3A_87 {offsets = [352, 0], sizes = [32, 512], strides = [1, 1]} : vector<384x512xf32> to vector<32x512xf32>
    %mul3A_876 = arith.mulf %slice3A_819, %slice3A_875 : vector<32x512xf32>
    %reduce_sum3A_877 = arith.constant dense<0.000000e+00> : vector<512xf32>
    %reduce_sum3A_878 = vector.multi_reduction <add>, %mul3A_876, %reduce_sum3A_877 [0] : vector<32x512xf32> to vector<512xf32>
    %broadcast_in_dim3A_879 = vector.shape_cast %reduce_sum3A_878 : vector<512xf32> to vector<1x512xf32>
    %concatenate3A_880 = tpu.concatenate %broadcast_in_dim3A_824, %broadcast_in_dim3A_829, %broadcast_in_dim3A_834, %broadcast_in_dim3A_839, %broadcast_in_dim3A_844, %broadcast_in_dim3A_849, %broadcast_in_dim3A_854, %broadcast_in_dim3A_859, %broadcast_in_dim3A_864, %broadcast_in_dim3A_869, %broadcast_in_dim3A_874, %broadcast_in_dim3A_879 in 0 : vector<1x512xf32>, vector<1x512xf32>, vector<1x512xf32>, vector<1x512xf32>, vector<1x512xf32>, vector<1x512xf32>, vector<1x512xf32>, vector<1x512xf32>, vector<1x512xf32>, vector<1x512xf32>, vector<1x512xf32>, vector<1x512xf32> -> vector<12x512xf32>
    %mul3A_881 = vector.broadcast %get3A_1 : vector<1x1xf32> to vector<12x512xf32>
    %mul3A_882 = arith.mulf %concatenate3A_880, %mul3A_881 : vector<12x512xf32>
    %get3A_883 = arith.constant 0 : index
    %get3A_884 = arith.constant 5 : index
    %get3A_885 = vector.load %arg10[%get3A_883, %get3A_884] : memref<16x128xf32, #tpu.memory_space<vmem>>, vector<12x1xf32>
    %add3A_886 = vector.broadcast %get3A_885 : vector<12x1xf32> to vector<12x512xf32>
    %add3A_887 = arith.addf %mul3A_882, %add3A_886 : vector<12x512xf32>
    %reduce_max3A_888 = arith.constant dense<0xFF800000> : vector<512xf32>
    %reduce_max3A_889 = vector.multi_reduction <maximumf>, %add3A_887, %reduce_max3A_888 [0] : vector<12x512xf32> to vector<512xf32>
    %broadcast_in_dim3A_890 = vector.shape_cast %reduce_max3A_889 : vector<512xf32> to vector<1x512xf32>
    %sub3A_891 = vector.broadcast %broadcast_in_dim3A_890 : vector<1x512xf32> to vector<12x512xf32>
    %sub3A_892 = arith.subf %add3A_887, %sub3A_891 : vector<12x512xf32>
    %exp3A_893 = math.exp %sub3A_892 : vector<12x512xf32>
    %reduce_sum3A_894 = arith.constant dense<0.000000e+00> : vector<512xf32>
    %reduce_sum3A_895 = vector.multi_reduction <add>, %exp3A_893, %reduce_sum3A_894 [0] : vector<12x512xf32> to vector<512xf32>
    %broadcast_in_dim3A_896 = vector.shape_cast %reduce_sum3A_895 : vector<512xf32> to vector<1x512xf32>
    %div3A_897 = arith.constant 1.000000e+00 : f32
    %div3A_898 = vector.broadcast %div3A_897 : f32 to vector<1x512xf32>
    %div3A_899 = arith.divf %div3A_898, %broadcast_in_dim3A_896 : vector<1x512xf32>
    %slice3A_900 = vector.extract_strided_slice %exp3A_893 {offsets = [0, 0], sizes = [1, 512], strides = [1, 1]} : vector<12x512xf32> to vector<1x512xf32>
    %slice3A_901 = vector.extract_strided_slice %add3A_97 {offsets = [0, 0], sizes = [32, 512], strides = [1, 1]} : vector<384x512xf32> to vector<32x512xf32>
    %mul3A_902 = vector.broadcast %slice3A_900 : vector<1x512xf32> to vector<32x512xf32>
    %mul3A_903 = arith.mulf %mul3A_902, %slice3A_901 : vector<32x512xf32>
    %slice3A_904 = vector.extract_strided_slice %exp3A_893 {offsets = [1, 0], sizes = [1, 512], strides = [1, 1]} : vector<12x512xf32> to vector<1x512xf32>
    %slice3A_905 = vector.extract_strided_slice %add3A_97 {offsets = [32, 0], sizes = [32, 512], strides = [1, 1]} : vector<384x512xf32> to vector<32x512xf32>
    %mul3A_906 = vector.broadcast %slice3A_904 : vector<1x512xf32> to vector<32x512xf32>
    %mul3A_907 = arith.mulf %mul3A_906, %slice3A_905 : vector<32x512xf32>
    %add3A_908 = arith.addf %mul3A_903, %mul3A_907 : vector<32x512xf32>
    %slice3A_909 = vector.extract_strided_slice %exp3A_893 {offsets = [2, 0], sizes = [1, 512], strides = [1, 1]} : vector<12x512xf32> to vector<1x512xf32>
    %slice3A_910 = vector.extract_strided_slice %add3A_97 {offsets = [64, 0], sizes = [32, 512], strides = [1, 1]} : vector<384x512xf32> to vector<32x512xf32>
    %mul3A_911 = vector.broadcast %slice3A_909 : vector<1x512xf32> to vector<32x512xf32>
    %mul3A_912 = arith.mulf %mul3A_911, %slice3A_910 : vector<32x512xf32>
    %add3A_913 = arith.addf %add3A_908, %mul3A_912 : vector<32x512xf32>
    %slice3A_914 = vector.extract_strided_slice %exp3A_893 {offsets = [3, 0], sizes = [1, 512], strides = [1, 1]} : vector<12x512xf32> to vector<1x512xf32>
    %slice3A_915 = vector.extract_strided_slice %add3A_97 {offsets = [96, 0], sizes = [32, 512], strides = [1, 1]} : vector<384x512xf32> to vector<32x512xf32>
    %mul3A_916 = vector.broadcast %slice3A_914 : vector<1x512xf32> to vector<32x512xf32>
    %mul3A_917 = arith.mulf %mul3A_916, %slice3A_915 : vector<32x512xf32>
    %add3A_918 = arith.addf %add3A_913, %mul3A_917 : vector<32x512xf32>
    %slice3A_919 = vector.extract_strided_slice %exp3A_893 {offsets = [4, 0], sizes = [1, 512], strides = [1, 1]} : vector<12x512xf32> to vector<1x512xf32>
    %slice3A_920 = vector.extract_strided_slice %add3A_97 {offsets = [128, 0], sizes = [32, 512], strides = [1, 1]} : vector<384x512xf32> to vector<32x512xf32>
    %mul3A_921 = vector.broadcast %slice3A_919 : vector<1x512xf32> to vector<32x512xf32>
    %mul3A_922 = arith.mulf %mul3A_921, %slice3A_920 : vector<32x512xf32>
    %add3A_923 = arith.addf %add3A_918, %mul3A_922 : vector<32x512xf32>
    %slice3A_924 = vector.extract_strided_slice %exp3A_893 {offsets = [5, 0], sizes = [1, 512], strides = [1, 1]} : vector<12x512xf32> to vector<1x512xf32>
    %slice3A_925 = vector.extract_strided_slice %add3A_97 {offsets = [160, 0], sizes = [32, 512], strides = [1, 1]} : vector<384x512xf32> to vector<32x512xf32>
    %mul3A_926 = vector.broadcast %slice3A_924 : vector<1x512xf32> to vector<32x512xf32>
    %mul3A_927 = arith.mulf %mul3A_926, %slice3A_925 : vector<32x512xf32>
    %add3A_928 = arith.addf %add3A_923, %mul3A_927 : vector<32x512xf32>
    %slice3A_929 = vector.extract_strided_slice %exp3A_893 {offsets = [6, 0], sizes = [1, 512], strides = [1, 1]} : vector<12x512xf32> to vector<1x512xf32>
    %slice3A_930 = vector.extract_strided_slice %add3A_97 {offsets = [192, 0], sizes = [32, 512], strides = [1, 1]} : vector<384x512xf32> to vector<32x512xf32>
    %mul3A_931 = vector.broadcast %slice3A_929 : vector<1x512xf32> to vector<32x512xf32>
    %mul3A_932 = arith.mulf %mul3A_931, %slice3A_930 : vector<32x512xf32>
    %add3A_933 = arith.addf %add3A_928, %mul3A_932 : vector<32x512xf32>
    %slice3A_934 = vector.extract_strided_slice %exp3A_893 {offsets = [7, 0], sizes = [1, 512], strides = [1, 1]} : vector<12x512xf32> to vector<1x512xf32>
    %slice3A_935 = vector.extract_strided_slice %add3A_97 {offsets = [224, 0], sizes = [32, 512], strides = [1, 1]} : vector<384x512xf32> to vector<32x512xf32>
    %mul3A_936 = vector.broadcast %slice3A_934 : vector<1x512xf32> to vector<32x512xf32>
    %mul3A_937 = arith.mulf %mul3A_936, %slice3A_935 : vector<32x512xf32>
    %add3A_938 = arith.addf %add3A_933, %mul3A_937 : vector<32x512xf32>
    %slice3A_939 = vector.extract_strided_slice %exp3A_893 {offsets = [8, 0], sizes = [1, 512], strides = [1, 1]} : vector<12x512xf32> to vector<1x512xf32>
    %slice3A_940 = vector.extract_strided_slice %add3A_97 {offsets = [256, 0], sizes = [32, 512], strides = [1, 1]} : vector<384x512xf32> to vector<32x512xf32>
    %mul3A_941 = vector.broadcast %slice3A_939 : vector<1x512xf32> to vector<32x512xf32>
    %mul3A_942 = arith.mulf %mul3A_941, %slice3A_940 : vector<32x512xf32>
    %add3A_943 = arith.addf %add3A_938, %mul3A_942 : vector<32x512xf32>
    %slice3A_944 = vector.extract_strided_slice %exp3A_893 {offsets = [9, 0], sizes = [1, 512], strides = [1, 1]} : vector<12x512xf32> to vector<1x512xf32>
    %slice3A_945 = vector.extract_strided_slice %add3A_97 {offsets = [288, 0], sizes = [32, 512], strides = [1, 1]} : vector<384x512xf32> to vector<32x512xf32>
    %mul3A_946 = vector.broadcast %slice3A_944 : vector<1x512xf32> to vector<32x512xf32>
    %mul3A_947 = arith.mulf %mul3A_946, %slice3A_945 : vector<32x512xf32>
    %add3A_948 = arith.addf %add3A_943, %mul3A_947 : vector<32x512xf32>
    %slice3A_949 = vector.extract_strided_slice %exp3A_893 {offsets = [10, 0], sizes = [1, 512], strides = [1, 1]} : vector<12x512xf32> to vector<1x512xf32>
    %slice3A_950 = vector.extract_strided_slice %add3A_97 {offsets = [320, 0], sizes = [32, 512], strides = [1, 1]} : vector<384x512xf32> to vector<32x512xf32>
    %mul3A_951 = vector.broadcast %slice3A_949 : vector<1x512xf32> to vector<32x512xf32>
    %mul3A_952 = arith.mulf %mul3A_951, %slice3A_950 : vector<32x512xf32>
    %add3A_953 = arith.addf %add3A_948, %mul3A_952 : vector<32x512xf32>
    %slice3A_954 = vector.extract_strided_slice %exp3A_893 {offsets = [11, 0], sizes = [1, 512], strides = [1, 1]} : vector<12x512xf32> to vector<1x512xf32>
    %slice3A_955 = vector.extract_strided_slice %add3A_97 {offsets = [352, 0], sizes = [32, 512], strides = [1, 1]} : vector<384x512xf32> to vector<32x512xf32>
    %mul3A_956 = vector.broadcast %slice3A_954 : vector<1x512xf32> to vector<32x512xf32>
    %mul3A_957 = arith.mulf %mul3A_956, %slice3A_955 : vector<32x512xf32>
    %add3A_958 = arith.addf %add3A_953, %mul3A_957 : vector<32x512xf32>
    %mul3A_959 = vector.broadcast %div3A_899 : vector<1x512xf32> to vector<32x512xf32>
    %mul3A_960 = arith.mulf %add3A_958, %mul3A_959 : vector<32x512xf32>
    %swap3A_961 = arith.constant 160 : index
    %swap3A_962 = arith.constant 0 : index
    %swap3A_963 = vector.load %arg14[%swap3A_961, %swap3A_962] : memref<384x512xf32, #tpu.memory_space<vmem>>, vector<32x512xf32>
    tpu.vector_store %arg14[%swap3A_961, %swap3A_962], %mul3A_960 {strides = array<i32>} : memref<384x512xf32, #tpu.memory_space<vmem>>, vector<32x512xf32>,
    %slice3A_964 = vector.extract_strided_slice %add3A_77 {offsets = [192, 0], sizes = [32, 512], strides = [1, 1]} : vector<384x512xf32> to vector<32x512xf32>
    %slice3A_965 = vector.extract_strided_slice %add3A_87 {offsets = [0, 0], sizes = [32, 512], strides = [1, 1]} : vector<384x512xf32> to vector<32x512xf32>
    %mul3A_966 = arith.mulf %slice3A_964, %slice3A_965 : vector<32x512xf32>
    %reduce_sum3A_967 = arith.constant dense<0.000000e+00> : vector<512xf32>
    %reduce_sum3A_968 = vector.multi_reduction <add>, %mul3A_966, %reduce_sum3A_967 [0] : vector<32x512xf32> to vector<512xf32>
    %broadcast_in_dim3A_969 = vector.shape_cast %reduce_sum3A_968 : vector<512xf32> to vector<1x512xf32>
    %slice3A_970 = vector.extract_strided_slice %add3A_87 {offsets = [32, 0], sizes = [32, 512], strides = [1, 1]} : vector<384x512xf32> to vector<32x512xf32>
    %mul3A_971 = arith.mulf %slice3A_964, %slice3A_970 : vector<32x512xf32>
    %reduce_sum3A_972 = arith.constant dense<0.000000e+00> : vector<512xf32>
    %reduce_sum3A_973 = vector.multi_reduction <add>, %mul3A_971, %reduce_sum3A_972 [0] : vector<32x512xf32> to vector<512xf32>
    %broadcast_in_dim3A_974 = vector.shape_cast %reduce_sum3A_973 : vector<512xf32> to vector<1x512xf32>
    %slice3A_975 = vector.extract_strided_slice %add3A_87 {offsets = [64, 0], sizes = [32, 512], strides = [1, 1]} : vector<384x512xf32> to vector<32x512xf32>
    %mul3A_976 = arith.mulf %slice3A_964, %slice3A_975 : vector<32x512xf32>
    %reduce_sum3A_977 = arith.constant dense<0.000000e+00> : vector<512xf32>
    %reduce_sum3A_978 = vector.multi_reduction <add>, %mul3A_976, %reduce_sum3A_977 [0] : vector<32x512xf32> to vector<512xf32>
    %broadcast_in_dim3A_979 = vector.shape_cast %reduce_sum3A_978 : vector<512xf32> to vector<1x512xf32>
    %slice3A_980 = vector.extract_strided_slice %add3A_87 {offsets = [96, 0], sizes = [32, 512], strides = [1, 1]} : vector<384x512xf32> to vector<32x512xf32>
    %mul3A_981 = arith.mulf %slice3A_964, %slice3A_980 : vector<32x512xf32>
    %reduce_sum3A_982 = arith.constant dense<0.000000e+00> : vector<512xf32>
    %reduce_sum3A_983 = vector.multi_reduction <add>, %mul3A_981, %reduce_sum3A_982 [0] : vector<32x512xf32> to vector<512xf32>
    %broadcast_in_dim3A_984 = vector.shape_cast %reduce_sum3A_983 : vector<512xf32> to vector<1x512xf32>
    %slice3A_985 = vector.extract_strided_slice %add3A_87 {offsets = [128, 0], sizes = [32, 512], strides = [1, 1]} : vector<384x512xf32> to vector<32x512xf32>
    %mul3A_986 = arith.mulf %slice3A_964, %slice3A_985 : vector<32x512xf32>
    %reduce_sum3A_987 = arith.constant dense<0.000000e+00> : vector<512xf32>
    %reduce_sum3A_988 = vector.multi_reduction <add>, %mul3A_986, %reduce_sum3A_987 [0] : vector<32x512xf32> to vector<512xf32>
    %broadcast_in_dim3A_989 = vector.shape_cast %reduce_sum3A_988 : vector<512xf32> to vector<1x512xf32>
    %slice3A_990 = vector.extract_strided_slice %add3A_87 {offsets = [160, 0], sizes = [32, 512], strides = [1, 1]} : vector<384x512xf32> to vector<32x512xf32>
    %mul3A_991 = arith.mulf %slice3A_964, %slice3A_990 : vector<32x512xf32>
    %reduce_sum3A_992 = arith.constant dense<0.000000e+00> : vector<512xf32>
    %reduce_sum3A_993 = vector.multi_reduction <add>, %mul3A_991, %reduce_sum3A_992 [0] : vector<32x512xf32> to vector<512xf32>
    %broadcast_in_dim3A_994 = vector.shape_cast %reduce_sum3A_993 : vector<512xf32> to vector<1x512xf32>
    %slice3A_995 = vector.extract_strided_slice %add3A_87 {offsets = [192, 0], sizes = [32, 512], strides = [1, 1]} : vector<384x512xf32> to vector<32x512xf32>
    %mul3A_996 = arith.mulf %slice3A_964, %slice3A_995 : vector<32x512xf32>
    %reduce_sum3A_997 = arith.constant dense<0.000000e+00> : vector<512xf32>
    %reduce_sum3A_998 = vector.multi_reduction <add>, %mul3A_996, %reduce_sum3A_997 [0] : vector<32x512xf32> to vector<512xf32>
    %broadcast_in_dim3A_999 = vector.shape_cast %reduce_sum3A_998 : vector<512xf32> to vector<1x512xf32>
    %slice3A_1000 = vector.extract_strided_slice %add3A_87 {offsets = [224, 0], sizes = [32, 512], strides = [1, 1]} : vector<384x512xf32> to vector<32x512xf32>
    %mul3A_1001 = arith.mulf %slice3A_964, %slice3A_1000 : vector<32x512xf32>
    %reduce_sum3A_1002 = arith.constant dense<0.000000e+00> : vector<512xf32>
    %reduce_sum3A_1003 = vector.multi_reduction <add>, %mul3A_1001, %reduce_sum3A_1002 [0] : vector<32x512xf32> to vector<512xf32>
    %broadcast_in_dim3A_1004 = vector.shape_cast %reduce_sum3A_1003 : vector<512xf32> to vector<1x512xf32>
    %slice3A_1005 = vector.extract_strided_slice %add3A_87 {offsets = [256, 0], sizes = [32, 512], strides = [1, 1]} : vector<384x512xf32> to vector<32x512xf32>
    %mul3A_1006 = arith.mulf %slice3A_964, %slice3A_1005 : vector<32x512xf32>
    %reduce_sum3A_1007 = arith.constant dense<0.000000e+00> : vector<512xf32>
    %reduce_sum3A_1008 = vector.multi_reduction <add>, %mul3A_1006, %reduce_sum3A_1007 [0] : vector<32x512xf32> to vector<512xf32>
    %broadcast_in_dim3A_1009 = vector.shape_cast %reduce_sum3A_1008 : vector<512xf32> to vector<1x512xf32>
    %slice3A_1010 = vector.extract_strided_slice %add3A_87 {offsets = [288, 0], sizes = [32, 512], strides = [1, 1]} : vector<384x512xf32> to vector<32x512xf32>
    %mul3A_1011 = arith.mulf %slice3A_964, %slice3A_1010 : vector<32x512xf32>
    %reduce_sum3A_1012 = arith.constant dense<0.000000e+00> : vector<512xf32>
    %reduce_sum3A_1013 = vector.multi_reduction <add>, %mul3A_1011, %reduce_sum3A_1012 [0] : vector<32x512xf32> to vector<512xf32>
    %broadcast_in_dim3A_1014 = vector.shape_cast %reduce_sum3A_1013 : vector<512xf32> to vector<1x512xf32>
    %slice3A_1015 = vector.extract_strided_slice %add3A_87 {offsets = [320, 0], sizes = [32, 512], strides = [1, 1]} : vector<384x512xf32> to vector<32x512xf32>
    %mul3A_1016 = arith.mulf %slice3A_964, %slice3A_1015 : vector<32x512xf32>
    %reduce_sum3A_1017 = arith.constant dense<0.000000e+00> : vector<512xf32>
    %reduce_sum3A_1018 = vector.multi_reduction <add>, %mul3A_1016, %reduce_sum3A_1017 [0] : vector<32x512xf32> to vector<512xf32>
    %broadcast_in_dim3A_1019 = vector.shape_cast %reduce_sum3A_1018 : vector<512xf32> to vector<1x512xf32>
    %slice3A_1020 = vector.extract_strided_slice %add3A_87 {offsets = [352, 0], sizes = [32, 512], strides = [1, 1]} : vector<384x512xf32> to vector<32x512xf32>
    %mul3A_1021 = arith.mulf %slice3A_964, %slice3A_1020 : vector<32x512xf32>
    %reduce_sum3A_1022 = arith.constant dense<0.000000e+00> : vector<512xf32>
    %reduce_sum3A_1023 = vector.multi_reduction <add>, %mul3A_1021, %reduce_sum3A_1022 [0] : vector<32x512xf32> to vector<512xf32>
    %broadcast_in_dim3A_1024 = vector.shape_cast %reduce_sum3A_1023 : vector<512xf32> to vector<1x512xf32>
    %concatenate3A_1025 = tpu.concatenate %broadcast_in_dim3A_969, %broadcast_in_dim3A_974, %broadcast_in_dim3A_979, %broadcast_in_dim3A_984, %broadcast_in_dim3A_989, %broadcast_in_dim3A_994, %broadcast_in_dim3A_999, %broadcast_in_dim3A_1004, %broadcast_in_dim3A_1009, %broadcast_in_dim3A_1014, %broadcast_in_dim3A_1019, %broadcast_in_dim3A_1024 in 0 : vector<1x512xf32>, vector<1x512xf32>, vector<1x512xf32>, vector<1x512xf32>, vector<1x512xf32>, vector<1x512xf32>, vector<1x512xf32>, vector<1x512xf32>, vector<1x512xf32>, vector<1x512xf32>, vector<1x512xf32>, vector<1x512xf32> -> vector<12x512xf32>
    %mul3A_1026 = vector.broadcast %get3A_1 : vector<1x1xf32> to vector<12x512xf32>
    %mul3A_1027 = arith.mulf %concatenate3A_1025, %mul3A_1026 : vector<12x512xf32>
    %get3A_1028 = arith.constant 0 : index
    %get3A_1029 = arith.constant 6 : index
    %get3A_1030 = vector.load %arg10[%get3A_1028, %get3A_1029] : memref<16x128xf32, #tpu.memory_space<vmem>>, vector<12x1xf32>
    %add3A_1031 = vector.broadcast %get3A_1030 : vector<12x1xf32> to vector<12x512xf32>
    %add3A_1032 = arith.addf %mul3A_1027, %add3A_1031 : vector<12x512xf32>
    %reduce_max3A_1033 = arith.constant dense<0xFF800000> : vector<512xf32>
    %reduce_max3A_1034 = vector.multi_reduction <maximumf>, %add3A_1032, %reduce_max3A_1033 [0] : vector<12x512xf32> to vector<512xf32>
    %broadcast_in_dim3A_1035 = vector.shape_cast %reduce_max3A_1034 : vector<512xf32> to vector<1x512xf32>
    %sub3A_1036 = vector.broadcast %broadcast_in_dim3A_1035 : vector<1x512xf32> to vector<12x512xf32>
    %sub3A_1037 = arith.subf %add3A_1032, %sub3A_1036 : vector<12x512xf32>
    %exp3A_1038 = math.exp %sub3A_1037 : vector<12x512xf32>
    %reduce_sum3A_1039 = arith.constant dense<0.000000e+00> : vector<512xf32>
    %reduce_sum3A_1040 = vector.multi_reduction <add>, %exp3A_1038, %reduce_sum3A_1039 [0] : vector<12x512xf32> to vector<512xf32>
    %broadcast_in_dim3A_1041 = vector.shape_cast %reduce_sum3A_1040 : vector<512xf32> to vector<1x512xf32>
    %div3A_1042 = arith.constant 1.000000e+00 : f32
    %div3A_1043 = vector.broadcast %div3A_1042 : f32 to vector<1x512xf32>
    %div3A_1044 = arith.divf %div3A_1043, %broadcast_in_dim3A_1041 : vector<1x512xf32>
    %slice3A_1045 = vector.extract_strided_slice %exp3A_1038 {offsets = [0, 0], sizes = [1, 512], strides = [1, 1]} : vector<12x512xf32> to vector<1x512xf32>
    %slice3A_1046 = vector.extract_strided_slice %add3A_97 {offsets = [0, 0], sizes = [32, 512], strides = [1, 1]} : vector<384x512xf32> to vector<32x512xf32>
    %mul3A_1047 = vector.broadcast %slice3A_1045 : vector<1x512xf32> to vector<32x512xf32>
    %mul3A_1048 = arith.mulf %mul3A_1047, %slice3A_1046 : vector<32x512xf32>
    %slice3A_1049 = vector.extract_strided_slice %exp3A_1038 {offsets = [1, 0], sizes = [1, 512], strides = [1, 1]} : vector<12x512xf32> to vector<1x512xf32>
    %slice3A_1050 = vector.extract_strided_slice %add3A_97 {offsets = [32, 0], sizes = [32, 512], strides = [1, 1]} : vector<384x512xf32> to vector<32x512xf32>
    %mul3A_1051 = vector.broadcast %slice3A_1049 : vector<1x512xf32> to vector<32x512xf32>
    %mul3A_1052 = arith.mulf %mul3A_1051, %slice3A_1050 : vector<32x512xf32>
    %add3A_1053 = arith.addf %mul3A_1048, %mul3A_1052 : vector<32x512xf32>
    %slice3A_1054 = vector.extract_strided_slice %exp3A_1038 {offsets = [2, 0], sizes = [1, 512], strides = [1, 1]} : vector<12x512xf32> to vector<1x512xf32>
    %slice3A_1055 = vector.extract_strided_slice %add3A_97 {offsets = [64, 0], sizes = [32, 512], strides = [1, 1]} : vector<384x512xf32> to vector<32x512xf32>
    %mul3A_1056 = vector.broadcast %slice3A_1054 : vector<1x512xf32> to vector<32x512xf32>
    %mul3A_1057 = arith.mulf %mul3A_1056, %slice3A_1055 : vector<32x512xf32>
    %add3A_1058 = arith.addf %add3A_1053, %mul3A_1057 : vector<32x512xf32>
    %slice3A_1059 = vector.extract_strided_slice %exp3A_1038 {offsets = [3, 0], sizes = [1, 512], strides = [1, 1]} : vector<12x512xf32> to vector<1x512xf32>
    %slice3A_1060 = vector.extract_strided_slice %add3A_97 {offsets = [96, 0], sizes = [32, 512], strides = [1, 1]} : vector<384x512xf32> to vector<32x512xf32>
    %mul3A_1061 = vector.broadcast %slice3A_1059 : vector<1x512xf32> to vector<32x512xf32>
    %mul3A_1062 = arith.mulf %mul3A_1061, %slice3A_1060 : vector<32x512xf32>
    %add3A_1063 = arith.addf %add3A_1058, %mul3A_1062 : vector<32x512xf32>
    %slice3A_1064 = vector.extract_strided_slice %exp3A_1038 {offsets = [4, 0], sizes = [1, 512], strides = [1, 1]} : vector<12x512xf32> to vector<1x512xf32>
    %slice3A_1065 = vector.extract_strided_slice %add3A_97 {offsets = [128, 0], sizes = [32, 512], strides = [1, 1]} : vector<384x512xf32> to vector<32x512xf32>
    %mul3A_1066 = vector.broadcast %slice3A_1064 : vector<1x512xf32> to vector<32x512xf32>
    %mul3A_1067 = arith.mulf %mul3A_1066, %slice3A_1065 : vector<32x512xf32>
    %add3A_1068 = arith.addf %add3A_1063, %mul3A_1067 : vector<32x512xf32>
    %slice3A_1069 = vector.extract_strided_slice %exp3A_1038 {offsets = [5, 0], sizes = [1, 512], strides = [1, 1]} : vector<12x512xf32> to vector<1x512xf32>
    %slice3A_1070 = vector.extract_strided_slice %add3A_97 {offsets = [160, 0], sizes = [32, 512], strides = [1, 1]} : vector<384x512xf32> to vector<32x512xf32>
    %mul3A_1071 = vector.broadcast %slice3A_1069 : vector<1x512xf32> to vector<32x512xf32>
    %mul3A_1072 = arith.mulf %mul3A_1071, %slice3A_1070 : vector<32x512xf32>
    %add3A_1073 = arith.addf %add3A_1068, %mul3A_1072 : vector<32x512xf32>
    %slice3A_1074 = vector.extract_strided_slice %exp3A_1038 {offsets = [6, 0], sizes = [1, 512], strides = [1, 1]} : vector<12x512xf32> to vector<1x512xf32>
    %slice3A_1075 = vector.extract_strided_slice %add3A_97 {offsets = [192, 0], sizes = [32, 512], strides = [1, 1]} : vector<384x512xf32> to vector<32x512xf32>
    %mul3A_1076 = vector.broadcast %slice3A_1074 : vector<1x512xf32> to vector<32x512xf32>
    %mul3A_1077 = arith.mulf %mul3A_1076, %slice3A_1075 : vector<32x512xf32>
    %add3A_1078 = arith.addf %add3A_1073, %mul3A_1077 : vector<32x512xf32>
    %slice3A_1079 = vector.extract_strided_slice %exp3A_1038 {offsets = [7, 0], sizes = [1, 512], strides = [1, 1]} : vector<12x512xf32> to vector<1x512xf32>
    %slice3A_1080 = vector.extract_strided_slice %add3A_97 {offsets = [224, 0], sizes = [32, 512], strides = [1, 1]} : vector<384x512xf32> to vector<32x512xf32>
    %mul3A_1081 = vector.broadcast %slice3A_1079 : vector<1x512xf32> to vector<32x512xf32>
    %mul3A_1082 = arith.mulf %mul3A_1081, %slice3A_1080 : vector<32x512xf32>
    %add3A_1083 = arith.addf %add3A_1078, %mul3A_1082 : vector<32x512xf32>
    %slice3A_1084 = vector.extract_strided_slice %exp3A_1038 {offsets = [8, 0], sizes = [1, 512], strides = [1, 1]} : vector<12x512xf32> to vector<1x512xf32>
    %slice3A_1085 = vector.extract_strided_slice %add3A_97 {offsets = [256, 0], sizes = [32, 512], strides = [1, 1]} : vector<384x512xf32> to vector<32x512xf32>
    %mul3A_1086 = vector.broadcast %slice3A_1084 : vector<1x512xf32> to vector<32x512xf32>
    %mul3A_1087 = arith.mulf %mul3A_1086, %slice3A_1085 : vector<32x512xf32>
    %add3A_1088 = arith.addf %add3A_1083, %mul3A_1087 : vector<32x512xf32>
    %slice3A_1089 = vector.extract_strided_slice %exp3A_1038 {offsets = [9, 0], sizes = [1, 512], strides = [1, 1]} : vector<12x512xf32> to vector<1x512xf32>
    %slice3A_1090 = vector.extract_strided_slice %add3A_97 {offsets = [288, 0], sizes = [32, 512], strides = [1, 1]} : vector<384x512xf32> to vector<32x512xf32>
    %mul3A_1091 = vector.broadcast %slice3A_1089 : vector<1x512xf32> to vector<32x512xf32>
    %mul3A_1092 = arith.mulf %mul3A_1091, %slice3A_1090 : vector<32x512xf32>
    %add3A_1093 = arith.addf %add3A_1088, %mul3A_1092 : vector<32x512xf32>
    %slice3A_1094 = vector.extract_strided_slice %exp3A_1038 {offsets = [10, 0], sizes = [1, 512], strides = [1, 1]} : vector<12x512xf32> to vector<1x512xf32>
    %slice3A_1095 = vector.extract_strided_slice %add3A_97 {offsets = [320, 0], sizes = [32, 512], strides = [1, 1]} : vector<384x512xf32> to vector<32x512xf32>
    %mul3A_1096 = vector.broadcast %slice3A_1094 : vector<1x512xf32> to vector<32x512xf32>
    %mul3A_1097 = arith.mulf %mul3A_1096, %slice3A_1095 : vector<32x512xf32>
    %add3A_1098 = arith.addf %add3A_1093, %mul3A_1097 : vector<32x512xf32>
    %slice3A_1099 = vector.extract_strided_slice %exp3A_1038 {offsets = [11, 0], sizes = [1, 512], strides = [1, 1]} : vector<12x512xf32> to vector<1x512xf32>
    %slice3A_1100 = vector.extract_strided_slice %add3A_97 {offsets = [352, 0], sizes = [32, 512], strides = [1, 1]} : vector<384x512xf32> to vector<32x512xf32>
    %mul3A_1101 = vector.broadcast %slice3A_1099 : vector<1x512xf32> to vector<32x512xf32>
    %mul3A_1102 = arith.mulf %mul3A_1101, %slice3A_1100 : vector<32x512xf32>
    %add3A_1103 = arith.addf %add3A_1098, %mul3A_1102 : vector<32x512xf32>
    %mul3A_1104 = vector.broadcast %div3A_1044 : vector<1x512xf32> to vector<32x512xf32>
    %mul3A_1105 = arith.mulf %add3A_1103, %mul3A_1104 : vector<32x512xf32>
    %swap3A_1106 = arith.constant 192 : index
    %swap3A_1107 = arith.constant 0 : index
    %swap3A_1108 = vector.load %arg14[%swap3A_1106, %swap3A_1107] : memref<384x512xf32, #tpu.memory_space<vmem>>, vector<32x512xf32>
    tpu.vector_store %arg14[%swap3A_1106, %swap3A_1107], %mul3A_1105 {strides = array<i32>} : memref<384x512xf32, #tpu.memory_space<vmem>>, vector<32x512xf32>,
    %slice3A_1109 = vector.extract_strided_slice %add3A_77 {offsets = [224, 0], sizes = [32, 512], strides = [1, 1]} : vector<384x512xf32> to vector<32x512xf32>
    %slice3A_1110 = vector.extract_strided_slice %add3A_87 {offsets = [0, 0], sizes = [32, 512], strides = [1, 1]} : vector<384x512xf32> to vector<32x512xf32>
    %mul3A_1111 = arith.mulf %slice3A_1109, %slice3A_1110 : vector<32x512xf32>
    %reduce_sum3A_1112 = arith.constant dense<0.000000e+00> : vector<512xf32>
    %reduce_sum3A_1113 = vector.multi_reduction <add>, %mul3A_1111, %reduce_sum3A_1112 [0] : vector<32x512xf32> to vector<512xf32>
    %broadcast_in_dim3A_1114 = vector.shape_cast %reduce_sum3A_1113 : vector<512xf32> to vector<1x512xf32>
    %slice3A_1115 = vector.extract_strided_slice %add3A_87 {offsets = [32, 0], sizes = [32, 512], strides = [1, 1]} : vector<384x512xf32> to vector<32x512xf32>
    %mul3A_1116 = arith.mulf %slice3A_1109, %slice3A_1115 : vector<32x512xf32>
    %reduce_sum3A_1117 = arith.constant dense<0.000000e+00> : vector<512xf32>
    %reduce_sum3A_1118 = vector.multi_reduction <add>, %mul3A_1116, %reduce_sum3A_1117 [0] : vector<32x512xf32> to vector<512xf32>
    %broadcast_in_dim3A_1119 = vector.shape_cast %reduce_sum3A_1118 : vector<512xf32> to vector<1x512xf32>
    %slice3A_1120 = vector.extract_strided_slice %add3A_87 {offsets = [64, 0], sizes = [32, 512], strides = [1, 1]} : vector<384x512xf32> to vector<32x512xf32>
    %mul3A_1121 = arith.mulf %slice3A_1109, %slice3A_1120 : vector<32x512xf32>
    %reduce_sum3A_1122 = arith.constant dense<0.000000e+00> : vector<512xf32>
    %reduce_sum3A_1123 = vector.multi_reduction <add>, %mul3A_1121, %reduce_sum3A_1122 [0] : vector<32x512xf32> to vector<512xf32>
    %broadcast_in_dim3A_1124 = vector.shape_cast %reduce_sum3A_1123 : vector<512xf32> to vector<1x512xf32>
    %slice3A_1125 = vector.extract_strided_slice %add3A_87 {offsets = [96, 0], sizes = [32, 512], strides = [1, 1]} : vector<384x512xf32> to vector<32x512xf32>
    %mul3A_1126 = arith.mulf %slice3A_1109, %slice3A_1125 : vector<32x512xf32>
    %reduce_sum3A_1127 = arith.constant dense<0.000000e+00> : vector<512xf32>
    %reduce_sum3A_1128 = vector.multi_reduction <add>, %mul3A_1126, %reduce_sum3A_1127 [0] : vector<32x512xf32> to vector<512xf32>
    %broadcast_in_dim3A_1129 = vector.shape_cast %reduce_sum3A_1128 : vector<512xf32> to vector<1x512xf32>
    %slice3A_1130 = vector.extract_strided_slice %add3A_87 {offsets = [128, 0], sizes = [32, 512], strides = [1, 1]} : vector<384x512xf32> to vector<32x512xf32>
    %mul3A_1131 = arith.mulf %slice3A_1109, %slice3A_1130 : vector<32x512xf32>
    %reduce_sum3A_1132 = arith.constant dense<0.000000e+00> : vector<512xf32>
    %reduce_sum3A_1133 = vector.multi_reduction <add>, %mul3A_1131, %reduce_sum3A_1132 [0] : vector<32x512xf32> to vector<512xf32>
    %broadcast_in_dim3A_1134 = vector.shape_cast %reduce_sum3A_1133 : vector<512xf32> to vector<1x512xf32>
    %slice3A_1135 = vector.extract_strided_slice %add3A_87 {offsets = [160, 0], sizes = [32, 512], strides = [1, 1]} : vector<384x512xf32> to vector<32x512xf32>
    %mul3A_1136 = arith.mulf %slice3A_1109, %slice3A_1135 : vector<32x512xf32>
    %reduce_sum3A_1137 = arith.constant dense<0.000000e+00> : vector<512xf32>
    %reduce_sum3A_1138 = vector.multi_reduction <add>, %mul3A_1136, %reduce_sum3A_1137 [0] : vector<32x512xf32> to vector<512xf32>
    %broadcast_in_dim3A_1139 = vector.shape_cast %reduce_sum3A_1138 : vector<512xf32> to vector<1x512xf32>
    %slice3A_1140 = vector.extract_strided_slice %add3A_87 {offsets = [192, 0], sizes = [32, 512], strides = [1, 1]} : vector<384x512xf32> to vector<32x512xf32>
    %mul3A_1141 = arith.mulf %slice3A_1109, %slice3A_1140 : vector<32x512xf32>
    %reduce_sum3A_1142 = arith.constant dense<0.000000e+00> : vector<512xf32>
    %reduce_sum3A_1143 = vector.multi_reduction <add>, %mul3A_1141, %reduce_sum3A_1142 [0] : vector<32x512xf32> to vector<512xf32>
    %broadcast_in_dim3A_1144 = vector.shape_cast %reduce_sum3A_1143 : vector<512xf32> to vector<1x512xf32>
    %slice3A_1145 = vector.extract_strided_slice %add3A_87 {offsets = [224, 0], sizes = [32, 512], strides = [1, 1]} : vector<384x512xf32> to vector<32x512xf32>
    %mul3A_1146 = arith.mulf %slice3A_1109, %slice3A_1145 : vector<32x512xf32>
    %reduce_sum3A_1147 = arith.constant dense<0.000000e+00> : vector<512xf32>
    %reduce_sum3A_1148 = vector.multi_reduction <add>, %mul3A_1146, %reduce_sum3A_1147 [0] : vector<32x512xf32> to vector<512xf32>
    %broadcast_in_dim3A_1149 = vector.shape_cast %reduce_sum3A_1148 : vector<512xf32> to vector<1x512xf32>
    %slice3A_1150 = vector.extract_strided_slice %add3A_87 {offsets = [256, 0], sizes = [32, 512], strides = [1, 1]} : vector<384x512xf32> to vector<32x512xf32>
    %mul3A_1151 = arith.mulf %slice3A_1109, %slice3A_1150 : vector<32x512xf32>
    %reduce_sum3A_1152 = arith.constant dense<0.000000e+00> : vector<512xf32>
    %reduce_sum3A_1153 = vector.multi_reduction <add>, %mul3A_1151, %reduce_sum3A_1152 [0] : vector<32x512xf32> to vector<512xf32>
    %broadcast_in_dim3A_1154 = vector.shape_cast %reduce_sum3A_1153 : vector<512xf32> to vector<1x512xf32>
    %slice3A_1155 = vector.extract_strided_slice %add3A_87 {offsets = [288, 0], sizes = [32, 512], strides = [1, 1]} : vector<384x512xf32> to vector<32x512xf32>
    %mul3A_1156 = arith.mulf %slice3A_1109, %slice3A_1155 : vector<32x512xf32>
    %reduce_sum3A_1157 = arith.constant dense<0.000000e+00> : vector<512xf32>
    %reduce_sum3A_1158 = vector.multi_reduction <add>, %mul3A_1156, %reduce_sum3A_1157 [0] : vector<32x512xf32> to vector<512xf32>
    %broadcast_in_dim3A_1159 = vector.shape_cast %reduce_sum3A_1158 : vector<512xf32> to vector<1x512xf32>
    %slice3A_1160 = vector.extract_strided_slice %add3A_87 {offsets = [320, 0], sizes = [32, 512], strides = [1, 1]} : vector<384x512xf32> to vector<32x512xf32>
    %mul3A_1161 = arith.mulf %slice3A_1109, %slice3A_1160 : vector<32x512xf32>
    %reduce_sum3A_1162 = arith.constant dense<0.000000e+00> : vector<512xf32>
    %reduce_sum3A_1163 = vector.multi_reduction <add>, %mul3A_1161, %reduce_sum3A_1162 [0] : vector<32x512xf32> to vector<512xf32>
    %broadcast_in_dim3A_1164 = vector.shape_cast %reduce_sum3A_1163 : vector<512xf32> to vector<1x512xf32>
    %slice3A_1165 = vector.extract_strided_slice %add3A_87 {offsets = [352, 0], sizes = [32, 512], strides = [1, 1]} : vector<384x512xf32> to vector<32x512xf32>
    %mul3A_1166 = arith.mulf %slice3A_1109, %slice3A_1165 : vector<32x512xf32>
    %reduce_sum3A_1167 = arith.constant dense<0.000000e+00> : vector<512xf32>
    %reduce_sum3A_1168 = vector.multi_reduction <add>, %mul3A_1166, %reduce_sum3A_1167 [0] : vector<32x512xf32> to vector<512xf32>
    %broadcast_in_dim3A_1169 = vector.shape_cast %reduce_sum3A_1168 : vector<512xf32> to vector<1x512xf32>
    %concatenate3A_1170 = tpu.concatenate %broadcast_in_dim3A_1114, %broadcast_in_dim3A_1119, %broadcast_in_dim3A_1124, %broadcast_in_dim3A_1129, %broadcast_in_dim3A_1134, %broadcast_in_dim3A_1139, %broadcast_in_dim3A_1144, %broadcast_in_dim3A_1149, %broadcast_in_dim3A_1154, %broadcast_in_dim3A_1159, %broadcast_in_dim3A_1164, %broadcast_in_dim3A_1169 in 0 : vector<1x512xf32>, vector<1x512xf32>, vector<1x512xf32>, vector<1x512xf32>, vector<1x512xf32>, vector<1x512xf32>, vector<1x512xf32>, vector<1x512xf32>, vector<1x512xf32>, vector<1x512xf32>, vector<1x512xf32>, vector<1x512xf32> -> vector<12x512xf32>
    %mul3A_1171 = vector.broadcast %get3A_1 : vector<1x1xf32> to vector<12x512xf32>
    %mul3A_1172 = arith.mulf %concatenate3A_1170, %mul3A_1171 : vector<12x512xf32>
    %get3A_1173 = arith.constant 0 : index
    %get3A_1174 = arith.constant 7 : index
    %get3A_1175 = vector.load %arg10[%get3A_1173, %get3A_1174] : memref<16x128xf32, #tpu.memory_space<vmem>>, vector<12x1xf32>
    %add3A_1176 = vector.broadcast %get3A_1175 : vector<12x1xf32> to vector<12x512xf32>
    %add3A_1177 = arith.addf %mul3A_1172, %add3A_1176 : vector<12x512xf32>
    %reduce_max3A_1178 = arith.constant dense<0xFF800000> : vector<512xf32>
    %reduce_max3A_1179 = vector.multi_reduction <maximumf>, %add3A_1177, %reduce_max3A_1178 [0] : vector<12x512xf32> to vector<512xf32>
    %broadcast_in_dim3A_1180 = vector.shape_cast %reduce_max3A_1179 : vector<512xf32> to vector<1x512xf32>
    %sub3A_1181 = vector.broadcast %broadcast_in_dim3A_1180 : vector<1x512xf32> to vector<12x512xf32>
    %sub3A_1182 = arith.subf %add3A_1177, %sub3A_1181 : vector<12x512xf32>
    %exp3A_1183 = math.exp %sub3A_1182 : vector<12x512xf32>
    %reduce_sum3A_1184 = arith.constant dense<0.000000e+00> : vector<512xf32>
    %reduce_sum3A_1185 = vector.multi_reduction <add>, %exp3A_1183, %reduce_sum3A_1184 [0] : vector<12x512xf32> to vector<512xf32>
    %broadcast_in_dim3A_1186 = vector.shape_cast %reduce_sum3A_1185 : vector<512xf32> to vector<1x512xf32>
    %div3A_1187 = arith.constant 1.000000e+00 : f32
    %div3A_1188 = vector.broadcast %div3A_1187 : f32 to vector<1x512xf32>
    %div3A_1189 = arith.divf %div3A_1188, %broadcast_in_dim3A_1186 : vector<1x512xf32>
    %slice3A_1190 = vector.extract_strided_slice %exp3A_1183 {offsets = [0, 0], sizes = [1, 512], strides = [1, 1]} : vector<12x512xf32> to vector<1x512xf32>
    %slice3A_1191 = vector.extract_strided_slice %add3A_97 {offsets = [0, 0], sizes = [32, 512], strides = [1, 1]} : vector<384x512xf32> to vector<32x512xf32>
    %mul3A_1192 = vector.broadcast %slice3A_1190 : vector<1x512xf32> to vector<32x512xf32>
    %mul3A_1193 = arith.mulf %mul3A_1192, %slice3A_1191 : vector<32x512xf32>
    %slice3A_1194 = vector.extract_strided_slice %exp3A_1183 {offsets = [1, 0], sizes = [1, 512], strides = [1, 1]} : vector<12x512xf32> to vector<1x512xf32>
    %slice3A_1195 = vector.extract_strided_slice %add3A_97 {offsets = [32, 0], sizes = [32, 512], strides = [1, 1]} : vector<384x512xf32> to vector<32x512xf32>
    %mul3A_1196 = vector.broadcast %slice3A_1194 : vector<1x512xf32> to vector<32x512xf32>
    %mul3A_1197 = arith.mulf %mul3A_1196, %slice3A_1195 : vector<32x512xf32>
    %add3A_1198 = arith.addf %mul3A_1193, %mul3A_1197 : vector<32x512xf32>
    %slice3A_1199 = vector.extract_strided_slice %exp3A_1183 {offsets = [2, 0], sizes = [1, 512], strides = [1, 1]} : vector<12x512xf32> to vector<1x512xf32>
    %slice3A_1200 = vector.extract_strided_slice %add3A_97 {offsets = [64, 0], sizes = [32, 512], strides = [1, 1]} : vector<384x512xf32> to vector<32x512xf32>
    %mul3A_1201 = vector.broadcast %slice3A_1199 : vector<1x512xf32> to vector<32x512xf32>
    %mul3A_1202 = arith.mulf %mul3A_1201, %slice3A_1200 : vector<32x512xf32>
    %add3A_1203 = arith.addf %add3A_1198, %mul3A_1202 : vector<32x512xf32>
    %slice3A_1204 = vector.extract_strided_slice %exp3A_1183 {offsets = [3, 0], sizes = [1, 512], strides = [1, 1]} : vector<12x512xf32> to vector<1x512xf32>
    %slice3A_1205 = vector.extract_strided_slice %add3A_97 {offsets = [96, 0], sizes = [32, 512], strides = [1, 1]} : vector<384x512xf32> to vector<32x512xf32>
    %mul3A_1206 = vector.broadcast %slice3A_1204 : vector<1x512xf32> to vector<32x512xf32>
    %mul3A_1207 = arith.mulf %mul3A_1206, %slice3A_1205 : vector<32x512xf32>
    %add3A_1208 = arith.addf %add3A_1203, %mul3A_1207 : vector<32x512xf32>
    %slice3A_1209 = vector.extract_strided_slice %exp3A_1183 {offsets = [4, 0], sizes = [1, 512], strides = [1, 1]} : vector<12x512xf32> to vector<1x512xf32>
    %slice3A_1210 = vector.extract_strided_slice %add3A_97 {offsets = [128, 0], sizes = [32, 512], strides = [1, 1]} : vector<384x512xf32> to vector<32x512xf32>
    %mul3A_1211 = vector.broadcast %slice3A_1209 : vector<1x512xf32> to vector<32x512xf32>
    %mul3A_1212 = arith.mulf %mul3A_1211, %slice3A_1210 : vector<32x512xf32>
    %add3A_1213 = arith.addf %add3A_1208, %mul3A_1212 : vector<32x512xf32>
    %slice3A_1214 = vector.extract_strided_slice %exp3A_1183 {offsets = [5, 0], sizes = [1, 512], strides = [1, 1]} : vector<12x512xf32> to vector<1x512xf32>
    %slice3A_1215 = vector.extract_strided_slice %add3A_97 {offsets = [160, 0], sizes = [32, 512], strides = [1, 1]} : vector<384x512xf32> to vector<32x512xf32>
    %mul3A_1216 = vector.broadcast %slice3A_1214 : vector<1x512xf32> to vector<32x512xf32>
    %mul3A_1217 = arith.mulf %mul3A_1216, %slice3A_1215 : vector<32x512xf32>
    %add3A_1218 = arith.addf %add3A_1213, %mul3A_1217 : vector<32x512xf32>
    %slice3A_1219 = vector.extract_strided_slice %exp3A_1183 {offsets = [6, 0], sizes = [1, 512], strides = [1, 1]} : vector<12x512xf32> to vector<1x512xf32>
    %slice3A_1220 = vector.extract_strided_slice %add3A_97 {offsets = [192, 0], sizes = [32, 512], strides = [1, 1]} : vector<384x512xf32> to vector<32x512xf32>
    %mul3A_1221 = vector.broadcast %slice3A_1219 : vector<1x512xf32> to vector<32x512xf32>
    %mul3A_1222 = arith.mulf %mul3A_1221, %slice3A_1220 : vector<32x512xf32>
    %add3A_1223 = arith.addf %add3A_1218, %mul3A_1222 : vector<32x512xf32>
    %slice3A_1224 = vector.extract_strided_slice %exp3A_1183 {offsets = [7, 0], sizes = [1, 512], strides = [1, 1]} : vector<12x512xf32> to vector<1x512xf32>
    %slice3A_1225 = vector.extract_strided_slice %add3A_97 {offsets = [224, 0], sizes = [32, 512], strides = [1, 1]} : vector<384x512xf32> to vector<32x512xf32>
    %mul3A_1226 = vector.broadcast %slice3A_1224 : vector<1x512xf32> to vector<32x512xf32>
    %mul3A_1227 = arith.mulf %mul3A_1226, %slice3A_1225 : vector<32x512xf32>
    %add3A_1228 = arith.addf %add3A_1223, %mul3A_1227 : vector<32x512xf32>
    %slice3A_1229 = vector.extract_strided_slice %exp3A_1183 {offsets = [8, 0], sizes = [1, 512], strides = [1, 1]} : vector<12x512xf32> to vector<1x512xf32>
    %slice3A_1230 = vector.extract_strided_slice %add3A_97 {offsets = [256, 0], sizes = [32, 512], strides = [1, 1]} : vector<384x512xf32> to vector<32x512xf32>
    %mul3A_1231 = vector.broadcast %slice3A_1229 : vector<1x512xf32> to vector<32x512xf32>
    %mul3A_1232 = arith.mulf %mul3A_1231, %slice3A_1230 : vector<32x512xf32>
    %add3A_1233 = arith.addf %add3A_1228, %mul3A_1232 : vector<32x512xf32>
    %slice3A_1234 = vector.extract_strided_slice %exp3A_1183 {offsets = [9, 0], sizes = [1, 512], strides = [1, 1]} : vector<12x512xf32> to vector<1x512xf32>
    %slice3A_1235 = vector.extract_strided_slice %add3A_97 {offsets = [288, 0], sizes = [32, 512], strides = [1, 1]} : vector<384x512xf32> to vector<32x512xf32>
    %mul3A_1236 = vector.broadcast %slice3A_1234 : vector<1x512xf32> to vector<32x512xf32>
    %mul3A_1237 = arith.mulf %mul3A_1236, %slice3A_1235 : vector<32x512xf32>
    %add3A_1238 = arith.addf %add3A_1233, %mul3A_1237 : vector<32x512xf32>
    %slice3A_1239 = vector.extract_strided_slice %exp3A_1183 {offsets = [10, 0], sizes = [1, 512], strides = [1, 1]} : vector<12x512xf32> to vector<1x512xf32>
    %slice3A_1240 = vector.extract_strided_slice %add3A_97 {offsets = [320, 0], sizes = [32, 512], strides = [1, 1]} : vector<384x512xf32> to vector<32x512xf32>
    %mul3A_1241 = vector.broadcast %slice3A_1239 : vector<1x512xf32> to vector<32x512xf32>
    %mul3A_1242 = arith.mulf %mul3A_1241, %slice3A_1240 : vector<32x512xf32>
    %add3A_1243 = arith.addf %add3A_1238, %mul3A_1242 : vector<32x512xf32>
    %slice3A_1244 = vector.extract_strided_slice %exp3A_1183 {offsets = [11, 0], sizes = [1, 512], strides = [1, 1]} : vector<12x512xf32> to vector<1x512xf32>
    %slice3A_1245 = vector.extract_strided_slice %add3A_97 {offsets = [352, 0], sizes = [32, 512], strides = [1, 1]} : vector<384x512xf32> to vector<32x512xf32>
    %mul3A_1246 = vector.broadcast %slice3A_1244 : vector<1x512xf32> to vector<32x512xf32>
    %mul3A_1247 = arith.mulf %mul3A_1246, %slice3A_1245 : vector<32x512xf32>
    %add3A_1248 = arith.addf %add3A_1243, %mul3A_1247 : vector<32x512xf32>
    %mul3A_1249 = vector.broadcast %div3A_1189 : vector<1x512xf32> to vector<32x512xf32>
    %mul3A_1250 = arith.mulf %add3A_1248, %mul3A_1249 : vector<32x512xf32>
    %swap3A_1251 = arith.constant 224 : index
    %swap3A_1252 = arith.constant 0 : index
    %swap3A_1253 = vector.load %arg14[%swap3A_1251, %swap3A_1252] : memref<384x512xf32, #tpu.memory_space<vmem>>, vector<32x512xf32>
    tpu.vector_store %arg14[%swap3A_1251, %swap3A_1252], %mul3A_1250 {strides = array<i32>} : memref<384x512xf32, #tpu.memory_space<vmem>>, vector<32x512xf32>,
    %slice3A_1254 = vector.extract_strided_slice %add3A_77 {offsets = [256, 0], sizes = [32, 512], strides = [1, 1]} : vector<384x512xf32> to vector<32x512xf32>
    %slice3A_1255 = vector.extract_strided_slice %add3A_87 {offsets = [0, 0], sizes = [32, 512], strides = [1, 1]} : vector<384x512xf32> to vector<32x512xf32>
    %mul3A_1256 = arith.mulf %slice3A_1254, %slice3A_1255 : vector<32x512xf32>
    %reduce_sum3A_1257 = arith.constant dense<0.000000e+00> : vector<512xf32>
    %reduce_sum3A_1258 = vector.multi_reduction <add>, %mul3A_1256, %reduce_sum3A_1257 [0] : vector<32x512xf32> to vector<512xf32>
    %broadcast_in_dim3A_1259 = vector.shape_cast %reduce_sum3A_1258 : vector<512xf32> to vector<1x512xf32>
    %slice3A_1260 = vector.extract_strided_slice %add3A_87 {offsets = [32, 0], sizes = [32, 512], strides = [1, 1]} : vector<384x512xf32> to vector<32x512xf32>
    %mul3A_1261 = arith.mulf %slice3A_1254, %slice3A_1260 : vector<32x512xf32>
    %reduce_sum3A_1262 = arith.constant dense<0.000000e+00> : vector<512xf32>
    %reduce_sum3A_1263 = vector.multi_reduction <add>, %mul3A_1261, %reduce_sum3A_1262 [0] : vector<32x512xf32> to vector<512xf32>
    %broadcast_in_dim3A_1264 = vector.shape_cast %reduce_sum3A_1263 : vector<512xf32> to vector<1x512xf32>
    %slice3A_1265 = vector.extract_strided_slice %add3A_87 {offsets = [64, 0], sizes = [32, 512], strides = [1, 1]} : vector<384x512xf32> to vector<32x512xf32>
    %mul3A_1266 = arith.mulf %slice3A_1254, %slice3A_1265 : vector<32x512xf32>
    %reduce_sum3A_1267 = arith.constant dense<0.000000e+00> : vector<512xf32>
    %reduce_sum3A_1268 = vector.multi_reduction <add>, %mul3A_1266, %reduce_sum3A_1267 [0] : vector<32x512xf32> to vector<512xf32>
    %broadcast_in_dim3A_1269 = vector.shape_cast %reduce_sum3A_1268 : vector<512xf32> to vector<1x512xf32>
    %slice3A_1270 = vector.extract_strided_slice %add3A_87 {offsets = [96, 0], sizes = [32, 512], strides = [1, 1]} : vector<384x512xf32> to vector<32x512xf32>
    %mul3A_1271 = arith.mulf %slice3A_1254, %slice3A_1270 : vector<32x512xf32>
    %reduce_sum3A_1272 = arith.constant dense<0.000000e+00> : vector<512xf32>
    %reduce_sum3A_1273 = vector.multi_reduction <add>, %mul3A_1271, %reduce_sum3A_1272 [0] : vector<32x512xf32> to vector<512xf32>
    %broadcast_in_dim3A_1274 = vector.shape_cast %reduce_sum3A_1273 : vector<512xf32> to vector<1x512xf32>
    %slice3A_1275 = vector.extract_strided_slice %add3A_87 {offsets = [128, 0], sizes = [32, 512], strides = [1, 1]} : vector<384x512xf32> to vector<32x512xf32>
    %mul3A_1276 = arith.mulf %slice3A_1254, %slice3A_1275 : vector<32x512xf32>
    %reduce_sum3A_1277 = arith.constant dense<0.000000e+00> : vector<512xf32>
    %reduce_sum3A_1278 = vector.multi_reduction <add>, %mul3A_1276, %reduce_sum3A_1277 [0] : vector<32x512xf32> to vector<512xf32>
    %broadcast_in_dim3A_1279 = vector.shape_cast %reduce_sum3A_1278 : vector<512xf32> to vector<1x512xf32>
    %slice3A_1280 = vector.extract_strided_slice %add3A_87 {offsets = [160, 0], sizes = [32, 512], strides = [1, 1]} : vector<384x512xf32> to vector<32x512xf32>
    %mul3A_1281 = arith.mulf %slice3A_1254, %slice3A_1280 : vector<32x512xf32>
    %reduce_sum3A_1282 = arith.constant dense<0.000000e+00> : vector<512xf32>
    %reduce_sum3A_1283 = vector.multi_reduction <add>, %mul3A_1281, %reduce_sum3A_1282 [0] : vector<32x512xf32> to vector<512xf32>
    %broadcast_in_dim3A_1284 = vector.shape_cast %reduce_sum3A_1283 : vector<512xf32> to vector<1x512xf32>
    %slice3A_1285 = vector.extract_strided_slice %add3A_87 {offsets = [192, 0], sizes = [32, 512], strides = [1, 1]} : vector<384x512xf32> to vector<32x512xf32>
    %mul3A_1286 = arith.mulf %slice3A_1254, %slice3A_1285 : vector<32x512xf32>
    %reduce_sum3A_1287 = arith.constant dense<0.000000e+00> : vector<512xf32>
    %reduce_sum3A_1288 = vector.multi_reduction <add>, %mul3A_1286, %reduce_sum3A_1287 [0] : vector<32x512xf32> to vector<512xf32>
    %broadcast_in_dim3A_1289 = vector.shape_cast %reduce_sum3A_1288 : vector<512xf32> to vector<1x512xf32>
    %slice3A_1290 = vector.extract_strided_slice %add3A_87 {offsets = [224, 0], sizes = [32, 512], strides = [1, 1]} : vector<384x512xf32> to vector<32x512xf32>
    %mul3A_1291 = arith.mulf %slice3A_1254, %slice3A_1290 : vector<32x512xf32>
    %reduce_sum3A_1292 = arith.constant dense<0.000000e+00> : vector<512xf32>
    %reduce_sum3A_1293 = vector.multi_reduction <add>, %mul3A_1291, %reduce_sum3A_1292 [0] : vector<32x512xf32> to vector<512xf32>
    %broadcast_in_dim3A_1294 = vector.shape_cast %reduce_sum3A_1293 : vector<512xf32> to vector<1x512xf32>
    %slice3A_1295 = vector.extract_strided_slice %add3A_87 {offsets = [256, 0], sizes = [32, 512], strides = [1, 1]} : vector<384x512xf32> to vector<32x512xf32>
    %mul3A_1296 = arith.mulf %slice3A_1254, %slice3A_1295 : vector<32x512xf32>
    %reduce_sum3A_1297 = arith.constant dense<0.000000e+00> : vector<512xf32>
    %reduce_sum3A_1298 = vector.multi_reduction <add>, %mul3A_1296, %reduce_sum3A_1297 [0] : vector<32x512xf32> to vector<512xf32>
    %broadcast_in_dim3A_1299 = vector.shape_cast %reduce_sum3A_1298 : vector<512xf32> to vector<1x512xf32>
    %slice3A_1300 = vector.extract_strided_slice %add3A_87 {offsets = [288, 0], sizes = [32, 512], strides = [1, 1]} : vector<384x512xf32> to vector<32x512xf32>
    %mul3A_1301 = arith.mulf %slice3A_1254, %slice3A_1300 : vector<32x512xf32>
    %reduce_sum3A_1302 = arith.constant dense<0.000000e+00> : vector<512xf32>
    %reduce_sum3A_1303 = vector.multi_reduction <add>, %mul3A_1301, %reduce_sum3A_1302 [0] : vector<32x512xf32> to vector<512xf32>
    %broadcast_in_dim3A_1304 = vector.shape_cast %reduce_sum3A_1303 : vector<512xf32> to vector<1x512xf32>
    %slice3A_1305 = vector.extract_strided_slice %add3A_87 {offsets = [320, 0], sizes = [32, 512], strides = [1, 1]} : vector<384x512xf32> to vector<32x512xf32>
    %mul3A_1306 = arith.mulf %slice3A_1254, %slice3A_1305 : vector<32x512xf32>
    %reduce_sum3A_1307 = arith.constant dense<0.000000e+00> : vector<512xf32>
    %reduce_sum3A_1308 = vector.multi_reduction <add>, %mul3A_1306, %reduce_sum3A_1307 [0] : vector<32x512xf32> to vector<512xf32>
    %broadcast_in_dim3A_1309 = vector.shape_cast %reduce_sum3A_1308 : vector<512xf32> to vector<1x512xf32>
    %slice3A_1310 = vector.extract_strided_slice %add3A_87 {offsets = [352, 0], sizes = [32, 512], strides = [1, 1]} : vector<384x512xf32> to vector<32x512xf32>
    %mul3A_1311 = arith.mulf %slice3A_1254, %slice3A_1310 : vector<32x512xf32>
    %reduce_sum3A_1312 = arith.constant dense<0.000000e+00> : vector<512xf32>
    %reduce_sum3A_1313 = vector.multi_reduction <add>, %mul3A_1311, %reduce_sum3A_1312 [0] : vector<32x512xf32> to vector<512xf32>
    %broadcast_in_dim3A_1314 = vector.shape_cast %reduce_sum3A_1313 : vector<512xf32> to vector<1x512xf32>
    %concatenate3A_1315 = tpu.concatenate %broadcast_in_dim3A_1259, %broadcast_in_dim3A_1264, %broadcast_in_dim3A_1269, %broadcast_in_dim3A_1274, %broadcast_in_dim3A_1279, %broadcast_in_dim3A_1284, %broadcast_in_dim3A_1289, %broadcast_in_dim3A_1294, %broadcast_in_dim3A_1299, %broadcast_in_dim3A_1304, %broadcast_in_dim3A_1309, %broadcast_in_dim3A_1314 in 0 : vector<1x512xf32>, vector<1x512xf32>, vector<1x512xf32>, vector<1x512xf32>, vector<1x512xf32>, vector<1x512xf32>, vector<1x512xf32>, vector<1x512xf32>, vector<1x512xf32>, vector<1x512xf32>, vector<1x512xf32>, vector<1x512xf32> -> vector<12x512xf32>
    %mul3A_1316 = vector.broadcast %get3A_1 : vector<1x1xf32> to vector<12x512xf32>
    %mul3A_1317 = arith.mulf %concatenate3A_1315, %mul3A_1316 : vector<12x512xf32>
    %get3A_1318 = arith.constant 0 : index
    %get3A_1319 = arith.constant 8 : index
    %get3A_1320 = vector.load %arg10[%get3A_1318, %get3A_1319] : memref<16x128xf32, #tpu.memory_space<vmem>>, vector<12x1xf32>
    %add3A_1321 = vector.broadcast %get3A_1320 : vector<12x1xf32> to vector<12x512xf32>
    %add3A_1322 = arith.addf %mul3A_1317, %add3A_1321 : vector<12x512xf32>
    %reduce_max3A_1323 = arith.constant dense<0xFF800000> : vector<512xf32>
    %reduce_max3A_1324 = vector.multi_reduction <maximumf>, %add3A_1322, %reduce_max3A_1323 [0] : vector<12x512xf32> to vector<512xf32>
    %broadcast_in_dim3A_1325 = vector.shape_cast %reduce_max3A_1324 : vector<512xf32> to vector<1x512xf32>
    %sub3A_1326 = vector.broadcast %broadcast_in_dim3A_1325 : vector<1x512xf32> to vector<12x512xf32>
    %sub3A_1327 = arith.subf %add3A_1322, %sub3A_1326 : vector<12x512xf32>
    %exp3A_1328 = math.exp %sub3A_1327 : vector<12x512xf32>
    %reduce_sum3A_1329 = arith.constant dense<0.000000e+00> : vector<512xf32>
    %reduce_sum3A_1330 = vector.multi_reduction <add>, %exp3A_1328, %reduce_sum3A_1329 [0] : vector<12x512xf32> to vector<512xf32>
    %broadcast_in_dim3A_1331 = vector.shape_cast %reduce_sum3A_1330 : vector<512xf32> to vector<1x512xf32>
    %div3A_1332 = arith.constant 1.000000e+00 : f32
    %div3A_1333 = vector.broadcast %div3A_1332 : f32 to vector<1x512xf32>
    %div3A_1334 = arith.divf %div3A_1333, %broadcast_in_dim3A_1331 : vector<1x512xf32>
    %slice3A_1335 = vector.extract_strided_slice %exp3A_1328 {offsets = [0, 0], sizes = [1, 512], strides = [1, 1]} : vector<12x512xf32> to vector<1x512xf32>
    %slice3A_1336 = vector.extract_strided_slice %add3A_97 {offsets = [0, 0], sizes = [32, 512], strides = [1, 1]} : vector<384x512xf32> to vector<32x512xf32>
    %mul3A_1337 = vector.broadcast %slice3A_1335 : vector<1x512xf32> to vector<32x512xf32>
    %mul3A_1338 = arith.mulf %mul3A_1337, %slice3A_1336 : vector<32x512xf32>
    %slice3A_1339 = vector.extract_strided_slice %exp3A_1328 {offsets = [1, 0], sizes = [1, 512], strides = [1, 1]} : vector<12x512xf32> to vector<1x512xf32>
    %slice3A_1340 = vector.extract_strided_slice %add3A_97 {offsets = [32, 0], sizes = [32, 512], strides = [1, 1]} : vector<384x512xf32> to vector<32x512xf32>
    %mul3A_1341 = vector.broadcast %slice3A_1339 : vector<1x512xf32> to vector<32x512xf32>
    %mul3A_1342 = arith.mulf %mul3A_1341, %slice3A_1340 : vector<32x512xf32>
    %add3A_1343 = arith.addf %mul3A_1338, %mul3A_1342 : vector<32x512xf32>
    %slice3A_1344 = vector.extract_strided_slice %exp3A_1328 {offsets = [2, 0], sizes = [1, 512], strides = [1, 1]} : vector<12x512xf32> to vector<1x512xf32>
    %slice3A_1345 = vector.extract_strided_slice %add3A_97 {offsets = [64, 0], sizes = [32, 512], strides = [1, 1]} : vector<384x512xf32> to vector<32x512xf32>
    %mul3A_1346 = vector.broadcast %slice3A_1344 : vector<1x512xf32> to vector<32x512xf32>
    %mul3A_1347 = arith.mulf %mul3A_1346, %slice3A_1345 : vector<32x512xf32>
    %add3A_1348 = arith.addf %add3A_1343, %mul3A_1347 : vector<32x512xf32>
    %slice3A_1349 = vector.extract_strided_slice %exp3A_1328 {offsets = [3, 0], sizes = [1, 512], strides = [1, 1]} : vector<12x512xf32> to vector<1x512xf32>
    %slice3A_1350 = vector.extract_strided_slice %add3A_97 {offsets = [96, 0], sizes = [32, 512], strides = [1, 1]} : vector<384x512xf32> to vector<32x512xf32>
    %mul3A_1351 = vector.broadcast %slice3A_1349 : vector<1x512xf32> to vector<32x512xf32>
    %mul3A_1352 = arith.mulf %mul3A_1351, %slice3A_1350 : vector<32x512xf32>
    %add3A_1353 = arith.addf %add3A_1348, %mul3A_1352 : vector<32x512xf32>
    %slice3A_1354 = vector.extract_strided_slice %exp3A_1328 {offsets = [4, 0], sizes = [1, 512], strides = [1, 1]} : vector<12x512xf32> to vector<1x512xf32>
    %slice3A_1355 = vector.extract_strided_slice %add3A_97 {offsets = [128, 0], sizes = [32, 512], strides = [1, 1]} : vector<384x512xf32> to vector<32x512xf32>
    %mul3A_1356 = vector.broadcast %slice3A_1354 : vector<1x512xf32> to vector<32x512xf32>
    %mul3A_1357 = arith.mulf %mul3A_1356, %slice3A_1355 : vector<32x512xf32>
    %add3A_1358 = arith.addf %add3A_1353, %mul3A_1357 : vector<32x512xf32>
    %slice3A_1359 = vector.extract_strided_slice %exp3A_1328 {offsets = [5, 0], sizes = [1, 512], strides = [1, 1]} : vector<12x512xf32> to vector<1x512xf32>
    %slice3A_1360 = vector.extract_strided_slice %add3A_97 {offsets = [160, 0], sizes = [32, 512], strides = [1, 1]} : vector<384x512xf32> to vector<32x512xf32>
    %mul3A_1361 = vector.broadcast %slice3A_1359 : vector<1x512xf32> to vector<32x512xf32>
    %mul3A_1362 = arith.mulf %mul3A_1361, %slice3A_1360 : vector<32x512xf32>
    %add3A_1363 = arith.addf %add3A_1358, %mul3A_1362 : vector<32x512xf32>
    %slice3A_1364 = vector.extract_strided_slice %exp3A_1328 {offsets = [6, 0], sizes = [1, 512], strides = [1, 1]} : vector<12x512xf32> to vector<1x512xf32>
    %slice3A_1365 = vector.extract_strided_slice %add3A_97 {offsets = [192, 0], sizes = [32, 512], strides = [1, 1]} : vector<384x512xf32> to vector<32x512xf32>
    %mul3A_1366 = vector.broadcast %slice3A_1364 : vector<1x512xf32> to vector<32x512xf32>
    %mul3A_1367 = arith.mulf %mul3A_1366, %slice3A_1365 : vector<32x512xf32>
    %add3A_1368 = arith.addf %add3A_1363, %mul3A_1367 : vector<32x512xf32>
    %slice3A_1369 = vector.extract_strided_slice %exp3A_1328 {offsets = [7, 0], sizes = [1, 512], strides = [1, 1]} : vector<12x512xf32> to vector<1x512xf32>
    %slice3A_1370 = vector.extract_strided_slice %add3A_97 {offsets = [224, 0], sizes = [32, 512], strides = [1, 1]} : vector<384x512xf32> to vector<32x512xf32>
    %mul3A_1371 = vector.broadcast %slice3A_1369 : vector<1x512xf32> to vector<32x512xf32>
    %mul3A_1372 = arith.mulf %mul3A_1371, %slice3A_1370 : vector<32x512xf32>
    %add3A_1373 = arith.addf %add3A_1368, %mul3A_1372 : vector<32x512xf32>
    %slice3A_1374 = vector.extract_strided_slice %exp3A_1328 {offsets = [8, 0], sizes = [1, 512], strides = [1, 1]} : vector<12x512xf32> to vector<1x512xf32>
    %slice3A_1375 = vector.extract_strided_slice %add3A_97 {offsets = [256, 0], sizes = [32, 512], strides = [1, 1]} : vector<384x512xf32> to vector<32x512xf32>
    %mul3A_1376 = vector.broadcast %slice3A_1374 : vector<1x512xf32> to vector<32x512xf32>
    %mul3A_1377 = arith.mulf %mul3A_1376, %slice3A_1375 : vector<32x512xf32>
    %add3A_1378 = arith.addf %add3A_1373, %mul3A_1377 : vector<32x512xf32>
    %slice3A_1379 = vector.extract_strided_slice %exp3A_1328 {offsets = [9, 0], sizes = [1, 512], strides = [1, 1]} : vector<12x512xf32> to vector<1x512xf32>
    %slice3A_1380 = vector.extract_strided_slice %add3A_97 {offsets = [288, 0], sizes = [32, 512], strides = [1, 1]} : vector<384x512xf32> to vector<32x512xf32>
    %mul3A_1381 = vector.broadcast %slice3A_1379 : vector<1x512xf32> to vector<32x512xf32>
    %mul3A_1382 = arith.mulf %mul3A_1381, %slice3A_1380 : vector<32x512xf32>
    %add3A_1383 = arith.addf %add3A_1378, %mul3A_1382 : vector<32x512xf32>
    %slice3A_1384 = vector.extract_strided_slice %exp3A_1328 {offsets = [10, 0], sizes = [1, 512], strides = [1, 1]} : vector<12x512xf32> to vector<1x512xf32>
    %slice3A_1385 = vector.extract_strided_slice %add3A_97 {offsets = [320, 0], sizes = [32, 512], strides = [1, 1]} : vector<384x512xf32> to vector<32x512xf32>
    %mul3A_1386 = vector.broadcast %slice3A_1384 : vector<1x512xf32> to vector<32x512xf32>
    %mul3A_1387 = arith.mulf %mul3A_1386, %slice3A_1385 : vector<32x512xf32>
    %add3A_1388 = arith.addf %add3A_1383, %mul3A_1387 : vector<32x512xf32>
    %slice3A_1389 = vector.extract_strided_slice %exp3A_1328 {offsets = [11, 0], sizes = [1, 512], strides = [1, 1]} : vector<12x512xf32> to vector<1x512xf32>
    %slice3A_1390 = vector.extract_strided_slice %add3A_97 {offsets = [352, 0], sizes = [32, 512], strides = [1, 1]} : vector<384x512xf32> to vector<32x512xf32>
    %mul3A_1391 = vector.broadcast %slice3A_1389 : vector<1x512xf32> to vector<32x512xf32>
    %mul3A_1392 = arith.mulf %mul3A_1391, %slice3A_1390 : vector<32x512xf32>
    %add3A_1393 = arith.addf %add3A_1388, %mul3A_1392 : vector<32x512xf32>
    %mul3A_1394 = vector.broadcast %div3A_1334 : vector<1x512xf32> to vector<32x512xf32>
    %mul3A_1395 = arith.mulf %add3A_1393, %mul3A_1394 : vector<32x512xf32>
    %swap3A_1396 = arith.constant 256 : index
    %swap3A_1397 = arith.constant 0 : index
    %swap3A_1398 = vector.load %arg14[%swap3A_1396, %swap3A_1397] : memref<384x512xf32, #tpu.memory_space<vmem>>, vector<32x512xf32>
    tpu.vector_store %arg14[%swap3A_1396, %swap3A_1397], %mul3A_1395 {strides = array<i32>} : memref<384x512xf32, #tpu.memory_space<vmem>>, vector<32x512xf32>,
    %slice3A_1399 = vector.extract_strided_slice %add3A_77 {offsets = [288, 0], sizes = [32, 512], strides = [1, 1]} : vector<384x512xf32> to vector<32x512xf32>
    %slice3A_1400 = vector.extract_strided_slice %add3A_87 {offsets = [0, 0], sizes = [32, 512], strides = [1, 1]} : vector<384x512xf32> to vector<32x512xf32>
    %mul3A_1401 = arith.mulf %slice3A_1399, %slice3A_1400 : vector<32x512xf32>
    %reduce_sum3A_1402 = arith.constant dense<0.000000e+00> : vector<512xf32>
    %reduce_sum3A_1403 = vector.multi_reduction <add>, %mul3A_1401, %reduce_sum3A_1402 [0] : vector<32x512xf32> to vector<512xf32>
    %broadcast_in_dim3A_1404 = vector.shape_cast %reduce_sum3A_1403 : vector<512xf32> to vector<1x512xf32>
    %slice3A_1405 = vector.extract_strided_slice %add3A_87 {offsets = [32, 0], sizes = [32, 512], strides = [1, 1]} : vector<384x512xf32> to vector<32x512xf32>
    %mul3A_1406 = arith.mulf %slice3A_1399, %slice3A_1405 : vector<32x512xf32>
    %reduce_sum3A_1407 = arith.constant dense<0.000000e+00> : vector<512xf32>
    %reduce_sum3A_1408 = vector.multi_reduction <add>, %mul3A_1406, %reduce_sum3A_1407 [0] : vector<32x512xf32> to vector<512xf32>
    %broadcast_in_dim3A_1409 = vector.shape_cast %reduce_sum3A_1408 : vector<512xf32> to vector<1x512xf32>
    %slice3A_1410 = vector.extract_strided_slice %add3A_87 {offsets = [64, 0], sizes = [32, 512], strides = [1, 1]} : vector<384x512xf32> to vector<32x512xf32>
    %mul3A_1411 = arith.mulf %slice3A_1399, %slice3A_1410 : vector<32x512xf32>
    %reduce_sum3A_1412 = arith.constant dense<0.000000e+00> : vector<512xf32>
    %reduce_sum3A_1413 = vector.multi_reduction <add>, %mul3A_1411, %reduce_sum3A_1412 [0] : vector<32x512xf32> to vector<512xf32>
    %broadcast_in_dim3A_1414 = vector.shape_cast %reduce_sum3A_1413 : vector<512xf32> to vector<1x512xf32>
    %slice3A_1415 = vector.extract_strided_slice %add3A_87 {offsets = [96, 0], sizes = [32, 512], strides = [1, 1]} : vector<384x512xf32> to vector<32x512xf32>
    %mul3A_1416 = arith.mulf %slice3A_1399, %slice3A_1415 : vector<32x512xf32>
    %reduce_sum3A_1417 = arith.constant dense<0.000000e+00> : vector<512xf32>
    %reduce_sum3A_1418 = vector.multi_reduction <add>, %mul3A_1416, %reduce_sum3A_1417 [0] : vector<32x512xf32> to vector<512xf32>
    %broadcast_in_dim3A_1419 = vector.shape_cast %reduce_sum3A_1418 : vector<512xf32> to vector<1x512xf32>
    %slice3A_1420 = vector.extract_strided_slice %add3A_87 {offsets = [128, 0], sizes = [32, 512], strides = [1, 1]} : vector<384x512xf32> to vector<32x512xf32>
    %mul3A_1421 = arith.mulf %slice3A_1399, %slice3A_1420 : vector<32x512xf32>
    %reduce_sum3A_1422 = arith.constant dense<0.000000e+00> : vector<512xf32>
    %reduce_sum3A_1423 = vector.multi_reduction <add>, %mul3A_1421, %reduce_sum3A_1422 [0] : vector<32x512xf32> to vector<512xf32>
    %broadcast_in_dim3A_1424 = vector.shape_cast %reduce_sum3A_1423 : vector<512xf32> to vector<1x512xf32>
    %slice3A_1425 = vector.extract_strided_slice %add3A_87 {offsets = [160, 0], sizes = [32, 512], strides = [1, 1]} : vector<384x512xf32> to vector<32x512xf32>
    %mul3A_1426 = arith.mulf %slice3A_1399, %slice3A_1425 : vector<32x512xf32>
    %reduce_sum3A_1427 = arith.constant dense<0.000000e+00> : vector<512xf32>
    %reduce_sum3A_1428 = vector.multi_reduction <add>, %mul3A_1426, %reduce_sum3A_1427 [0] : vector<32x512xf32> to vector<512xf32>
    %broadcast_in_dim3A_1429 = vector.shape_cast %reduce_sum3A_1428 : vector<512xf32> to vector<1x512xf32>
    %slice3A_1430 = vector.extract_strided_slice %add3A_87 {offsets = [192, 0], sizes = [32, 512], strides = [1, 1]} : vector<384x512xf32> to vector<32x512xf32>
    %mul3A_1431 = arith.mulf %slice3A_1399, %slice3A_1430 : vector<32x512xf32>
    %reduce_sum3A_1432 = arith.constant dense<0.000000e+00> : vector<512xf32>
    %reduce_sum3A_1433 = vector.multi_reduction <add>, %mul3A_1431, %reduce_sum3A_1432 [0] : vector<32x512xf32> to vector<512xf32>
    %broadcast_in_dim3A_1434 = vector.shape_cast %reduce_sum3A_1433 : vector<512xf32> to vector<1x512xf32>
    %slice3A_1435 = vector.extract_strided_slice %add3A_87 {offsets = [224, 0], sizes = [32, 512], strides = [1, 1]} : vector<384x512xf32> to vector<32x512xf32>
    %mul3A_1436 = arith.mulf %slice3A_1399, %slice3A_1435 : vector<32x512xf32>
    %reduce_sum3A_1437 = arith.constant dense<0.000000e+00> : vector<512xf32>
    %reduce_sum3A_1438 = vector.multi_reduction <add>, %mul3A_1436, %reduce_sum3A_1437 [0] : vector<32x512xf32> to vector<512xf32>
    %broadcast_in_dim3A_1439 = vector.shape_cast %reduce_sum3A_1438 : vector<512xf32> to vector<1x512xf32>
    %slice3A_1440 = vector.extract_strided_slice %add3A_87 {offsets = [256, 0], sizes = [32, 512], strides = [1, 1]} : vector<384x512xf32> to vector<32x512xf32>
    %mul3A_1441 = arith.mulf %slice3A_1399, %slice3A_1440 : vector<32x512xf32>
    %reduce_sum3A_1442 = arith.constant dense<0.000000e+00> : vector<512xf32>
    %reduce_sum3A_1443 = vector.multi_reduction <add>, %mul3A_1441, %reduce_sum3A_1442 [0] : vector<32x512xf32> to vector<512xf32>
    %broadcast_in_dim3A_1444 = vector.shape_cast %reduce_sum3A_1443 : vector<512xf32> to vector<1x512xf32>
    %slice3A_1445 = vector.extract_strided_slice %add3A_87 {offsets = [288, 0], sizes = [32, 512], strides = [1, 1]} : vector<384x512xf32> to vector<32x512xf32>
    %mul3A_1446 = arith.mulf %slice3A_1399, %slice3A_1445 : vector<32x512xf32>
    %reduce_sum3A_1447 = arith.constant dense<0.000000e+00> : vector<512xf32>
    %reduce_sum3A_1448 = vector.multi_reduction <add>, %mul3A_1446, %reduce_sum3A_1447 [0] : vector<32x512xf32> to vector<512xf32>
    %broadcast_in_dim3A_1449 = vector.shape_cast %reduce_sum3A_1448 : vector<512xf32> to vector<1x512xf32>
    %slice3A_1450 = vector.extract_strided_slice %add3A_87 {offsets = [320, 0], sizes = [32, 512], strides = [1, 1]} : vector<384x512xf32> to vector<32x512xf32>
    %mul3A_1451 = arith.mulf %slice3A_1399, %slice3A_1450 : vector<32x512xf32>
    %reduce_sum3A_1452 = arith.constant dense<0.000000e+00> : vector<512xf32>
    %reduce_sum3A_1453 = vector.multi_reduction <add>, %mul3A_1451, %reduce_sum3A_1452 [0] : vector<32x512xf32> to vector<512xf32>
    %broadcast_in_dim3A_1454 = vector.shape_cast %reduce_sum3A_1453 : vector<512xf32> to vector<1x512xf32>
    %slice3A_1455 = vector.extract_strided_slice %add3A_87 {offsets = [352, 0], sizes = [32, 512], strides = [1, 1]} : vector<384x512xf32> to vector<32x512xf32>
    %mul3A_1456 = arith.mulf %slice3A_1399, %slice3A_1455 : vector<32x512xf32>
    %reduce_sum3A_1457 = arith.constant dense<0.000000e+00> : vector<512xf32>
    %reduce_sum3A_1458 = vector.multi_reduction <add>, %mul3A_1456, %reduce_sum3A_1457 [0] : vector<32x512xf32> to vector<512xf32>
    %broadcast_in_dim3A_1459 = vector.shape_cast %reduce_sum3A_1458 : vector<512xf32> to vector<1x512xf32>
    %concatenate3A_1460 = tpu.concatenate %broadcast_in_dim3A_1404, %broadcast_in_dim3A_1409, %broadcast_in_dim3A_1414, %broadcast_in_dim3A_1419, %broadcast_in_dim3A_1424, %broadcast_in_dim3A_1429, %broadcast_in_dim3A_1434, %broadcast_in_dim3A_1439, %broadcast_in_dim3A_1444, %broadcast_in_dim3A_1449, %broadcast_in_dim3A_1454, %broadcast_in_dim3A_1459 in 0 : vector<1x512xf32>, vector<1x512xf32>, vector<1x512xf32>, vector<1x512xf32>, vector<1x512xf32>, vector<1x512xf32>, vector<1x512xf32>, vector<1x512xf32>, vector<1x512xf32>, vector<1x512xf32>, vector<1x512xf32>, vector<1x512xf32> -> vector<12x512xf32>
    %mul3A_1461 = vector.broadcast %get3A_1 : vector<1x1xf32> to vector<12x512xf32>
    %mul3A_1462 = arith.mulf %concatenate3A_1460, %mul3A_1461 : vector<12x512xf32>
    %get3A_1463 = arith.constant 0 : index
    %get3A_1464 = arith.constant 9 : index
    %get3A_1465 = vector.load %arg10[%get3A_1463, %get3A_1464] : memref<16x128xf32, #tpu.memory_space<vmem>>, vector<12x1xf32>
    %add3A_1466 = vector.broadcast %get3A_1465 : vector<12x1xf32> to vector<12x512xf32>
    %add3A_1467 = arith.addf %mul3A_1462, %add3A_1466 : vector<12x512xf32>
    %reduce_max3A_1468 = arith.constant dense<0xFF800000> : vector<512xf32>
    %reduce_max3A_1469 = vector.multi_reduction <maximumf>, %add3A_1467, %reduce_max3A_1468 [0] : vector<12x512xf32> to vector<512xf32>
    %broadcast_in_dim3A_1470 = vector.shape_cast %reduce_max3A_1469 : vector<512xf32> to vector<1x512xf32>
    %sub3A_1471 = vector.broadcast %broadcast_in_dim3A_1470 : vector<1x512xf32> to vector<12x512xf32>
    %sub3A_1472 = arith.subf %add3A_1467, %sub3A_1471 : vector<12x512xf32>
    %exp3A_1473 = math.exp %sub3A_1472 : vector<12x512xf32>
    %reduce_sum3A_1474 = arith.constant dense<0.000000e+00> : vector<512xf32>
    %reduce_sum3A_1475 = vector.multi_reduction <add>, %exp3A_1473, %reduce_sum3A_1474 [0] : vector<12x512xf32> to vector<512xf32>
    %broadcast_in_dim3A_1476 = vector.shape_cast %reduce_sum3A_1475 : vector<512xf32> to vector<1x512xf32>
    %div3A_1477 = arith.constant 1.000000e+00 : f32
    %div3A_1478 = vector.broadcast %div3A_1477 : f32 to vector<1x512xf32>
    %div3A_1479 = arith.divf %div3A_1478, %broadcast_in_dim3A_1476 : vector<1x512xf32>
    %slice3A_1480 = vector.extract_strided_slice %exp3A_1473 {offsets = [0, 0], sizes = [1, 512], strides = [1, 1]} : vector<12x512xf32> to vector<1x512xf32>
    %slice3A_1481 = vector.extract_strided_slice %add3A_97 {offsets = [0, 0], sizes = [32, 512], strides = [1, 1]} : vector<384x512xf32> to vector<32x512xf32>
    %mul3A_1482 = vector.broadcast %slice3A_1480 : vector<1x512xf32> to vector<32x512xf32>
    %mul3A_1483 = arith.mulf %mul3A_1482, %slice3A_1481 : vector<32x512xf32>
    %slice3A_1484 = vector.extract_strided_slice %exp3A_1473 {offsets = [1, 0], sizes = [1, 512], strides = [1, 1]} : vector<12x512xf32> to vector<1x512xf32>
    %slice3A_1485 = vector.extract_strided_slice %add3A_97 {offsets = [32, 0], sizes = [32, 512], strides = [1, 1]} : vector<384x512xf32> to vector<32x512xf32>
    %mul3A_1486 = vector.broadcast %slice3A_1484 : vector<1x512xf32> to vector<32x512xf32>
    %mul3A_1487 = arith.mulf %mul3A_1486, %slice3A_1485 : vector<32x512xf32>
    %add3A_1488 = arith.addf %mul3A_1483, %mul3A_1487 : vector<32x512xf32>
    %slice3A_1489 = vector.extract_strided_slice %exp3A_1473 {offsets = [2, 0], sizes = [1, 512], strides = [1, 1]} : vector<12x512xf32> to vector<1x512xf32>
    %slice3A_1490 = vector.extract_strided_slice %add3A_97 {offsets = [64, 0], sizes = [32, 512], strides = [1, 1]} : vector<384x512xf32> to vector<32x512xf32>
    %mul3A_1491 = vector.broadcast %slice3A_1489 : vector<1x512xf32> to vector<32x512xf32>
    %mul3A_1492 = arith.mulf %mul3A_1491, %slice3A_1490 : vector<32x512xf32>
    %add3A_1493 = arith.addf %add3A_1488, %mul3A_1492 : vector<32x512xf32>
    %slice3A_1494 = vector.extract_strided_slice %exp3A_1473 {offsets = [3, 0], sizes = [1, 512], strides = [1, 1]} : vector<12x512xf32> to vector<1x512xf32>
    %slice3A_1495 = vector.extract_strided_slice %add3A_97 {offsets = [96, 0], sizes = [32, 512], strides = [1, 1]} : vector<384x512xf32> to vector<32x512xf32>
    %mul3A_1496 = vector.broadcast %slice3A_1494 : vector<1x512xf32> to vector<32x512xf32>
    %mul3A_1497 = arith.mulf %mul3A_1496, %slice3A_1495 : vector<32x512xf32>
    %add3A_1498 = arith.addf %add3A_1493, %mul3A_1497 : vector<32x512xf32>
    %slice3A_1499 = vector.extract_strided_slice %exp3A_1473 {offsets = [4, 0], sizes = [1, 512], strides = [1, 1]} : vector<12x512xf32> to vector<1x512xf32>
    %slice3A_1500 = vector.extract_strided_slice %add3A_97 {offsets = [128, 0], sizes = [32, 512], strides = [1, 1]} : vector<384x512xf32> to vector<32x512xf32>
    %mul3A_1501 = vector.broadcast %slice3A_1499 : vector<1x512xf32> to vector<32x512xf32>
    %mul3A_1502 = arith.mulf %mul3A_1501, %slice3A_1500 : vector<32x512xf32>
    %add3A_1503 = arith.addf %add3A_1498, %mul3A_1502 : vector<32x512xf32>
    %slice3A_1504 = vector.extract_strided_slice %exp3A_1473 {offsets = [5, 0], sizes = [1, 512], strides = [1, 1]} : vector<12x512xf32> to vector<1x512xf32>
    %slice3A_1505 = vector.extract_strided_slice %add3A_97 {offsets = [160, 0], sizes = [32, 512], strides = [1, 1]} : vector<384x512xf32> to vector<32x512xf32>
    %mul3A_1506 = vector.broadcast %slice3A_1504 : vector<1x512xf32> to vector<32x512xf32>
    %mul3A_1507 = arith.mulf %mul3A_1506, %slice3A_1505 : vector<32x512xf32>
    %add3A_1508 = arith.addf %add3A_1503, %mul3A_1507 : vector<32x512xf32>
    %slice3A_1509 = vector.extract_strided_slice %exp3A_1473 {offsets = [6, 0], sizes = [1, 512], strides = [1, 1]} : vector<12x512xf32> to vector<1x512xf32>
    %slice3A_1510 = vector.extract_strided_slice %add3A_97 {offsets = [192, 0], sizes = [32, 512], strides = [1, 1]} : vector<384x512xf32> to vector<32x512xf32>
    %mul3A_1511 = vector.broadcast %slice3A_1509 : vector<1x512xf32> to vector<32x512xf32>
    %mul3A_1512 = arith.mulf %mul3A_1511, %slice3A_1510 : vector<32x512xf32>
    %add3A_1513 = arith.addf %add3A_1508, %mul3A_1512 : vector<32x512xf32>
    %slice3A_1514 = vector.extract_strided_slice %exp3A_1473 {offsets = [7, 0], sizes = [1, 512], strides = [1, 1]} : vector<12x512xf32> to vector<1x512xf32>
    %slice3A_1515 = vector.extract_strided_slice %add3A_97 {offsets = [224, 0], sizes = [32, 512], strides = [1, 1]} : vector<384x512xf32> to vector<32x512xf32>
    %mul3A_1516 = vector.broadcast %slice3A_1514 : vector<1x512xf32> to vector<32x512xf32>
    %mul3A_1517 = arith.mulf %mul3A_1516, %slice3A_1515 : vector<32x512xf32>
    %add3A_1518 = arith.addf %add3A_1513, %mul3A_1517 : vector<32x512xf32>
    %slice3A_1519 = vector.extract_strided_slice %exp3A_1473 {offsets = [8, 0], sizes = [1, 512], strides = [1, 1]} : vector<12x512xf32> to vector<1x512xf32>
    %slice3A_1520 = vector.extract_strided_slice %add3A_97 {offsets = [256, 0], sizes = [32, 512], strides = [1, 1]} : vector<384x512xf32> to vector<32x512xf32>
    %mul3A_1521 = vector.broadcast %slice3A_1519 : vector<1x512xf32> to vector<32x512xf32>
    %mul3A_1522 = arith.mulf %mul3A_1521, %slice3A_1520 : vector<32x512xf32>
    %add3A_1523 = arith.addf %add3A_1518, %mul3A_1522 : vector<32x512xf32>
    %slice3A_1524 = vector.extract_strided_slice %exp3A_1473 {offsets = [9, 0], sizes = [1, 512], strides = [1, 1]} : vector<12x512xf32> to vector<1x512xf32>
    %slice3A_1525 = vector.extract_strided_slice %add3A_97 {offsets = [288, 0], sizes = [32, 512], strides = [1, 1]} : vector<384x512xf32> to vector<32x512xf32>
    %mul3A_1526 = vector.broadcast %slice3A_1524 : vector<1x512xf32> to vector<32x512xf32>
    %mul3A_1527 = arith.mulf %mul3A_1526, %slice3A_1525 : vector<32x512xf32>
    %add3A_1528 = arith.addf %add3A_1523, %mul3A_1527 : vector<32x512xf32>
    %slice3A_1529 = vector.extract_strided_slice %exp3A_1473 {offsets = [10, 0], sizes = [1, 512], strides = [1, 1]} : vector<12x512xf32> to vector<1x512xf32>
    %slice3A_1530 = vector.extract_strided_slice %add3A_97 {offsets = [320, 0], sizes = [32, 512], strides = [1, 1]} : vector<384x512xf32> to vector<32x512xf32>
    %mul3A_1531 = vector.broadcast %slice3A_1529 : vector<1x512xf32> to vector<32x512xf32>
    %mul3A_1532 = arith.mulf %mul3A_1531, %slice3A_1530 : vector<32x512xf32>
    %add3A_1533 = arith.addf %add3A_1528, %mul3A_1532 : vector<32x512xf32>
    %slice3A_1534 = vector.extract_strided_slice %exp3A_1473 {offsets = [11, 0], sizes = [1, 512], strides = [1, 1]} : vector<12x512xf32> to vector<1x512xf32>
    %slice3A_1535 = vector.extract_strided_slice %add3A_97 {offsets = [352, 0], sizes = [32, 512], strides = [1, 1]} : vector<384x512xf32> to vector<32x512xf32>
    %mul3A_1536 = vector.broadcast %slice3A_1534 : vector<1x512xf32> to vector<32x512xf32>
    %mul3A_1537 = arith.mulf %mul3A_1536, %slice3A_1535 : vector<32x512xf32>
    %add3A_1538 = arith.addf %add3A_1533, %mul3A_1537 : vector<32x512xf32>
    %mul3A_1539 = vector.broadcast %div3A_1479 : vector<1x512xf32> to vector<32x512xf32>
    %mul3A_1540 = arith.mulf %add3A_1538, %mul3A_1539 : vector<32x512xf32>
    %swap3A_1541 = arith.constant 288 : index
    %swap3A_1542 = arith.constant 0 : index
    %swap3A_1543 = vector.load %arg14[%swap3A_1541, %swap3A_1542] : memref<384x512xf32, #tpu.memory_space<vmem>>, vector<32x512xf32>
    tpu.vector_store %arg14[%swap3A_1541, %swap3A_1542], %mul3A_1540 {strides = array<i32>} : memref<384x512xf32, #tpu.memory_space<vmem>>, vector<32x512xf32>,
    %slice3A_1544 = vector.extract_strided_slice %add3A_77 {offsets = [320, 0], sizes = [32, 512], strides = [1, 1]} : vector<384x512xf32> to vector<32x512xf32>
    %slice3A_1545 = vector.extract_strided_slice %add3A_87 {offsets = [0, 0], sizes = [32, 512], strides = [1, 1]} : vector<384x512xf32> to vector<32x512xf32>
    %mul3A_1546 = arith.mulf %slice3A_1544, %slice3A_1545 : vector<32x512xf32>
    %reduce_sum3A_1547 = arith.constant dense<0.000000e+00> : vector<512xf32>
    %reduce_sum3A_1548 = vector.multi_reduction <add>, %mul3A_1546, %reduce_sum3A_1547 [0] : vector<32x512xf32> to vector<512xf32>
    %broadcast_in_dim3A_1549 = vector.shape_cast %reduce_sum3A_1548 : vector<512xf32> to vector<1x512xf32>
    %slice3A_1550 = vector.extract_strided_slice %add3A_87 {offsets = [32, 0], sizes = [32, 512], strides = [1, 1]} : vector<384x512xf32> to vector<32x512xf32>
    %mul3A_1551 = arith.mulf %slice3A_1544, %slice3A_1550 : vector<32x512xf32>
    %reduce_sum3A_1552 = arith.constant dense<0.000000e+00> : vector<512xf32>
    %reduce_sum3A_1553 = vector.multi_reduction <add>, %mul3A_1551, %reduce_sum3A_1552 [0] : vector<32x512xf32> to vector<512xf32>
    %broadcast_in_dim3A_1554 = vector.shape_cast %reduce_sum3A_1553 : vector<512xf32> to vector<1x512xf32>
    %slice3A_1555 = vector.extract_strided_slice %add3A_87 {offsets = [64, 0], sizes = [32, 512], strides = [1, 1]} : vector<384x512xf32> to vector<32x512xf32>
    %mul3A_1556 = arith.mulf %slice3A_1544, %slice3A_1555 : vector<32x512xf32>
    %reduce_sum3A_1557 = arith.constant dense<0.000000e+00> : vector<512xf32>
    %reduce_sum3A_1558 = vector.multi_reduction <add>, %mul3A_1556, %reduce_sum3A_1557 [0] : vector<32x512xf32> to vector<512xf32>
    %broadcast_in_dim3A_1559 = vector.shape_cast %reduce_sum3A_1558 : vector<512xf32> to vector<1x512xf32>
    %slice3A_1560 = vector.extract_strided_slice %add3A_87 {offsets = [96, 0], sizes = [32, 512], strides = [1, 1]} : vector<384x512xf32> to vector<32x512xf32>
    %mul3A_1561 = arith.mulf %slice3A_1544, %slice3A_1560 : vector<32x512xf32>
    %reduce_sum3A_1562 = arith.constant dense<0.000000e+00> : vector<512xf32>
    %reduce_sum3A_1563 = vector.multi_reduction <add>, %mul3A_1561, %reduce_sum3A_1562 [0] : vector<32x512xf32> to vector<512xf32>
    %broadcast_in_dim3A_1564 = vector.shape_cast %reduce_sum3A_1563 : vector<512xf32> to vector<1x512xf32>
    %slice3A_1565 = vector.extract_strided_slice %add3A_87 {offsets = [128, 0], sizes = [32, 512], strides = [1, 1]} : vector<384x512xf32> to vector<32x512xf32>
    %mul3A_1566 = arith.mulf %slice3A_1544, %slice3A_1565 : vector<32x512xf32>
    %reduce_sum3A_1567 = arith.constant dense<0.000000e+00> : vector<512xf32>
    %reduce_sum3A_1568 = vector.multi_reduction <add>, %mul3A_1566, %reduce_sum3A_1567 [0] : vector<32x512xf32> to vector<512xf32>
    %broadcast_in_dim3A_1569 = vector.shape_cast %reduce_sum3A_1568 : vector<512xf32> to vector<1x512xf32>
    %slice3A_1570 = vector.extract_strided_slice %add3A_87 {offsets = [160, 0], sizes = [32, 512], strides = [1, 1]} : vector<384x512xf32> to vector<32x512xf32>
    %mul3A_1571 = arith.mulf %slice3A_1544, %slice3A_1570 : vector<32x512xf32>
    %reduce_sum3A_1572 = arith.constant dense<0.000000e+00> : vector<512xf32>
    %reduce_sum3A_1573 = vector.multi_reduction <add>, %mul3A_1571, %reduce_sum3A_1572 [0] : vector<32x512xf32> to vector<512xf32>
    %broadcast_in_dim3A_1574 = vector.shape_cast %reduce_sum3A_1573 : vector<512xf32> to vector<1x512xf32>
    %slice3A_1575 = vector.extract_strided_slice %add3A_87 {offsets = [192, 0], sizes = [32, 512], strides = [1, 1]} : vector<384x512xf32> to vector<32x512xf32>
    %mul3A_1576 = arith.mulf %slice3A_1544, %slice3A_1575 : vector<32x512xf32>
    %reduce_sum3A_1577 = arith.constant dense<0.000000e+00> : vector<512xf32>
    %reduce_sum3A_1578 = vector.multi_reduction <add>, %mul3A_1576, %reduce_sum3A_1577 [0] : vector<32x512xf32> to vector<512xf32>
    %broadcast_in_dim3A_1579 = vector.shape_cast %reduce_sum3A_1578 : vector<512xf32> to vector<1x512xf32>
    %slice3A_1580 = vector.extract_strided_slice %add3A_87 {offsets = [224, 0], sizes = [32, 512], strides = [1, 1]} : vector<384x512xf32> to vector<32x512xf32>
    %mul3A_1581 = arith.mulf %slice3A_1544, %slice3A_1580 : vector<32x512xf32>
    %reduce_sum3A_1582 = arith.constant dense<0.000000e+00> : vector<512xf32>
    %reduce_sum3A_1583 = vector.multi_reduction <add>, %mul3A_1581, %reduce_sum3A_1582 [0] : vector<32x512xf32> to vector<512xf32>
    %broadcast_in_dim3A_1584 = vector.shape_cast %reduce_sum3A_1583 : vector<512xf32> to vector<1x512xf32>
    %slice3A_1585 = vector.extract_strided_slice %add3A_87 {offsets = [256, 0], sizes = [32, 512], strides = [1, 1]} : vector<384x512xf32> to vector<32x512xf32>
    %mul3A_1586 = arith.mulf %slice3A_1544, %slice3A_1585 : vector<32x512xf32>
    %reduce_sum3A_1587 = arith.constant dense<0.000000e+00> : vector<512xf32>
    %reduce_sum3A_1588 = vector.multi_reduction <add>, %mul3A_1586, %reduce_sum3A_1587 [0] : vector<32x512xf32> to vector<512xf32>
    %broadcast_in_dim3A_1589 = vector.shape_cast %reduce_sum3A_1588 : vector<512xf32> to vector<1x512xf32>
    %slice3A_1590 = vector.extract_strided_slice %add3A_87 {offsets = [288, 0], sizes = [32, 512], strides = [1, 1]} : vector<384x512xf32> to vector<32x512xf32>
    %mul3A_1591 = arith.mulf %slice3A_1544, %slice3A_1590 : vector<32x512xf32>
    %reduce_sum3A_1592 = arith.constant dense<0.000000e+00> : vector<512xf32>
    %reduce_sum3A_1593 = vector.multi_reduction <add>, %mul3A_1591, %reduce_sum3A_1592 [0] : vector<32x512xf32> to vector<512xf32>
    %broadcast_in_dim3A_1594 = vector.shape_cast %reduce_sum3A_1593 : vector<512xf32> to vector<1x512xf32>
    %slice3A_1595 = vector.extract_strided_slice %add3A_87 {offsets = [320, 0], sizes = [32, 512], strides = [1, 1]} : vector<384x512xf32> to vector<32x512xf32>
    %mul3A_1596 = arith.mulf %slice3A_1544, %slice3A_1595 : vector<32x512xf32>
    %reduce_sum3A_1597 = arith.constant dense<0.000000e+00> : vector<512xf32>
    %reduce_sum3A_1598 = vector.multi_reduction <add>, %mul3A_1596, %reduce_sum3A_1597 [0] : vector<32x512xf32> to vector<512xf32>
    %broadcast_in_dim3A_1599 = vector.shape_cast %reduce_sum3A_1598 : vector<512xf32> to vector<1x512xf32>
    %slice3A_1600 = vector.extract_strided_slice %add3A_87 {offsets = [352, 0], sizes = [32, 512], strides = [1, 1]} : vector<384x512xf32> to vector<32x512xf32>
    %mul3A_1601 = arith.mulf %slice3A_1544, %slice3A_1600 : vector<32x512xf32>
    %reduce_sum3A_1602 = arith.constant dense<0.000000e+00> : vector<512xf32>
    %reduce_sum3A_1603 = vector.multi_reduction <add>, %mul3A_1601, %reduce_sum3A_1602 [0] : vector<32x512xf32> to vector<512xf32>
    %broadcast_in_dim3A_1604 = vector.shape_cast %reduce_sum3A_1603 : vector<512xf32> to vector<1x512xf32>
    %concatenate3A_1605 = tpu.concatenate %broadcast_in_dim3A_1549, %broadcast_in_dim3A_1554, %broadcast_in_dim3A_1559, %broadcast_in_dim3A_1564, %broadcast_in_dim3A_1569, %broadcast_in_dim3A_1574, %broadcast_in_dim3A_1579, %broadcast_in_dim3A_1584, %broadcast_in_dim3A_1589, %broadcast_in_dim3A_1594, %broadcast_in_dim3A_1599, %broadcast_in_dim3A_1604 in 0 : vector<1x512xf32>, vector<1x512xf32>, vector<1x512xf32>, vector<1x512xf32>, vector<1x512xf32>, vector<1x512xf32>, vector<1x512xf32>, vector<1x512xf32>, vector<1x512xf32>, vector<1x512xf32>, vector<1x512xf32>, vector<1x512xf32> -> vector<12x512xf32>
    %mul3A_1606 = vector.broadcast %get3A_1 : vector<1x1xf32> to vector<12x512xf32>
    %mul3A_1607 = arith.mulf %concatenate3A_1605, %mul3A_1606 : vector<12x512xf32>
    %get3A_1608 = arith.constant 0 : index
    %get3A_1609 = arith.constant 10 : index
    %get3A_1610 = vector.load %arg10[%get3A_1608, %get3A_1609] : memref<16x128xf32, #tpu.memory_space<vmem>>, vector<12x1xf32>
    %add3A_1611 = vector.broadcast %get3A_1610 : vector<12x1xf32> to vector<12x512xf32>
    %add3A_1612 = arith.addf %mul3A_1607, %add3A_1611 : vector<12x512xf32>
    %reduce_max3A_1613 = arith.constant dense<0xFF800000> : vector<512xf32>
    %reduce_max3A_1614 = vector.multi_reduction <maximumf>, %add3A_1612, %reduce_max3A_1613 [0] : vector<12x512xf32> to vector<512xf32>
    %broadcast_in_dim3A_1615 = vector.shape_cast %reduce_max3A_1614 : vector<512xf32> to vector<1x512xf32>
    %sub3A_1616 = vector.broadcast %broadcast_in_dim3A_1615 : vector<1x512xf32> to vector<12x512xf32>
    %sub3A_1617 = arith.subf %add3A_1612, %sub3A_1616 : vector<12x512xf32>
    %exp3A_1618 = math.exp %sub3A_1617 : vector<12x512xf32>
    %reduce_sum3A_1619 = arith.constant dense<0.000000e+00> : vector<512xf32>
    %reduce_sum3A_1620 = vector.multi_reduction <add>, %exp3A_1618, %reduce_sum3A_1619 [0] : vector<12x512xf32> to vector<512xf32>
    %broadcast_in_dim3A_1621 = vector.shape_cast %reduce_sum3A_1620 : vector<512xf32> to vector<1x512xf32>
    %div3A_1622 = arith.constant 1.000000e+00 : f32
    %div3A_1623 = vector.broadcast %div3A_1622 : f32 to vector<1x512xf32>
    %div3A_1624 = arith.divf %div3A_1623, %broadcast_in_dim3A_1621 : vector<1x512xf32>
    %slice3A_1625 = vector.extract_strided_slice %exp3A_1618 {offsets = [0, 0], sizes = [1, 512], strides = [1, 1]} : vector<12x512xf32> to vector<1x512xf32>
    %slice3A_1626 = vector.extract_strided_slice %add3A_97 {offsets = [0, 0], sizes = [32, 512], strides = [1, 1]} : vector<384x512xf32> to vector<32x512xf32>
    %mul3A_1627 = vector.broadcast %slice3A_1625 : vector<1x512xf32> to vector<32x512xf32>
    %mul3A_1628 = arith.mulf %mul3A_1627, %slice3A_1626 : vector<32x512xf32>
    %slice3A_1629 = vector.extract_strided_slice %exp3A_1618 {offsets = [1, 0], sizes = [1, 512], strides = [1, 1]} : vector<12x512xf32> to vector<1x512xf32>
    %slice3A_1630 = vector.extract_strided_slice %add3A_97 {offsets = [32, 0], sizes = [32, 512], strides = [1, 1]} : vector<384x512xf32> to vector<32x512xf32>
    %mul3A_1631 = vector.broadcast %slice3A_1629 : vector<1x512xf32> to vector<32x512xf32>
    %mul3A_1632 = arith.mulf %mul3A_1631, %slice3A_1630 : vector<32x512xf32>
    %add3A_1633 = arith.addf %mul3A_1628, %mul3A_1632 : vector<32x512xf32>
    %slice3A_1634 = vector.extract_strided_slice %exp3A_1618 {offsets = [2, 0], sizes = [1, 512], strides = [1, 1]} : vector<12x512xf32> to vector<1x512xf32>
    %slice3A_1635 = vector.extract_strided_slice %add3A_97 {offsets = [64, 0], sizes = [32, 512], strides = [1, 1]} : vector<384x512xf32> to vector<32x512xf32>
    %mul3A_1636 = vector.broadcast %slice3A_1634 : vector<1x512xf32> to vector<32x512xf32>
    %mul3A_1637 = arith.mulf %mul3A_1636, %slice3A_1635 : vector<32x512xf32>
    %add3A_1638 = arith.addf %add3A_1633, %mul3A_1637 : vector<32x512xf32>
    %slice3A_1639 = vector.extract_strided_slice %exp3A_1618 {offsets = [3, 0], sizes = [1, 512], strides = [1, 1]} : vector<12x512xf32> to vector<1x512xf32>
    %slice3A_1640 = vector.extract_strided_slice %add3A_97 {offsets = [96, 0], sizes = [32, 512], strides = [1, 1]} : vector<384x512xf32> to vector<32x512xf32>
    %mul3A_1641 = vector.broadcast %slice3A_1639 : vector<1x512xf32> to vector<32x512xf32>
    %mul3A_1642 = arith.mulf %mul3A_1641, %slice3A_1640 : vector<32x512xf32>
    %add3A_1643 = arith.addf %add3A_1638, %mul3A_1642 : vector<32x512xf32>
    %slice3A_1644 = vector.extract_strided_slice %exp3A_1618 {offsets = [4, 0], sizes = [1, 512], strides = [1, 1]} : vector<12x512xf32> to vector<1x512xf32>
    %slice3A_1645 = vector.extract_strided_slice %add3A_97 {offsets = [128, 0], sizes = [32, 512], strides = [1, 1]} : vector<384x512xf32> to vector<32x512xf32>
    %mul3A_1646 = vector.broadcast %slice3A_1644 : vector<1x512xf32> to vector<32x512xf32>
    %mul3A_1647 = arith.mulf %mul3A_1646, %slice3A_1645 : vector<32x512xf32>
    %add3A_1648 = arith.addf %add3A_1643, %mul3A_1647 : vector<32x512xf32>
    %slice3A_1649 = vector.extract_strided_slice %exp3A_1618 {offsets = [5, 0], sizes = [1, 512], strides = [1, 1]} : vector<12x512xf32> to vector<1x512xf32>
    %slice3A_1650 = vector.extract_strided_slice %add3A_97 {offsets = [160, 0], sizes = [32, 512], strides = [1, 1]} : vector<384x512xf32> to vector<32x512xf32>
    %mul3A_1651 = vector.broadcast %slice3A_1649 : vector<1x512xf32> to vector<32x512xf32>
    %mul3A_1652 = arith.mulf %mul3A_1651, %slice3A_1650 : vector<32x512xf32>
    %add3A_1653 = arith.addf %add3A_1648, %mul3A_1652 : vector<32x512xf32>
    %slice3A_1654 = vector.extract_strided_slice %exp3A_1618 {offsets = [6, 0], sizes = [1, 512], strides = [1, 1]} : vector<12x512xf32> to vector<1x512xf32>
    %slice3A_1655 = vector.extract_strided_slice %add3A_97 {offsets = [192, 0], sizes = [32, 512], strides = [1, 1]} : vector<384x512xf32> to vector<32x512xf32>
    %mul3A_1656 = vector.broadcast %slice3A_1654 : vector<1x512xf32> to vector<32x512xf32>
    %mul3A_1657 = arith.mulf %mul3A_1656, %slice3A_1655 : vector<32x512xf32>
    %add3A_1658 = arith.addf %add3A_1653, %mul3A_1657 : vector<32x512xf32>
    %slice3A_1659 = vector.extract_strided_slice %exp3A_1618 {offsets = [7, 0], sizes = [1, 512], strides = [1, 1]} : vector<12x512xf32> to vector<1x512xf32>
    %slice3A_1660 = vector.extract_strided_slice %add3A_97 {offsets = [224, 0], sizes = [32, 512], strides = [1, 1]} : vector<384x512xf32> to vector<32x512xf32>
    %mul3A_1661 = vector.broadcast %slice3A_1659 : vector<1x512xf32> to vector<32x512xf32>
    %mul3A_1662 = arith.mulf %mul3A_1661, %slice3A_1660 : vector<32x512xf32>
    %add3A_1663 = arith.addf %add3A_1658, %mul3A_1662 : vector<32x512xf32>
    %slice3A_1664 = vector.extract_strided_slice %exp3A_1618 {offsets = [8, 0], sizes = [1, 512], strides = [1, 1]} : vector<12x512xf32> to vector<1x512xf32>
    %slice3A_1665 = vector.extract_strided_slice %add3A_97 {offsets = [256, 0], sizes = [32, 512], strides = [1, 1]} : vector<384x512xf32> to vector<32x512xf32>
    %mul3A_1666 = vector.broadcast %slice3A_1664 : vector<1x512xf32> to vector<32x512xf32>
    %mul3A_1667 = arith.mulf %mul3A_1666, %slice3A_1665 : vector<32x512xf32>
    %add3A_1668 = arith.addf %add3A_1663, %mul3A_1667 : vector<32x512xf32>
    %slice3A_1669 = vector.extract_strided_slice %exp3A_1618 {offsets = [9, 0], sizes = [1, 512], strides = [1, 1]} : vector<12x512xf32> to vector<1x512xf32>
    %slice3A_1670 = vector.extract_strided_slice %add3A_97 {offsets = [288, 0], sizes = [32, 512], strides = [1, 1]} : vector<384x512xf32> to vector<32x512xf32>
    %mul3A_1671 = vector.broadcast %slice3A_1669 : vector<1x512xf32> to vector<32x512xf32>
    %mul3A_1672 = arith.mulf %mul3A_1671, %slice3A_1670 : vector<32x512xf32>
    %add3A_1673 = arith.addf %add3A_1668, %mul3A_1672 : vector<32x512xf32>
    %slice3A_1674 = vector.extract_strided_slice %exp3A_1618 {offsets = [10, 0], sizes = [1, 512], strides = [1, 1]} : vector<12x512xf32> to vector<1x512xf32>
    %slice3A_1675 = vector.extract_strided_slice %add3A_97 {offsets = [320, 0], sizes = [32, 512], strides = [1, 1]} : vector<384x512xf32> to vector<32x512xf32>
    %mul3A_1676 = vector.broadcast %slice3A_1674 : vector<1x512xf32> to vector<32x512xf32>
    %mul3A_1677 = arith.mulf %mul3A_1676, %slice3A_1675 : vector<32x512xf32>
    %add3A_1678 = arith.addf %add3A_1673, %mul3A_1677 : vector<32x512xf32>
    %slice3A_1679 = vector.extract_strided_slice %exp3A_1618 {offsets = [11, 0], sizes = [1, 512], strides = [1, 1]} : vector<12x512xf32> to vector<1x512xf32>
    %slice3A_1680 = vector.extract_strided_slice %add3A_97 {offsets = [352, 0], sizes = [32, 512], strides = [1, 1]} : vector<384x512xf32> to vector<32x512xf32>
    %mul3A_1681 = vector.broadcast %slice3A_1679 : vector<1x512xf32> to vector<32x512xf32>
    %mul3A_1682 = arith.mulf %mul3A_1681, %slice3A_1680 : vector<32x512xf32>
    %add3A_1683 = arith.addf %add3A_1678, %mul3A_1682 : vector<32x512xf32>
    %mul3A_1684 = vector.broadcast %div3A_1624 : vector<1x512xf32> to vector<32x512xf32>
    %mul3A_1685 = arith.mulf %add3A_1683, %mul3A_1684 : vector<32x512xf32>
    %swap3A_1686 = arith.constant 320 : index
    %swap3A_1687 = arith.constant 0 : index
    %swap3A_1688 = vector.load %arg14[%swap3A_1686, %swap3A_1687] : memref<384x512xf32, #tpu.memory_space<vmem>>, vector<32x512xf32>
    tpu.vector_store %arg14[%swap3A_1686, %swap3A_1687], %mul3A_1685 {strides = array<i32>} : memref<384x512xf32, #tpu.memory_space<vmem>>, vector<32x512xf32>,
    %slice3A_1689 = vector.extract_strided_slice %add3A_77 {offsets = [352, 0], sizes = [32, 512], strides = [1, 1]} : vector<384x512xf32> to vector<32x512xf32>
    %slice3A_1690 = vector.extract_strided_slice %add3A_87 {offsets = [0, 0], sizes = [32, 512], strides = [1, 1]} : vector<384x512xf32> to vector<32x512xf32>
    %mul3A_1691 = arith.mulf %slice3A_1689, %slice3A_1690 : vector<32x512xf32>
    %reduce_sum3A_1692 = arith.constant dense<0.000000e+00> : vector<512xf32>
    %reduce_sum3A_1693 = vector.multi_reduction <add>, %mul3A_1691, %reduce_sum3A_1692 [0] : vector<32x512xf32> to vector<512xf32>
    %broadcast_in_dim3A_1694 = vector.shape_cast %reduce_sum3A_1693 : vector<512xf32> to vector<1x512xf32>
    %slice3A_1695 = vector.extract_strided_slice %add3A_87 {offsets = [32, 0], sizes = [32, 512], strides = [1, 1]} : vector<384x512xf32> to vector<32x512xf32>
    %mul3A_1696 = arith.mulf %slice3A_1689, %slice3A_1695 : vector<32x512xf32>
    %reduce_sum3A_1697 = arith.constant dense<0.000000e+00> : vector<512xf32>
    %reduce_sum3A_1698 = vector.multi_reduction <add>, %mul3A_1696, %reduce_sum3A_1697 [0] : vector<32x512xf32> to vector<512xf32>
    %broadcast_in_dim3A_1699 = vector.shape_cast %reduce_sum3A_1698 : vector<512xf32> to vector<1x512xf32>
    %slice3A_1700 = vector.extract_strided_slice %add3A_87 {offsets = [64, 0], sizes = [32, 512], strides = [1, 1]} : vector<384x512xf32> to vector<32x512xf32>
    %mul3A_1701 = arith.mulf %slice3A_1689, %slice3A_1700 : vector<32x512xf32>
    %reduce_sum3A_1702 = arith.constant dense<0.000000e+00> : vector<512xf32>
    %reduce_sum3A_1703 = vector.multi_reduction <add>, %mul3A_1701, %reduce_sum3A_1702 [0] : vector<32x512xf32> to vector<512xf32>
    %broadcast_in_dim3A_1704 = vector.shape_cast %reduce_sum3A_1703 : vector<512xf32> to vector<1x512xf32>
    %slice3A_1705 = vector.extract_strided_slice %add3A_87 {offsets = [96, 0], sizes = [32, 512], strides = [1, 1]} : vector<384x512xf32> to vector<32x512xf32>
    %mul3A_1706 = arith.mulf %slice3A_1689, %slice3A_1705 : vector<32x512xf32>
    %reduce_sum3A_1707 = arith.constant dense<0.000000e+00> : vector<512xf32>
    %reduce_sum3A_1708 = vector.multi_reduction <add>, %mul3A_1706, %reduce_sum3A_1707 [0] : vector<32x512xf32> to vector<512xf32>
    %broadcast_in_dim3A_1709 = vector.shape_cast %reduce_sum3A_1708 : vector<512xf32> to vector<1x512xf32>
    %slice3A_1710 = vector.extract_strided_slice %add3A_87 {offsets = [128, 0], sizes = [32, 512], strides = [1, 1]} : vector<384x512xf32> to vector<32x512xf32>
    %mul3A_1711 = arith.mulf %slice3A_1689, %slice3A_1710 : vector<32x512xf32>
    %reduce_sum3A_1712 = arith.constant dense<0.000000e+00> : vector<512xf32>
    %reduce_sum3A_1713 = vector.multi_reduction <add>, %mul3A_1711, %reduce_sum3A_1712 [0] : vector<32x512xf32> to vector<512xf32>
    %broadcast_in_dim3A_1714 = vector.shape_cast %reduce_sum3A_1713 : vector<512xf32> to vector<1x512xf32>
    %slice3A_1715 = vector.extract_strided_slice %add3A_87 {offsets = [160, 0], sizes = [32, 512], strides = [1, 1]} : vector<384x512xf32> to vector<32x512xf32>
    %mul3A_1716 = arith.mulf %slice3A_1689, %slice3A_1715 : vector<32x512xf32>
    %reduce_sum3A_1717 = arith.constant dense<0.000000e+00> : vector<512xf32>
    %reduce_sum3A_1718 = vector.multi_reduction <add>, %mul3A_1716, %reduce_sum3A_1717 [0] : vector<32x512xf32> to vector<512xf32>
    %broadcast_in_dim3A_1719 = vector.shape_cast %reduce_sum3A_1718 : vector<512xf32> to vector<1x512xf32>
    %slice3A_1720 = vector.extract_strided_slice %add3A_87 {offsets = [192, 0], sizes = [32, 512], strides = [1, 1]} : vector<384x512xf32> to vector<32x512xf32>
    %mul3A_1721 = arith.mulf %slice3A_1689, %slice3A_1720 : vector<32x512xf32>
    %reduce_sum3A_1722 = arith.constant dense<0.000000e+00> : vector<512xf32>
    %reduce_sum3A_1723 = vector.multi_reduction <add>, %mul3A_1721, %reduce_sum3A_1722 [0] : vector<32x512xf32> to vector<512xf32>
    %broadcast_in_dim3A_1724 = vector.shape_cast %reduce_sum3A_1723 : vector<512xf32> to vector<1x512xf32>
    %slice3A_1725 = vector.extract_strided_slice %add3A_87 {offsets = [224, 0], sizes = [32, 512], strides = [1, 1]} : vector<384x512xf32> to vector<32x512xf32>
    %mul3A_1726 = arith.mulf %slice3A_1689, %slice3A_1725 : vector<32x512xf32>
    %reduce_sum3A_1727 = arith.constant dense<0.000000e+00> : vector<512xf32>
    %reduce_sum3A_1728 = vector.multi_reduction <add>, %mul3A_1726, %reduce_sum3A_1727 [0] : vector<32x512xf32> to vector<512xf32>
    %broadcast_in_dim3A_1729 = vector.shape_cast %reduce_sum3A_1728 : vector<512xf32> to vector<1x512xf32>
    %slice3A_1730 = vector.extract_strided_slice %add3A_87 {offsets = [256, 0], sizes = [32, 512], strides = [1, 1]} : vector<384x512xf32> to vector<32x512xf32>
    %mul3A_1731 = arith.mulf %slice3A_1689, %slice3A_1730 : vector<32x512xf32>
    %reduce_sum3A_1732 = arith.constant dense<0.000000e+00> : vector<512xf32>
    %reduce_sum3A_1733 = vector.multi_reduction <add>, %mul3A_1731, %reduce_sum3A_1732 [0] : vector<32x512xf32> to vector<512xf32>
    %broadcast_in_dim3A_1734 = vector.shape_cast %reduce_sum3A_1733 : vector<512xf32> to vector<1x512xf32>
    %slice3A_1735 = vector.extract_strided_slice %add3A_87 {offsets = [288, 0], sizes = [32, 512], strides = [1, 1]} : vector<384x512xf32> to vector<32x512xf32>
    %mul3A_1736 = arith.mulf %slice3A_1689, %slice3A_1735 : vector<32x512xf32>
    %reduce_sum3A_1737 = arith.constant dense<0.000000e+00> : vector<512xf32>
    %reduce_sum3A_1738 = vector.multi_reduction <add>, %mul3A_1736, %reduce_sum3A_1737 [0] : vector<32x512xf32> to vector<512xf32>
    %broadcast_in_dim3A_1739 = vector.shape_cast %reduce_sum3A_1738 : vector<512xf32> to vector<1x512xf32>
    %slice3A_1740 = vector.extract_strided_slice %add3A_87 {offsets = [320, 0], sizes = [32, 512], strides = [1, 1]} : vector<384x512xf32> to vector<32x512xf32>
    %mul3A_1741 = arith.mulf %slice3A_1689, %slice3A_1740 : vector<32x512xf32>
    %reduce_sum3A_1742 = arith.constant dense<0.000000e+00> : vector<512xf32>
    %reduce_sum3A_1743 = vector.multi_reduction <add>, %mul3A_1741, %reduce_sum3A_1742 [0] : vector<32x512xf32> to vector<512xf32>
    %broadcast_in_dim3A_1744 = vector.shape_cast %reduce_sum3A_1743 : vector<512xf32> to vector<1x512xf32>
    %slice3A_1745 = vector.extract_strided_slice %add3A_87 {offsets = [352, 0], sizes = [32, 512], strides = [1, 1]} : vector<384x512xf32> to vector<32x512xf32>
    %mul3A_1746 = arith.mulf %slice3A_1689, %slice3A_1745 : vector<32x512xf32>
    %reduce_sum3A_1747 = arith.constant dense<0.000000e+00> : vector<512xf32>
    %reduce_sum3A_1748 = vector.multi_reduction <add>, %mul3A_1746, %reduce_sum3A_1747 [0] : vector<32x512xf32> to vector<512xf32>
    %broadcast_in_dim3A_1749 = vector.shape_cast %reduce_sum3A_1748 : vector<512xf32> to vector<1x512xf32>
    %concatenate3A_1750 = tpu.concatenate %broadcast_in_dim3A_1694, %broadcast_in_dim3A_1699, %broadcast_in_dim3A_1704, %broadcast_in_dim3A_1709, %broadcast_in_dim3A_1714, %broadcast_in_dim3A_1719, %broadcast_in_dim3A_1724, %broadcast_in_dim3A_1729, %broadcast_in_dim3A_1734, %broadcast_in_dim3A_1739, %broadcast_in_dim3A_1744, %broadcast_in_dim3A_1749 in 0 : vector<1x512xf32>, vector<1x512xf32>, vector<1x512xf32>, vector<1x512xf32>, vector<1x512xf32>, vector<1x512xf32>, vector<1x512xf32>, vector<1x512xf32>, vector<1x512xf32>, vector<1x512xf32>, vector<1x512xf32>, vector<1x512xf32> -> vector<12x512xf32>
    %mul3A_1751 = vector.broadcast %get3A_1 : vector<1x1xf32> to vector<12x512xf32>
    %mul3A_1752 = arith.mulf %concatenate3A_1750, %mul3A_1751 : vector<12x512xf32>
    %get3A_1753 = arith.constant 0 : index
    %get3A_1754 = arith.constant 11 : index
    %get3A_1755 = vector.load %arg10[%get3A_1753, %get3A_1754] : memref<16x128xf32, #tpu.memory_space<vmem>>, vector<12x1xf32>
    %add3A_1756 = vector.broadcast %get3A_1755 : vector<12x1xf32> to vector<12x512xf32>
    %add3A_1757 = arith.addf %mul3A_1752, %add3A_1756 : vector<12x512xf32>
    %reduce_max3A_1758 = arith.constant dense<0xFF800000> : vector<512xf32>
    %reduce_max3A_1759 = vector.multi_reduction <maximumf>, %add3A_1757, %reduce_max3A_1758 [0] : vector<12x512xf32> to vector<512xf32>
    %broadcast_in_dim3A_1760 = vector.shape_cast %reduce_max3A_1759 : vector<512xf32> to vector<1x512xf32>
    %sub3A_1761 = vector.broadcast %broadcast_in_dim3A_1760 : vector<1x512xf32> to vector<12x512xf32>
    %sub3A_1762 = arith.subf %add3A_1757, %sub3A_1761 : vector<12x512xf32>
    %exp3A_1763 = math.exp %sub3A_1762 : vector<12x512xf32>
    %reduce_sum3A_1764 = arith.constant dense<0.000000e+00> : vector<512xf32>
    %reduce_sum3A_1765 = vector.multi_reduction <add>, %exp3A_1763, %reduce_sum3A_1764 [0] : vector<12x512xf32> to vector<512xf32>
    %broadcast_in_dim3A_1766 = vector.shape_cast %reduce_sum3A_1765 : vector<512xf32> to vector<1x512xf32>
    %div3A_1767 = arith.constant 1.000000e+00 : f32
    %div3A_1768 = vector.broadcast %div3A_1767 : f32 to vector<1x512xf32>
    %div3A_1769 = arith.divf %div3A_1768, %broadcast_in_dim3A_1766 : vector<1x512xf32>
    %slice3A_1770 = vector.extract_strided_slice %exp3A_1763 {offsets = [0, 0], sizes = [1, 512], strides = [1, 1]} : vector<12x512xf32> to vector<1x512xf32>
    %slice3A_1771 = vector.extract_strided_slice %add3A_97 {offsets = [0, 0], sizes = [32, 512], strides = [1, 1]} : vector<384x512xf32> to vector<32x512xf32>
    %mul3A_1772 = vector.broadcast %slice3A_1770 : vector<1x512xf32> to vector<32x512xf32>
    %mul3A_1773 = arith.mulf %mul3A_1772, %slice3A_1771 : vector<32x512xf32>
    %slice3A_1774 = vector.extract_strided_slice %exp3A_1763 {offsets = [1, 0], sizes = [1, 512], strides = [1, 1]} : vector<12x512xf32> to vector<1x512xf32>
    %slice3A_1775 = vector.extract_strided_slice %add3A_97 {offsets = [32, 0], sizes = [32, 512], strides = [1, 1]} : vector<384x512xf32> to vector<32x512xf32>
    %mul3A_1776 = vector.broadcast %slice3A_1774 : vector<1x512xf32> to vector<32x512xf32>
    %mul3A_1777 = arith.mulf %mul3A_1776, %slice3A_1775 : vector<32x512xf32>
    %add3A_1778 = arith.addf %mul3A_1773, %mul3A_1777 : vector<32x512xf32>
    %slice3A_1779 = vector.extract_strided_slice %exp3A_1763 {offsets = [2, 0], sizes = [1, 512], strides = [1, 1]} : vector<12x512xf32> to vector<1x512xf32>
    %slice3A_1780 = vector.extract_strided_slice %add3A_97 {offsets = [64, 0], sizes = [32, 512], strides = [1, 1]} : vector<384x512xf32> to vector<32x512xf32>
    %mul3A_1781 = vector.broadcast %slice3A_1779 : vector<1x512xf32> to vector<32x512xf32>
    %mul3A_1782 = arith.mulf %mul3A_1781, %slice3A_1780 : vector<32x512xf32>
    %add3A_1783 = arith.addf %add3A_1778, %mul3A_1782 : vector<32x512xf32>
    %slice3A_1784 = vector.extract_strided_slice %exp3A_1763 {offsets = [3, 0], sizes = [1, 512], strides = [1, 1]} : vector<12x512xf32> to vector<1x512xf32>
    %slice3A_1785 = vector.extract_strided_slice %add3A_97 {offsets = [96, 0], sizes = [32, 512], strides = [1, 1]} : vector<384x512xf32> to vector<32x512xf32>
    %mul3A_1786 = vector.broadcast %slice3A_1784 : vector<1x512xf32> to vector<32x512xf32>
    %mul3A_1787 = arith.mulf %mul3A_1786, %slice3A_1785 : vector<32x512xf32>
    %add3A_1788 = arith.addf %add3A_1783, %mul3A_1787 : vector<32x512xf32>
    %slice3A_1789 = vector.extract_strided_slice %exp3A_1763 {offsets = [4, 0], sizes = [1, 512], strides = [1, 1]} : vector<12x512xf32> to vector<1x512xf32>
    %slice3A_1790 = vector.extract_strided_slice %add3A_97 {offsets = [128, 0], sizes = [32, 512], strides = [1, 1]} : vector<384x512xf32> to vector<32x512xf32>
    %mul3A_1791 = vector.broadcast %slice3A_1789 : vector<1x512xf32> to vector<32x512xf32>
    %mul3A_1792 = arith.mulf %mul3A_1791, %slice3A_1790 : vector<32x512xf32>
    %add3A_1793 = arith.addf %add3A_1788, %mul3A_1792 : vector<32x512xf32>
    %slice3A_1794 = vector.extract_strided_slice %exp3A_1763 {offsets = [5, 0], sizes = [1, 512], strides = [1, 1]} : vector<12x512xf32> to vector<1x512xf32>
    %slice3A_1795 = vector.extract_strided_slice %add3A_97 {offsets = [160, 0], sizes = [32, 512], strides = [1, 1]} : vector<384x512xf32> to vector<32x512xf32>
    %mul3A_1796 = vector.broadcast %slice3A_1794 : vector<1x512xf32> to vector<32x512xf32>
    %mul3A_1797 = arith.mulf %mul3A_1796, %slice3A_1795 : vector<32x512xf32>
    %add3A_1798 = arith.addf %add3A_1793, %mul3A_1797 : vector<32x512xf32>
    %slice3A_1799 = vector.extract_strided_slice %exp3A_1763 {offsets = [6, 0], sizes = [1, 512], strides = [1, 1]} : vector<12x512xf32> to vector<1x512xf32>
    %slice3A_1800 = vector.extract_strided_slice %add3A_97 {offsets = [192, 0], sizes = [32, 512], strides = [1, 1]} : vector<384x512xf32> to vector<32x512xf32>
    %mul3A_1801 = vector.broadcast %slice3A_1799 : vector<1x512xf32> to vector<32x512xf32>
    %mul3A_1802 = arith.mulf %mul3A_1801, %slice3A_1800 : vector<32x512xf32>
    %add3A_1803 = arith.addf %add3A_1798, %mul3A_1802 : vector<32x512xf32>
    %slice3A_1804 = vector.extract_strided_slice %exp3A_1763 {offsets = [7, 0], sizes = [1, 512], strides = [1, 1]} : vector<12x512xf32> to vector<1x512xf32>
    %slice3A_1805 = vector.extract_strided_slice %add3A_97 {offsets = [224, 0], sizes = [32, 512], strides = [1, 1]} : vector<384x512xf32> to vector<32x512xf32>
    %mul3A_1806 = vector.broadcast %slice3A_1804 : vector<1x512xf32> to vector<32x512xf32>
    %mul3A_1807 = arith.mulf %mul3A_1806, %slice3A_1805 : vector<32x512xf32>
    %add3A_1808 = arith.addf %add3A_1803, %mul3A_1807 : vector<32x512xf32>
    %slice3A_1809 = vector.extract_strided_slice %exp3A_1763 {offsets = [8, 0], sizes = [1, 512], strides = [1, 1]} : vector<12x512xf32> to vector<1x512xf32>
    %slice3A_1810 = vector.extract_strided_slice %add3A_97 {offsets = [256, 0], sizes = [32, 512], strides = [1, 1]} : vector<384x512xf32> to vector<32x512xf32>
    %mul3A_1811 = vector.broadcast %slice3A_1809 : vector<1x512xf32> to vector<32x512xf32>
    %mul3A_1812 = arith.mulf %mul3A_1811, %slice3A_1810 : vector<32x512xf32>
    %add3A_1813 = arith.addf %add3A_1808, %mul3A_1812 : vector<32x512xf32>
    %slice3A_1814 = vector.extract_strided_slice %exp3A_1763 {offsets = [9, 0], sizes = [1, 512], strides = [1, 1]} : vector<12x512xf32> to vector<1x512xf32>
    %slice3A_1815 = vector.extract_strided_slice %add3A_97 {offsets = [288, 0], sizes = [32, 512], strides = [1, 1]} : vector<384x512xf32> to vector<32x512xf32>
    %mul3A_1816 = vector.broadcast %slice3A_1814 : vector<1x512xf32> to vector<32x512xf32>
    %mul3A_1817 = arith.mulf %mul3A_1816, %slice3A_1815 : vector<32x512xf32>
    %add3A_1818 = arith.addf %add3A_1813, %mul3A_1817 : vector<32x512xf32>
    %slice3A_1819 = vector.extract_strided_slice %exp3A_1763 {offsets = [10, 0], sizes = [1, 512], strides = [1, 1]} : vector<12x512xf32> to vector<1x512xf32>
    %slice3A_1820 = vector.extract_strided_slice %add3A_97 {offsets = [320, 0], sizes = [32, 512], strides = [1, 1]} : vector<384x512xf32> to vector<32x512xf32>
    %mul3A_1821 = vector.broadcast %slice3A_1819 : vector<1x512xf32> to vector<32x512xf32>
    %mul3A_1822 = arith.mulf %mul3A_1821, %slice3A_1820 : vector<32x512xf32>
    %add3A_1823 = arith.addf %add3A_1818, %mul3A_1822 : vector<32x512xf32>
    %slice3A_1824 = vector.extract_strided_slice %exp3A_1763 {offsets = [11, 0], sizes = [1, 512], strides = [1, 1]} : vector<12x512xf32> to vector<1x512xf32>
    %slice3A_1825 = vector.extract_strided_slice %add3A_97 {offsets = [352, 0], sizes = [32, 512], strides = [1, 1]} : vector<384x512xf32> to vector<32x512xf32>
    %mul3A_1826 = vector.broadcast %slice3A_1824 : vector<1x512xf32> to vector<32x512xf32>
    %mul3A_1827 = arith.mulf %mul3A_1826, %slice3A_1825 : vector<32x512xf32>
    %add3A_1828 = arith.addf %add3A_1823, %mul3A_1827 : vector<32x512xf32>
    %mul3A_1829 = vector.broadcast %div3A_1769 : vector<1x512xf32> to vector<32x512xf32>
    %mul3A_1830 = arith.mulf %add3A_1828, %mul3A_1829 : vector<32x512xf32>
    %swap3A_1831 = arith.constant 352 : index
    %swap3A_1832 = arith.constant 0 : index
    %swap3A_1833 = vector.load %arg14[%swap3A_1831, %swap3A_1832] : memref<384x512xf32, #tpu.memory_space<vmem>>, vector<32x512xf32>
    tpu.vector_store %arg14[%swap3A_1831, %swap3A_1832], %mul3A_1830 {strides = array<i32>} : memref<384x512xf32, #tpu.memory_space<vmem>>, vector<32x512xf32>,
    %get3A_1834 = arith.constant 0 : index
    %get3A_1835 = arith.constant 0 : index
    %get3A_1836 = vector.load %arg14[%get3A_1834, %get3A_1835] : memref<384x512xf32, #tpu.memory_space<vmem>>, vector<384x512xf32>
    %transpose3A = tpu.transpose %get3A_1836, [1, 0] : vector<384x512xf32> -> vector<512x384xf32>
    %get3A_1837 = arith.constant 0 : index
    %get3A_1838 = arith.constant 0 : index
    %get3A_1839 = vector.load %arg3[%get3A_1837, %get3A_1838] : memref<512x1xf32, #tpu.memory_space<vmem>>, vector<512x1xf32>
    %mul3A_1840 = vector.broadcast %get3A_1839 : vector<512x1xf32> to vector<512x384xf32>
    %mul3A_1841 = arith.mulf %transpose3A, %mul3A_1840 : vector<512x384xf32>
    %sub3A_1842 = arith.constant 1.000000e+00 : f32
    %sub3A_1843 = vector.broadcast %sub3A_1842 : f32 to vector<512x1xf32>
    %sub3A_1844 = arith.subf %sub3A_1843, %get3A_1839 : vector<512x1xf32>
    %mul3A_1845 = vector.broadcast %sub3A_1844 : vector<512x1xf32> to vector<512x384xf32>
    %mul3A_1846 = arith.mulf %get3A_62, %mul3A_1845 : vector<512x384xf32>
    %add3A_1847 = arith.addf %mul3A_1841, %mul3A_1846 : vector<512x384xf32>
    %mul3A_1848 = vector.broadcast %get3A_4 : vector<1x1xf32> to vector<512x384xf32>
    %mul3A_1849 = arith.mulf %add3A_1847, %mul3A_1848 : vector<512x384xf32>
    %add3A_1850 = arith.addf %get3A_62, %mul3A_1849 : vector<512x384xf32>
    %reduce_sum3A_1851 = arith.constant dense<0.000000e+00> : vector<512xf32>
    %reduce_sum3A_1852 = vector.multi_reduction <add>, %add3A_1850, %reduce_sum3A_1851 [1] : vector<512x384xf32> to vector<512xf32>
    %broadcast_in_dim3A_1853 = vector.shape_cast %reduce_sum3A_1852 : vector<512xf32> to vector<512x1xf32>
    %div3A_1854 = arith.constant 3.840000e+02 : f32
    %div3A_1855 = vector.broadcast %div3A_1854 : f32 to vector<512x1xf32>
    %div3A_1856 = arith.divf %broadcast_in_dim3A_1853, %div3A_1855 : vector<512x1xf32>
    %sub3A_1857 = vector.broadcast %div3A_1856 : vector<512x1xf32> to vector<512x384xf32>
    %sub3A_1858 = arith.subf %add3A_1850, %sub3A_1857 : vector<512x384xf32>
    %integer_pow3A_1859 = arith.mulf %sub3A_1858, %sub3A_1858 : vector<512x384xf32>
    %reduce_sum3A_1860 = arith.constant dense<0.000000e+00> : vector<512xf32>
    %reduce_sum3A_1861 = vector.multi_reduction <add>, %integer_pow3A_1859, %reduce_sum3A_1860 [1] : vector<512x384xf32> to vector<512xf32>
    %broadcast_in_dim3A_1862 = vector.shape_cast %reduce_sum3A_1861 : vector<512xf32> to vector<512x1xf32>
    %div3A_1863 = arith.constant 3.840000e+02 : f32
    %div3A_1864 = vector.broadcast %div3A_1863 : f32 to vector<512x1xf32>
    %div3A_1865 = arith.divf %broadcast_in_dim3A_1862, %div3A_1864 : vector<512x1xf32>
    %sub3A_1866 = vector.broadcast %div3A_1856 : vector<512x1xf32> to vector<512x384xf32>
    %sub3A_1867 = arith.subf %add3A_1850, %sub3A_1866 : vector<512x384xf32>
    %add3A_1868 = arith.constant 9.99999974E-6 : f32
    %add3A_1869 = vector.broadcast %add3A_1868 : f32 to vector<512x1xf32>
    %add3A_1870 = arith.addf %div3A_1865, %add3A_1869 : vector<512x1xf32>
    %sqrt3A_1871 = math.sqrt %add3A_1870 : vector<512x1xf32>
    %div3A_1872 = vector.broadcast %sqrt3A_1871 : vector<512x1xf32> to vector<512x384xf32>
    %div3A_1873 = arith.divf %sub3A_1867, %div3A_1872 : vector<512x384xf32>
    %get3A_1874 = arith.constant 2 : index
    %get3A_1875 = arith.constant 0 : index
    %get3A_1876 = vector.load %arg8[%get3A_1874, %get3A_1875] : memref<8x384xf32, #tpu.memory_space<vmem>>, vector<1x384xf32>
    %mul3A_1877 = vector.broadcast %get3A_1876 : vector<1x384xf32> to vector<512x384xf32>
    %mul3A_1878 = arith.mulf %div3A_1873, %mul3A_1877 : vector<512x384xf32>
    %get3A_1879 = arith.constant 3 : index
    %get3A_1880 = arith.constant 0 : index
    %get3A_1881 = vector.load %arg8[%get3A_1879, %get3A_1880] : memref<8x384xf32, #tpu.memory_space<vmem>>, vector<1x384xf32>
    %add3A_1882 = vector.broadcast %get3A_1881 : vector<1x384xf32> to vector<512x384xf32>
    %add3A_1883 = arith.addf %mul3A_1878, %add3A_1882 : vector<512x384xf32>
    %swap3A_1884 = arith.constant 0 : index
    %swap3A_1885 = arith.constant 0 : index
    %swap3A_1886 = vector.load %arg15[%swap3A_1884, %swap3A_1885] : memref<512x384xf32, #tpu.memory_space<vmem>>, vector<512x384xf32>
    tpu.vector_store %arg15[%swap3A_1884, %swap3A_1885], %add3A_1883 {strides = array<i32>} : memref<512x384xf32, #tpu.memory_space<vmem>>, vector<512x384xf32>,
    return
  }
  func.func @transform_0(%arg0: i32) -> (i32, i32) {
    %min3A = arith.constant 19 : i32
    %min3A_0 = arith.minsi %arg0, %min3A : i32
    %c0_i32 = arith.constant 0 : i32
    %c0_i32_1 = arith.constant 0 : i32
    return %min3A_0, %c0_i32 : i32, i32
  }
  func.func @transform_1(%arg0: i32) -> (i32, i32) {
    %min3A = arith.constant 19 : i32
    %min3A_0 = arith.minsi %arg0, %min3A : i32
    %c0_i32 = arith.constant 0 : i32
    %c0_i32_1 = arith.constant 0 : i32
    return %min3A_0, %c0_i32 : i32, i32
  }
  func.func @transform_2(%arg0: i32) -> (i32, i32) {
    %min3A = arith.constant 19 : i32
    %min3A_0 = arith.minsi %arg0, %min3A : i32
    %c0_i32 = arith.constant 0 : i32
    %c0_i32_1 = arith.constant 0 : i32
    return %min3A_0, %c0_i32 : i32, i32
  }
  func.func @transform_3(%arg0: i32) -> (i32, i32) {
    %c0_i32 = arith.constant 0 : i32
    %c0_i32_0 = arith.constant 0 : i32
    %c0_i32_1 = arith.constant 0 : i32
    return %c0_i32, %c0_i32_0 : i32, i32
  }
  func.func @transform_4(%arg0: i32) -> (i32, i32) {
    %c0_i32 = arith.constant 0 : i32
    %c0_i32_0 = arith.constant 0 : i32
    %c0_i32_1 = arith.constant 0 : i32
    return %c0_i32, %c0_i32_0 : i32, i32
  }
  func.func @transform_5(%arg0: i32) -> (i32, i32) {
    %c0_i32 = arith.constant 0 : i32
    %c0_i32_0 = arith.constant 0 : i32
    %c0_i32_1 = arith.constant 0 : i32
    return %c0_i32, %c0_i32_0 : i32, i32
  }
  func.func @transform_6(%arg0: i32) -> (i32, i32) {
    %c0_i32 = arith.constant 0 : i32
    %c0_i32_0 = arith.constant 0 : i32
    %c0_i32_1 = arith.constant 0 : i32
    return %c0_i32, %c0_i32_0 : i32, i32
  }
  func.func @transform_7(%arg0: i32) -> (i32, i32) {
    %c0_i32 = arith.constant 0 : i32
    %c0_i32_0 = arith.constant 0 : i32
    %c0_i32_1 = arith.constant 0 : i32
    return %c0_i32, %c0_i32_0 : i32, i32
  }
  func.func @transform_8(%arg0: i32) -> (i32, i32) {
    %c0_i32 = arith.constant 0 : i32
    %c0_i32_0 = arith.constant 0 : i32
    %c0_i32_1 = arith.constant 0 : i32
    return %c0_i32, %c0_i32_0 : i32, i32
  }
  func.func @transform_9(%arg0: i32) -> (i32, i32) {
    %c0_i32 = arith.constant 0 : i32
    %c0_i32_0 = arith.constant 0 : i32
    %c0_i32_1 = arith.constant 0 : i32
    return %c0_i32, %c0_i32_0 : i32, i32
  }
  func.func @transform_10(%arg0: i32) -> (i32, i32) {
    %c0_i32 = arith.constant 0 : i32
    %c0_i32_0 = arith.constant 0 : i32
    %c0_i32_1 = arith.constant 0 : i32
    return %c0_i32, %c0_i32_0 : i32, i32
  }
  func.func @transform_11(%arg0: i32) -> (i32, i32) {
    %c0_i32 = arith.constant 0 : i32
    %c0_i32_0 = arith.constant 0 : i32
    %c0_i32_1 = arith.constant 0 : i32
    return %c0_i32, %c0_i32_0 : i32, i32
  }
  func.func @transform_12(%arg0: i32) -> (i32, i32) {
    %sub3A = arith.constant 1 : i32
    %sub3A_0 = arith.subi %arg0, %sub3A : i32
    %max3A = arith.constant 0 : i32
    %max3A_1 = arith.maxsi %sub3A_0, %max3A : i32
    %c0_i32 = arith.constant 0 : i32
    %c0_i32_2 = arith.constant 0 : i32
    return %max3A_1, %c0_i32 : i32, i32
  }
}

</mosaic_0001>

<sc_bundles>
// kernel: kernel.6.cloned.1.call-start
scs
__scs_entry_jumppad:
0x0: {  	(pc) =	sbr.rel $0x88, $3  }
0x1: {  	(tag) =	ssettag $0x0;
	lr =	simm.s32 $0x1  }
0x2: {  	[smem:$0x3F8C] =	sst lr;
	_ =	strace $0xD0000000  }
0x3: {  	_ = 	snop  }
0x4: {  	_ = 	snop  }
0x5: {  	_ = 	snop  }
0x6: {  	_ = 	snop  }
0x7: {  	_ = 	snop  }
__scs_overlays_trampoline_lowered:
0x8: {  	[smem:$0x3F9B] =	sst s0  }
0x9: {  	[smem:$0x3F9C] =	sst s1  }
0xa: {  	[smem:$0x3F9D] =	sst s2  }
0xb: {  	[smem:$0x3F9E] =	sst s3  }
0xc: {  	[smem:$0x3F9F] =	sst s4  }
0xd: {  	[smem:$0x3FA0] =	sst s5  }
0xe: {  	[smem:$0x3FA1] =	sst s6  }
0xf: {  	[smem:$0x3FA2] =	sst s7  }
0x10: {  	[smem:$0x3FA3] =	sst s8  }
0x11: {  	[smem:$0x3FA4] =	sst s9;
	s0 =	simm.s32 @!p0 $0x0  }
0x12: {  	s1 =	sld [smem:$0x3F8A];
	s0 =	simm.s32 @p0 $0x1  }
0x13: {  	[smem:$0x3FA5] =	sst s0;
	s0 =	simm.s32 @!p1 $0x0  }
0x14: {  	s2 =	sld [smem:$0x3F89];
	s0 =	simm.s32 @p1 $0x1  }
0x15: {  	[smem:$0x3FA6] =	sst s0;
	s0 =	simm.s32 @!p2 $0x0  }
0x16: {  	s3 =	sld [smem:$0x3FDB];
	s0 =	simm.s32 @p2 $0x1  }
0x17: {  	s4 =	simm.s32 $0x1BF5;
	[smem:$0x3FA8] =	sst s0  }
0x18: {  	s0 =	sld [smem:$0x3F8B];
	_ =	swait.ge [sflag:s4], $0x0  }
0x19: {  	s7 =	sld [smem:$0x3F8C]  }
0x1a: {  	s8 =	sadd.s32 $0xFFFFE003, lr  }
0x1b: {  	s9 =	sadd.s32 $0xFFFFFEF7, lr;
	s5 =	simm.s32 $0xFFFFFFFF;
	p2 =	slt.u32 s8, $0xFFFFF086  }
0x1c: {  	p1 =	slt.u32 s9, $0xF7A;
	s5 =	simm.s32 @!p2 $0x0  }
0x1d: {  	s5 =	simm.s32 @p1 $0x1;
	p0 =	seq.s32 s7, s2  }
0x1e: {  	s7 =	smul.u32 @!p0 $0xF7A, s2;
	p2 =	seq.s32 @!p0 s5, $0x0  }
0x1f: {  	s9 =	smul.u32 $0xF7A, s1;
	s8 =	simm.s32 @!p0 $0x1BF5;
	p2 =	por !p2, p0  }
0x20: {  	[sflag:s8] =	ssyncset.s32 @!p0 $0xFFFFF086;
	s6 =	sadd.s32 @!p0 s3, s7;
	s7 =	simm.s32 @!p0 $0x108  }
0x21: {  	s3 =	sadd.s32 s3, s9;
	s6 =	sadd.s32 @!p0 $0x88, s6;
	s7 =	simm.s32 @p2 $0x1082  }
0x22: {  	[simem:s7], [sflag:s8] =	dma.local @!p0 [hbm:s6], $0xF7A  }
0x23: {  	s9 =	sor.u32 $0xD0000000, s2;
	s6 =	simm.s32 $0x108;
	_ =	swait.ge @!p0 [sflag:s8], $0x0  }
0x24: {  	s3 =	sadd.s32 $0x88, s3;
	s6 =	simm.s32 @!p1 $0x1082;
	[sflag:s4] =	ssyncset.s32 $0xFFFFF086  }
0x25: {  	[simem:s6], [sflag:s4] =	dma.local [hbm:s3], $0xF7A  }
0x26: {  	[smem:$0x3F8C] =	sst s1;
	(tag) =	ssettag s2;
	_ =	strace s9  }
0x27: {  	s1 =	sld [smem:$0x3F9C]  }
0x28: {  	s2 =	sld [smem:$0x3F9D]  }
0x29: {  	s4 =	sld [smem:$0x3F9F]  }
0x2a: {  	p0 =	seq.s32 s5, $0x0;
	s5 =	sld [smem:$0x3FA0]  }
0x2b: {  	s6 =	sld [smem:$0x3FA1]  }
0x2c: {  	s7 =	sld [smem:$0x3FA2]  }
0x2d: {  	s3 =	simm.s32 $0x108;
	s8 =	sld [smem:$0x3FA3]  }
0x2e: {  	s3 =	simm.s32 @!p0 $0x1082;
	s9 =	sld [smem:$0x3FA4]  }
0x2f: {  	lr =	sadd.s32 s0, s3;
	s0 =	sld [smem:$0x3F9B]  }
0x30: {  	s3 =	sld [smem:$0x3F9E]  }
0x31: {  	[smem:$0x3FA7] =	sst s10  }
0x32: {  	s10 =	sld [smem:$0x3FA5];
	_ =	sdelay $0x3  }
0x33: {  	p0 =	seq.s32 s10, $0x1;
	s10 =	sld [smem:$0x3FA7];
	_ =	sdelay $0x3  }
0x34: {  	[smem:$0x3FA7] =	sst s10  }
0x35: {  	s10 =	sld [smem:$0x3FA6];
	_ =	sdelay $0x3  }
0x36: {  	p1 =	seq.s32 s10, $0x1;
	s10 =	sld [smem:$0x3FA7];
	_ =	sdelay $0x3  }
0x37: {  	[smem:$0x3FA7] =	sst s10  }
0x38: {  	s10 =	sld [smem:$0x3FA8]  }
0x39: {  	_ = 	snop;
	(pc) =	sbr.ind lr, $3  }
0x3a: {  	_ = 	snop  }
0x3b: {  	_ = 	snop  }
0x3c: {  	p2 =	seq.s32 s10, $0x1;
	s10 =	sld [smem:$0x3FA7]  }
0x3d: {  	_ =	shalt  }
0x3e: {  	_ =	shalt  }
0x3f: {  	_ =	shalt  }
0x40: {  	_ =	shalt  }
0x41: {  	_ =	shalt  }
0x42: {  	_ =	shalt  }
0x43: {  	_ =	shalt  }
0x44: {  	_ =	shalt  }
0x45: {  	_ =	shalt  }
0x46: {  	_ =	shalt  }
0x47: {  	_ =	shalt  }
0x48: {  	_ =	shalt  }
0x49: {  	_ =	shalt  }
0x4a: {  	_ =	shalt  }
0x4b: {  	_ =	shalt  }
0x4c: {  	_ =	shalt  }
0x4d: {  	_ =	shalt  }
0x4e: {  	_ =	shalt  }
0x4f: {  	_ =	shalt  }
0x50: {  	_ =	shalt  }
0x51: {  	_ =	shalt  }
0x52: {  	_ =	shalt  }
0x53: {  	_ =	shalt  }
0x54: {  	_ =	shalt  }
0x55: {  	_ =	shalt  }
0x56: {  	_ =	shalt  }
0x57: {  	_ =	shalt  }
0x58: {  	_ =	shalt  }
0x59: {  	_ =	shalt  }
0x5a: {  	_ =	shalt  }
0x5b: {  	_ =	shalt  }
0x5c: {  	_ =	shalt  }
0x5d: {  	_ =	shalt  }
0x5e: {  	_ =	shalt  }
0x5f: {  	_ =	shalt  }
0x60: {  	_ =	shalt  }
0x61: {  	_ =	shalt  }
0x62: {  	_ =	shalt  }
0x63: {  	_ =	shalt  }
0x64: {  	_ =	shalt  }
0x65: {  	_ =	shalt  }
0x66: {  	_ =	shalt  }
0x67: {  	_ =	shalt  }
0x68: {  	_ =	shalt  }
0x69: {  	_ =	shalt  }
0x6a: {  	_ =	shalt  }
0x6b: {  	_ =	shalt  }
0x6c: {  	_ =	shalt  }
0x6d: {  	_ =	shalt  }
0x6e: {  	_ =	shalt  }
0x6f: {  	_ =	shalt  }
0x70: {  	_ =	shalt  }
0x71: {  	_ =	shalt  }
0x72: {  	_ =	shalt  }
0x73: {  	_ =	shalt  }
0x74: {  	_ =	shalt  }
0x75: {  	_ =	shalt  }
0x76: {  	_ =	shalt  }
0x77: {  	_ =	shalt  }
0x78: {  	_ =	shalt  }
0x79: {  	_ =	shalt  }
0x7a: {  	_ =	shalt  }
0x7b: {  	_ =	shalt  }
0x7c: {  	_ =	shalt  }
0x7d: {  	_ =	shalt  }
0x7e: {  	_ =	shalt  }
0x7f: {  	_ =	shalt  }
0x80: {  	_ =	shalt  }
0x81: {  	_ =	shalt  }
0x82: {  	_ =	shalt  }
0x83: {  	_ =	shalt  }
0x84: {  	_ =	shalt  }
0x85: {  	_ =	shalt  }
0x86: {  	_ =	shalt  }
0x87: {  	_ =	shalt  }
.Lfunc_end0:
.L_simem_size_0:
called_computation_lowered:
.L_overlay_start_0:
0x88: {  	s2 =	sld [smem:$0x3FD9]  }
0x89: {  	s3 =	sld [smem:$0x3FFE];
	_ =	sdelay $0x1  }
0x8a: {  	s1 =	srdreg.scid  }
0x8b: {  	s0 =	sand.u32 $0x1, s1  }
0x8c: {  	s17 =	sshll.u32 s0, $0xA;
	s2 =	sadd.s32 s3, s2  }
0x8d: {  	s2 =	sadd.s32 s2, s17  }
0x8e: {  	[smem:$0x3FB3] =	sst s2  }
0x8f: {  	_ = 	snop  }
0x90: {  	s2 =	sld [smem:$0x3FD0];
	(tm) =	ssettm $0x1  }
0x91: {  	s18 =	sld [smem:$0x3FFB];
	_ =	sdelay $0x3  }
0x92: {  	_ =	strace s18  }
0x93: {  	s3 =	sld [smem:$0x3FFC];
	_ =	sdelay $0x3  }
0x94: {  	_ =	strace s3  }
0x95: {  	s3 =	sld [smem:$0x3FFD];
	_ =	sdelay $0x3  }
0x96: {  	_ =	strace s3  }
0x97: {  	_ =	strace $0x8FFFFFFF  }
0x98: {  	s19 =	sld [smem:$0x3FDB];
	_ =	sdelay $0x1  }
0x99: {  	s4 =	simm.s32 $_scs_section_size  }
0x9a: {  	s5 =	simm.s32 $_size__tile_overlayer_lowered;
	s6 =	simm.s32 $_tile_overlayer_lowered  }
0x9b: {  	s22 =	simm.s32 $0x1BFF;
	s21 =	sshll.u32 s6, $0x1;
	s3 =	sadd.s32 s4, s19  }
0x9c: {  	s7 =	simm.s32 $0x0;
	s20 =	sshll.u32 s5, $0x1;
	s5 =	sadd.s32 s21, s3  }
0x9d: {  	[timem:s7], [sflag:s22] =	dma.local [hbm:s5], s20  }
0x9e: {  	_ =	swait.ge [sflag:s22], s20  }
0x9f: {  	s4 =	ssub.s32 $0x0, s20;
	[sflag:s22] =	ssyncset.done $0x0  }
0xa0: {  	[sflag:s22] =	ssyncadd.s32 s4;
	_ =	sdelay $0x1  }
0xa1: {  	s23 =	simm.s32 $0x1B8B  }
0xa2: {  	_ =	swait.ge [sflag:s23], $0x1  }
0xa3: {  	[sflag:s23] =	ssyncset.done $0x0  }
0xa4: {  	s25 =	simm.s32 $0x1B8E;
	s24 =	sld [smem:$0x3FFE];
	[sflag:s23] =	ssyncadd.s32 $0xFFFFFFFF  }
0xa5: {  	s26 =	simm.s32 $execute0_lowered;
	[smem:$0x3FD2] =	sst s25  }
0xa6: {  	s5 =	sshll.u32 s26, $0x1;
	_ =	strace $0x80000046;
	[dreg:$0x1] =	wrdreg $0xFFFFFFFF  }
0xa7: {  	s28 =	simm.s32 $_size_execute0_lowered;
	s3 =	sadd.s32 s3, s5;
	[dreg:$0x0] =	wrdreg $0x0  }
0xa8: {  	s5 =	sshll.u32 s28, $0x1;
	[dreg:$0x2] =	wrdreg s3  }
0xa9: {  	[dreg:$0x3] =	wrdreg s5  }
0xaa: {  	[dreg:$0x4] =	wrdreg $0xC0  }
0xab: {  	_ =	task [dreg:s7], $0x5FFFF  }
0xac: {  	[dreg:$0x1] =	wrdreg $0xFFFFFFFF  }
0xad: {  	[dreg:$0x0] =	wrdreg $0x60  }
0xae: {  	[dreg:$0x2] =	wrdreg s24  }
0xaf: {  	[dreg:$0x3] =	wrdreg s2  }
0xb0: {  	[dreg:$0x4] =	wrdreg $0x9  }
0xb1: {  	_ =	task.clear_ibuf [dreg:s7], $0x5FFFF;
	_ =	strace $0x90000046  }
0xb2: {  	s29 =	simm.s32 $0x9;
	_ =	strace $0x80000048  }
0xb3: {  	_ =	swait.ge [sflag:s29], $0x1  }
0xb4: {  	[sflag:s29] =	ssyncadd.s32 $0xFFFFFFFF  }
0xb5: {  	_ =	strace $0x90000048  }
0xb6: {  	_ =	sfence  }
0xb7: {  	s30 =	sld [smem:$0x0];
	_ =	sdelay $0x2  }
0xb8: {  	s31 =	sshll.u32 s1, $0xD;
	s1 =	sshrl.u32 s1, $0x2  }
0xb9: {  	s3 =	sand.u32 $0x4000, s31;
	s1 =	sadd.s32 s1, s30  }
0xba: {  	s0 =	sor.u32 s3, s0;
	s1 =	sshll.u32 s1, $0x11  }
0xbb: {  	s0 =	sor.u32 s1, s0  }
0xbc: {  	s0 =	sadd.s32 $0x8F2B, s0  }
0xbd: {  	[sflag:s0] =	ssyncadd.remote.s32 $0x1  }
0xbe: {  	_ =	sfence.sel $0xFFFF  }
0xbf: {  	[dreg:$0x0] =	wrdreg $0xFFFFFFFF;
	(pc) =	sbr.abs _section_cstart, $3  }
0xc0: {  	[dreg:$0x1] =	wrdreg $0xFFFFFFFF  }
0xc1: {  	_ =	task.clear_ibuf [dreg:s7], $0x2FFFF;
	_ =	strace $0x9FFFFFFF  }
0xc2: {  	(tm) =	ssettm $0x7FFFFFFF  }
0xc3: {  	_ =	shalt  }
tec
execute0_lowered:
.L_overlay_start_1:
0x0: {  	(tag) =	ssettag $0x1  }
0x1: {  	v0 =	vimm.s32 $0x87654321;
	v3 =	vimm.s32 $0x98765432  }
0x2: {  	v4 =	vimm.s32 $0xFFFEDCBA;
	vm0 =	vmmov $0x7fff;
	vm1 =	vmmov $0x3fff  }
0x3: {  	vm9 =	vcmask $0x1F00;
	vm4 =	vcmask $0x2F20;
	v8 =	vimm.s32 $0xF0E0D0C  }
0x4: {  	v9 =	vimm.s32 $0xF0F0E0D;
	v10 =	vimm.s32 $0xFEDCBA98;
	vm2 =	vmmov $0xfff  }
0x5: {  	v16 =	vimm.s32 $0x0;
	vm5 =	vcmask $0x2320;
	vm6 =	vmmov $0x1ff  }
0x6: {  	vm8 =	vmmov $0x7f;
	vm12 =	vcmask $0xF00;
	vm10 =	vmmov $0xf  }
0x7: {  	vm11 =	vmmov $0x7;
	vm13 =	vcmask $0x300;
	v18 =	vimm.s32 $0x0  }
0x8: {  	s0 =	srdreg.scid;
	s2 =	stileid.u32;
	v1 =	vunpack.c.l.s4.s8 v0;
	v0 =	vimm.s32 $0xFFEDCBA9;
	v3 =	vunpack.c.l.s4.s8 v3  }
0x9: {  	s0 =	sand.u32 $0x1, s0;
	s2 =	sshll.u32 s2, $0x1;
	v4 =	vunpack.c.l.s4.s8 v4;
	v14 =	vunpack.c.0.s8.s32 v8;
	v8 =	vimm.s32 $0xDCBA9876  }
0xa: {  	s1 =	rddreg [dreg:$0x0];
	v15 =	vunpack.c.0.s8.s32 v9;
	v9 =	vimm.s32 $0xEDCBA987;
	v16 =	vsel vm2, $0xFFFFFFFF, v16;
	s4 =	sor.u32 s0, s2  }
0xb: {  	s3 =	rddreg [dreg:$0x1];
	s10 =	simm.s32 $0x0;
	v10 =	vunpack.c.l.s4.s8 v10;
	vm2 =	vmmov $0xff;
	v2 =	vunpack.c.l.s4.s8 v0;
	s5 =	smul.u32 $0x1388, s4  }
0xc: {  	s2 =	simm.s32 $0x0;
	s0 =	ssub.s32 $0x2, s0;
	v8 =	vunpack.c.l.s4.s8 v8;
	v9 =	vunpack.c.l.s4.s8 v9;
	s6 =	smul.u32 $0x140, s4;
	v5 =	vunpack.c.0.s8.s32 v1  }
0xd: {  	[smem:$0x7FF] =	sst s2;
	s8 =	sshrl.u32 s0, $0x1;
	s4 =	smul.u32 $0x28, s4;
	v1 =	vimm.s32 $0xA9876543;
	v6 =	vunpack.c.0.s8.s32 v3;
	v12 =	vunpack.c.0.s8.s32 v4  }
0xe: {  	v10 =	vunpack.c.0.s8.s32 v10;
	_ =	strace $0x80000047;
	s12 =	ssub.s32 s0, s8;
	v11 =	vunpack.c.0.s8.s32 v2;
	v7 =	vunpack.c.l.s4.s8 v1;
	s8 =	simm.s32 $0x1400  }
0xf: {  	v1 =	vimm.s32 $0xFFFFFFFF;
	v2 =	vlaneseq.u32;
	v8 =	vunpack.c.0.s8.s32 v8;
	s7 =	sshrl.u32 s5, $0x3;
	s9 =	sshrl.u32 s6, $0x3;
	s17 =	sadd.s32 s3, s4  }
0x10: {  	[tilespmem:$0x1FFA0] =	vst v16;
	v9 =	vunpack.c.0.s8.s32 v9;
	v16 =	vimm.s32 $0x0;
	v0 =	vmov s5;
	s6 =	smax.u32 s12, $0x1;
	s1 =	sadd.s32 s7, s1;
	s13 =	sadd.s32 s3, s9  }
0x11: {  	v4 =	vcombine.low v6, v12;
	v6 =	vimm.s32 $0x0;
	v10 =	vnsel vm9, $0xF, v10;
	[dreg:$0x4] =	wrdreg s17;
	s7 =	simm.s32 $0x2;
	s16 =	sadd.s32 $0x1600, s1  }
0x12: {  	v16 =	vsel vm2, $0xFFFFFFFF, v16;
	v12 =	vnsel vm9, $0xF, v12;
	v3 =	vcombine.low v5, v11;
	s18 =	sadd.s32 $0x500, s13;
	s19 =	sadd.s32 $0xA00, s13;
	s20 =	sadd.s32 $0xF00, s13  }
0x13: {  	v5 =	vunpack.c.0.s8.s32 v7;
	v6 =	vsel vm1, $0xFFFFFFFF, v6;
	v7 =	vimm.s32 $0xE0D0C0B;
	s21 =	sadd.s32 $0x1400, s13;
	s22 =	sadd.s32 $0x1900, s13;
	[dreg:$0x3] =	wrdreg s16  }
0x14: {  	s9 =	simm.s32 $0x1;
	s23 =	sadd.s32 $0x1E00, s13;
	[tilespmem:$0x1FF90] =	vst v6;
	v6 =	vimm.s32 $0xBA987654;
	v13 =	vunpack.c.0.s8.s32 v7;
	v7 =	vimm.s32 $0xCBA98765;
	[dreg:$0x5] =	wrdreg s18  }
0x15: {  	vm2 =	vmmov $0x1f;
	s24 =	sadd.s32 $0x2300, s13;
	s25 =	sadd.s32 $0x2800, s13;
	[dreg:$0x6] =	wrdreg s19;
	v6 =	vunpack.c.l.s4.s8 v6;
	v7 =	vunpack.c.l.s4.s8 v7  }
0x16: {  	vm1 =	vmmov $0x1fff;
	v8 =	vnsel vm9, $0xF, v8;
	v9 =	vnsel vm9, $0xF, v9;
	s26 =	sadd.s32 $0x2D00, s13;
	s14 =	sadd.s32 $0x3200, s13;
	[dreg:$0x7] =	wrdreg s20  }
0x17: {  	[tilespmem:$0x1FFB0] =	vst v16;
	v16 =	vimm.s32 $0x0;
	s15 =	sadd.s32 $0x3700, s13;
	s17 =	sadd.s32 $0x4100, s13;
	[dreg:$0x8] =	wrdreg s21;
	v6 =	vunpack.c.0.s8.s32 v6;
	v7 =	vunpack.c.0.s8.s32 v7  }
0x18: {  	v11 =	vnsel vm9, $0xF, v11;
	s28 =	sadd.s32 $0x7300, s13;
	s29 =	sadd.s32 $0x7800, s13;
	v16 =	vsel vm2, $0xFFFFFFFF, v16;
	[dreg:$0x9] =	wrdreg s22;
	v5 =	vnsel vm9, $0xF, v5  }
0x19: {  	s30 =	sadd.s32 $0x7D00, s13;
	s31 =	sadd.s32 $0x8200, s13;
	[dreg:$0xa] =	wrdreg s23;
	v6 =	vnsel vm9, $0xF, v6;
	v7 =	vnsel vm9, $0xF, v7;
	vm9 =	vmmov $0x3f  }
0x1a: {  	s1 =	sadd.s32 $0x8700, s13;
	s0 =	sadd.s32 $0x8C00, s13;
	v8 =	vsel vm5, $0xE, v8;
	vm5 =	vmmov $0x3ff;
	[dreg:$0xb] =	wrdreg s24;
	[tilespmem:$0x1FFC0] =	vst v16;
	v18 =	vsel vm9, $0xFFFFFFFF, v18  }
0x1b: {  	s3 =	sadd.s32 $0x9100, s13;
	s4 =	sadd.s32 $0x9600, s13;
	[dreg:$0xc] =	wrdreg s25;
	v16 =	vimm.s32 $0xF;
	v5 =	vsel vm4, v13, v5;
	[tilespmem:$0x1FFD0] =	vst v18;
	v18 =	vimm.s32 $0x0  }
0x1c: {  	s5 =	sadd.s32 $0x9B00, s13;
	[dreg:$0xd] =	wrdreg s26;
	s16 =	sadd.s32 $0x3C00, s13;
	v13 =	vnsel vm12, $0xF, v13;
	v17 =	vsel vm13, $0xE, v16;
	v18 =	vsel vm6, $0xFFFFFFFF, v18  }
0x1d: {  	s18 =	sadd.s32 $0x4600, s13;
	s19 =	sadd.s32 $0x4B00, s13;
	s20 =	sadd.s32 $0x5000, s13;
	vm13 =	vmmov $0x1;
	v6 =	vsel vm4, v14, v6;
	[tilespmem:$0x1FFE0] =	vst v18;
	v18 =	vimm.s32 $0x0  }
0x1e: {  	s21 =	sadd.s32 $0x5500, s13;
	s22 =	sadd.s32 $0x5A00, s13;
	s23 =	sadd.s32 $0x5F00, s13;
	v7 =	vsel vm4, v15, v7;
	vm4 =	vmmov $0x7ff;
	v18 =	vsel vm8, $0xFFFFFFFF, v18  }
0x1f: {  	s24 =	sadd.s32 $0x6400, s13;
	s25 =	sadd.s32 $0x6900, s13;
	s26 =	sadd.s32 $0x6E00, s13;
	v14 =	vnsel vm12, $0xF, v14;
	v15 =	vnsel vm12, $0xF, v15;
	vm12 =	vmmov $0x3;
	[tilespmem:$0x1FFF0] =	vst v18  }
.LBB2_1:
0x20: {  	s11 =	rddreg [dreg:$0x3]  }
0x21: {  	[tilespmem:s2], [sflag:$0x2] =	stream.linear.gather [hbm4b:s11+s2], $0x1388, $0x38;
	[tilespmem:$0x3C00] =	vst v63  }
0x22: {  	_ =	swait.ge [sflag:s7], $0x1388  }
0x23: {  	[sflag:s7] =	ssyncset.done $0x0  }
0x24: {  	s11 =	simm.s32 $0x0;
	[sflag:s7] =	ssyncadd.s32 $0xFFFFEC78  }
.LBB2_2:
0x25: {  	p0 =	sne.s32 s11, $0x9FC0  }
.Ltmp0:
0x26: {  	_ = 	snop;
	(pc) =	sbr.rel @p0 .LBB2_2-.Ltmp0, $3  }
0x27: {  	_ =	sdelay $0x1  }
0x28: {  	s12 =	sshra.s32 s11, $0x2  }
0x29: {  	s11 =	sadd.s32 $0x40, s11;
	[tilespmem:s12+$0x1400] =	vst v1  }
0x2a: {  	s11 =	simm.s32 $0x0  }
0x2b: {  	v18 =	vld [tilespmem:s11+$0x0];
	_ =	sdelay $0x4  }
0x2c: {  	v19 =	vperm.xlane v18, v3  }
0x2d: {  	v21 =	vperm.xlane v18, v5  }
0x2e: {  	vm15 =	veq.s32 v19, v18;
	v19 =	vimm.s32 $0x0  }
0x2f: {  	v23 =	vperm.xlane v18, v4;
	vm2 =	veq.s32 v21, v18;
	v19 =	vsel vm15, $0xFFFFFFFF, v19  }
0x30: {  	v50 =	vimm.s32 $0x0;
	v51 =	vld [tilespmem:$0x1FF90];
	vm2 =	vmand vm2, vm1;
	[tilespmem:$0x1FF00] =	vst v19  }
0x31: {  	vm15 =	veq.s32 v23, v18;
	v23 =	vsel vm2, $0xFFFFFFFF, v50;
	v49 =	vld [tilespmem:$0x1FF00]  }
0x32: {  	[tilespmem:$0x1FF10] =	vst v23  }
0x33: {  	v53 =	vld [tilespmem:$0x1FF10];
	_ =	sdelay $0x2  }
0x34: {  	vm2 =	vnez.u8 v51;
	vm7 =	vnez.u8 v49  }
0x35: {  	v19 =	vperm.xlane v18, v7;
	vm15 =	vmand vm15, vm2;
	vm3 =	vmand vm7, vm0  }
0x36: {  	vm2 =	vnez.u8 v53;
	vm15 =	vmor vm3, vm15  }
0x37: {  	vm3 =	vmor vm15, vm2;
	vm15 =	veq.s32 v19, v18;
	v19 =	vld [tilespmem:$0x1FFA0];
	_ =	sdelay $0x1  }
0x38: {  	v52 =	vperm.xlane v18, v8;
	_ =	sdelay $0x1  }
0x39: {  	vm2 =	vmand vm15, vm4;
	vm15 =	veq.s32 v52, v18  }
0x3a: {  	vm15 =	vmand vm15, vm5;
	vm14 =	vnez.u8 v19;
	v19 =	vimm.s32 $0x0  }
0x3b: {  	v19 =	vsel vm15, $0xFFFFFFFF, v19  }
0x3c: {  	[tilespmem:$0x1FF20] =	vst v19  }
0x3d: {  	v48 =	vperm.xlane v18, v6;
	v54 =	vld [tilespmem:$0x1FF20];
	_ =	sdelay $0x1  }
0x3e: {  	v24 =	vperm.xlane v18, v9;
	vm7 =	veq.s32 v48, v18  }
0x3f: {  	v55 =	vimm.s32 $0x0;
	vm7 =	vmand vm7, vm14  }
0x40: {  	v22 =	vperm.xlane v18, v10;
	vm15 =	veq.s32 v24, v18;
	vm3 =	vmor vm3, vm7  }
0x41: {  	vm3 =	vmor vm3, vm2;
	vm2 =	vmand vm15, vm6;
	vm15 =	vnez.u8 v54  }
0x42: {  	v19 =	vperm.xlane v18, v11;
	vm15 =	vmor vm3, vm15;
	vm3 =	veq.s32 v22, v18  }
0x43: {  	v21 =	vsel vm3, $0xFFFFFFFF, v55  }
0x44: {  	v58 =	vld [tilespmem:$0x1FFB0];
	vm3 =	veq.s32 v19, v18;
	v19 =	vimm.s32 $0x0;
	[tilespmem:$0x1FF30] =	vst v21  }
0x45: {  	v19 =	vsel vm3, $0xFFFFFFFF, v19;
	v57 =	vld [tilespmem:$0x1FF30]  }
0x46: {  	[tilespmem:$0x1FF40] =	vst v19  }
0x47: {  	v59 =	vld [tilespmem:$0x1FF40];
	_ =	sdelay $0x2  }
0x48: {  	vm6 =	vnez.u8 v58;
	vm2 =	vmor vm15, vm2;
	vm15 =	vnez.u8 v57  }
0x49: {  	v56 =	vperm.xlane v18, v12;
	vm15 =	vmand vm15, vm6  }
0x4a: {  	v19 =	vperm.xlane v18, v13;
	vm3 =	vmor vm2, vm15;
	vm15 =	vnez.u8 v59  }
0x4b: {  	vm2 =	veq.s32 v56, v18;
	vm15 =	vmand vm15, vm8  }
0x4c: {  	vm8 =	vmor vm3, vm15;
	vm15 =	veq.s32 v19, v18;
	v19 =	vimm.s32 $0x0  }
0x4d: {  	v19 =	vsel vm15, $0xFFFFFFFF, v19;
	vm15 =	vmand vm2, vm9  }
0x4e: {  	v20 =	vperm.xlane v18, v14;
	[tilespmem:$0x1FF50] =	vst v19;
	vm15 =	vmor vm8, vm15;
	v19 =	vimm.s32 $0x0  }
0x4f: {  	v19 =	vsel vm15, $0xFFFFFFFF, v19  }
0x50: {  	vm15 =	veq.s32 v20, v18;
	v20 =	vld [tilespmem:$0x1FF50];
	[tilespmem:$0x1FF70] =	vst v19;
	v19 =	vimm.s32 $0x0  }
0x51: {  	v19 =	vsel vm15, $0xFFFFFFFF, v19  }
0x52: {  	[tilespmem:$0x1FF60] =	vst v19  }
0x53: {  	v61 =	vld [tilespmem:$0x1FF60];
	_ =	sdelay $0x1  }
0x54: {  	vm15 =	vnez.u8 v20;
	v20 =	vld [tilespmem:$0x1FFC0]  }
0x55: {  	v63 =	vld [tilespmem:$0x1FF70];
	_ =	sdelay $0x1  }
0x56: {  	vm9 =	vnez.u8 v61  }
0x57: {  	v62 =	vimm.s32 $0x0;
	vm8 =	vmand vm9, vm10  }
0x58: {  	v19 =	vperm.xlane v18, v15;
	vm2 =	vnez.u8 v20;
	v22 =	vsel vm8, $0xFFFFFFFF, v62  }
0x59: {  	vm7 =	vnez.u8 v63;
	vm15 =	vmand vm15, vm2;
	[tilespmem:$0x1FF80] =	vst v22  }
0x5a: {  	vm14 =	vmor vm7, vm15;
	vm15 =	veq.s32 v19, v18;
	v19 =	vld [tilespmem:$0x1FF80];
	_ =	sdelay $0x3  }
0x5b: {  	v20 =	vperm.xlane v18, v17  }
0x5c: {  	v60 =	vperm.xlane v18, v16;
	vm2 =	vnez.u8 v19  }
0x5d: {  	vm7 =	vmand vm15, vm11;
	vm15 =	veq.s32 v20, v18;
	v20 =	vld [tilespmem:$0x1FFF0];
	vm2 =	vmor vm14, vm2  }
0x5e: {  	vm14 =	vmand vm15, vm12;
	vm15 =	vmor vm2, vm7;
	vm7 =	veq.s32 v60, v18  }
0x5f: {  	vm2 =	vmor vm15, vm14;
	vm15 =	vmand vm7, vm13  }
0x60: {  	v19 =	vor.u32 s11, v2;
	vm15 =	vmor vm2, vm15  }
0x61: {  	vm2 =	vlt.u32 v19, $0x1388;
	vm15 =	vmneg vm15  }
0x62: {  	s12 =	simm.s32 $0x10;
	vm14 =	vnez.u8 v20;
	vm15 =	vmand vm2, vm15  }
.LBB2_4:
0x63: {  	_ =	sdelay $0x3  }
0x64: {  	v19 =	vadd.s32 v0, v19  }
0x65: {  	s11 =	sadd.s32 $0x10, s11;
	[tilespmem:v18+s8+$0x0] =	vst.idx.msk vm15, v19  }
0x66: {  	v18 =	vld [tilespmem:s11+$0x0]  }
0x67: {  	v58 =	vld [tilespmem:$0x1FF90];
	_ =	sdelay $0x2  }
0x68: {  	vm7 =	vmmov vm0;
	vm8 =	vmmov vm1  }
0x69: {  	vm9 =	vmmov vm10;
	vm10 =	vmmov vm4;
	v19 =	vperm.xlane v18, v3  }
0x6a: {  	v59 =	vld [tilespmem:$0x1FFA0];
	vm6 =	vnez.u8 v58;
	v21 =	vperm.xlane v18, v5;
	v24 =	vperm.xlane v18, v4  }
0x6b: {  	v57 =	vperm.xlane v18, v6;
	vm15 =	veq.s32 v19, v18;
	v19 =	vperm.xlane v18, v7  }
0x6c: {  	vm3 =	veq.s32 v24, v18;
	vm15 =	vmand vm15, vm0;
	vm0 =	veq.s32 v21, v18  }
0x6d: {  	v25 =	vperm.xlane v18, v8;
	vm3 =	vmand vm3, vm6;
	vm0 =	vmand vm0, vm1  }
0x6e: {  	vm1 =	veq.s32 v57, v18;
	vm2 =	veq.s32 v19, v18;
	v19 =	vperm.xlane v18, v11  }
0x6f: {  	vm3 =	vmor vm15, vm3;
	vm15 =	vnez.u8 v59;
	vm2 =	vmand vm2, vm4  }
0x70: {  	vm4 =	veq.s32 v25, v18;
	vm1 =	vmand vm1, vm15;
	vm0 =	vmor vm3, vm0  }
0x71: {  	v60 =	vld [tilespmem:$0x1FFE0];
	vm0 =	vmor vm0, vm1;
	vm1 =	veq.s32 v19, v18;
	v19 =	vperm.xlane v18, v13  }
0x72: {  	v62 =	vld [tilespmem:$0x1FFB0];
	vm4 =	vmand vm4, vm5;
	vm0 =	vmor vm0, vm2  }
0x73: {  	vm0 =	vmor vm0, vm4;
	vm4 =	veq.s32 v19, v18;
	v19 =	vld [tilespmem:$0x1FFD0]  }
0x74: {  	v22 =	vperm.xlane v18, v10;
	v23 =	vperm.xlane v18, v9  }
0x75: {  	vm6 =	vmmov vm13;
	vm13 =	vmmov vm12;
	vm12 =	vmmov vm11  }
0x76: {  	vm11 =	vmmov vm5;
	vm3 =	vnez.u8 v60;
	vm5 =	veq.s32 v23, v18  }
0x77: {  	v61 =	vperm.xlane v18, v12;
	vm15 =	veq.s32 v22, v18;
	vm3 =	vmand vm5, vm3  }
0x78: {  	vm2 =	vnez.u8 v62;
	vm0 =	vmor vm0, vm3;
	vm3 =	vnez.u8 v19;
	v19 =	vld [tilespmem:$0x1FFC0]  }
0x79: {  	v20 =	vperm.xlane v18, v14;
	vm2 =	vmand vm15, vm2  }
0x7a: {  	vm5 =	veq.s32 v61, v18;
	vm1 =	vmand vm1, vm14;
	vm0 =	vmor vm0, vm2  }
0x7b: {  	v63 =	vperm.xlane v18, v16;
	vm0 =	vmor vm0, vm1;
	vm3 =	vmand vm5, vm3  }
0x7c: {  	vm5 =	veq.s32 v20, v18;
	v20 =	vperm.xlane v18, v17;
	vm0 =	vmor vm0, vm3  }
0x7d: {  	vm1 =	vmand vm5, vm9;
	vm2 =	vnez.u8 v19;
	v19 =	vperm.xlane v18, v15  }
0x7e: {  	vm5 =	vmmov vm11;
	vm11 =	vmmov vm12;
	vm2 =	vmand vm4, vm2  }
0x7f: {  	vm12 =	vmmov vm13;
	vm3 =	veq.s32 v19, v18;
	vm0 =	vmor vm0, vm2  }
0x80: {  	p0 =	sne.s32 s12, $0x1380;
	vm2 =	vmand vm3, vm11;
	vm3 =	veq.s32 v20, v18;
	vm0 =	vmor vm0, vm1  }
.Ltmp1:
0x81: {  	vm1 =	vmand vm3, vm12;
	vm3 =	veq.s32 v63, v18;
	vm0 =	vmor vm0, vm2;
	(pc) =	sbr.rel @p0 .LBB2_4-.Ltmp1, $4  }
0x82: {  	s13 =	smov.u32 s12;
	vm13 =	vmmov vm6;
	vm2 =	vmand vm3, vm6;
	vm0 =	vmor vm0, vm1  }
0x83: {  	vm4 =	vmmov vm10;
	v19 =	vor.u32 s13, v2;
	vm0 =	vmor vm0, vm2  }
0x84: {  	vm10 =	vmmov vm9;
	vm1 =	vlt.u32 v19, $0x1388;
	vm0 =	vmneg vm0  }
0x85: {  	s12 =	sadd.s32 $0x10, s12;
	vm15 =	vmand vm1, vm0;
	vm1 =	vmmov vm8;
	vm0 =	vmmov vm7  }
0x86: {  	_ =	sdelay $0x3  }
0x87: {  	v19 =	vadd.s32 v0, v19  }
0x88: {  	s11 =	rddreg [dreg:$0x4];
	[tilespmem:v18+s8+$0x0] =	vst.idx.msk vm15, v19  }
0x89: {  	[hbm4b:s11+s2] =	stream.linear.scatter [tilespmem:s8], [sflag:$0x1], $0x140, $0x38;
	[tilespmem:$0x3C00] =	vst v63  }
0x8a: {  	s13 =	rddreg [dreg:$0x5];
	s12 =	simm.s32 $0x1540  }
0x8b: {  	[hbm4b:s13+s2] =	stream.linear.scatter [tilespmem:s12], [sflag:$0x1], $0x140, $0x38;
	[tilespmem:$0x3C00] =	vst v63  }
0x8c: {  	s12 =	rddreg [dreg:$0x6];
	s13 =	simm.s32 $0x1680  }
0x8d: {  	[hbm4b:s12+s2] =	stream.linear.scatter [tilespmem:s13], [sflag:$0x1], $0x140, $0x38;
	[tilespmem:$0x3C00] =	vst v63  }
0x8e: {  	s12 =	rddreg [dreg:$0x7];
	s13 =	simm.s32 $0x17C0  }
0x8f: {  	[hbm4b:s12+s2] =	stream.linear.scatter [tilespmem:s13], [sflag:$0x1], $0x140, $0x38;
	[tilespmem:$0x3C00] =	vst v63  }
0x90: {  	s12 =	rddreg [dreg:$0x8];
	s13 =	simm.s32 $0x1900  }
0x91: {  	[hbm4b:s12+s2] =	stream.linear.scatter [tilespmem:s13], [sflag:$0x1], $0x140, $0x38;
	[tilespmem:$0x3C00] =	vst v63  }
0x92: {  	s12 =	rddreg [dreg:$0x9];
	s13 =	simm.s32 $0x1A40  }
0x93: {  	[hbm4b:s12+s2] =	stream.linear.scatter [tilespmem:s13], [sflag:$0x1], $0x140, $0x38;
	[tilespmem:$0x3C00] =	vst v63  }
0x94: {  	s12 =	rddreg [dreg:$0xa];
	s13 =	simm.s32 $0x1B80  }
0x95: {  	[hbm4b:s12+s2] =	stream.linear.scatter [tilespmem:s13], [sflag:$0x1], $0x140, $0x38;
	[tilespmem:$0x3C00] =	vst v63  }
0x96: {  	s12 =	rddreg [dreg:$0xb];
	s13 =	simm.s32 $0x1CC0  }
0x97: {  	[hbm4b:s12+s2] =	stream.linear.scatter [tilespmem:s13], [sflag:$0x1], $0x140, $0x38;
	[tilespmem:$0x3C00] =	vst v63  }
0x98: {  	s12 =	rddreg [dreg:$0xc];
	s13 =	simm.s32 $0x1E00  }
0x99: {  	[hbm4b:s12+s2] =	stream.linear.scatter [tilespmem:s13], [sflag:$0x1], $0x140, $0x38;
	[tilespmem:$0x3C00] =	vst v63  }
0x9a: {  	s12 =	rddreg [dreg:$0xd];
	s13 =	simm.s32 $0x1F40  }
0x9b: {  	[hbm4b:s12+s2] =	stream.linear.scatter [tilespmem:s13], [sflag:$0x1], $0x140, $0x38;
	[tilespmem:$0x3C00] =	vst v63  }
0x9c: {  	s12 =	simm.s32 $0x2080  }
0x9d: {  	[hbm4b:s14+s2] =	stream.linear.scatter [tilespmem:s12], [sflag:$0x1], $0x140, $0x38;
	[tilespmem:$0x3C00] =	vst v63  }
0x9e: {  	s13 =	simm.s32 $0x21C0  }
0x9f: {  	[hbm4b:s15+s2] =	stream.linear.scatter [tilespmem:s13], [sflag:$0x1], $0x140, $0x38;
	[tilespmem:$0x3C00] =	vst v63  }
0xa0: {  	s12 =	simm.s32 $0x2300  }
0xa1: {  	[hbm4b:s16+s2] =	stream.linear.scatter [tilespmem:s12], [sflag:$0x1], $0x140, $0x38;
	[tilespmem:$0x3C00] =	vst v63  }
0xa2: {  	s13 =	simm.s32 $0x2440  }
0xa3: {  	[hbm4b:s17+s2] =	stream.linear.scatter [tilespmem:s13], [sflag:$0x1], $0x140, $0x38;
	[tilespmem:$0x3C00] =	vst v63  }
0xa4: {  	s12 =	simm.s32 $0x2580  }
0xa5: {  	[hbm4b:s18+s2] =	stream.linear.scatter [tilespmem:s12], [sflag:$0x1], $0x140, $0x38;
	[tilespmem:$0x3C00] =	vst v63  }
0xa6: {  	s13 =	simm.s32 $0x26C0  }
0xa7: {  	[hbm4b:s19+s2] =	stream.linear.scatter [tilespmem:s13], [sflag:$0x1], $0x140, $0x38;
	[tilespmem:$0x3C00] =	vst v63  }
0xa8: {  	s12 =	simm.s32 $0x2800  }
0xa9: {  	[hbm4b:s20+s2] =	stream.linear.scatter [tilespmem:s12], [sflag:$0x1], $0x140, $0x38;
	[tilespmem:$0x3C00] =	vst v63  }
0xaa: {  	s13 =	simm.s32 $0x2940  }
0xab: {  	[hbm4b:s21+s2] =	stream.linear.scatter [tilespmem:s13], [sflag:$0x1], $0x140, $0x38;
	[tilespmem:$0x3C00] =	vst v63  }
0xac: {  	s12 =	simm.s32 $0x2A80  }
0xad: {  	[hbm4b:s22+s2] =	stream.linear.scatter [tilespmem:s12], [sflag:$0x1], $0x140, $0x38;
	[tilespmem:$0x3C00] =	vst v63  }
0xae: {  	s13 =	simm.s32 $0x2BC0  }
0xaf: {  	[hbm4b:s23+s2] =	stream.linear.scatter [tilespmem:s13], [sflag:$0x1], $0x140, $0x38;
	[tilespmem:$0x3C00] =	vst v63  }
0xb0: {  	s12 =	simm.s32 $0x2D00  }
0xb1: {  	[hbm4b:s24+s2] =	stream.linear.scatter [tilespmem:s12], [sflag:$0x1], $0x140, $0x38;
	[tilespmem:$0x3C00] =	vst v63  }
0xb2: {  	s13 =	simm.s32 $0x2E40  }
0xb3: {  	[hbm4b:s25+s2] =	stream.linear.scatter [tilespmem:s13], [sflag:$0x1], $0x140, $0x38;
	[tilespmem:$0x3C00] =	vst v63  }
0xb4: {  	s12 =	simm.s32 $0x2F80  }
0xb5: {  	[hbm4b:s26+s2] =	stream.linear.scatter [tilespmem:s12], [sflag:$0x1], $0x140, $0x38;
	[tilespmem:$0x3C00] =	vst v63  }
0xb6: {  	s13 =	simm.s32 $0x30C0  }
0xb7: {  	[hbm4b:s28+s2] =	stream.linear.scatter [tilespmem:s13], [sflag:$0x1], $0x140, $0x38;
	[tilespmem:$0x3C00] =	vst v63  }
0xb8: {  	s12 =	simm.s32 $0x3200  }
0xb9: {  	[hbm4b:s29+s2] =	stream.linear.scatter [tilespmem:s12], [sflag:$0x1], $0x140, $0x38;
	[tilespmem:$0x3C00] =	vst v63  }
0xba: {  	s13 =	simm.s32 $0x3340  }
0xbb: {  	[hbm4b:s30+s2] =	stream.linear.scatter [tilespmem:s13], [sflag:$0x1], $0x140, $0x38;
	[tilespmem:$0x3C00] =	vst v63  }
0xbc: {  	s12 =	simm.s32 $0x3480  }
0xbd: {  	[hbm4b:s31+s2] =	stream.linear.scatter [tilespmem:s12], [sflag:$0x1], $0x140, $0x38;
	[tilespmem:$0x3C00] =	vst v63  }
0xbe: {  	s13 =	simm.s32 $0x35C0  }
0xbf: {  	[hbm4b:s1+s2] =	stream.linear.scatter [tilespmem:s13], [sflag:$0x1], $0x140, $0x38;
	[tilespmem:$0x3C00] =	vst v63  }
0xc0: {  	s12 =	simm.s32 $0x3700  }
0xc1: {  	[hbm4b:s0+s2] =	stream.linear.scatter [tilespmem:s12], [sflag:$0x1], $0x140, $0x38;
	[tilespmem:$0x3C00] =	vst v63  }
0xc2: {  	s13 =	simm.s32 $0x3840  }
0xc3: {  	[hbm4b:s3+s2] =	stream.linear.scatter [tilespmem:s13], [sflag:$0x1], $0x140, $0x38;
	[tilespmem:$0x3C00] =	vst v63  }
0xc4: {  	s12 =	simm.s32 $0x3980  }
0xc5: {  	[hbm4b:s4+s2] =	stream.linear.scatter [tilespmem:s12], [sflag:$0x1], $0x140, $0x38;
	[tilespmem:$0x3C00] =	vst v63  }
0xc6: {  	s13 =	simm.s32 $0x3AC0  }
0xc7: {  	[hbm4b:s5+s2] =	stream.linear.scatter [tilespmem:s13], [sflag:$0x1], $0x140, $0x38;
	[tilespmem:$0x3C00] =	vst v63  }
0xc8: {  	_ =	swait.ge [sflag:s9], $0x140  }
0xc9: {  	[sflag:s9] =	ssyncset.done $0x0  }
0xca: {  	[sflag:s9] =	ssyncadd.s32 $0xFFFFFEC0  }
0xcb: {  	_ =	swait.ge [sflag:s9], $0x140  }
0xcc: {  	[sflag:s9] =	ssyncset.done $0x0  }
0xcd: {  	[sflag:s9] =	ssyncadd.s32 $0xFFFFFEC0  }
0xce: {  	_ =	swait.ge [sflag:s9], $0x140  }
0xcf: {  	[sflag:s9] =	ssyncset.done $0x0  }
0xd0: {  	[sflag:s9] =	ssyncadd.s32 $0xFFFFFEC0  }
0xd1: {  	_ =	swait.ge [sflag:s9], $0x140  }
0xd2: {  	[sflag:s9] =	ssyncset.done $0x0  }
0xd3: {  	[sflag:s9] =	ssyncadd.s32 $0xFFFFFEC0  }
0xd4: {  	_ =	swait.ge [sflag:s9], $0x140  }
0xd5: {  	[sflag:s9] =	ssyncset.done $0x0  }
0xd6: {  	[sflag:s9] =	ssyncadd.s32 $0xFFFFFEC0  }
0xd7: {  	_ =	swait.ge [sflag:s9], $0x140  }
0xd8: {  	[sflag:s9] =	ssyncset.done $0x0  }
0xd9: {  	[sflag:s9] =	ssyncadd.s32 $0xFFFFFEC0  }
0xda: {  	_ =	swait.ge [sflag:s9], $0x140  }
0xdb: {  	[sflag:s9] =	ssyncset.done $0x0  }
0xdc: {  	[sflag:s9] =	ssyncadd.s32 $0xFFFFFEC0  }
0xdd: {  	_ =	swait.ge [sflag:s9], $0x140  }
0xde: {  	[sflag:s9] =	ssyncset.done $0x0  }
0xdf: {  	[sflag:s9] =	ssyncadd.s32 $0xFFFFFEC0  }
0xe0: {  	_ =	swait.ge [sflag:s9], $0x140  }
0xe1: {  	[sflag:s9] =	ssyncset.done $0x0  }
0xe2: {  	[sflag:s9] =	ssyncadd.s32 $0xFFFFFEC0  }
0xe3: {  	_ =	swait.ge [sflag:s9], $0x140  }
0xe4: {  	[sflag:s9] =	ssyncset.done $0x0  }
0xe5: {  	[sflag:s9] =	ssyncadd.s32 $0xFFFFFEC0  }
0xe6: {  	_ =	swait.ge [sflag:s9], $0x140  }
0xe7: {  	[sflag:s9] =	ssyncset.done $0x0  }
0xe8: {  	[sflag:s9] =	ssyncadd.s32 $0xFFFFFEC0  }
0xe9: {  	_ =	swait.ge [sflag:s9], $0x140  }
0xea: {  	[sflag:s9] =	ssyncset.done $0x0  }
0xeb: {  	[sflag:s9] =	ssyncadd.s32 $0xFFFFFEC0  }
0xec: {  	_ =	swait.ge [sflag:s9], $0x140  }
0xed: {  	[sflag:s9] =	ssyncset.done $0x0  }
0xee: {  	[sflag:s9] =	ssyncadd.s32 $0xFFFFFEC0  }
0xef: {  	_ =	swait.ge [sflag:s9], $0x140  }
0xf0: {  	[sflag:s9] =	ssyncset.done $0x0  }
0xf1: {  	[sflag:s9] =	ssyncadd.s32 $0xFFFFFEC0  }
0xf2: {  	_ =	swait.ge [sflag:s9], $0x140  }
0xf3: {  	[sflag:s9] =	ssyncset.done $0x0  }
0xf4: {  	[sflag:s9] =	ssyncadd.s32 $0xFFFFFEC0  }
0xf5: {  	_ =	swait.ge [sflag:s9], $0x140  }
0xf6: {  	[sflag:s9] =	ssyncset.done $0x0  }
0xf7: {  	[sflag:s9] =	ssyncadd.s32 $0xFFFFFEC0  }
0xf8: {  	_ =	swait.ge [sflag:s9], $0x140  }
0xf9: {  	[sflag:s9] =	ssyncset.done $0x0  }
0xfa: {  	[sflag:s9] =	ssyncadd.s32 $0xFFFFFEC0  }
0xfb: {  	_ =	swait.ge [sflag:s9], $0x140  }
0xfc: {  	[sflag:s9] =	ssyncset.done $0x0  }
0xfd: {  	[sflag:s9] =	ssyncadd.s32 $0xFFFFFEC0  }
0xfe: {  	_ =	swait.ge [sflag:s9], $0x140  }
0xff: {  	[sflag:s9] =	ssyncset.done $0x0  }
0x100: {  	[sflag:s9] =	ssyncadd.s32 $0xFFFFFEC0  }
0x101: {  	_ =	swait.ge [sflag:s9], $0x140  }
0x102: {  	[sflag:s9] =	ssyncset.done $0x0  }
0x103: {  	[sflag:s9] =	ssyncadd.s32 $0xFFFFFEC0  }
0x104: {  	_ =	swait.ge [sflag:s9], $0x140  }
0x105: {  	[sflag:s9] =	ssyncset.done $0x0  }
0x106: {  	[sflag:s9] =	ssyncadd.s32 $0xFFFFFEC0  }
0x107: {  	_ =	swait.ge [sflag:s9], $0x140  }
0x108: {  	[sflag:s9] =	ssyncset.done $0x0  }
0x109: {  	[sflag:s9] =	ssyncadd.s32 $0xFFFFFEC0  }
0x10a: {  	_ =	swait.ge [sflag:s9], $0x140  }
0x10b: {  	[sflag:s9] =	ssyncset.done $0x0  }
0x10c: {  	[sflag:s9] =	ssyncadd.s32 $0xFFFFFEC0  }
0x10d: {  	_ =	swait.ge [sflag:s9], $0x140  }
0x10e: {  	[sflag:s9] =	ssyncset.done $0x0  }
0x10f: {  	[sflag:s9] =	ssyncadd.s32 $0xFFFFFEC0  }
0x110: {  	_ =	swait.ge [sflag:s9], $0x140  }
0x111: {  	[sflag:s9] =	ssyncset.done $0x0  }
0x112: {  	[sflag:s9] =	ssyncadd.s32 $0xFFFFFEC0  }
0x113: {  	_ =	swait.ge [sflag:s9], $0x140  }
0x114: {  	[sflag:s9] =	ssyncset.done $0x0  }
0x115: {  	[sflag:s9] =	ssyncadd.s32 $0xFFFFFEC0  }
0x116: {  	_ =	swait.ge [sflag:s9], $0x140  }
0x117: {  	[sflag:s9] =	ssyncset.done $0x0  }
0x118: {  	[sflag:s9] =	ssyncadd.s32 $0xFFFFFEC0  }
0x119: {  	_ =	swait.ge [sflag:s9], $0x140  }
0x11a: {  	[sflag:s9] =	ssyncset.done $0x0  }
0x11b: {  	[sflag:s9] =	ssyncadd.s32 $0xFFFFFEC0  }
0x11c: {  	_ =	swait.ge [sflag:s9], $0x140  }
0x11d: {  	[sflag:s9] =	ssyncset.done $0x0  }
0x11e: {  	[sflag:s9] =	ssyncadd.s32 $0xFFFFFEC0  }
0x11f: {  	_ =	swait.ge [sflag:s9], $0x140  }
0x120: {  	[sflag:s9] =	ssyncset.done $0x0  }
0x121: {  	[sflag:s9] =	ssyncadd.s32 $0xFFFFFEC0  }
0x122: {  	_ =	swait.ge [sflag:s9], $0x140  }
0x123: {  	[sflag:s9] =	ssyncset.done $0x0  }
0x124: {  	[sflag:s9] =	ssyncadd.s32 $0xFFFFFEC0  }
0x125: {  	_ =	swait.ge [sflag:s9], $0x140  }
0x126: {  	v18 =	vld [tilespmem:$0x1FFE0];
	_ =	sdelay $0x3  }
0x127: {  	s10 =	sadd.s32 $0x1, s10  }
0x128: {  	p0 =	sne.s32 s10, s6;
	vm6 =	vnez.u8 v18;
	v18 =	vld [tilespmem:$0x1FFD0]  }
.Ltmp2:
0x129: {  	_ = 	snop;
	(pc) =	sbr.rel @p0 .LBB2_1-.Ltmp2, $3  }
0x12a: {  	_ =	sdelay $0x1  }
0x12b: {  	[sflag:s9] =	ssyncset.done $0x0  }
0x12c: {  	vm8 =	vmmov vm14;
	[sflag:s9] =	ssyncadd.s32 $0xFFFFFEC0;
	vm9 =	vnez.u8 v18  }
0x12d: {  	_ =	sfence.sel $0x180000  }
0x12e: {  	[bflag:$0x0] =	sbarrier.arrive $0xFFFF  }
0x12f: {  	_ =	strace $0x90000047  }
0x130: {  	s0 =	stileid.u32;
	[bflag:$0x2] =	sbarrier.arrive $0xFFFF  }
0x131: {  	p0 =	sne.s32 s0, $0x0;
	s0 =	rddreg [dreg:$0x2]  }
0x132: {  	s0 =	sadd.s32 @!p0 $0x100000, s0  }
0x133: {  	[sflag:s0] =	ssyncadd.tile.s32 @!p0 $0x1;
	_ =	shalt  }
.Lfunc_end2:
_tile_overlayer_lowered:
.L_overlay_start_2:
0x134: {  	(tag) =	ssettag $0x2  }
0x135: {  	s0 =	rddreg [dreg:$0x0];
	s2 =	stileid.u32  }
0x136: {  	s1 =	rddreg [dreg:$0x1];
	p0 =	sne.s32 s2, $0x0  }
0x137: {  	s3 =	rddreg [dreg:$0x2];
	[bflag:$0x3] =	sbarrier.arrive $0xFFFF;
	s2 =	simm.s32 @!p0 $0x1C02  }
0x138: {  	[timem:s3], [sflag:s2] =	dma.local @!p0 [hbm:s0], s1  }
0x139: {  	s0 =	simm.s32 @!p0 $0x2  }
0x13a: {  	_ =	swait.ge @!p0 [sflag:s0], s1  }
0x13b: {  	s1 =	ssub.s32 @!p0 $0x0, s1;
	[sflag:s0] =	ssyncset.done @!p0 $0x0  }
0x13c: {  	[sflag:s0] =	ssyncadd.s32 @!p0 s1  }
0x13d: {  	[bflag:$0x3] =	sbarrier.arrive $0xFFFF  }
0x13e: {  	_ =	shalt  }

// kernel: kernel.9.cloned.1.call-start
scs
__scs_entry_jumppad:
0x0: {  	(pc) =	sbr.rel $0x88, $3  }
0x1: {  	(tag) =	ssettag $0x0;
	lr =	simm.s32 $0x1  }
0x2: {  	[smem:$0x3F8C] =	sst lr;
	_ =	strace $0xD0000000  }
0x3: {  	_ = 	snop  }
0x4: {  	_ = 	snop  }
0x5: {  	_ = 	snop  }
0x6: {  	_ = 	snop  }
0x7: {  	_ = 	snop  }
__scs_overlays_trampoline_lowered:
0x8: {  	[smem:$0x3F9B] =	sst s0  }
0x9: {  	[smem:$0x3F9C] =	sst s1  }
0xa: {  	[smem:$0x3F9D] =	sst s2  }
0xb: {  	[smem:$0x3F9E] =	sst s3  }
0xc: {  	[smem:$0x3F9F] =	sst s4  }
0xd: {  	[smem:$0x3FA0] =	sst s5  }
0xe: {  	[smem:$0x3FA1] =	sst s6  }
0xf: {  	[smem:$0x3FA2] =	sst s7  }
0x10: {  	[smem:$0x3FA3] =	sst s8  }
0x11: {  	[smem:$0x3FA4] =	sst s9;
	s0 =	simm.s32 @!p0 $0x0  }
0x12: {  	s1 =	sld [smem:$0x3F8A];
	s0 =	simm.s32 @p0 $0x1  }
0x13: {  	[smem:$0x3FA5] =	sst s0;
	s0 =	simm.s32 @!p1 $0x0  }
0x14: {  	s2 =	sld [smem:$0x3F89];
	s0 =	simm.s32 @p1 $0x1  }
0x15: {  	[smem:$0x3FA6] =	sst s0;
	s0 =	simm.s32 @!p2 $0x0  }
0x16: {  	s3 =	sld [smem:$0x3FDB];
	s0 =	simm.s32 @p2 $0x1  }
0x17: {  	s4 =	simm.s32 $0x1BF5;
	[smem:$0x3FA8] =	sst s0  }
0x18: {  	s0 =	sld [smem:$0x3F8B];
	_ =	swait.ge [sflag:s4], $0x0  }
0x19: {  	s7 =	sld [smem:$0x3F8C]  }
0x1a: {  	s8 =	sadd.s32 $0xFFFFE003, lr  }
0x1b: {  	s9 =	sadd.s32 $0xFFFFFEF7, lr;
	s5 =	simm.s32 $0xFFFFFFFF;
	p2 =	slt.u32 s8, $0xFFFFF086  }
0x1c: {  	p1 =	slt.u32 s9, $0xF7A;
	s5 =	simm.s32 @!p2 $0x0  }
0x1d: {  	s5 =	simm.s32 @p1 $0x1;
	p0 =	seq.s32 s7, s2  }
0x1e: {  	s7 =	smul.u32 @!p0 $0xF7A, s2;
	p2 =	seq.s32 @!p0 s5, $0x0  }
0x1f: {  	s9 =	smul.u32 $0xF7A, s1;
	s8 =	simm.s32 @!p0 $0x1BF5;
	p2 =	por !p2, p0  }
0x20: {  	[sflag:s8] =	ssyncset.s32 @!p0 $0xFFFFF086;
	s6 =	sadd.s32 @!p0 s3, s7;
	s7 =	simm.s32 @!p0 $0x108  }
0x21: {  	s3 =	sadd.s32 s3, s9;
	s6 =	sadd.s32 @!p0 $0x88, s6;
	s7 =	simm.s32 @p2 $0x1082  }
0x22: {  	[simem:s7], [sflag:s8] =	dma.local @!p0 [hbm:s6], $0xF7A  }
0x23: {  	s9 =	sor.u32 $0xD0000000, s2;
	s6 =	simm.s32 $0x108;
	_ =	swait.ge @!p0 [sflag:s8], $0x0  }
0x24: {  	s3 =	sadd.s32 $0x88, s3;
	s6 =	simm.s32 @!p1 $0x1082;
	[sflag:s4] =	ssyncset.s32 $0xFFFFF086  }
0x25: {  	[simem:s6], [sflag:s4] =	dma.local [hbm:s3], $0xF7A  }
0x26: {  	[smem:$0x3F8C] =	sst s1;
	(tag) =	ssettag s2;
	_ =	strace s9  }
0x27: {  	s1 =	sld [smem:$0x3F9C]  }
0x28: {  	s2 =	sld [smem:$0x3F9D]  }
0x29: {  	s4 =	sld [smem:$0x3F9F]  }
0x2a: {  	p0 =	seq.s32 s5, $0x0;
	s5 =	sld [smem:$0x3FA0]  }
0x2b: {  	s6 =	sld [smem:$0x3FA1]  }
0x2c: {  	s7 =	sld [smem:$0x3FA2]  }
0x2d: {  	s3 =	simm.s32 $0x108;
	s8 =	sld [smem:$0x3FA3]  }
0x2e: {  	s3 =	simm.s32 @!p0 $0x1082;
	s9 =	sld [smem:$0x3FA4]  }
0x2f: {  	lr =	sadd.s32 s0, s3;
	s0 =	sld [smem:$0x3F9B]  }
0x30: {  	s3 =	sld [smem:$0x3F9E]  }
0x31: {  	[smem:$0x3FA7] =	sst s10  }
0x32: {  	s10 =	sld [smem:$0x3FA5];
	_ =	sdelay $0x3  }
0x33: {  	p0 =	seq.s32 s10, $0x1;
	s10 =	sld [smem:$0x3FA7];
	_ =	sdelay $0x3  }
0x34: {  	[smem:$0x3FA7] =	sst s10  }
0x35: {  	s10 =	sld [smem:$0x3FA6];
	_ =	sdelay $0x3  }
0x36: {  	p1 =	seq.s32 s10, $0x1;
	s10 =	sld [smem:$0x3FA7];
	_ =	sdelay $0x3  }
0x37: {  	[smem:$0x3FA7] =	sst s10  }
0x38: {  	s10 =	sld [smem:$0x3FA8]  }
0x39: {  	_ = 	snop;
	(pc) =	sbr.ind lr, $3  }
0x3a: {  	_ = 	snop  }
0x3b: {  	_ = 	snop  }
0x3c: {  	p2 =	seq.s32 s10, $0x1;
	s10 =	sld [smem:$0x3FA7]  }
0x3d: {  	_ =	shalt  }
0x3e: {  	_ =	shalt  }
0x3f: {  	_ =	shalt  }
0x40: {  	_ =	shalt  }
0x41: {  	_ =	shalt  }
0x42: {  	_ =	shalt  }
0x43: {  	_ =	shalt  }
0x44: {  	_ =	shalt  }
0x45: {  	_ =	shalt  }
0x46: {  	_ =	shalt  }
0x47: {  	_ =	shalt  }
0x48: {  	_ =	shalt  }
0x49: {  	_ =	shalt  }
0x4a: {  	_ =	shalt  }
0x4b: {  	_ =	shalt  }
0x4c: {  	_ =	shalt  }
0x4d: {  	_ =	shalt  }
0x4e: {  	_ =	shalt  }
0x4f: {  	_ =	shalt  }
0x50: {  	_ =	shalt  }
0x51: {  	_ =	shalt  }
0x52: {  	_ =	shalt  }
0x53: {  	_ =	shalt  }
0x54: {  	_ =	shalt  }
0x55: {  	_ =	shalt  }
0x56: {  	_ =	shalt  }
0x57: {  	_ =	shalt  }
0x58: {  	_ =	shalt  }
0x59: {  	_ =	shalt  }
0x5a: {  	_ =	shalt  }
0x5b: {  	_ =	shalt  }
0x5c: {  	_ =	shalt  }
0x5d: {  	_ =	shalt  }
0x5e: {  	_ =	shalt  }
0x5f: {  	_ =	shalt  }
0x60: {  	_ =	shalt  }
0x61: {  	_ =	shalt  }
0x62: {  	_ =	shalt  }
0x63: {  	_ =	shalt  }
0x64: {  	_ =	shalt  }
0x65: {  	_ =	shalt  }
0x66: {  	_ =	shalt  }
0x67: {  	_ =	shalt  }
0x68: {  	_ =	shalt  }
0x69: {  	_ =	shalt  }
0x6a: {  	_ =	shalt  }
0x6b: {  	_ =	shalt  }
0x6c: {  	_ =	shalt  }
0x6d: {  	_ =	shalt  }
0x6e: {  	_ =	shalt  }
0x6f: {  	_ =	shalt  }
0x70: {  	_ =	shalt  }
0x71: {  	_ =	shalt  }
0x72: {  	_ =	shalt  }
0x73: {  	_ =	shalt  }
0x74: {  	_ =	shalt  }
0x75: {  	_ =	shalt  }
0x76: {  	_ =	shalt  }
0x77: {  	_ =	shalt  }
0x78: {  	_ =	shalt  }
0x79: {  	_ =	shalt  }
0x7a: {  	_ =	shalt  }
0x7b: {  	_ =	shalt  }
0x7c: {  	_ =	shalt  }
0x7d: {  	_ =	shalt  }
0x7e: {  	_ =	shalt  }
0x7f: {  	_ =	shalt  }
0x80: {  	_ =	shalt  }
0x81: {  	_ =	shalt  }
0x82: {  	_ =	shalt  }
0x83: {  	_ =	shalt  }
0x84: {  	_ =	shalt  }
0x85: {  	_ =	shalt  }
0x86: {  	_ =	shalt  }
0x87: {  	_ =	shalt  }
.Lfunc_end0:
.L_simem_size_0:
called_computation.1_lowered:
.L_overlay_start_0:
0x88: {  	s2 =	sld [smem:$0x3FD9]  }
0x89: {  	s3 =	sld [smem:$0x3FFE];
	_ =	sdelay $0x1  }
0x8a: {  	s1 =	srdreg.scid  }
0x8b: {  	s0 =	sand.u32 $0x1, s1  }
0x8c: {  	s17 =	sshll.u32 s0, $0xA;
	s2 =	sadd.s32 s3, s2  }
0x8d: {  	s2 =	sadd.s32 s2, s17  }
0x8e: {  	[smem:$0x3FB3] =	sst s2  }
0x8f: {  	_ = 	snop  }
0x90: {  	s2 =	sld [smem:$0x3FD0];
	(tm) =	ssettm $0x1  }
0x91: {  	s18 =	sld [smem:$0x3FFB];
	_ =	sdelay $0x3  }
0x92: {  	_ =	strace s18  }
0x93: {  	s3 =	sld [smem:$0x3FFC];
	_ =	sdelay $0x3  }
0x94: {  	_ =	strace s3  }
0x95: {  	s3 =	sld [smem:$0x3FFD];
	_ =	sdelay $0x3  }
0x96: {  	_ =	strace s3  }
0x97: {  	_ =	strace $0x8FFFFFFF  }
0x98: {  	s19 =	sld [smem:$0x3FDB];
	_ =	sdelay $0x1  }
0x99: {  	s4 =	simm.s32 $_scs_section_size  }
0x9a: {  	s5 =	simm.s32 $_size__tile_overlayer_lowered;
	s6 =	simm.s32 $_tile_overlayer_lowered  }
0x9b: {  	s22 =	simm.s32 $0x1BFF;
	s21 =	sshll.u32 s6, $0x1;
	s3 =	sadd.s32 s4, s19  }
0x9c: {  	s7 =	simm.s32 $0x0;
	s20 =	sshll.u32 s5, $0x1;
	s5 =	sadd.s32 s21, s3  }
0x9d: {  	[timem:s7], [sflag:s22] =	dma.local [hbm:s5], s20  }
0x9e: {  	_ =	swait.ge [sflag:s22], s20  }
0x9f: {  	s4 =	ssub.s32 $0x0, s20;
	[sflag:s22] =	ssyncset.done $0x0  }
0xa0: {  	[sflag:s22] =	ssyncadd.s32 s4;
	_ =	sdelay $0x1  }
0xa1: {  	s23 =	simm.s32 $0x1B8B  }
0xa2: {  	_ =	swait.ge [sflag:s23], $0x1  }
0xa3: {  	[sflag:s23] =	ssyncset.done $0x0  }
0xa4: {  	s25 =	simm.s32 $0x1B8E;
	s24 =	sld [smem:$0x3FFE];
	[sflag:s23] =	ssyncadd.s32 $0xFFFFFFFF  }
0xa5: {  	s26 =	simm.s32 $execute0_lowered;
	[smem:$0x3FD2] =	sst s25  }
0xa6: {  	s5 =	sshll.u32 s26, $0x1;
	_ =	strace $0x80000049;
	[dreg:$0x1] =	wrdreg $0xFFFFFFFF  }
0xa7: {  	s28 =	simm.s32 $_size_execute0_lowered;
	s3 =	sadd.s32 s3, s5;
	[dreg:$0x0] =	wrdreg $0x0  }
0xa8: {  	s5 =	sshll.u32 s28, $0x1;
	[dreg:$0x2] =	wrdreg s3  }
0xa9: {  	[dreg:$0x3] =	wrdreg s5  }
0xaa: {  	[dreg:$0x4] =	wrdreg $0xC0  }
0xab: {  	_ =	task [dreg:s7], $0x5FFFF  }
0xac: {  	[dreg:$0x1] =	wrdreg $0xFFFFFFFF  }
0xad: {  	[dreg:$0x0] =	wrdreg $0x60  }
0xae: {  	[dreg:$0x2] =	wrdreg s2  }
0xaf: {  	[dreg:$0x3] =	wrdreg s24  }
0xb0: {  	[dreg:$0x4] =	wrdreg $0x9  }
0xb1: {  	_ =	task.clear_ibuf [dreg:s7], $0x5FFFF;
	_ =	strace $0x90000049  }
0xb2: {  	s29 =	simm.s32 $0x9;
	_ =	strace $0x8000004B  }
0xb3: {  	_ =	swait.ge [sflag:s29], $0x1  }
0xb4: {  	[sflag:s29] =	ssyncadd.s32 $0xFFFFFFFF  }
0xb5: {  	_ =	strace $0x9000004B  }
0xb6: {  	_ =	sfence  }
0xb7: {  	s30 =	sld [smem:$0x0];
	_ =	sdelay $0x2  }
0xb8: {  	s31 =	sshll.u32 s1, $0xD;
	s1 =	sshrl.u32 s1, $0x2  }
0xb9: {  	s3 =	sand.u32 $0x4000, s31;
	s1 =	sadd.s32 s1, s30  }
0xba: {  	s0 =	sor.u32 s3, s0;
	s1 =	sshll.u32 s1, $0x11  }
0xbb: {  	s0 =	sor.u32 s1, s0  }
0xbc: {  	s0 =	sadd.s32 $0x8F2B, s0  }
0xbd: {  	[sflag:s0] =	ssyncadd.remote.s32 $0x1  }
0xbe: {  	_ =	sfence.sel $0xFFFF  }
0xbf: {  	[dreg:$0x0] =	wrdreg $0xFFFFFFFF;
	(pc) =	sbr.abs _section_cstart, $3  }
0xc0: {  	[dreg:$0x1] =	wrdreg $0xFFFFFFFF  }
0xc1: {  	_ =	task.clear_ibuf [dreg:s7], $0x2FFFF;
	_ =	strace $0x9FFFFFFF  }
0xc2: {  	(tm) =	ssettm $0x7FFFFFFF  }
0xc3: {  	_ =	shalt  }
tec
execute0_lowered:
.L_overlay_start_1:
0x0: {  	(tag) =	ssettag $0x1  }
0x1: {  	s0 =	srdreg.scid;
	s3 =	rddreg [dreg:$0x0]  }
0x2: {  	s1 =	stileid.u32;
	s5 =	rddreg [dreg:$0x1];
	s2 =	simm.s32 $0x0  }
0x3: {  	s13 =	simm.s32 $0x3;
	s14 =	simm.s32 $0x2B00;
	s16 =	simm.s32 $0x2800  }
0x4: {  	s18 =	simm.s32 $0x0;
	s9 =	simm.s32 $0x4080;
	s10 =	simm.s32 $0x4C80  }
0x5: {  	s11 =	simm.s32 $0x5880;
	s12 =	simm.s32 $0x6480;
	s28 =	simm.s32 $0x7C80  }
0x6: {  	s29 =	simm.s32 $0x8080;
	s30 =	simm.s32 $0x8880;
	s31 =	simm.s32 $0x8C80  }
0x7: {  	s15 =	simm.s32 $0xA080;
	s0 =	sand.u32 $0x1, s0;
	s1 =	sshll.u32 s1, $0x1  }
0x8: {  	s17 =	simm.s32 $0xA480;
	s19 =	simm.s32 $0xAC80;
	s1 =	sor.u32 s0, s1  }
0x9: {  	[smem:$0x7FF] =	sst s2;
	s20 =	sadd.s32 $0x6600, s5;
	s4 =	smul.u32 $0x140, s1  }
0xa: {  	_ =	strace $0x8000004A;
	s0 =	ssub.s32 $0x2, s0;
	s1 =	smul.u32 $0x500, s1  }
0xb: {  	[dreg:$0x3] =	wrdreg s20;
	s21 =	sshrl.u32 s0, $0x1;
	s6 =	sshrl.u32 s4, $0x3  }
0xc: {  	s0 =	ssub.s32 s0, s21;
	s1 =	sadd.s32 s3, s1;
	s7 =	smul.u32 $0x180, s6  }
0xd: {  	s0 =	smax.u32 s0, $0x1;
	s6 =	sadd.s32 s6, s5;
	[dreg:$0x4] =	wrdreg s1  }
0xe: {  	[dreg:$0xa] =	wrdreg s0;
	s22 =	sadd.s32 $0x1600, s6;
	s8 =	sadd.s32 s7, s5  }
0xf: {  	s21 =	simm.s32 $0x4480;
	[dreg:$0x5] =	wrdreg s22;
	s23 =	sadd.s32 $0x83600, s8  }
0x10: {  	s4 =	sadd.s32 $0xB600, s5;
	s24 =	sadd.s32 $0x84500, s8;
	[dreg:$0x6] =	wrdreg s23  }
0x11: {  	s6 =	simm.s32 $0x9880;
	s25 =	sadd.s32 $0x85400, s8;
	[dreg:$0x7] =	wrdreg s24  }
0x12: {  	s7 =	sadd.s32 $0xB700, s5;
	s26 =	sadd.s32 $0x86300, s8;
	[dreg:$0x8] =	wrdreg s25  }
0x13: {  	v0 =	vimm.f32 $0.0e+00;
	s22 =	simm.s32 $0x5080;
	[dreg:$0x9] =	wrdreg s26;
	s23 =	simm.s32 $0x5C80  }
0x14: {  	v1 =	vlaneseq.u32;
	vm0 =	vmmov $0xffff;
	vm1 =	vmmov $0xff;
	s24 =	simm.s32 $0x6880;
	s25 =	simm.s32 $0x7080;
	s26 =	simm.s32 $0x7480  }
.LBB2_1:
0x15: {  	s5 =	rddreg [dreg:$0x4]  }
0x16: {  	[tilespmem:s2], [sflag:$0x3] =	stream.linear.gather [hbm4b:s5+s2], $0x2800, $0x38;
	[tilespmem:$0x11C80] =	vst v63  }
0x17: {  	_ =	swait.ge [sflag:s13], $0x2800  }
0x18: {  	[sflag:s13] =	ssyncset.done $0x0  }
0x19: {  	s3 =	simm.s32 $0x1540;
	[sflag:s13] =	ssyncadd.s32 $0xFFFFD800  }
0x1a: {  	v2 =	vld [tilespmem:s3+$0xFFFFEC00]  }
0x1b: {  	v3 =	vld [tilespmem:s3+$0xFFFFEAC0]  }
0x1c: {  	s8 =	sand.u32 $0x1F0, s2  }
0x1d: {  	v4 =	vld [tilespmem:s8+$0x280];
	_ =	sdelay $0x1  }
0x1e: {  	v5 =	vld [tilespmem:s3+$0xFFFFEE80]  }
0x1f: {  	vm2 =	vgt.s32 v3, v2  }
0x20: {  	v2 =	vsel vm2, v3, v2;
	v3 =	vld [tilespmem:s8+$0x500]  }
0x21: {  	vm2 =	vgt.s32 v2, v4  }
0x22: {  	v2 =	vsel vm2, v2, v4;
	v4 =	vld [tilespmem:s3+$0xFFFFF100]  }
0x23: {  	vm2 =	vgt.s32 v2, v5  }
0x24: {  	v2 =	vsel vm2, v2, v5;
	v5 =	vld [tilespmem:s8+$0x780]  }
0x25: {  	vm2 =	vgt.s32 v2, v3  }
0x26: {  	v2 =	vsel vm2, v2, v3;
	v3 =	vld [tilespmem:s3+$0xFFFFF380]  }
0x27: {  	vm2 =	vgt.s32 v2, v4  }
0x28: {  	v2 =	vsel vm2, v2, v4;
	v4 =	vld [tilespmem:s8+$0xA00]  }
0x29: {  	vm2 =	vgt.s32 v2, v5  }
0x2a: {  	v2 =	vsel vm2, v2, v5;
	v5 =	vld [tilespmem:s3+$0xFFFFF600]  }
0x2b: {  	vm2 =	vgt.s32 v2, v3  }
0x2c: {  	v2 =	vsel vm2, v2, v3;
	v3 =	vld [tilespmem:s8+$0xC80]  }
0x2d: {  	vm2 =	vgt.s32 v2, v4  }
0x2e: {  	v2 =	vsel vm2, v2, v4;
	v4 =	vld [tilespmem:s3+$0xFFFFF880]  }
0x2f: {  	vm2 =	vgt.s32 v2, v5  }
0x30: {  	v2 =	vsel vm2, v2, v5;
	v5 =	vld [tilespmem:s8+$0xF00]  }
0x31: {  	vm2 =	vgt.s32 v2, v3  }
0x32: {  	v2 =	vsel vm2, v2, v3;
	v3 =	vld [tilespmem:s3+$0xFFFFFB00]  }
0x33: {  	vm2 =	vgt.s32 v2, v4  }
0x34: {  	v2 =	vsel vm2, v2, v4;
	v4 =	vld [tilespmem:s8+$0x1180]  }
0x35: {  	vm2 =	vgt.s32 v2, v5  }
0x36: {  	v2 =	vsel vm2, v2, v5;
	v5 =	vld [tilespmem:s3+$0xFFFFFD80]  }
0x37: {  	vm2 =	vgt.s32 v2, v3  }
0x38: {  	v2 =	vsel vm2, v2, v3;
	v3 =	vld [tilespmem:s8+$0x1400]  }
0x39: {  	vm2 =	vgt.s32 v2, v4  }
0x3a: {  	v2 =	vsel vm2, v2, v4;
	v4 =	vld [tilespmem:s3+$0x0]  }
0x3b: {  	vm2 =	vgt.s32 v2, v5  }
0x3c: {  	v2 =	vsel vm2, v2, v5;
	v5 =	vld [tilespmem:s8+$0x1680]  }
0x3d: {  	vm2 =	vgt.s32 v2, v3  }
0x3e: {  	v2 =	vsel vm2, v2, v3;
	v3 =	vld [tilespmem:s3+$0x280]  }
0x3f: {  	vm2 =	vgt.s32 v2, v4  }
0x40: {  	v2 =	vsel vm2, v2, v4;
	v4 =	vld [tilespmem:s8+$0x1900]  }
0x41: {  	vm2 =	vgt.s32 v2, v5  }
0x42: {  	v2 =	vsel vm2, v2, v5;
	v5 =	vld [tilespmem:s3+$0x500]  }
0x43: {  	vm2 =	vgt.s32 v2, v3  }
0x44: {  	v2 =	vsel vm2, v2, v3;
	v3 =	vld [tilespmem:s8+$0x1B80]  }
0x45: {  	vm2 =	vgt.s32 v2, v4  }
0x46: {  	v2 =	vsel vm2, v2, v4;
	v4 =	vld [tilespmem:s3+$0x780]  }
0x47: {  	vm2 =	vgt.s32 v2, v5  }
0x48: {  	v2 =	vsel vm2, v2, v5;
	v5 =	vld [tilespmem:s8+$0x1E00]  }
0x49: {  	vm2 =	vgt.s32 v2, v3  }
0x4a: {  	v2 =	vsel vm2, v2, v3;
	v3 =	vld [tilespmem:s3+$0xA00]  }
0x4b: {  	vm2 =	vgt.s32 v2, v4  }
0x4c: {  	v2 =	vsel vm2, v2, v4;
	v4 =	vld [tilespmem:s8+$0x2080]  }
0x4d: {  	vm2 =	vgt.s32 v2, v5  }
0x4e: {  	v2 =	vsel vm2, v2, v5;
	v5 =	vld [tilespmem:s3+$0xC80]  }
0x4f: {  	vm2 =	vgt.s32 v2, v3  }
0x50: {  	v2 =	vsel vm2, v2, v3;
	v3 =	vld [tilespmem:s8+$0x2300]  }
0x51: {  	vm2 =	vgt.s32 v2, v4  }
0x52: {  	v2 =	vsel vm2, v2, v4;
	v4 =	vld [tilespmem:s3+$0xF00]  }
0x53: {  	vm2 =	vgt.s32 v2, v5  }
0x54: {  	v2 =	vsel vm2, v2, v5;
	v5 =	vld [tilespmem:s8+$0x2580]  }
0x55: {  	vm2 =	vgt.s32 v2, v3  }
0x56: {  	v2 =	vsel vm2, v2, v3;
	v3 =	vld [tilespmem:s3+$0x1180]  }
0x57: {  	vm2 =	vgt.s32 v2, v4  }
0x58: {  	v2 =	vsel vm2, v2, v4  }
0x59: {  	vm2 =	vgt.s32 v2, v5  }
0x5a: {  	v2 =	vsel vm2, v2, v5  }
0x5b: {  	vm2 =	vgt.s32 v2, v3  }
0x5c: {  	v2 =	vsel vm2, v2, v3  }
0x5d: {  	vm2 =	vgt.s32 v2, $0x0  }
0x5e: {  	vm3 =	vgt.s32 v2, $0xFFFFFFFF;
	v2 =	vnsel vm2, $0x0, v2  }
0x5f: {  	[tilespmem:s16+$0x0] =	vst v2;
	v2 =	vsel vm3, $0x3F800000, v0  }
0x60: {  	s5 =	simm.s32 $0x1550;
	[tilespmem:s14+$0x0] =	vst v2  }
0x61: {  	s20 =	simm.s32 $0x10;
	v2 =	vld [tilespmem:s5+$0xFFFFEC00]  }
0x62: {  	s8 =	sand.u32 $0x1F0, s20;
	v3 =	vld [tilespmem:s5+$0xFFFFEAC0]  }
0x63: {  	s20 =	simm.s32 $0x20;
	s16 =	simm.s32 $0x2800;
	s14 =	simm.s32 $0x2B00  }
.LBB2_2:
0x64: {  	p0 =	sne.s32 s20, $0x130;
	v4 =	vld [tilespmem:s8+$0x280];
	_ =	sdelay $0x1  }
0x65: {  	v5 =	vld [tilespmem:s5+$0xFFFFEE80]  }
0x66: {  	vm2 =	vgt.s32 v3, v2  }
0x67: {  	v2 =	vsel vm2, v3, v2;
	v3 =	vld [tilespmem:s8+$0x500]  }
0x68: {  	vm2 =	vgt.s32 v2, v4  }
0x69: {  	v2 =	vsel vm2, v2, v4;
	v4 =	vld [tilespmem:s5+$0xFFFFF100]  }
0x6a: {  	vm2 =	vgt.s32 v2, v5  }
0x6b: {  	v2 =	vsel vm2, v2, v5;
	v5 =	vld [tilespmem:s8+$0x780]  }
0x6c: {  	vm2 =	vgt.s32 v2, v3  }
0x6d: {  	v2 =	vsel vm2, v2, v3;
	v3 =	vld [tilespmem:s5+$0xFFFFF380]  }
0x6e: {  	vm2 =	vgt.s32 v2, v4  }
0x6f: {  	v2 =	vsel vm2, v2, v4;
	v4 =	vld [tilespmem:s8+$0xA00]  }
0x70: {  	vm2 =	vgt.s32 v2, v5  }
0x71: {  	v2 =	vsel vm2, v2, v5;
	v5 =	vld [tilespmem:s5+$0xFFFFF600]  }
0x72: {  	vm2 =	vgt.s32 v2, v3  }
0x73: {  	v2 =	vsel vm2, v2, v3;
	v3 =	vld [tilespmem:s8+$0xC80]  }
0x74: {  	vm2 =	vgt.s32 v2, v4  }
0x75: {  	v2 =	vsel vm2, v2, v4;
	v4 =	vld [tilespmem:s5+$0xFFFFF880]  }
0x76: {  	vm2 =	vgt.s32 v2, v5  }
0x77: {  	v2 =	vsel vm2, v2, v5;
	v5 =	vld [tilespmem:s8+$0xF00]  }
0x78: {  	vm2 =	vgt.s32 v2, v3  }
0x79: {  	v2 =	vsel vm2, v2, v3;
	v3 =	vld [tilespmem:s5+$0xFFFFFB00]  }
0x7a: {  	vm2 =	vgt.s32 v2, v4  }
0x7b: {  	v2 =	vsel vm2, v2, v4;
	v4 =	vld [tilespmem:s8+$0x1180]  }
0x7c: {  	vm2 =	vgt.s32 v2, v5  }
0x7d: {  	v2 =	vsel vm2, v2, v5;
	v5 =	vld [tilespmem:s5+$0xFFFFFD80]  }
0x7e: {  	vm2 =	vgt.s32 v2, v3  }
0x7f: {  	v2 =	vsel vm2, v2, v3;
	v3 =	vld [tilespmem:s8+$0x1400]  }
0x80: {  	vm2 =	vgt.s32 v2, v4  }
0x81: {  	v2 =	vsel vm2, v2, v4;
	v4 =	vld [tilespmem:s5+$0x0]  }
0x82: {  	vm2 =	vgt.s32 v2, v5  }
0x83: {  	v2 =	vsel vm2, v2, v5;
	v5 =	vld [tilespmem:s8+$0x1680]  }
0x84: {  	vm2 =	vgt.s32 v2, v3  }
0x85: {  	v2 =	vsel vm2, v2, v3;
	v3 =	vld [tilespmem:s5+$0x280]  }
0x86: {  	vm2 =	vgt.s32 v2, v4  }
0x87: {  	v2 =	vsel vm2, v2, v4;
	v4 =	vld [tilespmem:s8+$0x1900]  }
0x88: {  	vm2 =	vgt.s32 v2, v5  }
0x89: {  	v2 =	vsel vm2, v2, v5;
	v5 =	vld [tilespmem:s5+$0x500]  }
0x8a: {  	vm2 =	vgt.s32 v2, v3  }
0x8b: {  	v2 =	vsel vm2, v2, v3;
	v3 =	vld [tilespmem:s8+$0x1B80]  }
0x8c: {  	vm2 =	vgt.s32 v2, v4  }
0x8d: {  	v2 =	vsel vm2, v2, v4;
	v4 =	vld [tilespmem:s5+$0x780]  }
0x8e: {  	vm2 =	vgt.s32 v2, v5  }
0x8f: {  	v2 =	vsel vm2, v2, v5;
	v5 =	vld [tilespmem:s8+$0x1E00]  }
0x90: {  	vm2 =	vgt.s32 v2, v3  }
0x91: {  	v2 =	vsel vm2, v2, v3;
	v3 =	vld [tilespmem:s5+$0xA00]  }
0x92: {  	vm2 =	vgt.s32 v2, v4  }
0x93: {  	v2 =	vsel vm2, v2, v4;
	v4 =	vld [tilespmem:s8+$0x2080]  }
0x94: {  	vm2 =	vgt.s32 v2, v5  }
0x95: {  	v2 =	vsel vm2, v2, v5;
	v5 =	vld [tilespmem:s5+$0xC80]  }
0x96: {  	vm2 =	vgt.s32 v2, v3  }
0x97: {  	v2 =	vsel vm2, v2, v3;
	v3 =	vld [tilespmem:s8+$0x2300]  }
0x98: {  	vm2 =	vgt.s32 v2, v4  }
0x99: {  	v2 =	vsel vm2, v2, v4;
	v4 =	vld [tilespmem:s5+$0xF00]  }
0x9a: {  	vm2 =	vgt.s32 v2, v5  }
0x9b: {  	v2 =	vsel vm2, v2, v5;
	v5 =	vld [tilespmem:s8+$0x2580]  }
0x9c: {  	vm2 =	vgt.s32 v2, v3  }
0x9d: {  	v2 =	vsel vm2, v2, v3;
	v3 =	vld [tilespmem:s5+$0x1180]  }
0x9e: {  	vm2 =	vgt.s32 v2, v4  }
0x9f: {  	v2 =	vsel vm2, v2, v4  }
0xa0: {  	vm2 =	vgt.s32 v2, v5  }
0xa1: {  	v2 =	vsel vm2, v2, v5  }
0xa2: {  	vm2 =	vgt.s32 v2, v3  }
0xa3: {  	v2 =	vsel vm2, v2, v3  }
0xa4: {  	vm2 =	vgt.s32 v2, $0x0;
	vm3 =	vgt.s32 v2, $0xFFFFFFFF  }
0xa5: {  	s16 =	sadd.s32 $0x10, s16;
	v2 =	vnsel vm2, $0x0, v2  }
.Ltmp0:
0xa6: {  	s14 =	sadd.s32 $0x10, s14;
	[tilespmem:s16+$0x0] =	vst v2;
	v2 =	vsel vm3, $0x3F800000, v0;
	(pc) =	sbr.rel @p0 .LBB2_2-.Ltmp0, $4  }
0xa7: {  	s5 =	sadd.s32 $0x10, s5;
	[tilespmem:s14+$0x0] =	vst v2  }
0xa8: {  	v2 =	vld [tilespmem:s5+$0xFFFFEC00]  }
0xa9: {  	v3 =	vld [tilespmem:s5+$0xFFFFEAC0]  }
0xaa: {  	s8 =	sand.u32 $0x1F0, s20;
	s20 =	sadd.s32 $0x10, s20  }
0xab: {  	v4 =	vld [tilespmem:s8+$0x280];
	_ =	sdelay $0x1  }
0xac: {  	v5 =	vld [tilespmem:s5+$0xFFFFEE80]  }
0xad: {  	vm2 =	vgt.s32 v3, v2  }
0xae: {  	v2 =	vsel vm2, v3, v2;
	v3 =	vld [tilespmem:s8+$0x500]  }
0xaf: {  	vm2 =	vgt.s32 v2, v4  }
0xb0: {  	v21 =	vld [tilespmem:s5+$0xFFFFF100];
	v2 =	vsel vm2, v2, v4  }
0xb1: {  	vm2 =	vgt.s32 v2, v5  }
0xb2: {  	v22 =	vld [tilespmem:s8+$0x780];
	v2 =	vsel vm2, v2, v5  }
0xb3: {  	vm2 =	vgt.s32 v2, v3  }
0xb4: {  	v2 =	vsel vm2, v2, v3;
	v3 =	vld [tilespmem:s5+$0xFFFFF380]  }
0xb5: {  	vm2 =	vgt.s32 v2, v21  }
0xb6: {  	v23 =	vld [tilespmem:s8+$0xA00];
	v2 =	vsel vm2, v2, v21  }
0xb7: {  	vm2 =	vgt.s32 v2, v22  }
0xb8: {  	v24 =	vld [tilespmem:s5+$0xFFFFF600];
	v2 =	vsel vm2, v2, v22  }
0xb9: {  	vm2 =	vgt.s32 v2, v3  }
0xba: {  	v2 =	vsel vm2, v2, v3;
	v3 =	vld [tilespmem:s8+$0xC80]  }
0xbb: {  	vm2 =	vgt.s32 v2, v23  }
0xbc: {  	v25 =	vld [tilespmem:s5+$0xFFFFF880];
	v2 =	vsel vm2, v2, v23  }
0xbd: {  	vm2 =	vgt.s32 v2, v24  }
0xbe: {  	v26 =	vld [tilespmem:s8+$0xF00];
	v2 =	vsel vm2, v2, v24  }
0xbf: {  	vm2 =	vgt.s32 v2, v3  }
0xc0: {  	v2 =	vsel vm2, v2, v3;
	v3 =	vld [tilespmem:s5+$0xFFFFFB00]  }
0xc1: {  	vm2 =	vgt.s32 v2, v25  }
0xc2: {  	v27 =	vld [tilespmem:s8+$0x1180];
	v2 =	vsel vm2, v2, v25  }
0xc3: {  	vm2 =	vgt.s32 v2, v26  }
0xc4: {  	v28 =	vld [tilespmem:s5+$0xFFFFFD80];
	v2 =	vsel vm2, v2, v26  }
0xc5: {  	vm2 =	vgt.s32 v2, v3  }
0xc6: {  	v2 =	vsel vm2, v2, v3;
	v3 =	vld [tilespmem:s8+$0x1400]  }
0xc7: {  	vm2 =	vgt.s32 v2, v27  }
0xc8: {  	v29 =	vld [tilespmem:s5+$0x0];
	v2 =	vsel vm2, v2, v27  }
0xc9: {  	vm2 =	vgt.s32 v2, v28  }
0xca: {  	v30 =	vld [tilespmem:s8+$0x1680];
	v2 =	vsel vm2, v2, v28  }
0xcb: {  	vm2 =	vgt.s32 v2, v3  }
0xcc: {  	v2 =	vsel vm2, v2, v3;
	v3 =	vld [tilespmem:s5+$0x280]  }
0xcd: {  	vm2 =	vgt.s32 v2, v29  }
0xce: {  	v31 =	vld [tilespmem:s8+$0x1900];
	v2 =	vsel vm2, v2, v29  }
0xcf: {  	vm2 =	vgt.s32 v2, v30  }
0xd0: {  	v32 =	vld [tilespmem:s5+$0x500];
	v2 =	vsel vm2, v2, v30  }
0xd1: {  	vm2 =	vgt.s32 v2, v3  }
0xd2: {  	v2 =	vsel vm2, v2, v3;
	v3 =	vld [tilespmem:s8+$0x1B80]  }
0xd3: {  	vm2 =	vgt.s32 v2, v31  }
0xd4: {  	v33 =	vld [tilespmem:s5+$0x780];
	v2 =	vsel vm2, v2, v31  }
0xd5: {  	vm2 =	vgt.s32 v2, v32  }
0xd6: {  	v34 =	vld [tilespmem:s8+$0x1E00];
	v2 =	vsel vm2, v2, v32  }
0xd7: {  	vm2 =	vgt.s32 v2, v3  }
0xd8: {  	v2 =	vsel vm2, v2, v3;
	v3 =	vld [tilespmem:s5+$0xA00]  }
0xd9: {  	vm2 =	vgt.s32 v2, v33  }
0xda: {  	v35 =	vld [tilespmem:s8+$0x2080];
	v2 =	vsel vm2, v2, v33  }
0xdb: {  	vm2 =	vgt.s32 v2, v34  }
0xdc: {  	v36 =	vld [tilespmem:s5+$0xC80];
	v2 =	vsel vm2, v2, v34  }
0xdd: {  	vm2 =	vgt.s32 v2, v3  }
0xde: {  	v2 =	vsel vm2, v2, v3;
	v3 =	vld [tilespmem:s8+$0x2300]  }
0xdf: {  	vm2 =	vgt.s32 v2, v35  }
0xe0: {  	v37 =	vld [tilespmem:s5+$0xF00];
	v2 =	vsel vm2, v2, v35  }
0xe1: {  	vm2 =	vgt.s32 v2, v36  }
0xe2: {  	v6 =	vld [tilespmem:s8+$0x2580];
	v2 =	vsel vm2, v2, v36  }
0xe3: {  	vm2 =	vgt.s32 v2, v3  }
0xe4: {  	v38 =	vld [tilespmem:s5+$0x1180];
	v2 =	vsel vm2, v2, v3  }
0xe5: {  	vm2 =	vgt.s32 v2, v37  }
0xe6: {  	v2 =	vsel vm2, v2, v37  }
0xe7: {  	vm2 =	vgt.s32 v2, v6  }
0xe8: {  	v2 =	vsel vm2, v2, v6  }
0xe9: {  	vm2 =	vgt.s32 v2, v38  }
0xea: {  	v2 =	vsel vm2, v2, v38  }
0xeb: {  	vm2 =	vgt.s32 v2, $0x0  }
0xec: {  	s16 =	sadd.s32 $0x10, s16;
	vm3 =	vgt.s32 v2, $0xFFFFFFFF;
	v2 =	vnsel vm2, $0x0, v2  }
0xed: {  	s20 =	sadd.s32 $0x10, s14;
	[tilespmem:s16+$0x0] =	vst v2;
	v2 =	vsel vm3, $0x3F800000, v0  }
0xee: {  	s0 =	rddreg [dreg:$0x5];
	s14 =	simm.s32 $0x2B00;
	[tilespmem:s20+$0x0] =	vst v2  }
0xef: {  	[hbm4b:s0+s2] =	stream.linear.scatter [tilespmem:s14], [sflag:$0x3], $0x140, $0x38;
	[tilespmem:$0x11C80] =	vst v63  }
0xf0: {  	s3 =	simm.s32 $0x140;
	_ =	swait.ge [sflag:s13], $0x140  }
0xf1: {  	s16 =	simm.s32 $0x2800;
	s20 =	simm.s32 $0x2980;
	[sflag:s13] =	ssyncset.done $0x0  }
0xf2: {  	s0 =	simm.s32 $0x1;
	s1 =	rddreg [dreg:$0x3];
	[sflag:s13] =	ssyncadd.s32 $0xFFFFFEC0  }
0xf3: {  	[tilespmem:s20], [sflag:$0x1] =	stream.indirect.gather [hbm4b:s1+s3], $0x1, s16, s3, $0xb8;
	[tilespmem:$0x11C80] =	vst v63  }
0xf4: {  	_ =	swait.ge [sflag:s0], $0x140  }
0xf5: {  	[sflag:s0] =	ssyncset.done $0x0  }
0xf6: {  	[sflag:s0] =	ssyncadd.s32 $0xFFFFFEC0  }
0xf7: {  	v2 =	vld [tilespmem:$0x2980];
	_ =	sdelay $0x4  }
0xf8: {  	v3 =	vshrl.u32 v2, $0x3  }
0xf9: {  	v3 =	vmul.u32 $0x18, v3  }
0xfa: {  	v2 =	vand.u32 $0x7, v2  }
0xfb: {  	v39 =	vor.u32 v2, v3;
	v2 =	vand.u32 $0x7, v1;
	v3 =	vshrl.u32 v1, $0x3  }
0xfc: {  	v40 =	vperm.xlane v39, v2;
	v3 =	vmul.u32 $0x8, v3;
	_ =	sdelay $0x1  }
0xfd: {  	v41 =	vadd.s32 v3, v40  }
0xfe: {  	v42 =	vor.u32 $0x8, v1  }
0xff: {  	v5 =	vperm.xlane v39, v42;
	_ =	sdelay $0x1  }
0x100: {  	s1 =	simm.s32 $0x2C80;
	v5 =	vadd.s32 v3, v5  }
0x101: {  	[tilespmem:s1], [sflag:$0x1] =	stream.indirect_vreg.gather [hbm4b:s4+s2], $0x80, v41, vm0, $0xb8;
	[tilespmem:$0x11C80] =	vst v63  }
0x102: {  	s8 =	simm.s32 $0x3480  }
0x103: {  	[tilespmem:s8], [sflag:$0x1] =	stream.indirect_vreg.gather [hbm4b:s7+s2], $0x80, v41, vm1, $0xb8;
	[tilespmem:$0x11C80] =	vst v63  }
0x104: {  	s20 =	simm.s32 $0x3880  }
0x105: {  	[tilespmem:s20], [sflag:$0x1] =	stream.indirect_vreg.gather [hbm4b:s4+s2], $0x80, v5, vm0, $0xb8;
	[tilespmem:$0x11C80] =	vst v63  }
0x106: {  	_ = 	snop  }
0x107: {  	[tilespmem:s9], [sflag:$0x1] =	stream.indirect_vreg.gather [hbm4b:s7+s2], $0x80, v5, vm1, $0xb8;
	[tilespmem:$0x11C80] =	vst v63  }
0x108: {  	v5 =	vld [tilespmem:$0x2990];
	_ =	sdelay $0x4  }
0x109: {  	v43 =	vshrl.u32 v5, $0x3  }
0x10a: {  	v6 =	vmul.u32 $0x18, v43  }
0x10b: {  	v5 =	vand.u32 $0x7, v5  }
0x10c: {  	v5 =	vor.u32 v5, v6  }
0x10d: {  	v6 =	vperm.xlane v5, v2;
	_ =	sdelay $0x1  }
0x10e: {  	v6 =	vadd.s32 v3, v6;
	_ =	sdelay $0x1  }
0x10f: {  	v5 =	vperm.xlane v5, v42;
	_ =	sdelay $0x1  }
0x110: {  	v5 =	vadd.s32 v3, v5  }
0x111: {  	[tilespmem:s21], [sflag:$0x1] =	stream.indirect_vreg.gather [hbm4b:s4+s2], $0x80, v6, vm0, $0xb8;
	[tilespmem:$0x11C80] =	vst v63  }
0x112: {  	_ = 	snop  }
0x113: {  	[tilespmem:s10], [sflag:$0x1] =	stream.indirect_vreg.gather [hbm4b:s7+s2], $0x80, v6, vm1, $0xb8;
	[tilespmem:$0x11C80] =	vst v63  }
0x114: {  	_ = 	snop  }
0x115: {  	[tilespmem:s22], [sflag:$0x1] =	stream.indirect_vreg.gather [hbm4b:s4+s2], $0x80, v5, vm0, $0xb8;
	[tilespmem:$0x11C80] =	vst v63  }
0x116: {  	_ = 	snop  }
0x117: {  	[tilespmem:s11], [sflag:$0x1] =	stream.indirect_vreg.gather [hbm4b:s7+s2], $0x80, v5, vm1, $0xb8;
	[tilespmem:$0x11C80] =	vst v63  }
0x118: {  	v5 =	vld [tilespmem:$0x29A0];
	_ =	sdelay $0x4  }
0x119: {  	v44 =	vshrl.u32 v5, $0x3  }
0x11a: {  	v6 =	vmul.u32 $0x18, v44  }
0x11b: {  	v5 =	vand.u32 $0x7, v5  }
0x11c: {  	v5 =	vor.u32 v5, v6  }
0x11d: {  	v6 =	vperm.xlane v5, v2;
	_ =	sdelay $0x1  }
0x11e: {  	v6 =	vadd.s32 v3, v6;
	_ =	sdelay $0x1  }
0x11f: {  	v5 =	vperm.xlane v5, v42;
	_ =	sdelay $0x1  }
0x120: {  	v5 =	vadd.s32 v3, v5  }
0x121: {  	[tilespmem:s23], [sflag:$0x1] =	stream.indirect_vreg.gather [hbm4b:s4+s2], $0x80, v6, vm0, $0xb8;
	[tilespmem:$0x11C80] =	vst v63  }
0x122: {  	_ = 	snop  }
0x123: {  	[tilespmem:s12], [sflag:$0x1] =	stream.indirect_vreg.gather [hbm4b:s7+s2], $0x80, v6, vm1, $0xb8;
	[tilespmem:$0x11C80] =	vst v63  }
0x124: {  	_ = 	snop  }
0x125: {  	[tilespmem:s24], [sflag:$0x1] =	stream.indirect_vreg.gather [hbm4b:s4+s2], $0x80, v5, vm0, $0xb8;
	[tilespmem:$0x11C80] =	vst v63  }
0x126: {  	_ = 	snop  }
0x127: {  	[tilespmem:s25], [sflag:$0x1] =	stream.indirect_vreg.gather [hbm4b:s7+s2], $0x80, v5, vm1, $0xb8;
	[tilespmem:$0x11C80] =	vst v63  }
0x128: {  	v5 =	vld [tilespmem:$0x29B0];
	_ =	sdelay $0x4  }
0x129: {  	v45 =	vshrl.u32 v5, $0x3  }
0x12a: {  	v6 =	vmul.u32 $0x18, v45  }
0x12b: {  	v5 =	vand.u32 $0x7, v5  }
0x12c: {  	v5 =	vor.u32 v5, v6  }
0x12d: {  	v6 =	vperm.xlane v5, v2;
	_ =	sdelay $0x1  }
0x12e: {  	v6 =	vadd.s32 v3, v6;
	_ =	sdelay $0x1  }
0x12f: {  	v5 =	vperm.xlane v5, v42;
	_ =	sdelay $0x1  }
0x130: {  	v5 =	vadd.s32 v3, v5  }
0x131: {  	[tilespmem:s26], [sflag:$0x1] =	stream.indirect_vreg.gather [hbm4b:s4+s2], $0x80, v6, vm0, $0xb8;
	[tilespmem:$0x11C80] =	vst v63  }
0x132: {  	_ = 	snop  }
0x133: {  	[tilespmem:s28], [sflag:$0x1] =	stream.indirect_vreg.gather [hbm4b:s7+s2], $0x80, v6, vm1, $0xb8;
	[tilespmem:$0x11C80] =	vst v63  }
0x134: {  	_ = 	snop  }
0x135: {  	[tilespmem:s29], [sflag:$0x1] =	stream.indirect_vreg.gather [hbm4b:s4+s2], $0x80, v5, vm0, $0xb8;
	[tilespmem:$0x11C80] =	vst v63  }
0x136: {  	_ = 	snop  }
0x137: {  	[tilespmem:s30], [sflag:$0x1] =	stream.indirect_vreg.gather [hbm4b:s7+s2], $0x80, v5, vm1, $0xb8;
	[tilespmem:$0x11C80] =	vst v63  }
0x138: {  	v5 =	vld [tilespmem:$0x29C0];
	_ =	sdelay $0x4  }
0x139: {  	v46 =	vshrl.u32 v5, $0x3  }
0x13a: {  	v6 =	vmul.u32 $0x18, v46  }
0x13b: {  	v5 =	vand.u32 $0x7, v5  }
0x13c: {  	v5 =	vor.u32 v5, v6  }
0x13d: {  	v6 =	vperm.xlane v5, v2;
	_ =	sdelay $0x1  }
0x13e: {  	v6 =	vadd.s32 v3, v6;
	_ =	sdelay $0x1  }
0x13f: {  	v5 =	vperm.xlane v5, v42;
	_ =	sdelay $0x1  }
0x140: {  	v5 =	vadd.s32 v3, v5  }
0x141: {  	[tilespmem:s31], [sflag:$0x1] =	stream.indirect_vreg.gather [hbm4b:s4+s2], $0x80, v6, vm0, $0xb8;
	[tilespmem:$0x11C80] =	vst v63  }
0x142: {  	s1 =	simm.s32 $0x9480  }
0x143: {  	[tilespmem:s1], [sflag:$0x1] =	stream.indirect_vreg.gather [hbm4b:s7+s2], $0x80, v6, vm1, $0xb8;
	[tilespmem:$0x11C80] =	vst v63  }
0x144: {  	_ = 	snop  }
0x145: {  	[tilespmem:s6], [sflag:$0x1] =	stream.indirect_vreg.gather [hbm4b:s4+s2], $0x80, v5, vm0, $0xb8;
	[tilespmem:$0x11C80] =	vst v63  }
0x146: {  	_ = 	snop  }
0x147: {  	[tilespmem:s15], [sflag:$0x1] =	stream.indirect_vreg.gather [hbm4b:s7+s2], $0x80, v5, vm1, $0xb8;
	[tilespmem:$0x11C80] =	vst v63  }
0x148: {  	v5 =	vld [tilespmem:$0x29D0];
	_ =	sdelay $0x4  }
0x149: {  	v47 =	vshrl.u32 v5, $0x3  }
0x14a: {  	v6 =	vmul.u32 $0x18, v47  }
0x14b: {  	v5 =	vand.u32 $0x7, v5  }
0x14c: {  	v5 =	vor.u32 v5, v6  }
0x14d: {  	v6 =	vperm.xlane v5, v2;
	_ =	sdelay $0x1  }
0x14e: {  	v6 =	vadd.s32 v3, v6;
	_ =	sdelay $0x1  }
0x14f: {  	v5 =	vperm.xlane v5, v42;
	_ =	sdelay $0x1  }
0x150: {  	v5 =	vadd.s32 v3, v5  }
0x151: {  	[tilespmem:s17], [sflag:$0x2] =	stream.indirect_vreg.gather [hbm4b:s4+s2], $0x80, v6, vm0, $0xb8;
	[tilespmem:$0x11C80] =	vst v63  }
0x152: {  	_ = 	snop  }
0x153: {  	[tilespmem:s19], [sflag:$0x2] =	stream.indirect_vreg.gather [hbm4b:s7+s2], $0x80, v6, vm1, $0xb8;
	[tilespmem:$0x11C80] =	vst v63  }
0x154: {  	s3 =	simm.s32 $0xB080  }
0x155: {  	[tilespmem:s3], [sflag:$0x2] =	stream.indirect_vreg.gather [hbm4b:s4+s2], $0x80, v5, vm0, $0xb8;
	[tilespmem:$0x11C80] =	vst v63  }
0x156: {  	s5 =	simm.s32 $0xB880  }
0x157: {  	[tilespmem:s5], [sflag:$0x2] =	stream.indirect_vreg.gather [hbm4b:s7+s2], $0x80, v5, vm1, $0xb8;
	[tilespmem:$0x11C80] =	vst v63  }
0x158: {  	v5 =	vld [tilespmem:$0x29E0];
	_ =	sdelay $0x4  }
0x159: {  	v48 =	vshrl.u32 v5, $0x3  }
0x15a: {  	v6 =	vmul.u32 $0x18, v48  }
0x15b: {  	v5 =	vand.u32 $0x7, v5  }
0x15c: {  	v5 =	vor.u32 v5, v6  }
0x15d: {  	v6 =	vperm.xlane v5, v2;
	_ =	sdelay $0x1  }
0x15e: {  	v6 =	vadd.s32 v3, v6;
	_ =	sdelay $0x1  }
0x15f: {  	v5 =	vperm.xlane v5, v42;
	_ =	sdelay $0x1  }
0x160: {  	s5 =	simm.s32 $0xBC80;
	v5 =	vadd.s32 v3, v5  }
0x161: {  	[tilespmem:s5], [sflag:$0x2] =	stream.indirect_vreg.gather [hbm4b:s4+s2], $0x80, v6, vm0, $0xb8;
	[tilespmem:$0x11C80] =	vst v63  }
0x162: {  	s5 =	simm.s32 $0xC480  }
0x163: {  	[tilespmem:s5], [sflag:$0x2] =	stream.indirect_vreg.gather [hbm4b:s7+s2], $0x80, v6, vm1, $0xb8;
	[tilespmem:$0x11C80] =	vst v63  }
0x164: {  	s5 =	simm.s32 $0xC880  }
0x165: {  	[tilespmem:s5], [sflag:$0x2] =	stream.indirect_vreg.gather [hbm4b:s4+s2], $0x80, v5, vm0, $0xb8;
	[tilespmem:$0x11C80] =	vst v63  }
0x166: {  	s5 =	simm.s32 $0xD080  }
0x167: {  	[tilespmem:s5], [sflag:$0x2] =	stream.indirect_vreg.gather [hbm4b:s7+s2], $0x80, v5, vm1, $0xb8;
	[tilespmem:$0x11C80] =	vst v63  }
0x168: {  	v5 =	vld [tilespmem:$0x29F0];
	_ =	sdelay $0x4  }
0x169: {  	v49 =	vshrl.u32 v5, $0x3  }
0x16a: {  	v6 =	vmul.u32 $0x18, v49  }
0x16b: {  	v5 =	vand.u32 $0x7, v5  }
0x16c: {  	v5 =	vor.u32 v5, v6  }
0x16d: {  	v6 =	vperm.xlane v5, v2;
	_ =	sdelay $0x1  }
0x16e: {  	v6 =	vadd.s32 v3, v6;
	_ =	sdelay $0x1  }
0x16f: {  	v5 =	vperm.xlane v5, v42;
	_ =	sdelay $0x1  }
0x170: {  	s5 =	simm.s32 $0xD480;
	v5 =	vadd.s32 v3, v5  }
0x171: {  	[tilespmem:s5], [sflag:$0x2] =	stream.indirect_vreg.gather [hbm4b:s4+s2], $0x80, v6, vm0, $0xb8;
	[tilespmem:$0x11C80] =	vst v63  }
0x172: {  	s5 =	simm.s32 $0xDC80  }
0x173: {  	[tilespmem:s5], [sflag:$0x2] =	stream.indirect_vreg.gather [hbm4b:s7+s2], $0x80, v6, vm1, $0xb8;
	[tilespmem:$0x11C80] =	vst v63  }
0x174: {  	s5 =	simm.s32 $0xE080  }
0x175: {  	[tilespmem:s5], [sflag:$0x2] =	stream.indirect_vreg.gather [hbm4b:s4+s2], $0x80, v5, vm0, $0xb8;
	[tilespmem:$0x11C80] =	vst v63  }
0x176: {  	s5 =	simm.s32 $0xE880  }
0x177: {  	[tilespmem:s5], [sflag:$0x2] =	stream.indirect_vreg.gather [hbm4b:s7+s2], $0x80, v5, vm1, $0xb8;
	[tilespmem:$0x11C80] =	vst v63  }
0x178: {  	v5 =	vld [tilespmem:$0x2A00];
	_ =	sdelay $0x4  }
0x179: {  	v50 =	vshrl.u32 v5, $0x3  }
0x17a: {  	v6 =	vmul.u32 $0x18, v50  }
0x17b: {  	v5 =	vand.u32 $0x7, v5  }
0x17c: {  	v5 =	vor.u32 v5, v6  }
0x17d: {  	v6 =	vperm.xlane v5, v2;
	_ =	sdelay $0x1  }
0x17e: {  	v6 =	vadd.s32 v3, v6;
	_ =	sdelay $0x1  }
0x17f: {  	v5 =	vperm.xlane v5, v42;
	_ =	sdelay $0x1  }
0x180: {  	s5 =	simm.s32 $0xEC80;
	v5 =	vadd.s32 v3, v5  }
0x181: {  	[tilespmem:s5], [sflag:$0x2] =	stream.indirect_vreg.gather [hbm4b:s4+s2], $0x80, v6, vm0, $0xb8;
	[tilespmem:$0x11C80] =	vst v63  }
0x182: {  	s5 =	simm.s32 $0xF480  }
0x183: {  	[tilespmem:s5], [sflag:$0x2] =	stream.indirect_vreg.gather [hbm4b:s7+s2], $0x80, v6, vm1, $0xb8;
	[tilespmem:$0x11C80] =	vst v63  }
0x184: {  	s5 =	simm.s32 $0xF880  }
0x185: {  	[tilespmem:s5], [sflag:$0x2] =	stream.indirect_vreg.gather [hbm4b:s4+s2], $0x80, v5, vm0, $0xb8;
	[tilespmem:$0x11C80] =	vst v63  }
0x186: {  	s5 =	simm.s32 $0x10080  }
0x187: {  	[tilespmem:s5], [sflag:$0x2] =	stream.indirect_vreg.gather [hbm4b:s7+s2], $0x80, v5, vm1, $0xb8;
	[tilespmem:$0x11C80] =	vst v63  }
0x188: {  	v5 =	vld [tilespmem:$0x2A10];
	_ =	sdelay $0x4  }
0x189: {  	v51 =	vshrl.u32 v5, $0x3  }
0x18a: {  	v6 =	vmul.u32 $0x18, v51  }
0x18b: {  	v5 =	vand.u32 $0x7, v5  }
0x18c: {  	v5 =	vor.u32 v5, v6  }
0x18d: {  	v6 =	vperm.xlane v5, v2;
	_ =	sdelay $0x1  }
0x18e: {  	v6 =	vadd.s32 v3, v6;
	_ =	sdelay $0x1  }
0x18f: {  	v5 =	vperm.xlane v5, v42;
	_ =	sdelay $0x1  }
0x190: {  	s5 =	simm.s32 $0x10480;
	v5 =	vadd.s32 v3, v5  }
0x191: {  	[tilespmem:s5], [sflag:$0x2] =	stream.indirect_vreg.gather [hbm4b:s4+s2], $0x80, v6, vm0, $0xb8;
	[tilespmem:$0x11C80] =	vst v63  }
0x192: {  	s5 =	simm.s32 $0x10C80  }
0x193: {  	[tilespmem:s5], [sflag:$0x2] =	stream.indirect_vreg.gather [hbm4b:s7+s2], $0x80, v6, vm1, $0xb8;
	[tilespmem:$0x11C80] =	vst v63  }
0x194: {  	s5 =	simm.s32 $0x11080  }
0x195: {  	[tilespmem:s5], [sflag:$0x2] =	stream.indirect_vreg.gather [hbm4b:s4+s2], $0x80, v5, vm0, $0xb8;
	[tilespmem:$0x11C80] =	vst v63  }
0x196: {  	s5 =	simm.s32 $0x11880  }
0x197: {  	[tilespmem:s5], [sflag:$0x2] =	stream.indirect_vreg.gather [hbm4b:s7+s2], $0x80, v5, vm1, $0xb8;
	[tilespmem:$0x11C80] =	vst v63  }
0x198: {  	_ =	swait.ge [sflag:s0], $0x7800  }
0x199: {  	[sflag:s0] =	ssyncset.done $0x0  }
0x19a: {  	s3 =	simm.s32 $0x2C80;
	s5 =	rddreg [dreg:$0x6];
	[sflag:s0] =	ssyncadd.s32 $0xFFFF8800  }
0x19b: {  	[hbm4b:s5+s2] =	stream.linear.scatter [tilespmem:s3], [sflag:$0x3], $0x7800, $0x38;
	[tilespmem:$0x11C80] =	vst v63  }
0x19c: {  	_ =	swait.ge [sflag:s13], $0x7800  }
0x19d: {  	[sflag:s13] =	ssyncset.done $0x0  }
0x19e: {  	[sflag:s13] =	ssyncadd.s32 $0xFFFF8800  }
0x19f: {  	v52 =	vld [tilespmem:$0x2A20];
	_ =	sdelay $0x4  }
0x1a0: {  	v53 =	vshrl.u32 v52, $0x3  }
0x1a1: {  	v6 =	vmul.u32 $0x18, v53  }
0x1a2: {  	v5 =	vand.u32 $0x7, v52  }
0x1a3: {  	v5 =	vor.u32 v5, v6  }
0x1a4: {  	v6 =	vperm.xlane v5, v2;
	_ =	sdelay $0x1  }
0x1a5: {  	v6 =	vadd.s32 v3, v6;
	_ =	sdelay $0x1  }
0x1a6: {  	v5 =	vperm.xlane v5, v42;
	_ =	sdelay $0x1  }
0x1a7: {  	v5 =	vadd.s32 v3, v5  }
0x1a8: {  	[tilespmem:s3], [sflag:$0x1] =	stream.indirect_vreg.gather [hbm4b:s4+s2], $0x80, v6, vm0, $0xb8;
	[tilespmem:$0x11C80] =	vst v63  }
0x1a9: {  	_ = 	snop  }
0x1aa: {  	[tilespmem:s8], [sflag:$0x1] =	stream.indirect_vreg.gather [hbm4b:s7+s2], $0x80, v6, vm1, $0xb8;
	[tilespmem:$0x11C80] =	vst v63  }
0x1ab: {  	_ = 	snop  }
0x1ac: {  	[tilespmem:s20], [sflag:$0x1] =	stream.indirect_vreg.gather [hbm4b:s4+s2], $0x80, v5, vm0, $0xb8;
	[tilespmem:$0x11C80] =	vst v63  }
0x1ad: {  	_ = 	snop  }
0x1ae: {  	[tilespmem:s9], [sflag:$0x1] =	stream.indirect_vreg.gather [hbm4b:s7+s2], $0x80, v5, vm1, $0xb8;
	[tilespmem:$0x11C80] =	vst v63  }
0x1af: {  	v5 =	vld [tilespmem:$0x2A30];
	_ =	sdelay $0x4  }
0x1b0: {  	v54 =	vshrl.u32 v5, $0x3  }
0x1b1: {  	v6 =	vmul.u32 $0x18, v54  }
0x1b2: {  	v5 =	vand.u32 $0x7, v5  }
0x1b3: {  	v5 =	vor.u32 v5, v6  }
0x1b4: {  	v6 =	vperm.xlane v5, v2;
	_ =	sdelay $0x1  }
0x1b5: {  	v6 =	vadd.s32 v3, v6;
	_ =	sdelay $0x1  }
0x1b6: {  	v5 =	vperm.xlane v5, v42;
	_ =	sdelay $0x1  }
0x1b7: {  	v5 =	vadd.s32 v3, v5  }
0x1b8: {  	[tilespmem:s21], [sflag:$0x1] =	stream.indirect_vreg.gather [hbm4b:s4+s2], $0x80, v6, vm0, $0xb8;
	[tilespmem:$0x11C80] =	vst v63  }
0x1b9: {  	_ = 	snop  }
0x1ba: {  	[tilespmem:s10], [sflag:$0x1] =	stream.indirect_vreg.gather [hbm4b:s7+s2], $0x80, v6, vm1, $0xb8;
	[tilespmem:$0x11C80] =	vst v63  }
0x1bb: {  	_ = 	snop  }
0x1bc: {  	[tilespmem:s22], [sflag:$0x1] =	stream.indirect_vreg.gather [hbm4b:s4+s2], $0x80, v5, vm0, $0xb8;
	[tilespmem:$0x11C80] =	vst v63  }
0x1bd: {  	_ = 	snop  }
0x1be: {  	[tilespmem:s11], [sflag:$0x1] =	stream.indirect_vreg.gather [hbm4b:s7+s2], $0x80, v5, vm1, $0xb8;
	[tilespmem:$0x11C80] =	vst v63  }
0x1bf: {  	v5 =	vld [tilespmem:$0x2A40];
	_ =	sdelay $0x4  }
0x1c0: {  	v55 =	vshrl.u32 v5, $0x3  }
0x1c1: {  	v6 =	vmul.u32 $0x18, v55  }
0x1c2: {  	v5 =	vand.u32 $0x7, v5  }
0x1c3: {  	v5 =	vor.u32 v5, v6  }
0x1c4: {  	v6 =	vperm.xlane v5, v2;
	_ =	sdelay $0x1  }
0x1c5: {  	v6 =	vadd.s32 v3, v6;
	_ =	sdelay $0x1  }
0x1c6: {  	v5 =	vperm.xlane v5, v42;
	_ =	sdelay $0x1  }
0x1c7: {  	v5 =	vadd.s32 v3, v5  }
0x1c8: {  	[tilespmem:s23], [sflag:$0x1] =	stream.indirect_vreg.gather [hbm4b:s4+s2], $0x80, v6, vm0, $0xb8;
	[tilespmem:$0x11C80] =	vst v63  }
0x1c9: {  	_ = 	snop  }
0x1ca: {  	[tilespmem:s12], [sflag:$0x1] =	stream.indirect_vreg.gather [hbm4b:s7+s2], $0x80, v6, vm1, $0xb8;
	[tilespmem:$0x11C80] =	vst v63  }
0x1cb: {  	_ = 	snop  }
0x1cc: {  	[tilespmem:s24], [sflag:$0x1] =	stream.indirect_vreg.gather [hbm4b:s4+s2], $0x80, v5, vm0, $0xb8;
	[tilespmem:$0x11C80] =	vst v63  }
0x1cd: {  	_ = 	snop  }
0x1ce: {  	[tilespmem:s25], [sflag:$0x1] =	stream.indirect_vreg.gather [hbm4b:s7+s2], $0x80, v5, vm1, $0xb8;
	[tilespmem:$0x11C80] =	vst v63  }
0x1cf: {  	v5 =	vld [tilespmem:$0x2A50];
	_ =	sdelay $0x4  }
0x1d0: {  	v56 =	vshrl.u32 v5, $0x3  }
0x1d1: {  	v6 =	vmul.u32 $0x18, v56  }
0x1d2: {  	v5 =	vand.u32 $0x7, v5  }
0x1d3: {  	v5 =	vor.u32 v5, v6  }
0x1d4: {  	v6 =	vperm.xlane v5, v2;
	_ =	sdelay $0x1  }
0x1d5: {  	v6 =	vadd.s32 v3, v6;
	_ =	sdelay $0x1  }
0x1d6: {  	v5 =	vperm.xlane v5, v42;
	_ =	sdelay $0x1  }
0x1d7: {  	v5 =	vadd.s32 v3, v5  }
0x1d8: {  	[tilespmem:s26], [sflag:$0x1] =	stream.indirect_vreg.gather [hbm4b:s4+s2], $0x80, v6, vm0, $0xb8;
	[tilespmem:$0x11C80] =	vst v63  }
0x1d9: {  	_ = 	snop  }
0x1da: {  	[tilespmem:s28], [sflag:$0x1] =	stream.indirect_vreg.gather [hbm4b:s7+s2], $0x80, v6, vm1, $0xb8;
	[tilespmem:$0x11C80] =	vst v63  }
0x1db: {  	_ = 	snop  }
0x1dc: {  	[tilespmem:s29], [sflag:$0x1] =	stream.indirect_vreg.gather [hbm4b:s4+s2], $0x80, v5, vm0, $0xb8;
	[tilespmem:$0x11C80] =	vst v63  }
0x1dd: {  	_ = 	snop  }
0x1de: {  	[tilespmem:s30], [sflag:$0x1] =	stream.indirect_vreg.gather [hbm4b:s7+s2], $0x80, v5, vm1, $0xb8;
	[tilespmem:$0x11C80] =	vst v63  }
0x1df: {  	v5 =	vld [tilespmem:$0x2A60];
	_ =	sdelay $0x4  }
0x1e0: {  	v57 =	vshrl.u32 v5, $0x3  }
0x1e1: {  	v6 =	vmul.u32 $0x18, v57  }
0x1e2: {  	v5 =	vand.u32 $0x7, v5  }
0x1e3: {  	v5 =	vor.u32 v5, v6  }
0x1e4: {  	v6 =	vperm.xlane v5, v2;
	_ =	sdelay $0x1  }
0x1e5: {  	v6 =	vadd.s32 v3, v6;
	_ =	sdelay $0x1  }
0x1e6: {  	v5 =	vperm.xlane v5, v42;
	_ =	sdelay $0x1  }
0x1e7: {  	v5 =	vadd.s32 v3, v5  }
0x1e8: {  	[tilespmem:s31], [sflag:$0x1] =	stream.indirect_vreg.gather [hbm4b:s4+s2], $0x80, v6, vm0, $0xb8;
	[tilespmem:$0x11C80] =	vst v63  }
0x1e9: {  	_ = 	snop  }
0x1ea: {  	[tilespmem:s1], [sflag:$0x1] =	stream.indirect_vreg.gather [hbm4b:s7+s2], $0x80, v6, vm1, $0xb8;
	[tilespmem:$0x11C80] =	vst v63  }
0x1eb: {  	_ = 	snop  }
0x1ec: {  	[tilespmem:s6], [sflag:$0x1] =	stream.indirect_vreg.gather [hbm4b:s4+s2], $0x80, v5, vm0, $0xb8;
	[tilespmem:$0x11C80] =	vst v63  }
0x1ed: {  	s1 =	simm.s32 $0x2  }
0x1ee: {  	[tilespmem:s15], [sflag:$0x1] =	stream.indirect_vreg.gather [hbm4b:s7+s2], $0x80, v5, vm1, $0xb8;
	[tilespmem:$0x11C80] =	vst v63  }
0x1ef: {  	_ =	swait.ge [sflag:s1], $0x7800  }
0x1f0: {  	[sflag:s1] =	ssyncset.done $0x0  }
0x1f1: {  	s3 =	rddreg [dreg:$0x7];
	[sflag:s1] =	ssyncadd.s32 $0xFFFF8800  }
0x1f2: {  	[hbm4b:s3+s2] =	stream.linear.scatter [tilespmem:s17], [sflag:$0x3], $0x7800, $0x38;
	[tilespmem:$0x11C80] =	vst v63  }
0x1f3: {  	_ =	swait.ge [sflag:s13], $0x7800  }
0x1f4: {  	[sflag:s13] =	ssyncset.done $0x0  }
0x1f5: {  	[sflag:s13] =	ssyncadd.s32 $0xFFFF8800  }
0x1f6: {  	v58 =	vld [tilespmem:$0x2A70];
	_ =	sdelay $0x4  }
0x1f7: {  	v59 =	vshrl.u32 v58, $0x3  }
0x1f8: {  	v6 =	vmul.u32 $0x18, v59  }
0x1f9: {  	v5 =	vand.u32 $0x7, v58  }
0x1fa: {  	v5 =	vor.u32 v5, v6  }
0x1fb: {  	v6 =	vperm.xlane v5, v2;
	_ =	sdelay $0x1  }
0x1fc: {  	v6 =	vadd.s32 v3, v6;
	_ =	sdelay $0x1  }
0x1fd: {  	v5 =	vperm.xlane v5, v42;
	_ =	sdelay $0x1  }
0x1fe: {  	v5 =	vadd.s32 v3, v5  }
0x1ff: {  	[tilespmem:s17], [sflag:$0x2] =	stream.indirect_vreg.gather [hbm4b:s4+s2], $0x80, v6, vm0, $0xb8;
	[tilespmem:$0x11C80] =	vst v63  }
0x200: {  	_ = 	snop  }
0x201: {  	[tilespmem:s19], [sflag:$0x2] =	stream.indirect_vreg.gather [hbm4b:s7+s2], $0x80, v6, vm1, $0xb8;
	[tilespmem:$0x11C80] =	vst v63  }
0x202: {  	s5 =	simm.s32 $0xB080  }
0x203: {  	[tilespmem:s5], [sflag:$0x2] =	stream.indirect_vreg.gather [hbm4b:s4+s2], $0x80, v5, vm0, $0xb8;
	[tilespmem:$0x11C80] =	vst v63  }
0x204: {  	s8 =	simm.s32 $0xB880  }
0x205: {  	[tilespmem:s8], [sflag:$0x2] =	stream.indirect_vreg.gather [hbm4b:s7+s2], $0x80, v5, vm1, $0xb8;
	[tilespmem:$0x11C80] =	vst v63  }
0x206: {  	v5 =	vld [tilespmem:$0x2A80];
	_ =	sdelay $0x4  }
0x207: {  	v60 =	vshrl.u32 v5, $0x3  }
0x208: {  	v6 =	vmul.u32 $0x18, v60  }
0x209: {  	v5 =	vand.u32 $0x7, v5  }
0x20a: {  	v5 =	vor.u32 v5, v6  }
0x20b: {  	v6 =	vperm.xlane v5, v2;
	_ =	sdelay $0x1  }
0x20c: {  	v6 =	vadd.s32 v3, v6;
	_ =	sdelay $0x1  }
0x20d: {  	v5 =	vperm.xlane v5, v42;
	_ =	sdelay $0x1  }
0x20e: {  	s20 =	simm.s32 $0xBC80;
	v5 =	vadd.s32 v3, v5  }
0x20f: {  	[tilespmem:s20], [sflag:$0x2] =	stream.indirect_vreg.gather [hbm4b:s4+s2], $0x80, v6, vm0, $0xb8;
	[tilespmem:$0x11C80] =	vst v63  }
0x210: {  	s5 =	simm.s32 $0xC480  }
0x211: {  	[tilespmem:s5], [sflag:$0x2] =	stream.indirect_vreg.gather [hbm4b:s7+s2], $0x80, v6, vm1, $0xb8;
	[tilespmem:$0x11C80] =	vst v63  }
0x212: {  	s8 =	simm.s32 $0xC880  }
0x213: {  	[tilespmem:s8], [sflag:$0x2] =	stream.indirect_vreg.gather [hbm4b:s4+s2], $0x80, v5, vm0, $0xb8;
	[tilespmem:$0x11C80] =	vst v63  }
0x214: {  	s20 =	simm.s32 $0xD080  }
0x215: {  	[tilespmem:s20], [sflag:$0x2] =	stream.indirect_vreg.gather [hbm4b:s7+s2], $0x80, v5, vm1, $0xb8;
	[tilespmem:$0x11C80] =	vst v63  }
0x216: {  	v5 =	vld [tilespmem:$0x2A90];
	_ =	sdelay $0x4  }
0x217: {  	v61 =	vshrl.u32 v5, $0x3  }
0x218: {  	v6 =	vmul.u32 $0x18, v61  }
0x219: {  	v5 =	vand.u32 $0x7, v5  }
0x21a: {  	v5 =	vor.u32 v5, v6  }
0x21b: {  	v6 =	vperm.xlane v5, v2;
	_ =	sdelay $0x1  }
0x21c: {  	v6 =	vadd.s32 v3, v6;
	_ =	sdelay $0x1  }
0x21d: {  	v5 =	vperm.xlane v5, v42;
	_ =	sdelay $0x1  }
0x21e: {  	s5 =	simm.s32 $0xD480;
	v5 =	vadd.s32 v3, v5  }
0x21f: {  	[tilespmem:s5], [sflag:$0x2] =	stream.indirect_vreg.gather [hbm4b:s4+s2], $0x80, v6, vm0, $0xb8;
	[tilespmem:$0x11C80] =	vst v63  }
0x220: {  	s8 =	simm.s32 $0xDC80  }
0x221: {  	[tilespmem:s8], [sflag:$0x2] =	stream.indirect_vreg.gather [hbm4b:s7+s2], $0x80, v6, vm1, $0xb8;
	[tilespmem:$0x11C80] =	vst v63  }
0x222: {  	s20 =	simm.s32 $0xE080  }
0x223: {  	[tilespmem:s20], [sflag:$0x2] =	stream.indirect_vreg.gather [hbm4b:s4+s2], $0x80, v5, vm0, $0xb8;
	[tilespmem:$0x11C80] =	vst v63  }
0x224: {  	s5 =	simm.s32 $0xE880  }
0x225: {  	[tilespmem:s5], [sflag:$0x2] =	stream.indirect_vreg.gather [hbm4b:s7+s2], $0x80, v5, vm1, $0xb8;
	[tilespmem:$0x11C80] =	vst v63  }
0x226: {  	v5 =	vld [tilespmem:$0x2AA0];
	_ =	sdelay $0x4  }
0x227: {  	v62 =	vshrl.u32 v5, $0x3  }
0x228: {  	v6 =	vmul.u32 $0x18, v62  }
0x229: {  	v5 =	vand.u32 $0x7, v5  }
0x22a: {  	v5 =	vor.u32 v5, v6  }
0x22b: {  	v6 =	vperm.xlane v5, v2;
	_ =	sdelay $0x1  }
0x22c: {  	v6 =	vadd.s32 v3, v6;
	_ =	sdelay $0x1  }
0x22d: {  	v5 =	vperm.xlane v5, v42;
	_ =	sdelay $0x1  }
0x22e: {  	s8 =	simm.s32 $0xEC80;
	v5 =	vadd.s32 v3, v5  }
0x22f: {  	[tilespmem:s8], [sflag:$0x2] =	stream.indirect_vreg.gather [hbm4b:s4+s2], $0x80, v6, vm0, $0xb8;
	[tilespmem:$0x11C80] =	vst v63  }
0x230: {  	s20 =	simm.s32 $0xF480  }
0x231: {  	[tilespmem:s20], [sflag:$0x2] =	stream.indirect_vreg.gather [hbm4b:s7+s2], $0x80, v6, vm1, $0xb8;
	[tilespmem:$0x11C80] =	vst v63  }
0x232: {  	s5 =	simm.s32 $0xF880  }
0x233: {  	[tilespmem:s5], [sflag:$0x2] =	stream.indirect_vreg.gather [hbm4b:s4+s2], $0x80, v5, vm0, $0xb8;
	[tilespmem:$0x11C80] =	vst v63  }
0x234: {  	s8 =	simm.s32 $0x10080  }
0x235: {  	[tilespmem:s8], [sflag:$0x2] =	stream.indirect_vreg.gather [hbm4b:s7+s2], $0x80, v5, vm1, $0xb8;
	[tilespmem:$0x11C80] =	vst v63  }
0x236: {  	v5 =	vld [tilespmem:$0x2AB0];
	_ =	sdelay $0x4  }
0x237: {  	v63 =	vshrl.u32 v5, $0x3  }
0x238: {  	v6 =	vmul.u32 $0x18, v63  }
0x239: {  	v5 =	vand.u32 $0x7, v5  }
0x23a: {  	v5 =	vor.u32 v5, v6  }
0x23b: {  	v2 =	vperm.xlane v5, v2;
	_ =	sdelay $0x1  }
0x23c: {  	v2 =	vadd.s32 v3, v2;
	_ =	sdelay $0x1  }
0x23d: {  	v4 =	vperm.xlane v5, v42;
	_ =	sdelay $0x1  }
0x23e: {  	s20 =	simm.s32 $0x10480;
	v3 =	vadd.s32 v3, v4  }
0x23f: {  	[tilespmem:s20], [sflag:$0x2] =	stream.indirect_vreg.gather [hbm4b:s4+s2], $0x80, v2, vm0, $0xb8;
	[tilespmem:$0x11C80] =	vst v63  }
0x240: {  	s5 =	simm.s32 $0x10C80  }
0x241: {  	[tilespmem:s5], [sflag:$0x2] =	stream.indirect_vreg.gather [hbm4b:s7+s2], $0x80, v2, vm1, $0xb8;
	[tilespmem:$0x11C80] =	vst v63  }
0x242: {  	s8 =	simm.s32 $0x11080  }
0x243: {  	[tilespmem:s8], [sflag:$0x2] =	stream.indirect_vreg.gather [hbm4b:s4+s2], $0x80, v3, vm0, $0xb8;
	[tilespmem:$0x11C80] =	vst v63  }
0x244: {  	s20 =	simm.s32 $0x11880  }
0x245: {  	[tilespmem:s20], [sflag:$0x2] =	stream.indirect_vreg.gather [hbm4b:s7+s2], $0x80, v3, vm1, $0xb8;
	[tilespmem:$0x11C80] =	vst v63  }
0x246: {  	_ =	swait.ge [sflag:s0], $0x7800  }
0x247: {  	[sflag:s0] =	ssyncset.done $0x0  }
0x248: {  	s3 =	simm.s32 $0x2C80;
	[sflag:s0] =	ssyncadd.s32 $0xFFFF8800;
	s0 =	rddreg [dreg:$0x8]  }
0x249: {  	[hbm4b:s0+s2] =	stream.linear.scatter [tilespmem:s3], [sflag:$0x3], $0x7800, $0x38;
	[tilespmem:$0x11C80] =	vst v63  }
0x24a: {  	_ =	swait.ge [sflag:s13], $0x7800  }
0x24b: {  	[sflag:s13] =	ssyncset.done $0x0  }
0x24c: {  	[sflag:s13] =	ssyncadd.s32 $0xFFFF8800  }
0x24d: {  	_ =	swait.ge [sflag:s1], $0x7800  }
0x24e: {  	[sflag:s1] =	ssyncset.done $0x0  }
0x24f: {  	s8 =	rddreg [dreg:$0x9];
	[sflag:s1] =	ssyncadd.s32 $0xFFFF8800  }
0x250: {  	[hbm4b:s8+s2] =	stream.linear.scatter [tilespmem:s17], [sflag:$0x3], $0x7800, $0x38;
	[tilespmem:$0x11C80] =	vst v63  }
0x251: {  	_ =	swait.ge [sflag:s13], $0x7800  }
0x252: {  	s18 =	sadd.s32 $0x1, s18;
	s20 =	rddreg [dreg:$0xa]  }
0x253: {  	p0 =	sne.s32 s18, s20  }
.Ltmp1:
0x254: {  	_ = 	snop;
	(pc) =	sbr.rel @p0 .LBB2_1-.Ltmp1, $3  }
0x255: {  	_ =	sdelay $0x1  }
0x256: {  	[sflag:s13] =	ssyncset.done $0x0  }
0x257: {  	[sflag:s13] =	ssyncadd.s32 $0xFFFF8800  }
0x258: {  	_ =	sfence.sel $0x180000  }
0x259: {  	[bflag:$0x0] =	sbarrier.arrive $0xFFFF  }
0x25a: {  	_ =	strace $0x9000004A  }
0x25b: {  	s0 =	stileid.u32;
	[bflag:$0x2] =	sbarrier.arrive $0xFFFF  }
0x25c: {  	p0 =	sne.s32 s0, $0x0;
	s0 =	rddreg [dreg:$0x2]  }
0x25d: {  	s0 =	sadd.s32 @!p0 $0x100000, s0  }
0x25e: {  	[sflag:s0] =	ssyncadd.tile.s32 @!p0 $0x1;
	_ =	shalt  }
.Lfunc_end2:
_tile_overlayer_lowered:
.L_overlay_start_2:
0x25f: {  	(tag) =	ssettag $0x2  }
0x260: {  	s0 =	rddreg [dreg:$0x0];
	s2 =	stileid.u32  }
0x261: {  	s1 =	rddreg [dreg:$0x1];
	p0 =	sne.s32 s2, $0x0  }
0x262: {  	s3 =	rddreg [dreg:$0x2];
	[bflag:$0x3] =	sbarrier.arrive $0xFFFF;
	s2 =	simm.s32 @!p0 $0x1C03  }
0x263: {  	[timem:s3], [sflag:s2] =	dma.local @!p0 [hbm:s0], s1  }
0x264: {  	s0 =	simm.s32 @!p0 $0x3  }
0x265: {  	_ =	swait.ge @!p0 [sflag:s0], s1  }
0x266: {  	s1 =	ssub.s32 @!p0 $0x0, s1;
	[sflag:s0] =	ssyncset.done @!p0 $0x0  }
0x267: {  	[sflag:s0] =	ssyncadd.s32 @!p0 s1  }
0x268: {  	[bflag:$0x3] =	sbarrier.arrive $0xFFFF  }
0x269: {  	_ =	shalt  }

</sc_bundles>
